<compile_context>
chip_gen: v7x
topology: tpu7x:2x2x1
jax: 0.10.2.dev20260603
libtpu: 0.0.44.dev20260713+nightly
codegen_flags: <defaults>
</compile_context>

<pallas_src>
import functools

import numpy as np
import jax
import jax.numpy as jnp
from jax import lax
from jax.experimental import pallas as pl
from jax.experimental.pallas import tpu as pltpu
from jax.experimental.pallas import tpu_sc as plsc

_N = 10000
_D = 128
_NCORES = 2
_NSUB = 16
_NTILES = _NCORES * _NSUB
_C = 80
_NBUF = 4
_STRIPE = 624
_TAIL = _N - _NSUB * _STRIPE


def _edge_mul_body(m_ref, rbf_ref, w_ref, x_ref):
    x_ref[...] = m_ref[...] * jnp.dot(
        rbf_ref[...], w_ref[...], preferred_element_type=jnp.float32)


def _edge_mul(m, rbf, w_rbf, start, size):
    be = 2560
    sb = start // be
    return pl.pallas_call(
        _edge_mul_body,
        grid=(size // be,),
        in_specs=[
            pl.BlockSpec((be, _D), lambda i: (sb + i, 0)),
            pl.BlockSpec((be, w_rbf.shape[0]), lambda i: (sb + i, 0)),
            pl.BlockSpec(w_rbf.shape, lambda i: (0, 0)),
        ],
        out_specs=pl.BlockSpec((be, _D), lambda i: (i, 0)),
        out_shape=jax.ShapeDtypeStruct((size, _D), jnp.float32),
    )(m, rbf, w_rbf)


def _seg_sum_body(nch, et, split_base, x_hbm, idx_hbm, out_hbm,
                  acc, idxb, xb, semi, semx, sems):
    c = lax.axis_index("c")
    s = lax.axis_index("s")
    tile = c * _NSUB + s
    base = tile * et
    ibase = split_base + base
    rows0 = s * _STRIPE

    @pl.loop(0, _C)
    def _zrow(r):
        for g in range(_D // 16):
            xb[0, r, pl.ds(g * 16, 16)] = jnp.zeros((16,), jnp.float32)

    for k in range(_STRIPE // _C):
        pltpu.sync_copy(xb.at[0], acc.at[pl.ds(rows0 + k * _C, _C)])
    rem = _STRIPE % _C
    if rem:
        pltpu.sync_copy(xb.at[0, pl.ds(0, rem)],
                        acc.at[pl.ds(rows0 + (_STRIPE // _C) * _C, rem)])

    @pl.when(s == _NSUB - 1)
    def _():
        pltpu.sync_copy(xb.at[0, pl.ds(0, _TAIL)],
                        acc.at[pl.ds(_NSUB * _STRIPE, _TAIL)])

    plsc.subcore_barrier()

    def _scatter_desc(b):
        return pltpu.make_async_copy(xb.at[b], acc.at[idxb.at[b]],
                                     sems.at[b])

    def _start(ck, b, drain):
        if drain:
            _scatter_desc(b).wait()
        pltpu.async_copy(idx_hbm.at[pl.ds(ibase + ck * _C, _C)], idxb.at[b],
                         semi.at[b])
        pltpu.async_copy(x_hbm.at[pl.ds(base + ck * _C, _C)], xb.at[b],
                         semx.at[b])

    def _consume(ck, b):
        pltpu.make_async_copy(idx_hbm.at[pl.ds(ibase + ck * _C, _C)],
                              idxb.at[b], semi.at[b]).wait()
        pltpu.make_async_copy(x_hbm.at[pl.ds(base + ck * _C, _C)],
                              xb.at[b], semx.at[b]).wait()
        pltpu.async_copy(xb.at[b], acc.at[idxb.at[b]], sems.at[b], add=True)

    for b in range(min(_NBUF, nch)):
        _start(b, b, drain=False)

    @pl.loop(0, (nch // _NBUF) * _NBUF, step=_NBUF)
    def _chunks(k):
        for b in range(_NBUF):
            ck = k + b
            _consume(ck, b)
            nk = ck + _NBUF

            @pl.when(nk < nch)
            def _():
                _start(nk, b, drain=True)

    for r in range((nch // _NBUF) * _NBUF, nch):
        _consume(r, r % _NBUF)

    for b in range(min(_NBUF, nch)):
        _scatter_desc(b).wait()

    plsc.subcore_barrier()
    pltpu.sync_copy(acc.at[pl.ds(rows0, _STRIPE)],
                    out_hbm.at[c, pl.ds(rows0, _STRIPE)])

    @pl.when(s == _NSUB - 1)
    def _():
        pltpu.sync_copy(acc.at[pl.ds(_NSUB * _STRIPE, _TAIL)],
                        out_hbm.at[c, pl.ds(_NSUB * _STRIPE, _TAIL)])


def _seg_sum(x, ids, split_base):
    e = x.shape[0]
    et = e // _NTILES
    nch = et // _C
    body = functools.partial(_seg_sum_body, nch, et, split_base)
    return pl.kernel(
        body,
        out_type=jax.ShapeDtypeStruct((_NCORES, _N, _D), jnp.float32),
        mesh=plsc.VectorSubcoreMesh(core_axis_name="c", subcore_axis_name="s"),
        scratch_types=[
            pltpu.VMEM_SHARED((_N, _D), jnp.float32),
            pltpu.VMEM((_NBUF, _C), jnp.int32),
            pltpu.VMEM((_NBUF, _C, _D), jnp.float32),
            pltpu.SemaphoreType.DMA((_NBUF,)),
            pltpu.SemaphoreType.DMA((_NBUF,)),
            pltpu.SemaphoreType.DMA((_NBUF,)),
        ],
    )(x, ids)


def _mlp_body(n_hidden, n_parts, scale_ref, *refs):
    p_refs, (w1_ref, rw_ref, o_ref) = refs[:n_parts], refs[n_parts:]
    inv_sqrt2 = np.float32(1.0 / np.sqrt(2.0))
    tot = p_refs[0][0] + p_refs[0][1]
    for p in p_refs[1:]:
        tot = tot + p[0] + p[1]
    x2 = tot * scale_ref[0]
    h = jax.nn.silu(jnp.dot(x2, w1_ref[...],
                            preferred_element_type=jnp.float32))
    for i in range(n_hidden):
        r = jax.nn.silu(jnp.dot(h, rw_ref[i, 0],
                                preferred_element_type=jnp.float32))
        r = jax.nn.silu(jnp.dot(r, rw_ref[i, 1],
                                preferred_element_type=jnp.float32))
        h = (h + r) * inv_sqrt2
    o_ref[...] = h


def _mlp(parts, w1, res_w, scale):
    bn = 1000
    n_hidden = res_w.shape[0]
    return pl.pallas_call(
        functools.partial(_mlp_body, n_hidden, len(parts)),
        grid=(_N // bn,),
        in_specs=[
            pl.BlockSpec(memory_space=pltpu.SMEM),
            *[pl.BlockSpec((_NCORES, bn, _D), lambda i: (0, i, 0))
              for _ in parts],
            pl.BlockSpec((_D, _D), lambda i: (0, 0)),
            pl.BlockSpec(res_w.shape, lambda i: (0, 0, 0, 0)),
        ],
        out_specs=pl.BlockSpec((bn, _D), lambda i: (i, 0)),
        out_shape=jax.ShapeDtypeStruct((_N, _D), jnp.float32),
    )(scale.reshape(1), *parts, w1, res_w)


_SPLITS = (161280, 158720)


def kernel(nAtoms, m, rbf, id_j, W_rbf, W1, res_w, scale):
    ids = jnp.remainder(id_j.astype(jnp.int32), nAtoms).astype(jnp.int32)
    parts = []
    start = 0
    for size in _SPLITS:
        x = _edge_mul(m, rbf, W_rbf, start, size)
        parts.append(_seg_sum(x, ids, start))
        start += size
    return _mlp(parts, W1, res_w, scale)

# --- scband reference (transcript-rebuilt; emitter-appended) ---
"""Pipeline reference for scband-atom-update-block-35485019799896 (READ-ONLY COPY).

The authoritative reference and input builder live on the scoring server;
editing this copy changes nothing except your own understanding.
"""

import jax
import jax.numpy as jnp
import numpy as np

E = 320000
N_ATOMS = 10000
D_EDGE = 128
D_ATOM = 128
D_RBF = 16
N_HIDDEN = 2


def setup_inputs(seed: int = 0) -> dict:
    key = jax.random.key(seed)
    ks = jax.random.split(key, 8)
    m = jax.random.normal(ks[0], (E, D_EDGE), dtype=jnp.float32)
    rbf = jax.random.normal(ks[1], (E, D_RBF), dtype=jnp.float32)
    id_j = jax.random.randint(ks[2], (E,), 0, N_ATOMS, dtype=jnp.int32)
    # Learned parameters (He-style scaled normals), all bias-free per module
    W_rbf = jax.random.normal(ks[3], (D_RBF, D_EDGE), dtype=jnp.float32) / np.sqrt(D_RBF)
    W1 = jax.random.normal(ks[4], (D_EDGE, D_ATOM), dtype=jnp.float32) / np.sqrt(D_EDGE)
    # residual layers: nHidden blocks x 2 dense layers each
    res_w = jax.random.normal(ks[5], (N_HIDDEN, 2, D_ATOM, D_ATOM), dtype=jnp.float32) / np.sqrt(D_ATOM)
    scale = jnp.asarray(1.0, dtype=jnp.float32)  # ScaleFactor scalar
    return {"nAtoms": N_ATOMS, "m": m, "rbf": rbf, "id_j": id_j,
            "W_rbf": W_rbf, "W1": W1, "res_w": res_w, "scale": scale}


def reference(nAtoms, m, rbf, id_j, W_rbf, W1, res_w, scale):
    act = jax.nn.silu
    # dense_rbf: Dense(emb_size_rbf -> emb_size_edge, no bias, no activation)
    mlp_rbf = rbf @ W_rbf                      # [E, D_EDGE]
    x = m * mlp_rbf                            # [E, D_EDGE]
    # scatter-add over destination atoms (SparseCore-friendly segment sum)
    seg_ids = jnp.mod(id_j, nAtoms)
    x2 = jax.ops.segment_sum(x, seg_ids, num_segments=N_ATOMS)  # [nAtoms, D_EDGE]
    # gp_utils reduce/scatter are identity on a single model-parallel shard
    # ScaleFactor: multiply by learned/fitted scalar
    x2 = x2 * scale
    # MLP: dense1 with activation
    h = act(x2 @ W1)                           # [nAtoms, D_ATOM]
    inv_sqrt2 = 1.0 / np.sqrt(2.0)
    for i in range(N_HIDDEN):
        r = act(h @ res_w[i, 0])
        r = act(r @ res_w[i, 1])
        h = (h + r) * inv_sqrt2               # ResidualLayer with 1/sqrt(2) rescale
    return h

if __name__ == "__main__":
    import jax
    _d = setup_inputs()
    print(jax.jit(kernel)(*tuple(_d.values())))

</pallas_src>

<mosaic_0001>
#map = affine_map<(d0, d1) -> (0, 0)>
#map1 = affine_map<(d0, d1) -> (0)>
#map2 = affine_map<(d0, d1) -> (0, 0, 0)>
module attributes {stable_mosaic.version = 14 : i64} {
  func.func @_seg_sum_body(%arg0: i32, %arg1: i32, %arg2: memref<161280x128xf32, #tpu.memory_space<hbm>>, %arg3: memref<320000xi32, #tpu.memory_space<hbm>>, %arg4: memref<2x10000x128xf32, #tpu.memory_space<hbm>>, %arg5: memref<10000x128xf32, #tpu.memory_space<vmem_shared>>, %arg6: memref<4x80xi32, #tpu.memory_space<vmem>>, %arg7: memref<4x80x128xf32, #tpu.memory_space<vmem>>, %arg8: memref<4x!tpu.dma_semaphore, #tpu.memory_space<semaphore_mem>>, %arg9: memref<4x!tpu.dma_semaphore, #tpu.memory_space<semaphore_mem>>, %arg10: memref<4x!tpu.dma_semaphore, #tpu.memory_space<semaphore_mem>>) attributes {dimension_semantics = [#tpu.dimension_semantics<core_parallel>, #tpu.dimension_semantics<subcore_parallel>], iteration_bounds = array<i64: 2, 16>, scalar_prefetch = 0 : i64, scratch_operands = 6 : i64, tpu.core_type = #tpu.core_type<sc_vector_subcore>, window_params = [{transform_indices = #map}, {transform_indices = #map1}, {transform_indices = #map2}]} {
    %mul3A = arith.constant 16 : i32
    %mul3A_0 = arith.muli %arg0, %mul3A : i32
    %add3A = arith.addi %mul3A_0, %arg1 : i32
    %mul3A_1 = arith.constant 5040 : i32
    %mul3A_2 = arith.muli %add3A, %mul3A_1 : i32
    %add3A_3 = arith.constant 0 : i32
    %add3A_4 = arith.addi %add3A_3, %mul3A_2 : i32
    %mul3A_5 = arith.constant 624 : i32
    %mul3A_6 = arith.muli %arg1, %mul3A_5 : i32
    %scan3A = arith.constant 0 : i32
    %scan3A_7 = arith.constant 80 : i32
    %scan3A_8 = arith.addi %scan3A, %scan3A_7 : i32
    %scan3A_9 = arith.constant 1 : i32
    scf.for %scan3A_374 = %scan3A to %scan3A_8 step %scan3A_9  : i32 {
      %mul3A_375 = arith.constant 1 : i32
      %mul3A_376 = arith.muli %scan3A_374, %mul3A_375 : i32
      %add3A_377 = arith.constant 0 : i32
      %add3A_378 = arith.addi %add3A_377, %mul3A_376 : i32
      %broadcast_in_dim3A = arith.constant 0.000000e+00 : f32
      %broadcast_in_dim3A_379 = vector.broadcast %broadcast_in_dim3A : f32 to vector<16xf32>
      %swap3A = arith.constant 0 : i32
      %swap3A_380 = arith.index_cast %swap3A : i32 to index
      %swap3A_381 = arith.index_cast %add3A_378 : i32 to index
      %swap3A_382 = arith.constant 0 : index
      %swap3A_383 = tpu.vector_load %arg7[%swap3A_380, %swap3A_381, %swap3A_382] {strides = array<i32>} : memref<4x80x128xf32, #tpu.memory_space<vmem>>, vector<1x1x16xf32>,
      %swap3A_384 = vector.shape_cast %swap3A_383 : vector<1x1x16xf32> to vector<16xf32>
      %swap3A_385 = vector.shape_cast %broadcast_in_dim3A_379 : vector<16xf32> to vector<1x1x16xf32>
      tpu.vector_store %arg7[%swap3A_380, %swap3A_381, %swap3A_382], %swap3A_385 {strides = array<i32>} : memref<4x80x128xf32, #tpu.memory_space<vmem>>, vector<1x1x16xf32>,
      %broadcast_in_dim3A_386 = arith.constant 0.000000e+00 : f32
      %broadcast_in_dim3A_387 = vector.broadcast %broadcast_in_dim3A_386 : f32 to vector<16xf32>
      %swap3A_388 = arith.constant 0 : i32
      %swap3A_389 = arith.index_cast %swap3A_388 : i32 to index
      %swap3A_390 = arith.index_cast %add3A_378 : i32 to index
      %swap3A_391 = arith.constant 16 : index
      %swap3A_392 = tpu.vector_load %arg7[%swap3A_389, %swap3A_390, %swap3A_391] {strides = array<i32>} : memref<4x80x128xf32, #tpu.memory_space<vmem>>, vector<1x1x16xf32>,
      %swap3A_393 = vector.shape_cast %swap3A_392 : vector<1x1x16xf32> to vector<16xf32>
      %swap3A_394 = vector.shape_cast %broadcast_in_dim3A_387 : vector<16xf32> to vector<1x1x16xf32>
      tpu.vector_store %arg7[%swap3A_389, %swap3A_390, %swap3A_391], %swap3A_394 {strides = array<i32>} : memref<4x80x128xf32, #tpu.memory_space<vmem>>, vector<1x1x16xf32>,
      %broadcast_in_dim3A_395 = arith.constant 0.000000e+00 : f32
      %broadcast_in_dim3A_396 = vector.broadcast %broadcast_in_dim3A_395 : f32 to vector<16xf32>
      %swap3A_397 = arith.constant 0 : i32
      %swap3A_398 = arith.index_cast %swap3A_397 : i32 to index
      %swap3A_399 = arith.index_cast %add3A_378 : i32 to index
      %swap3A_400 = arith.constant 32 : index
      %swap3A_401 = tpu.vector_load %arg7[%swap3A_398, %swap3A_399, %swap3A_400] {strides = array<i32>} : memref<4x80x128xf32, #tpu.memory_space<vmem>>, vector<1x1x16xf32>,
      %swap3A_402 = vector.shape_cast %swap3A_401 : vector<1x1x16xf32> to vector<16xf32>
      %swap3A_403 = vector.shape_cast %broadcast_in_dim3A_396 : vector<16xf32> to vector<1x1x16xf32>
      tpu.vector_store %arg7[%swap3A_398, %swap3A_399, %swap3A_400], %swap3A_403 {strides = array<i32>} : memref<4x80x128xf32, #tpu.memory_space<vmem>>, vector<1x1x16xf32>,
      %broadcast_in_dim3A_404 = arith.constant 0.000000e+00 : f32
      %broadcast_in_dim3A_405 = vector.broadcast %broadcast_in_dim3A_404 : f32 to vector<16xf32>
      %swap3A_406 = arith.constant 0 : i32
      %swap3A_407 = arith.index_cast %swap3A_406 : i32 to index
      %swap3A_408 = arith.index_cast %add3A_378 : i32 to index
      %swap3A_409 = arith.constant 48 : index
      %swap3A_410 = tpu.vector_load %arg7[%swap3A_407, %swap3A_408, %swap3A_409] {strides = array<i32>} : memref<4x80x128xf32, #tpu.memory_space<vmem>>, vector<1x1x16xf32>,
      %swap3A_411 = vector.shape_cast %swap3A_410 : vector<1x1x16xf32> to vector<16xf32>
      %swap3A_412 = vector.shape_cast %broadcast_in_dim3A_405 : vector<16xf32> to vector<1x1x16xf32>
      tpu.vector_store %arg7[%swap3A_407, %swap3A_408, %swap3A_409], %swap3A_412 {strides = array<i32>} : memref<4x80x128xf32, #tpu.memory_space<vmem>>, vector<1x1x16xf32>,
      %broadcast_in_dim3A_413 = arith.constant 0.000000e+00 : f32
      %broadcast_in_dim3A_414 = vector.broadcast %broadcast_in_dim3A_413 : f32 to vector<16xf32>
      %swap3A_415 = arith.constant 0 : i32
      %swap3A_416 = arith.index_cast %swap3A_415 : i32 to index
      %swap3A_417 = arith.index_cast %add3A_378 : i32 to index
      %swap3A_418 = arith.constant 64 : index
      %swap3A_419 = tpu.vector_load %arg7[%swap3A_416, %swap3A_417, %swap3A_418] {strides = array<i32>} : memref<4x80x128xf32, #tpu.memory_space<vmem>>, vector<1x1x16xf32>,
      %swap3A_420 = vector.shape_cast %swap3A_419 : vector<1x1x16xf32> to vector<16xf32>
      %swap3A_421 = vector.shape_cast %broadcast_in_dim3A_414 : vector<16xf32> to vector<1x1x16xf32>
      tpu.vector_store %arg7[%swap3A_416, %swap3A_417, %swap3A_418], %swap3A_421 {strides = array<i32>} : memref<4x80x128xf32, #tpu.memory_space<vmem>>, vector<1x1x16xf32>,
      %broadcast_in_dim3A_422 = arith.constant 0.000000e+00 : f32
      %broadcast_in_dim3A_423 = vector.broadcast %broadcast_in_dim3A_422 : f32 to vector<16xf32>
      %swap3A_424 = arith.constant 0 : i32
      %swap3A_425 = arith.index_cast %swap3A_424 : i32 to index
      %swap3A_426 = arith.index_cast %add3A_378 : i32 to index
      %swap3A_427 = arith.constant 80 : index
      %swap3A_428 = tpu.vector_load %arg7[%swap3A_425, %swap3A_426, %swap3A_427] {strides = array<i32>} : memref<4x80x128xf32, #tpu.memory_space<vmem>>, vector<1x1x16xf32>,
      %swap3A_429 = vector.shape_cast %swap3A_428 : vector<1x1x16xf32> to vector<16xf32>
      %swap3A_430 = vector.shape_cast %broadcast_in_dim3A_423 : vector<16xf32> to vector<1x1x16xf32>
      tpu.vector_store %arg7[%swap3A_425, %swap3A_426, %swap3A_427], %swap3A_430 {strides = array<i32>} : memref<4x80x128xf32, #tpu.memory_space<vmem>>, vector<1x1x16xf32>,
      %broadcast_in_dim3A_431 = arith.constant 0.000000e+00 : f32
      %broadcast_in_dim3A_432 = vector.broadcast %broadcast_in_dim3A_431 : f32 to vector<16xf32>
      %swap3A_433 = arith.constant 0 : i32
      %swap3A_434 = arith.index_cast %swap3A_433 : i32 to index
      %swap3A_435 = arith.index_cast %add3A_378 : i32 to index
      %swap3A_436 = arith.constant 96 : index
      %swap3A_437 = tpu.vector_load %arg7[%swap3A_434, %swap3A_435, %swap3A_436] {strides = array<i32>} : memref<4x80x128xf32, #tpu.memory_space<vmem>>, vector<1x1x16xf32>,
      %swap3A_438 = vector.shape_cast %swap3A_437 : vector<1x1x16xf32> to vector<16xf32>
      %swap3A_439 = vector.shape_cast %broadcast_in_dim3A_432 : vector<16xf32> to vector<1x1x16xf32>
      tpu.vector_store %arg7[%swap3A_434, %swap3A_435, %swap3A_436], %swap3A_439 {strides = array<i32>} : memref<4x80x128xf32, #tpu.memory_space<vmem>>, vector<1x1x16xf32>,
      %broadcast_in_dim3A_440 = arith.constant 0.000000e+00 : f32
      %broadcast_in_dim3A_441 = vector.broadcast %broadcast_in_dim3A_440 : f32 to vector<16xf32>
      %swap3A_442 = arith.constant 0 : i32
      %swap3A_443 = arith.index_cast %swap3A_442 : i32 to index
      %swap3A_444 = arith.index_cast %add3A_378 : i32 to index
      %swap3A_445 = arith.constant 112 : index
      %swap3A_446 = tpu.vector_load %arg7[%swap3A_443, %swap3A_444, %swap3A_445] {strides = array<i32>} : memref<4x80x128xf32, #tpu.memory_space<vmem>>, vector<1x1x16xf32>,
      %swap3A_447 = vector.shape_cast %swap3A_446 : vector<1x1x16xf32> to vector<16xf32>
      %swap3A_448 = vector.shape_cast %broadcast_in_dim3A_441 : vector<16xf32> to vector<1x1x16xf32>
      tpu.vector_store %arg7[%swap3A_443, %swap3A_444, %swap3A_445], %swap3A_448 {strides = array<i32>} : memref<4x80x128xf32, #tpu.memory_space<vmem>>, vector<1x1x16xf32>,
    }
    %scan3A_10 = arith.constant 80 : i32
    %add3A_11 = arith.constant 0 : i32
    %add3A_12 = arith.addi %mul3A_6, %add3A_11 : i32
    %run_scoped3A = arith.constant 0 : i32
    "tpu.region"() ({
      %run_scoped3A_374 = tpu.sem_alloc : memref<!tpu.dma_semaphore, #tpu.memory_space<semaphore_mem>>
      %dma_start3A_375 = arith.constant 0 : i32
      %dma_start3A_376 = arith.constant 0 : i32
      %dma_start3A_377 = tpu.memref_slice %arg7[%run_scoped3A, %dma_start3A_375, %dma_start3A_376] : memref<4x80x128xf32, #tpu.memory_space<vmem>> -> memref<1x80x128xf32, #tpu.memory_space<vmem>>
      %dma_start3A_378 = tpu.memref_squeeze %dma_start3A_377 : memref<1x80x128xf32, #tpu.memory_space<vmem>> -> memref<80x128xf32, #tpu.memory_space<vmem>>
      %dma_start3A_379 = arith.constant 0 : i32
      %dma_start3A_380 = tpu.memref_slice %arg5[%add3A_12, %dma_start3A_379] : memref<10000x128xf32, #tpu.memory_space<vmem_shared>> -> memref<80x128xf32, #tpu.memory_space<vmem_shared>>
      %dma_start3A_381 = arith.constant 0 : i32
      %dma_start3A_382 = tpu.memref_slice %arg5[%add3A_12, %dma_start3A_381] : memref<10000x128xf32, #tpu.memory_space<vmem_shared>> -> memref<80x128xf32, #tpu.memory_space<vmem_shared>>
      %dma_start3A_383 = arith.constant 0 : i32
      %dma_start3A_384 = arith.constant 0 : i32
      %dma_start3A_385 = tpu.memref_slice %arg7[%run_scoped3A, %dma_start3A_383, %dma_start3A_384] : memref<4x80x128xf32, #tpu.memory_space<vmem>> -> memref<1x80x128xf32, #tpu.memory_space<vmem>>
      %dma_start3A_386 = tpu.memref_squeeze %dma_start3A_385 : memref<1x80x128xf32, #tpu.memory_space<vmem>> -> memref<80x128xf32, #tpu.memory_space<vmem>>
      tpu.enqueue_dma source(%dma_start3A_386 : memref<80x128xf32, #tpu.memory_space<vmem>>) target(%dma_start3A_382 : memref<80x128xf32, #tpu.memory_space<vmem_shared>>) target_semaphore(%run_scoped3A_374 : memref<!tpu.dma_semaphore, #tpu.memory_space<semaphore_mem>>)
      %dma_wait3A_387 = arith.constant 0 : i32
      %dma_wait3A_388 = arith.constant 0 : i32
      %dma_wait3A_389 = tpu.memref_slice %arg7[%run_scoped3A, %dma_wait3A_387, %dma_wait3A_388] : memref<4x80x128xf32, #tpu.memory_space<vmem>> -> memref<1x80x128xf32, #tpu.memory_space<vmem>>
      %dma_wait3A_390 = tpu.memref_squeeze %dma_wait3A_389 : memref<1x80x128xf32, #tpu.memory_space<vmem>> -> memref<80x128xf32, #tpu.memory_space<vmem>>
      %dma_wait3A_391 = arith.constant 0 : i32
      %dma_wait3A_392 = tpu.memref_slice %arg5[%add3A_12, %dma_wait3A_391] : memref<10000x128xf32, #tpu.memory_space<vmem_shared>> -> memref<80x128xf32, #tpu.memory_space<vmem_shared>>
      %dma_wait3A_393 = arith.constant 0 : i32
      %dma_wait3A_394 = tpu.memref_slice %arg5[%add3A_12, %dma_wait3A_393] : memref<10000x128xf32, #tpu.memory_space<vmem_shared>> -> memref<80x128xf32, #tpu.memory_space<vmem_shared>>
      %dma_wait3A_395 = arith.constant 0 : i32
      %dma_wait3A_396 = arith.constant 0 : i32
      %dma_wait3A_397 = tpu.memref_slice %arg7[%run_scoped3A, %dma_wait3A_395, %dma_wait3A_396] : memref<4x80x128xf32, #tpu.memory_space<vmem>> -> memref<1x80x128xf32, #tpu.memory_space<vmem>>
      %dma_wait3A_398 = tpu.memref_squeeze %dma_wait3A_397 : memref<1x80x128xf32, #tpu.memory_space<vmem>> -> memref<80x128xf32, #tpu.memory_space<vmem>>
      tpu.wait_dma2 semaphore(%run_scoped3A_374 : memref<!tpu.dma_semaphore, #tpu.memory_space<semaphore_mem>>) src(%dma_wait3A_398 : memref<80x128xf32, #tpu.memory_space<vmem>>) dst(%dma_wait3A_394 : memref<80x128xf32, #tpu.memory_space<vmem_shared>>)
      tpu.yield
    }) : () -> ()
    %add3A_13 = arith.constant 80 : i32
    %add3A_14 = arith.addi %mul3A_6, %add3A_13 : i32
    %run_scoped3A_15 = arith.constant 0 : i32
    "tpu.region"() ({
      %run_scoped3A_374 = tpu.sem_alloc : memref<!tpu.dma_semaphore, #tpu.memory_space<semaphore_mem>>
      %dma_start3A_375 = arith.constant 0 : i32
      %dma_start3A_376 = arith.constant 0 : i32
      %dma_start3A_377 = tpu.memref_slice %arg7[%run_scoped3A_15, %dma_start3A_375, %dma_start3A_376] : memref<4x80x128xf32, #tpu.memory_space<vmem>> -> memref<1x80x128xf32, #tpu.memory_space<vmem>>
      %dma_start3A_378 = tpu.memref_squeeze %dma_start3A_377 : memref<1x80x128xf32, #tpu.memory_space<vmem>> -> memref<80x128xf32, #tpu.memory_space<vmem>>
      %dma_start3A_379 = arith.constant 0 : i32
      %dma_start3A_380 = tpu.memref_slice %arg5[%add3A_14, %dma_start3A_379] : memref<10000x128xf32, #tpu.memory_space<vmem_shared>> -> memref<80x128xf32, #tpu.memory_space<vmem_shared>>
      %dma_start3A_381 = arith.constant 0 : i32
      %dma_start3A_382 = tpu.memref_slice %arg5[%add3A_14, %dma_start3A_381] : memref<10000x128xf32, #tpu.memory_space<vmem_shared>> -> memref<80x128xf32, #tpu.memory_space<vmem_shared>>
      %dma_start3A_383 = arith.constant 0 : i32
      %dma_start3A_384 = arith.constant 0 : i32
      %dma_start3A_385 = tpu.memref_slice %arg7[%run_scoped3A_15, %dma_start3A_383, %dma_start3A_384] : memref<4x80x128xf32, #tpu.memory_space<vmem>> -> memref<1x80x128xf32, #tpu.memory_space<vmem>>
      %dma_start3A_386 = tpu.memref_squeeze %dma_start3A_385 : memref<1x80x128xf32, #tpu.memory_space<vmem>> -> memref<80x128xf32, #tpu.memory_space<vmem>>
      tpu.enqueue_dma source(%dma_start3A_386 : memref<80x128xf32, #tpu.memory_space<vmem>>) target(%dma_start3A_382 : memref<80x128xf32, #tpu.memory_space<vmem_shared>>) target_semaphore(%run_scoped3A_374 : memref<!tpu.dma_semaphore, #tpu.memory_space<semaphore_mem>>)
      %dma_wait3A_387 = arith.constant 0 : i32
      %dma_wait3A_388 = arith.constant 0 : i32
      %dma_wait3A_389 = tpu.memref_slice %arg7[%run_scoped3A_15, %dma_wait3A_387, %dma_wait3A_388] : memref<4x80x128xf32, #tpu.memory_space<vmem>> -> memref<1x80x128xf32, #tpu.memory_space<vmem>>
      %dma_wait3A_390 = tpu.memref_squeeze %dma_wait3A_389 : memref<1x80x128xf32, #tpu.memory_space<vmem>> -> memref<80x128xf32, #tpu.memory_space<vmem>>
      %dma_wait3A_391 = arith.constant 0 : i32
      %dma_wait3A_392 = tpu.memref_slice %arg5[%add3A_14, %dma_wait3A_391] : memref<10000x128xf32, #tpu.memory_space<vmem_shared>> -> memref<80x128xf32, #tpu.memory_space<vmem_shared>>
      %dma_wait3A_393 = arith.constant 0 : i32
      %dma_wait3A_394 = tpu.memref_slice %arg5[%add3A_14, %dma_wait3A_393] : memref<10000x128xf32, #tpu.memory_space<vmem_shared>> -> memref<80x128xf32, #tpu.memory_space<vmem_shared>>
      %dma_wait3A_395 = arith.constant 0 : i32
      %dma_wait3A_396 = arith.constant 0 : i32
      %dma_wait3A_397 = tpu.memref_slice %arg7[%run_scoped3A_15, %dma_wait3A_395, %dma_wait3A_396] : memref<4x80x128xf32, #tpu.memory_space<vmem>> -> memref<1x80x128xf32, #tpu.memory_space<vmem>>
      %dma_wait3A_398 = tpu.memref_squeeze %dma_wait3A_397 : memref<1x80x128xf32, #tpu.memory_space<vmem>> -> memref<80x128xf32, #tpu.memory_space<vmem>>
      tpu.wait_dma2 semaphore(%run_scoped3A_374 : memref<!tpu.dma_semaphore, #tpu.memory_space<semaphore_mem>>) src(%dma_wait3A_398 : memref<80x128xf32, #tpu.memory_space<vmem>>) dst(%dma_wait3A_394 : memref<80x128xf32, #tpu.memory_space<vmem_shared>>)
      tpu.yield
    }) : () -> ()
    %add3A_16 = arith.constant 160 : i32
    %add3A_17 = arith.addi %mul3A_6, %add3A_16 : i32
    %run_scoped3A_18 = arith.constant 0 : i32
    "tpu.region"() ({
      %run_scoped3A_374 = tpu.sem_alloc : memref<!tpu.dma_semaphore, #tpu.memory_space<semaphore_mem>>
      %dma_start3A_375 = arith.constant 0 : i32
      %dma_start3A_376 = arith.constant 0 : i32
      %dma_start3A_377 = tpu.memref_slice %arg7[%run_scoped3A_18, %dma_start3A_375, %dma_start3A_376] : memref<4x80x128xf32, #tpu.memory_space<vmem>> -> memref<1x80x128xf32, #tpu.memory_space<vmem>>
      %dma_start3A_378 = tpu.memref_squeeze %dma_start3A_377 : memref<1x80x128xf32, #tpu.memory_space<vmem>> -> memref<80x128xf32, #tpu.memory_space<vmem>>
      %dma_start3A_379 = arith.constant 0 : i32
      %dma_start3A_380 = tpu.memref_slice %arg5[%add3A_17, %dma_start3A_379] : memref<10000x128xf32, #tpu.memory_space<vmem_shared>> -> memref<80x128xf32, #tpu.memory_space<vmem_shared>>
      %dma_start3A_381 = arith.constant 0 : i32
      %dma_start3A_382 = tpu.memref_slice %arg5[%add3A_17, %dma_start3A_381] : memref<10000x128xf32, #tpu.memory_space<vmem_shared>> -> memref<80x128xf32, #tpu.memory_space<vmem_shared>>
      %dma_start3A_383 = arith.constant 0 : i32
      %dma_start3A_384 = arith.constant 0 : i32
      %dma_start3A_385 = tpu.memref_slice %arg7[%run_scoped3A_18, %dma_start3A_383, %dma_start3A_384] : memref<4x80x128xf32, #tpu.memory_space<vmem>> -> memref<1x80x128xf32, #tpu.memory_space<vmem>>
      %dma_start3A_386 = tpu.memref_squeeze %dma_start3A_385 : memref<1x80x128xf32, #tpu.memory_space<vmem>> -> memref<80x128xf32, #tpu.memory_space<vmem>>
      tpu.enqueue_dma source(%dma_start3A_386 : memref<80x128xf32, #tpu.memory_space<vmem>>) target(%dma_start3A_382 : memref<80x128xf32, #tpu.memory_space<vmem_shared>>) target_semaphore(%run_scoped3A_374 : memref<!tpu.dma_semaphore, #tpu.memory_space<semaphore_mem>>)
      %dma_wait3A_387 = arith.constant 0 : i32
      %dma_wait3A_388 = arith.constant 0 : i32
      %dma_wait3A_389 = tpu.memref_slice %arg7[%run_scoped3A_18, %dma_wait3A_387, %dma_wait3A_388] : memref<4x80x128xf32, #tpu.memory_space<vmem>> -> memref<1x80x128xf32, #tpu.memory_space<vmem>>
      %dma_wait3A_390 = tpu.memref_squeeze %dma_wait3A_389 : memref<1x80x128xf32, #tpu.memory_space<vmem>> -> memref<80x128xf32, #tpu.memory_space<vmem>>
      %dma_wait3A_391 = arith.constant 0 : i32
      %dma_wait3A_392 = tpu.memref_slice %arg5[%add3A_17, %dma_wait3A_391] : memref<10000x128xf32, #tpu.memory_space<vmem_shared>> -> memref<80x128xf32, #tpu.memory_space<vmem_shared>>
      %dma_wait3A_393 = arith.constant 0 : i32
      %dma_wait3A_394 = tpu.memref_slice %arg5[%add3A_17, %dma_wait3A_393] : memref<10000x128xf32, #tpu.memory_space<vmem_shared>> -> memref<80x128xf32, #tpu.memory_space<vmem_shared>>
      %dma_wait3A_395 = arith.constant 0 : i32
      %dma_wait3A_396 = arith.constant 0 : i32
      %dma_wait3A_397 = tpu.memref_slice %arg7[%run_scoped3A_18, %dma_wait3A_395, %dma_wait3A_396] : memref<4x80x128xf32, #tpu.memory_space<vmem>> -> memref<1x80x128xf32, #tpu.memory_space<vmem>>
      %dma_wait3A_398 = tpu.memref_squeeze %dma_wait3A_397 : memref<1x80x128xf32, #tpu.memory_space<vmem>> -> memref<80x128xf32, #tpu.memory_space<vmem>>
      tpu.wait_dma2 semaphore(%run_scoped3A_374 : memref<!tpu.dma_semaphore, #tpu.memory_space<semaphore_mem>>) src(%dma_wait3A_398 : memref<80x128xf32, #tpu.memory_space<vmem>>) dst(%dma_wait3A_394 : memref<80x128xf32, #tpu.memory_space<vmem_shared>>)
      tpu.yield
    }) : () -> ()
    %add3A_19 = arith.constant 240 : i32
    %add3A_20 = arith.addi %mul3A_6, %add3A_19 : i32
    %run_scoped3A_21 = arith.constant 0 : i32
    "tpu.region"() ({
      %run_scoped3A_374 = tpu.sem_alloc : memref<!tpu.dma_semaphore, #tpu.memory_space<semaphore_mem>>
      %dma_start3A_375 = arith.constant 0 : i32
      %dma_start3A_376 = arith.constant 0 : i32
      %dma_start3A_377 = tpu.memref_slice %arg7[%run_scoped3A_21, %dma_start3A_375, %dma_start3A_376] : memref<4x80x128xf32, #tpu.memory_space<vmem>> -> memref<1x80x128xf32, #tpu.memory_space<vmem>>
      %dma_start3A_378 = tpu.memref_squeeze %dma_start3A_377 : memref<1x80x128xf32, #tpu.memory_space<vmem>> -> memref<80x128xf32, #tpu.memory_space<vmem>>
      %dma_start3A_379 = arith.constant 0 : i32
      %dma_start3A_380 = tpu.memref_slice %arg5[%add3A_20, %dma_start3A_379] : memref<10000x128xf32, #tpu.memory_space<vmem_shared>> -> memref<80x128xf32, #tpu.memory_space<vmem_shared>>
      %dma_start3A_381 = arith.constant 0 : i32
      %dma_start3A_382 = tpu.memref_slice %arg5[%add3A_20, %dma_start3A_381] : memref<10000x128xf32, #tpu.memory_space<vmem_shared>> -> memref<80x128xf32, #tpu.memory_space<vmem_shared>>
      %dma_start3A_383 = arith.constant 0 : i32
      %dma_start3A_384 = arith.constant 0 : i32
      %dma_start3A_385 = tpu.memref_slice %arg7[%run_scoped3A_21, %dma_start3A_383, %dma_start3A_384] : memref<4x80x128xf32, #tpu.memory_space<vmem>> -> memref<1x80x128xf32, #tpu.memory_space<vmem>>
      %dma_start3A_386 = tpu.memref_squeeze %dma_start3A_385 : memref<1x80x128xf32, #tpu.memory_space<vmem>> -> memref<80x128xf32, #tpu.memory_space<vmem>>
      tpu.enqueue_dma source(%dma_start3A_386 : memref<80x128xf32, #tpu.memory_space<vmem>>) target(%dma_start3A_382 : memref<80x128xf32, #tpu.memory_space<vmem_shared>>) target_semaphore(%run_scoped3A_374 : memref<!tpu.dma_semaphore, #tpu.memory_space<semaphore_mem>>)
      %dma_wait3A_387 = arith.constant 0 : i32
      %dma_wait3A_388 = arith.constant 0 : i32
      %dma_wait3A_389 = tpu.memref_slice %arg7[%run_scoped3A_21, %dma_wait3A_387, %dma_wait3A_388] : memref<4x80x128xf32, #tpu.memory_space<vmem>> -> memref<1x80x128xf32, #tpu.memory_space<vmem>>
      %dma_wait3A_390 = tpu.memref_squeeze %dma_wait3A_389 : memref<1x80x128xf32, #tpu.memory_space<vmem>> -> memref<80x128xf32, #tpu.memory_space<vmem>>
      %dma_wait3A_391 = arith.constant 0 : i32
      %dma_wait3A_392 = tpu.memref_slice %arg5[%add3A_20, %dma_wait3A_391] : memref<10000x128xf32, #tpu.memory_space<vmem_shared>> -> memref<80x128xf32, #tpu.memory_space<vmem_shared>>
      %dma_wait3A_393 = arith.constant 0 : i32
      %dma_wait3A_394 = tpu.memref_slice %arg5[%add3A_20, %dma_wait3A_393] : memref<10000x128xf32, #tpu.memory_space<vmem_shared>> -> memref<80x128xf32, #tpu.memory_space<vmem_shared>>
      %dma_wait3A_395 = arith.constant 0 : i32
      %dma_wait3A_396 = arith.constant 0 : i32
      %dma_wait3A_397 = tpu.memref_slice %arg7[%run_scoped3A_21, %dma_wait3A_395, %dma_wait3A_396] : memref<4x80x128xf32, #tpu.memory_space<vmem>> -> memref<1x80x128xf32, #tpu.memory_space<vmem>>
      %dma_wait3A_398 = tpu.memref_squeeze %dma_wait3A_397 : memref<1x80x128xf32, #tpu.memory_space<vmem>> -> memref<80x128xf32, #tpu.memory_space<vmem>>
      tpu.wait_dma2 semaphore(%run_scoped3A_374 : memref<!tpu.dma_semaphore, #tpu.memory_space<semaphore_mem>>) src(%dma_wait3A_398 : memref<80x128xf32, #tpu.memory_space<vmem>>) dst(%dma_wait3A_394 : memref<80x128xf32, #tpu.memory_space<vmem_shared>>)
      tpu.yield
    }) : () -> ()
    %add3A_22 = arith.constant 320 : i32
    %add3A_23 = arith.addi %mul3A_6, %add3A_22 : i32
    %run_scoped3A_24 = arith.constant 0 : i32
    "tpu.region"() ({
      %run_scoped3A_374 = tpu.sem_alloc : memref<!tpu.dma_semaphore, #tpu.memory_space<semaphore_mem>>
      %dma_start3A_375 = arith.constant 0 : i32
      %dma_start3A_376 = arith.constant 0 : i32
      %dma_start3A_377 = tpu.memref_slice %arg7[%run_scoped3A_24, %dma_start3A_375, %dma_start3A_376] : memref<4x80x128xf32, #tpu.memory_space<vmem>> -> memref<1x80x128xf32, #tpu.memory_space<vmem>>
      %dma_start3A_378 = tpu.memref_squeeze %dma_start3A_377 : memref<1x80x128xf32, #tpu.memory_space<vmem>> -> memref<80x128xf32, #tpu.memory_space<vmem>>
      %dma_start3A_379 = arith.constant 0 : i32
      %dma_start3A_380 = tpu.memref_slice %arg5[%add3A_23, %dma_start3A_379] : memref<10000x128xf32, #tpu.memory_space<vmem_shared>> -> memref<80x128xf32, #tpu.memory_space<vmem_shared>>
      %dma_start3A_381 = arith.constant 0 : i32
      %dma_start3A_382 = tpu.memref_slice %arg5[%add3A_23, %dma_start3A_381] : memref<10000x128xf32, #tpu.memory_space<vmem_shared>> -> memref<80x128xf32, #tpu.memory_space<vmem_shared>>
      %dma_start3A_383 = arith.constant 0 : i32
      %dma_start3A_384 = arith.constant 0 : i32
      %dma_start3A_385 = tpu.memref_slice %arg7[%run_scoped3A_24, %dma_start3A_383, %dma_start3A_384] : memref<4x80x128xf32, #tpu.memory_space<vmem>> -> memref<1x80x128xf32, #tpu.memory_space<vmem>>
      %dma_start3A_386 = tpu.memref_squeeze %dma_start3A_385 : memref<1x80x128xf32, #tpu.memory_space<vmem>> -> memref<80x128xf32, #tpu.memory_space<vmem>>
      tpu.enqueue_dma source(%dma_start3A_386 : memref<80x128xf32, #tpu.memory_space<vmem>>) target(%dma_start3A_382 : memref<80x128xf32, #tpu.memory_space<vmem_shared>>) target_semaphore(%run_scoped3A_374 : memref<!tpu.dma_semaphore, #tpu.memory_space<semaphore_mem>>)
      %dma_wait3A_387 = arith.constant 0 : i32
      %dma_wait3A_388 = arith.constant 0 : i32
      %dma_wait3A_389 = tpu.memref_slice %arg7[%run_scoped3A_24, %dma_wait3A_387, %dma_wait3A_388] : memref<4x80x128xf32, #tpu.memory_space<vmem>> -> memref<1x80x128xf32, #tpu.memory_space<vmem>>
      %dma_wait3A_390 = tpu.memref_squeeze %dma_wait3A_389 : memref<1x80x128xf32, #tpu.memory_space<vmem>> -> memref<80x128xf32, #tpu.memory_space<vmem>>
      %dma_wait3A_391 = arith.constant 0 : i32
      %dma_wait3A_392 = tpu.memref_slice %arg5[%add3A_23, %dma_wait3A_391] : memref<10000x128xf32, #tpu.memory_space<vmem_shared>> -> memref<80x128xf32, #tpu.memory_space<vmem_shared>>
      %dma_wait3A_393 = arith.constant 0 : i32
      %dma_wait3A_394 = tpu.memref_slice %arg5[%add3A_23, %dma_wait3A_393] : memref<10000x128xf32, #tpu.memory_space<vmem_shared>> -> memref<80x128xf32, #tpu.memory_space<vmem_shared>>
      %dma_wait3A_395 = arith.constant 0 : i32
      %dma_wait3A_396 = arith.constant 0 : i32
      %dma_wait3A_397 = tpu.memref_slice %arg7[%run_scoped3A_24, %dma_wait3A_395, %dma_wait3A_396] : memref<4x80x128xf32, #tpu.memory_space<vmem>> -> memref<1x80x128xf32, #tpu.memory_space<vmem>>
      %dma_wait3A_398 = tpu.memref_squeeze %dma_wait3A_397 : memref<1x80x128xf32, #tpu.memory_space<vmem>> -> memref<80x128xf32, #tpu.memory_space<vmem>>
      tpu.wait_dma2 semaphore(%run_scoped3A_374 : memref<!tpu.dma_semaphore, #tpu.memory_space<semaphore_mem>>) src(%dma_wait3A_398 : memref<80x128xf32, #tpu.memory_space<vmem>>) dst(%dma_wait3A_394 : memref<80x128xf32, #tpu.memory_space<vmem_shared>>)
      tpu.yield
    }) : () -> ()
    %add3A_25 = arith.constant 400 : i32
    %add3A_26 = arith.addi %mul3A_6, %add3A_25 : i32
    %run_scoped3A_27 = arith.constant 0 : i32
    "tpu.region"() ({
      %run_scoped3A_374 = tpu.sem_alloc : memref<!tpu.dma_semaphore, #tpu.memory_space<semaphore_mem>>
      %dma_start3A_375 = arith.constant 0 : i32
      %dma_start3A_376 = arith.constant 0 : i32
      %dma_start3A_377 = tpu.memref_slice %arg7[%run_scoped3A_27, %dma_start3A_375, %dma_start3A_376] : memref<4x80x128xf32, #tpu.memory_space<vmem>> -> memref<1x80x128xf32, #tpu.memory_space<vmem>>
      %dma_start3A_378 = tpu.memref_squeeze %dma_start3A_377 : memref<1x80x128xf32, #tpu.memory_space<vmem>> -> memref<80x128xf32, #tpu.memory_space<vmem>>
      %dma_start3A_379 = arith.constant 0 : i32
      %dma_start3A_380 = tpu.memref_slice %arg5[%add3A_26, %dma_start3A_379] : memref<10000x128xf32, #tpu.memory_space<vmem_shared>> -> memref<80x128xf32, #tpu.memory_space<vmem_shared>>
      %dma_start3A_381 = arith.constant 0 : i32
      %dma_start3A_382 = tpu.memref_slice %arg5[%add3A_26, %dma_start3A_381] : memref<10000x128xf32, #tpu.memory_space<vmem_shared>> -> memref<80x128xf32, #tpu.memory_space<vmem_shared>>
      %dma_start3A_383 = arith.constant 0 : i32
      %dma_start3A_384 = arith.constant 0 : i32
      %dma_start3A_385 = tpu.memref_slice %arg7[%run_scoped3A_27, %dma_start3A_383, %dma_start3A_384] : memref<4x80x128xf32, #tpu.memory_space<vmem>> -> memref<1x80x128xf32, #tpu.memory_space<vmem>>
      %dma_start3A_386 = tpu.memref_squeeze %dma_start3A_385 : memref<1x80x128xf32, #tpu.memory_space<vmem>> -> memref<80x128xf32, #tpu.memory_space<vmem>>
      tpu.enqueue_dma source(%dma_start3A_386 : memref<80x128xf32, #tpu.memory_space<vmem>>) target(%dma_start3A_382 : memref<80x128xf32, #tpu.memory_space<vmem_shared>>) target_semaphore(%run_scoped3A_374 : memref<!tpu.dma_semaphore, #tpu.memory_space<semaphore_mem>>)
      %dma_wait3A_387 = arith.constant 0 : i32
      %dma_wait3A_388 = arith.constant 0 : i32
      %dma_wait3A_389 = tpu.memref_slice %arg7[%run_scoped3A_27, %dma_wait3A_387, %dma_wait3A_388] : memref<4x80x128xf32, #tpu.memory_space<vmem>> -> memref<1x80x128xf32, #tpu.memory_space<vmem>>
      %dma_wait3A_390 = tpu.memref_squeeze %dma_wait3A_389 : memref<1x80x128xf32, #tpu.memory_space<vmem>> -> memref<80x128xf32, #tpu.memory_space<vmem>>
      %dma_wait3A_391 = arith.constant 0 : i32
      %dma_wait3A_392 = tpu.memref_slice %arg5[%add3A_26, %dma_wait3A_391] : memref<10000x128xf32, #tpu.memory_space<vmem_shared>> -> memref<80x128xf32, #tpu.memory_space<vmem_shared>>
      %dma_wait3A_393 = arith.constant 0 : i32
      %dma_wait3A_394 = tpu.memref_slice %arg5[%add3A_26, %dma_wait3A_393] : memref<10000x128xf32, #tpu.memory_space<vmem_shared>> -> memref<80x128xf32, #tpu.memory_space<vmem_shared>>
      %dma_wait3A_395 = arith.constant 0 : i32
      %dma_wait3A_396 = arith.constant 0 : i32
      %dma_wait3A_397 = tpu.memref_slice %arg7[%run_scoped3A_27, %dma_wait3A_395, %dma_wait3A_396] : memref<4x80x128xf32, #tpu.memory_space<vmem>> -> memref<1x80x128xf32, #tpu.memory_space<vmem>>
      %dma_wait3A_398 = tpu.memref_squeeze %dma_wait3A_397 : memref<1x80x128xf32, #tpu.memory_space<vmem>> -> memref<80x128xf32, #tpu.memory_space<vmem>>
      tpu.wait_dma2 semaphore(%run_scoped3A_374 : memref<!tpu.dma_semaphore, #tpu.memory_space<semaphore_mem>>) src(%dma_wait3A_398 : memref<80x128xf32, #tpu.memory_space<vmem>>) dst(%dma_wait3A_394 : memref<80x128xf32, #tpu.memory_space<vmem_shared>>)
      tpu.yield
    }) : () -> ()
    %add3A_28 = arith.constant 480 : i32
    %add3A_29 = arith.addi %mul3A_6, %add3A_28 : i32
    %run_scoped3A_30 = arith.constant 0 : i32
    "tpu.region"() ({
      %run_scoped3A_374 = tpu.sem_alloc : memref<!tpu.dma_semaphore, #tpu.memory_space<semaphore_mem>>
      %dma_start3A_375 = arith.constant 0 : i32
      %dma_start3A_376 = arith.constant 0 : i32
      %dma_start3A_377 = tpu.memref_slice %arg7[%run_scoped3A_30, %dma_start3A_375, %dma_start3A_376] : memref<4x80x128xf32, #tpu.memory_space<vmem>> -> memref<1x80x128xf32, #tpu.memory_space<vmem>>
      %dma_start3A_378 = tpu.memref_squeeze %dma_start3A_377 : memref<1x80x128xf32, #tpu.memory_space<vmem>> -> memref<80x128xf32, #tpu.memory_space<vmem>>
      %dma_start3A_379 = arith.constant 0 : i32
      %dma_start3A_380 = tpu.memref_slice %arg5[%add3A_29, %dma_start3A_379] : memref<10000x128xf32, #tpu.memory_space<vmem_shared>> -> memref<80x128xf32, #tpu.memory_space<vmem_shared>>
      %dma_start3A_381 = arith.constant 0 : i32
      %dma_start3A_382 = tpu.memref_slice %arg5[%add3A_29, %dma_start3A_381] : memref<10000x128xf32, #tpu.memory_space<vmem_shared>> -> memref<80x128xf32, #tpu.memory_space<vmem_shared>>
      %dma_start3A_383 = arith.constant 0 : i32
      %dma_start3A_384 = arith.constant 0 : i32
      %dma_start3A_385 = tpu.memref_slice %arg7[%run_scoped3A_30, %dma_start3A_383, %dma_start3A_384] : memref<4x80x128xf32, #tpu.memory_space<vmem>> -> memref<1x80x128xf32, #tpu.memory_space<vmem>>
      %dma_start3A_386 = tpu.memref_squeeze %dma_start3A_385 : memref<1x80x128xf32, #tpu.memory_space<vmem>> -> memref<80x128xf32, #tpu.memory_space<vmem>>
      tpu.enqueue_dma source(%dma_start3A_386 : memref<80x128xf32, #tpu.memory_space<vmem>>) target(%dma_start3A_382 : memref<80x128xf32, #tpu.memory_space<vmem_shared>>) target_semaphore(%run_scoped3A_374 : memref<!tpu.dma_semaphore, #tpu.memory_space<semaphore_mem>>)
      %dma_wait3A_387 = arith.constant 0 : i32
      %dma_wait3A_388 = arith.constant 0 : i32
      %dma_wait3A_389 = tpu.memref_slice %arg7[%run_scoped3A_30, %dma_wait3A_387, %dma_wait3A_388] : memref<4x80x128xf32, #tpu.memory_space<vmem>> -> memref<1x80x128xf32, #tpu.memory_space<vmem>>
      %dma_wait3A_390 = tpu.memref_squeeze %dma_wait3A_389 : memref<1x80x128xf32, #tpu.memory_space<vmem>> -> memref<80x128xf32, #tpu.memory_space<vmem>>
      %dma_wait3A_391 = arith.constant 0 : i32
      %dma_wait3A_392 = tpu.memref_slice %arg5[%add3A_29, %dma_wait3A_391] : memref<10000x128xf32, #tpu.memory_space<vmem_shared>> -> memref<80x128xf32, #tpu.memory_space<vmem_shared>>
      %dma_wait3A_393 = arith.constant 0 : i32
      %dma_wait3A_394 = tpu.memref_slice %arg5[%add3A_29, %dma_wait3A_393] : memref<10000x128xf32, #tpu.memory_space<vmem_shared>> -> memref<80x128xf32, #tpu.memory_space<vmem_shared>>
      %dma_wait3A_395 = arith.constant 0 : i32
      %dma_wait3A_396 = arith.constant 0 : i32
      %dma_wait3A_397 = tpu.memref_slice %arg7[%run_scoped3A_30, %dma_wait3A_395, %dma_wait3A_396] : memref<4x80x128xf32, #tpu.memory_space<vmem>> -> memref<1x80x128xf32, #tpu.memory_space<vmem>>
      %dma_wait3A_398 = tpu.memref_squeeze %dma_wait3A_397 : memref<1x80x128xf32, #tpu.memory_space<vmem>> -> memref<80x128xf32, #tpu.memory_space<vmem>>
      tpu.wait_dma2 semaphore(%run_scoped3A_374 : memref<!tpu.dma_semaphore, #tpu.memory_space<semaphore_mem>>) src(%dma_wait3A_398 : memref<80x128xf32, #tpu.memory_space<vmem>>) dst(%dma_wait3A_394 : memref<80x128xf32, #tpu.memory_space<vmem_shared>>)
      tpu.yield
    }) : () -> ()
    %add3A_31 = arith.constant 560 : i32
    %add3A_32 = arith.addi %mul3A_6, %add3A_31 : i32
    %run_scoped3A_33 = arith.constant 0 : i32
    "tpu.region"() ({
      %run_scoped3A_374 = tpu.sem_alloc : memref<!tpu.dma_semaphore, #tpu.memory_space<semaphore_mem>>
      %dma_start3A_375 = arith.constant 0 : i32
      %dma_start3A_376 = arith.constant 0 : i32
      %dma_start3A_377 = tpu.memref_slice %arg7[%run_scoped3A_33, %dma_start3A_375, %dma_start3A_376] : memref<4x80x128xf32, #tpu.memory_space<vmem>> -> memref<1x64x128xf32, #tpu.memory_space<vmem>>
      %dma_start3A_378 = tpu.memref_squeeze %dma_start3A_377 : memref<1x64x128xf32, #tpu.memory_space<vmem>> -> memref<64x128xf32, #tpu.memory_space<vmem>>
      %dma_start3A_379 = arith.constant 0 : i32
      %dma_start3A_380 = tpu.memref_slice %arg5[%add3A_32, %dma_start3A_379] : memref<10000x128xf32, #tpu.memory_space<vmem_shared>> -> memref<64x128xf32, #tpu.memory_space<vmem_shared>>
      %dma_start3A_381 = arith.constant 0 : i32
      %dma_start3A_382 = tpu.memref_slice %arg5[%add3A_32, %dma_start3A_381] : memref<10000x128xf32, #tpu.memory_space<vmem_shared>> -> memref<64x128xf32, #tpu.memory_space<vmem_shared>>
      %dma_start3A_383 = arith.constant 0 : i32
      %dma_start3A_384 = arith.constant 0 : i32
      %dma_start3A_385 = tpu.memref_slice %arg7[%run_scoped3A_33, %dma_start3A_383, %dma_start3A_384] : memref<4x80x128xf32, #tpu.memory_space<vmem>> -> memref<1x64x128xf32, #tpu.memory_space<vmem>>
      %dma_start3A_386 = tpu.memref_squeeze %dma_start3A_385 : memref<1x64x128xf32, #tpu.memory_space<vmem>> -> memref<64x128xf32, #tpu.memory_space<vmem>>
      tpu.enqueue_dma source(%dma_start3A_386 : memref<64x128xf32, #tpu.memory_space<vmem>>) target(%dma_start3A_382 : memref<64x128xf32, #tpu.memory_space<vmem_shared>>) target_semaphore(%run_scoped3A_374 : memref<!tpu.dma_semaphore, #tpu.memory_space<semaphore_mem>>)
      %dma_wait3A_387 = arith.constant 0 : i32
      %dma_wait3A_388 = arith.constant 0 : i32
      %dma_wait3A_389 = tpu.memref_slice %arg7[%run_scoped3A_33, %dma_wait3A_387, %dma_wait3A_388] : memref<4x80x128xf32, #tpu.memory_space<vmem>> -> memref<1x64x128xf32, #tpu.memory_space<vmem>>
      %dma_wait3A_390 = tpu.memref_squeeze %dma_wait3A_389 : memref<1x64x128xf32, #tpu.memory_space<vmem>> -> memref<64x128xf32, #tpu.memory_space<vmem>>
      %dma_wait3A_391 = arith.constant 0 : i32
      %dma_wait3A_392 = tpu.memref_slice %arg5[%add3A_32, %dma_wait3A_391] : memref<10000x128xf32, #tpu.memory_space<vmem_shared>> -> memref<64x128xf32, #tpu.memory_space<vmem_shared>>
      %dma_wait3A_393 = arith.constant 0 : i32
      %dma_wait3A_394 = tpu.memref_slice %arg5[%add3A_32, %dma_wait3A_393] : memref<10000x128xf32, #tpu.memory_space<vmem_shared>> -> memref<64x128xf32, #tpu.memory_space<vmem_shared>>
      %dma_wait3A_395 = arith.constant 0 : i32
      %dma_wait3A_396 = arith.constant 0 : i32
      %dma_wait3A_397 = tpu.memref_slice %arg7[%run_scoped3A_33, %dma_wait3A_395, %dma_wait3A_396] : memref<4x80x128xf32, #tpu.memory_space<vmem>> -> memref<1x64x128xf32, #tpu.memory_space<vmem>>
      %dma_wait3A_398 = tpu.memref_squeeze %dma_wait3A_397 : memref<1x64x128xf32, #tpu.memory_space<vmem>> -> memref<64x128xf32, #tpu.memory_space<vmem>>
      tpu.wait_dma2 semaphore(%run_scoped3A_374 : memref<!tpu.dma_semaphore, #tpu.memory_space<semaphore_mem>>) src(%dma_wait3A_398 : memref<64x128xf32, #tpu.memory_space<vmem>>) dst(%dma_wait3A_394 : memref<64x128xf32, #tpu.memory_space<vmem_shared>>)
      tpu.yield
    }) : () -> ()
    %eq3A = arith.constant 15 : i32
    %eq3A_34 = arith.cmpi eq, %arg1, %eq3A : i32
    %convert_element_type3A = arith.extui %eq3A_34 : i1 to i32
    %cond3A = arith.constant 0 : i32
    %cond3A_35 = arith.cmpi ne, %convert_element_type3A, %cond3A : i32
    scf.if %cond3A_35 {
      %run_scoped3A_374 = arith.constant 0 : i32
      "tpu.region"() ({
        %run_scoped3A_375 = tpu.sem_alloc : memref<!tpu.dma_semaphore, #tpu.memory_space<semaphore_mem>>
        %dma_start3A_376 = arith.constant 0 : i32
        %dma_start3A_377 = arith.constant 0 : i32
        %dma_start3A_378 = tpu.memref_slice %arg7[%run_scoped3A_374, %dma_start3A_376, %dma_start3A_377] : memref<4x80x128xf32, #tpu.memory_space<vmem>> -> memref<1x16x128xf32, #tpu.memory_space<vmem>>
        %dma_start3A_379 = tpu.memref_squeeze %dma_start3A_378 : memref<1x16x128xf32, #tpu.memory_space<vmem>> -> memref<16x128xf32, #tpu.memory_space<vmem>>
        %dma_start3A_380 = arith.constant 9984 : i32
        %dma_start3A_381 = arith.constant 0 : i32
        %dma_start3A_382 = tpu.memref_slice %arg5[%dma_start3A_380, %dma_start3A_381] : memref<10000x128xf32, #tpu.memory_space<vmem_shared>> -> memref<16x128xf32, #tpu.memory_space<vmem_shared>>
        %dma_start3A_383 = arith.constant 9984 : i32
        %dma_start3A_384 = arith.constant 0 : i32
        %dma_start3A_385 = tpu.memref_slice %arg5[%dma_start3A_383, %dma_start3A_384] : memref<10000x128xf32, #tpu.memory_space<vmem_shared>> -> memref<16x128xf32, #tpu.memory_space<vmem_shared>>
        %dma_start3A_386 = arith.constant 0 : i32
        %dma_start3A_387 = arith.constant 0 : i32
        %dma_start3A_388 = tpu.memref_slice %arg7[%run_scoped3A_374, %dma_start3A_386, %dma_start3A_387] : memref<4x80x128xf32, #tpu.memory_space<vmem>> -> memref<1x16x128xf32, #tpu.memory_space<vmem>>
        %dma_start3A_389 = tpu.memref_squeeze %dma_start3A_388 : memref<1x16x128xf32, #tpu.memory_space<vmem>> -> memref<16x128xf32, #tpu.memory_space<vmem>>
        tpu.enqueue_dma source(%dma_start3A_389 : memref<16x128xf32, #tpu.memory_space<vmem>>) target(%dma_start3A_385 : memref<16x128xf32, #tpu.memory_space<vmem_shared>>) target_semaphore(%run_scoped3A_375 : memref<!tpu.dma_semaphore, #tpu.memory_space<semaphore_mem>>)
        %dma_wait3A_390 = arith.constant 0 : i32
        %dma_wait3A_391 = arith.constant 0 : i32
        %dma_wait3A_392 = tpu.memref_slice %arg7[%run_scoped3A_374, %dma_wait3A_390, %dma_wait3A_391] : memref<4x80x128xf32, #tpu.memory_space<vmem>> -> memref<1x16x128xf32, #tpu.memory_space<vmem>>
        %dma_wait3A_393 = tpu.memref_squeeze %dma_wait3A_392 : memref<1x16x128xf32, #tpu.memory_space<vmem>> -> memref<16x128xf32, #tpu.memory_space<vmem>>
        %dma_wait3A_394 = arith.constant 9984 : i32
        %dma_wait3A_395 = arith.constant 0 : i32
        %dma_wait3A_396 = tpu.memref_slice %arg5[%dma_wait3A_394, %dma_wait3A_395] : memref<10000x128xf32, #tpu.memory_space<vmem_shared>> -> memref<16x128xf32, #tpu.memory_space<vmem_shared>>
        %dma_wait3A_397 = arith.constant 9984 : i32
        %dma_wait3A_398 = arith.constant 0 : i32
        %dma_wait3A_399 = tpu.memref_slice %arg5[%dma_wait3A_397, %dma_wait3A_398] : memref<10000x128xf32, #tpu.memory_space<vmem_shared>> -> memref<16x128xf32, #tpu.memory_space<vmem_shared>>
        %dma_wait3A_400 = arith.constant 0 : i32
        %dma_wait3A_401 = arith.constant 0 : i32
        %dma_wait3A_402 = tpu.memref_slice %arg7[%run_scoped3A_374, %dma_wait3A_400, %dma_wait3A_401] : memref<4x80x128xf32, #tpu.memory_space<vmem>> -> memref<1x16x128xf32, #tpu.memory_space<vmem>>
        %dma_wait3A_403 = tpu.memref_squeeze %dma_wait3A_402 : memref<1x16x128xf32, #tpu.memory_space<vmem>> -> memref<16x128xf32, #tpu.memory_space<vmem>>
        tpu.wait_dma2 semaphore(%run_scoped3A_375 : memref<!tpu.dma_semaphore, #tpu.memory_space<semaphore_mem>>) src(%dma_wait3A_403 : memref<16x128xf32, #tpu.memory_space<vmem>>) dst(%dma_wait3A_399 : memref<16x128xf32, #tpu.memory_space<vmem_shared>>)
        tpu.yield
      }) : () -> ()
    } else {
    }
    %barrier3A = arith.constant 0 : index
    tpu.barrier barrier_id(%barrier3A)
    %add3A_36 = arith.constant 0 : i32
    %add3A_37 = arith.addi %add3A_4, %add3A_36 : i32
    %dma_start3A = arith.constant 0 : i32
    %dma_start3A_38 = arith.constant 0 : i32
    %dma_start3A_39 = arith.constant 0 : i32
    %dma_start3A_40 = tpu.memref_slice %arg6[%dma_start3A, %dma_start3A_39] : memref<4x80xi32, #tpu.memory_space<vmem>> -> memref<1x80xi32, #tpu.memory_space<vmem>>
    %dma_start3A_41 = tpu.memref_squeeze %dma_start3A_40 : memref<1x80xi32, #tpu.memory_space<vmem>> -> memref<80xi32, #tpu.memory_space<vmem>>
    %dma_start3A_42 = tpu.memref_slice %arg3[%add3A_37] : memref<320000xi32, #tpu.memory_space<hbm>> -> memref<80xi32, #tpu.memory_space<hbm>>
    %dma_start3A_43 = tpu.memref_slice %arg8[%dma_start3A_38] : memref<4x!tpu.dma_semaphore, #tpu.memory_space<semaphore_mem>> -> memref<1x!tpu.dma_semaphore, #tpu.memory_space<semaphore_mem>>
    %dma_start3A_44 = tpu.memref_squeeze %dma_start3A_43 : memref<1x!tpu.dma_semaphore, #tpu.memory_space<semaphore_mem>> -> memref<!tpu.dma_semaphore, #tpu.memory_space<semaphore_mem>>
    %dma_start3A_45 = arith.constant 0 : i32
    %dma_start3A_46 = tpu.memref_slice %arg6[%dma_start3A, %dma_start3A_45] : memref<4x80xi32, #tpu.memory_space<vmem>> -> memref<1x80xi32, #tpu.memory_space<vmem>>
    %dma_start3A_47 = tpu.memref_squeeze %dma_start3A_46 : memref<1x80xi32, #tpu.memory_space<vmem>> -> memref<80xi32, #tpu.memory_space<vmem>>
    %dma_start3A_48 = tpu.memref_slice %arg3[%add3A_37] : memref<320000xi32, #tpu.memory_space<hbm>> -> memref<80xi32, #tpu.memory_space<hbm>>
    tpu.enqueue_dma source(%dma_start3A_48 : memref<80xi32, #tpu.memory_space<hbm>>) target(%dma_start3A_47 : memref<80xi32, #tpu.memory_space<vmem>>) target_semaphore(%dma_start3A_44 : memref<!tpu.dma_semaphore, #tpu.memory_space<semaphore_mem>>)
    %add3A_49 = arith.constant 0 : i32
    %add3A_50 = arith.addi %mul3A_2, %add3A_49 : i32
    %dma_start3A_51 = arith.constant 0 : i32
    %dma_start3A_52 = arith.constant 0 : i32
    %dma_start3A_53 = arith.constant 0 : i32
    %dma_start3A_54 = arith.constant 0 : i32
    %dma_start3A_55 = tpu.memref_slice %arg7[%dma_start3A_51, %dma_start3A_53, %dma_start3A_54] : memref<4x80x128xf32, #tpu.memory_space<vmem>> -> memref<1x80x128xf32, #tpu.memory_space<vmem>>
    %dma_start3A_56 = tpu.memref_squeeze %dma_start3A_55 : memref<1x80x128xf32, #tpu.memory_space<vmem>> -> memref<80x128xf32, #tpu.memory_space<vmem>>
    %dma_start3A_57 = arith.constant 0 : i32
    %dma_start3A_58 = tpu.memref_slice %arg2[%add3A_50, %dma_start3A_57] : memref<161280x128xf32, #tpu.memory_space<hbm>> -> memref<80x128xf32, #tpu.memory_space<hbm>>
    %dma_start3A_59 = tpu.memref_slice %arg9[%dma_start3A_52] : memref<4x!tpu.dma_semaphore, #tpu.memory_space<semaphore_mem>> -> memref<1x!tpu.dma_semaphore, #tpu.memory_space<semaphore_mem>>
    %dma_start3A_60 = tpu.memref_squeeze %dma_start3A_59 : memref<1x!tpu.dma_semaphore, #tpu.memory_space<semaphore_mem>> -> memref<!tpu.dma_semaphore, #tpu.memory_space<semaphore_mem>>
    %dma_start3A_61 = arith.constant 0 : i32
    %dma_start3A_62 = arith.constant 0 : i32
    %dma_start3A_63 = tpu.memref_slice %arg7[%dma_start3A_51, %dma_start3A_61, %dma_start3A_62] : memref<4x80x128xf32, #tpu.memory_space<vmem>> -> memref<1x80x128xf32, #tpu.memory_space<vmem>>
    %dma_start3A_64 = tpu.memref_squeeze %dma_start3A_63 : memref<1x80x128xf32, #tpu.memory_space<vmem>> -> memref<80x128xf32, #tpu.memory_space<vmem>>
    %dma_start3A_65 = arith.constant 0 : i32
    %dma_start3A_66 = tpu.memref_slice %arg2[%add3A_50, %dma_start3A_65] : memref<161280x128xf32, #tpu.memory_space<hbm>> -> memref<80x128xf32, #tpu.memory_space<hbm>>
    tpu.enqueue_dma source(%dma_start3A_66 : memref<80x128xf32, #tpu.memory_space<hbm>>) target(%dma_start3A_64 : memref<80x128xf32, #tpu.memory_space<vmem>>) target_semaphore(%dma_start3A_60 : memref<!tpu.dma_semaphore, #tpu.memory_space<semaphore_mem>>)
    %add3A_67 = arith.constant 80 : i32
    %add3A_68 = arith.addi %add3A_4, %add3A_67 : i32
    %dma_start3A_69 = arith.constant 1 : i32
    %dma_start3A_70 = arith.constant 1 : i32
    %dma_start3A_71 = arith.constant 0 : i32
    %dma_start3A_72 = tpu.memref_slice %arg6[%dma_start3A_69, %dma_start3A_71] : memref<4x80xi32, #tpu.memory_space<vmem>> -> memref<1x80xi32, #tpu.memory_space<vmem>>
    %dma_start3A_73 = tpu.memref_squeeze %dma_start3A_72 : memref<1x80xi32, #tpu.memory_space<vmem>> -> memref<80xi32, #tpu.memory_space<vmem>>
    %dma_start3A_74 = tpu.memref_slice %arg3[%add3A_68] : memref<320000xi32, #tpu.memory_space<hbm>> -> memref<80xi32, #tpu.memory_space<hbm>>
    %dma_start3A_75 = tpu.memref_slice %arg8[%dma_start3A_70] : memref<4x!tpu.dma_semaphore, #tpu.memory_space<semaphore_mem>> -> memref<1x!tpu.dma_semaphore, #tpu.memory_space<semaphore_mem>>
    %dma_start3A_76 = tpu.memref_squeeze %dma_start3A_75 : memref<1x!tpu.dma_semaphore, #tpu.memory_space<semaphore_mem>> -> memref<!tpu.dma_semaphore, #tpu.memory_space<semaphore_mem>>
    %dma_start3A_77 = arith.constant 0 : i32
    %dma_start3A_78 = tpu.memref_slice %arg6[%dma_start3A_69, %dma_start3A_77] : memref<4x80xi32, #tpu.memory_space<vmem>> -> memref<1x80xi32, #tpu.memory_space<vmem>>
    %dma_start3A_79 = tpu.memref_squeeze %dma_start3A_78 : memref<1x80xi32, #tpu.memory_space<vmem>> -> memref<80xi32, #tpu.memory_space<vmem>>
    %dma_start3A_80 = tpu.memref_slice %arg3[%add3A_68] : memref<320000xi32, #tpu.memory_space<hbm>> -> memref<80xi32, #tpu.memory_space<hbm>>
    tpu.enqueue_dma source(%dma_start3A_80 : memref<80xi32, #tpu.memory_space<hbm>>) target(%dma_start3A_79 : memref<80xi32, #tpu.memory_space<vmem>>) target_semaphore(%dma_start3A_76 : memref<!tpu.dma_semaphore, #tpu.memory_space<semaphore_mem>>)
    %add3A_81 = arith.constant 80 : i32
    %add3A_82 = arith.addi %mul3A_2, %add3A_81 : i32
    %dma_start3A_83 = arith.constant 1 : i32
    %dma_start3A_84 = arith.constant 1 : i32
    %dma_start3A_85 = arith.constant 0 : i32
    %dma_start3A_86 = arith.constant 0 : i32
    %dma_start3A_87 = tpu.memref_slice %arg7[%dma_start3A_83, %dma_start3A_85, %dma_start3A_86] : memref<4x80x128xf32, #tpu.memory_space<vmem>> -> memref<1x80x128xf32, #tpu.memory_space<vmem>>
    %dma_start3A_88 = tpu.memref_squeeze %dma_start3A_87 : memref<1x80x128xf32, #tpu.memory_space<vmem>> -> memref<80x128xf32, #tpu.memory_space<vmem>>
    %dma_start3A_89 = arith.constant 0 : i32
    %dma_start3A_90 = tpu.memref_slice %arg2[%add3A_82, %dma_start3A_89] : memref<161280x128xf32, #tpu.memory_space<hbm>> -> memref<80x128xf32, #tpu.memory_space<hbm>>
    %dma_start3A_91 = tpu.memref_slice %arg9[%dma_start3A_84] : memref<4x!tpu.dma_semaphore, #tpu.memory_space<semaphore_mem>> -> memref<1x!tpu.dma_semaphore, #tpu.memory_space<semaphore_mem>>
    %dma_start3A_92 = tpu.memref_squeeze %dma_start3A_91 : memref<1x!tpu.dma_semaphore, #tpu.memory_space<semaphore_mem>> -> memref<!tpu.dma_semaphore, #tpu.memory_space<semaphore_mem>>
    %dma_start3A_93 = arith.constant 0 : i32
    %dma_start3A_94 = arith.constant 0 : i32
    %dma_start3A_95 = tpu.memref_slice %arg7[%dma_start3A_83, %dma_start3A_93, %dma_start3A_94] : memref<4x80x128xf32, #tpu.memory_space<vmem>> -> memref<1x80x128xf32, #tpu.memory_space<vmem>>
    %dma_start3A_96 = tpu.memref_squeeze %dma_start3A_95 : memref<1x80x128xf32, #tpu.memory_space<vmem>> -> memref<80x128xf32, #tpu.memory_space<vmem>>
    %dma_start3A_97 = arith.constant 0 : i32
    %dma_start3A_98 = tpu.memref_slice %arg2[%add3A_82, %dma_start3A_97] : memref<161280x128xf32, #tpu.memory_space<hbm>> -> memref<80x128xf32, #tpu.memory_space<hbm>>
    tpu.enqueue_dma source(%dma_start3A_98 : memref<80x128xf32, #tpu.memory_space<hbm>>) target(%dma_start3A_96 : memref<80x128xf32, #tpu.memory_space<vmem>>) target_semaphore(%dma_start3A_92 : memref<!tpu.dma_semaphore, #tpu.memory_space<semaphore_mem>>)
    %add3A_99 = arith.constant 160 : i32
    %add3A_100 = arith.addi %add3A_4, %add3A_99 : i32
    %dma_start3A_101 = arith.constant 2 : i32
    %dma_start3A_102 = arith.constant 2 : i32
    %dma_start3A_103 = arith.constant 0 : i32
    %dma_start3A_104 = tpu.memref_slice %arg6[%dma_start3A_101, %dma_start3A_103] : memref<4x80xi32, #tpu.memory_space<vmem>> -> memref<1x80xi32, #tpu.memory_space<vmem>>
    %dma_start3A_105 = tpu.memref_squeeze %dma_start3A_104 : memref<1x80xi32, #tpu.memory_space<vmem>> -> memref<80xi32, #tpu.memory_space<vmem>>
    %dma_start3A_106 = tpu.memref_slice %arg3[%add3A_100] : memref<320000xi32, #tpu.memory_space<hbm>> -> memref<80xi32, #tpu.memory_space<hbm>>
    %dma_start3A_107 = tpu.memref_slice %arg8[%dma_start3A_102] : memref<4x!tpu.dma_semaphore, #tpu.memory_space<semaphore_mem>> -> memref<1x!tpu.dma_semaphore, #tpu.memory_space<semaphore_mem>>
    %dma_start3A_108 = tpu.memref_squeeze %dma_start3A_107 : memref<1x!tpu.dma_semaphore, #tpu.memory_space<semaphore_mem>> -> memref<!tpu.dma_semaphore, #tpu.memory_space<semaphore_mem>>
    %dma_start3A_109 = arith.constant 0 : i32
    %dma_start3A_110 = tpu.memref_slice %arg6[%dma_start3A_101, %dma_start3A_109] : memref<4x80xi32, #tpu.memory_space<vmem>> -> memref<1x80xi32, #tpu.memory_space<vmem>>
    %dma_start3A_111 = tpu.memref_squeeze %dma_start3A_110 : memref<1x80xi32, #tpu.memory_space<vmem>> -> memref<80xi32, #tpu.memory_space<vmem>>
    %dma_start3A_112 = tpu.memref_slice %arg3[%add3A_100] : memref<320000xi32, #tpu.memory_space<hbm>> -> memref<80xi32, #tpu.memory_space<hbm>>
    tpu.enqueue_dma source(%dma_start3A_112 : memref<80xi32, #tpu.memory_space<hbm>>) target(%dma_start3A_111 : memref<80xi32, #tpu.memory_space<vmem>>) target_semaphore(%dma_start3A_108 : memref<!tpu.dma_semaphore, #tpu.memory_space<semaphore_mem>>)
    %add3A_113 = arith.constant 160 : i32
    %add3A_114 = arith.addi %mul3A_2, %add3A_113 : i32
    %dma_start3A_115 = arith.constant 2 : i32
    %dma_start3A_116 = arith.constant 2 : i32
    %dma_start3A_117 = arith.constant 0 : i32
    %dma_start3A_118 = arith.constant 0 : i32
    %dma_start3A_119 = tpu.memref_slice %arg7[%dma_start3A_115, %dma_start3A_117, %dma_start3A_118] : memref<4x80x128xf32, #tpu.memory_space<vmem>> -> memref<1x80x128xf32, #tpu.memory_space<vmem>>
    %dma_start3A_120 = tpu.memref_squeeze %dma_start3A_119 : memref<1x80x128xf32, #tpu.memory_space<vmem>> -> memref<80x128xf32, #tpu.memory_space<vmem>>
    %dma_start3A_121 = arith.constant 0 : i32
    %dma_start3A_122 = tpu.memref_slice %arg2[%add3A_114, %dma_start3A_121] : memref<161280x128xf32, #tpu.memory_space<hbm>> -> memref<80x128xf32, #tpu.memory_space<hbm>>
    %dma_start3A_123 = tpu.memref_slice %arg9[%dma_start3A_116] : memref<4x!tpu.dma_semaphore, #tpu.memory_space<semaphore_mem>> -> memref<1x!tpu.dma_semaphore, #tpu.memory_space<semaphore_mem>>
    %dma_start3A_124 = tpu.memref_squeeze %dma_start3A_123 : memref<1x!tpu.dma_semaphore, #tpu.memory_space<semaphore_mem>> -> memref<!tpu.dma_semaphore, #tpu.memory_space<semaphore_mem>>
    %dma_start3A_125 = arith.constant 0 : i32
    %dma_start3A_126 = arith.constant 0 : i32
    %dma_start3A_127 = tpu.memref_slice %arg7[%dma_start3A_115, %dma_start3A_125, %dma_start3A_126] : memref<4x80x128xf32, #tpu.memory_space<vmem>> -> memref<1x80x128xf32, #tpu.memory_space<vmem>>
    %dma_start3A_128 = tpu.memref_squeeze %dma_start3A_127 : memref<1x80x128xf32, #tpu.memory_space<vmem>> -> memref<80x128xf32, #tpu.memory_space<vmem>>
    %dma_start3A_129 = arith.constant 0 : i32
    %dma_start3A_130 = tpu.memref_slice %arg2[%add3A_114, %dma_start3A_129] : memref<161280x128xf32, #tpu.memory_space<hbm>> -> memref<80x128xf32, #tpu.memory_space<hbm>>
    tpu.enqueue_dma source(%dma_start3A_130 : memref<80x128xf32, #tpu.memory_space<hbm>>) target(%dma_start3A_128 : memref<80x128xf32, #tpu.memory_space<vmem>>) target_semaphore(%dma_start3A_124 : memref<!tpu.dma_semaphore, #tpu.memory_space<semaphore_mem>>)
    %add3A_131 = arith.constant 240 : i32
    %add3A_132 = arith.addi %add3A_4, %add3A_131 : i32
    %dma_start3A_133 = arith.constant 3 : i32
    %dma_start3A_134 = arith.constant 3 : i32
    %dma_start3A_135 = arith.constant 0 : i32
    %dma_start3A_136 = tpu.memref_slice %arg6[%dma_start3A_133, %dma_start3A_135] : memref<4x80xi32, #tpu.memory_space<vmem>> -> memref<1x80xi32, #tpu.memory_space<vmem>>
    %dma_start3A_137 = tpu.memref_squeeze %dma_start3A_136 : memref<1x80xi32, #tpu.memory_space<vmem>> -> memref<80xi32, #tpu.memory_space<vmem>>
    %dma_start3A_138 = tpu.memref_slice %arg3[%add3A_132] : memref<320000xi32, #tpu.memory_space<hbm>> -> memref<80xi32, #tpu.memory_space<hbm>>
    %dma_start3A_139 = tpu.memref_slice %arg8[%dma_start3A_134] : memref<4x!tpu.dma_semaphore, #tpu.memory_space<semaphore_mem>> -> memref<1x!tpu.dma_semaphore, #tpu.memory_space<semaphore_mem>>
    %dma_start3A_140 = tpu.memref_squeeze %dma_start3A_139 : memref<1x!tpu.dma_semaphore, #tpu.memory_space<semaphore_mem>> -> memref<!tpu.dma_semaphore, #tpu.memory_space<semaphore_mem>>
    %dma_start3A_141 = arith.constant 0 : i32
    %dma_start3A_142 = tpu.memref_slice %arg6[%dma_start3A_133, %dma_start3A_141] : memref<4x80xi32, #tpu.memory_space<vmem>> -> memref<1x80xi32, #tpu.memory_space<vmem>>
    %dma_start3A_143 = tpu.memref_squeeze %dma_start3A_142 : memref<1x80xi32, #tpu.memory_space<vmem>> -> memref<80xi32, #tpu.memory_space<vmem>>
    %dma_start3A_144 = tpu.memref_slice %arg3[%add3A_132] : memref<320000xi32, #tpu.memory_space<hbm>> -> memref<80xi32, #tpu.memory_space<hbm>>
    tpu.enqueue_dma source(%dma_start3A_144 : memref<80xi32, #tpu.memory_space<hbm>>) target(%dma_start3A_143 : memref<80xi32, #tpu.memory_space<vmem>>) target_semaphore(%dma_start3A_140 : memref<!tpu.dma_semaphore, #tpu.memory_space<semaphore_mem>>)
    %add3A_145 = arith.constant 240 : i32
    %add3A_146 = arith.addi %mul3A_2, %add3A_145 : i32
    %dma_start3A_147 = arith.constant 3 : i32
    %dma_start3A_148 = arith.constant 3 : i32
    %dma_start3A_149 = arith.constant 0 : i32
    %dma_start3A_150 = arith.constant 0 : i32
    %dma_start3A_151 = tpu.memref_slice %arg7[%dma_start3A_147, %dma_start3A_149, %dma_start3A_150] : memref<4x80x128xf32, #tpu.memory_space<vmem>> -> memref<1x80x128xf32, #tpu.memory_space<vmem>>
    %dma_start3A_152 = tpu.memref_squeeze %dma_start3A_151 : memref<1x80x128xf32, #tpu.memory_space<vmem>> -> memref<80x128xf32, #tpu.memory_space<vmem>>
    %dma_start3A_153 = arith.constant 0 : i32
    %dma_start3A_154 = tpu.memref_slice %arg2[%add3A_146, %dma_start3A_153] : memref<161280x128xf32, #tpu.memory_space<hbm>> -> memref<80x128xf32, #tpu.memory_space<hbm>>
    %dma_start3A_155 = tpu.memref_slice %arg9[%dma_start3A_148] : memref<4x!tpu.dma_semaphore, #tpu.memory_space<semaphore_mem>> -> memref<1x!tpu.dma_semaphore, #tpu.memory_space<semaphore_mem>>
    %dma_start3A_156 = tpu.memref_squeeze %dma_start3A_155 : memref<1x!tpu.dma_semaphore, #tpu.memory_space<semaphore_mem>> -> memref<!tpu.dma_semaphore, #tpu.memory_space<semaphore_mem>>
    %dma_start3A_157 = arith.constant 0 : i32
    %dma_start3A_158 = arith.constant 0 : i32
    %dma_start3A_159 = tpu.memref_slice %arg7[%dma_start3A_147, %dma_start3A_157, %dma_start3A_158] : memref<4x80x128xf32, #tpu.memory_space<vmem>> -> memref<1x80x128xf32, #tpu.memory_space<vmem>>
    %dma_start3A_160 = tpu.memref_squeeze %dma_start3A_159 : memref<1x80x128xf32, #tpu.memory_space<vmem>> -> memref<80x128xf32, #tpu.memory_space<vmem>>
    %dma_start3A_161 = arith.constant 0 : i32
    %dma_start3A_162 = tpu.memref_slice %arg2[%add3A_146, %dma_start3A_161] : memref<161280x128xf32, #tpu.memory_space<hbm>> -> memref<80x128xf32, #tpu.memory_space<hbm>>
    tpu.enqueue_dma source(%dma_start3A_162 : memref<80x128xf32, #tpu.memory_space<hbm>>) target(%dma_start3A_160 : memref<80x128xf32, #tpu.memory_space<vmem>>) target_semaphore(%dma_start3A_156 : memref<!tpu.dma_semaphore, #tpu.memory_space<semaphore_mem>>)
    %scan3A_163 = arith.constant 0 : i32
    %scan3A_164 = arith.constant 15 : i32
    %scan3A_165 = arith.addi %scan3A_163, %scan3A_164 : i32
    %scan3A_166 = arith.constant 1 : i32
    scf.for %scan3A_374 = %scan3A_163 to %scan3A_165 step %scan3A_166  : i32 {
      %mul3A_375 = arith.constant 4 : i32
      %mul3A_376 = arith.muli %scan3A_374, %mul3A_375 : i32
      %add3A_377 = arith.constant 0 : i32
      %add3A_378 = arith.addi %add3A_377, %mul3A_376 : i32
      %add3A_379 = arith.constant 0 : i32
      %add3A_380 = arith.addi %add3A_378, %add3A_379 : i32
      %mul3A_381 = arith.constant 80 : i32
      %mul3A_382 = arith.muli %add3A_380, %mul3A_381 : i32
      %add3A_383 = arith.addi %add3A_4, %mul3A_382 : i32
      %dma_wait3A_384 = arith.constant 0 : i32
      %dma_wait3A_385 = arith.constant 0 : i32
      %dma_wait3A_386 = arith.constant 0 : i32
      %dma_wait3A_387 = tpu.memref_slice %arg6[%dma_wait3A_384, %dma_wait3A_386] : memref<4x80xi32, #tpu.memory_space<vmem>> -> memref<1x80xi32, #tpu.memory_space<vmem>>
      %dma_wait3A_388 = tpu.memref_squeeze %dma_wait3A_387 : memref<1x80xi32, #tpu.memory_space<vmem>> -> memref<80xi32, #tpu.memory_space<vmem>>
      %dma_wait3A_389 = tpu.memref_slice %arg3[%add3A_383] : memref<320000xi32, #tpu.memory_space<hbm>> -> memref<80xi32, #tpu.memory_space<hbm>>
      %dma_wait3A_390 = tpu.memref_slice %arg8[%dma_wait3A_385] : memref<4x!tpu.dma_semaphore, #tpu.memory_space<semaphore_mem>> -> memref<1x!tpu.dma_semaphore, #tpu.memory_space<semaphore_mem>>
      %dma_wait3A_391 = tpu.memref_squeeze %dma_wait3A_390 : memref<1x!tpu.dma_semaphore, #tpu.memory_space<semaphore_mem>> -> memref<!tpu.dma_semaphore, #tpu.memory_space<semaphore_mem>>
      %dma_wait3A_392 = arith.constant 0 : i32
      %dma_wait3A_393 = tpu.memref_slice %arg6[%dma_wait3A_384, %dma_wait3A_392] : memref<4x80xi32, #tpu.memory_space<vmem>> -> memref<1x80xi32, #tpu.memory_space<vmem>>
      %dma_wait3A_394 = tpu.memref_squeeze %dma_wait3A_393 : memref<1x80xi32, #tpu.memory_space<vmem>> -> memref<80xi32, #tpu.memory_space<vmem>>
      %dma_wait3A_395 = tpu.memref_slice %arg3[%add3A_383] : memref<320000xi32, #tpu.memory_space<hbm>> -> memref<80xi32, #tpu.memory_space<hbm>>
      tpu.wait_dma2 semaphore(%dma_wait3A_391 : memref<!tpu.dma_semaphore, #tpu.memory_space<semaphore_mem>>) src(%dma_wait3A_395 : memref<80xi32, #tpu.memory_space<hbm>>) dst(%dma_wait3A_394 : memref<80xi32, #tpu.memory_space<vmem>>)
      %mul3A_396 = arith.constant 80 : i32
      %mul3A_397 = arith.muli %add3A_380, %mul3A_396 : i32
      %add3A_398 = arith.addi %mul3A_2, %mul3A_397 : i32
      %dma_wait3A_399 = arith.constant 0 : i32
      %dma_wait3A_400 = arith.constant 0 : i32
      %dma_wait3A_401 = arith.constant 0 : i32
      %dma_wait3A_402 = arith.constant 0 : i32
      %dma_wait3A_403 = tpu.memref_slice %arg7[%dma_wait3A_399, %dma_wait3A_401, %dma_wait3A_402] : memref<4x80x128xf32, #tpu.memory_space<vmem>> -> memref<1x80x128xf32, #tpu.memory_space<vmem>>
      %dma_wait3A_404 = tpu.memref_squeeze %dma_wait3A_403 : memref<1x80x128xf32, #tpu.memory_space<vmem>> -> memref<80x128xf32, #tpu.memory_space<vmem>>
      %dma_wait3A_405 = arith.constant 0 : i32
      %dma_wait3A_406 = tpu.memref_slice %arg2[%add3A_398, %dma_wait3A_405] : memref<161280x128xf32, #tpu.memory_space<hbm>> -> memref<80x128xf32, #tpu.memory_space<hbm>>
      %dma_wait3A_407 = tpu.memref_slice %arg9[%dma_wait3A_400] : memref<4x!tpu.dma_semaphore, #tpu.memory_space<semaphore_mem>> -> memref<1x!tpu.dma_semaphore, #tpu.memory_space<semaphore_mem>>
      %dma_wait3A_408 = tpu.memref_squeeze %dma_wait3A_407 : memref<1x!tpu.dma_semaphore, #tpu.memory_space<semaphore_mem>> -> memref<!tpu.dma_semaphore, #tpu.memory_space<semaphore_mem>>
      %dma_wait3A_409 = arith.constant 0 : i32
      %dma_wait3A_410 = arith.constant 0 : i32
      %dma_wait3A_411 = tpu.memref_slice %arg7[%dma_wait3A_399, %dma_wait3A_409, %dma_wait3A_410] : memref<4x80x128xf32, #tpu.memory_space<vmem>> -> memref<1x80x128xf32, #tpu.memory_space<vmem>>
      %dma_wait3A_412 = tpu.memref_squeeze %dma_wait3A_411 : memref<1x80x128xf32, #tpu.memory_space<vmem>> -> memref<80x128xf32, #tpu.memory_space<vmem>>
      %dma_wait3A_413 = arith.constant 0 : i32
      %dma_wait3A_414 = tpu.memref_slice %arg2[%add3A_398, %dma_wait3A_413] : memref<161280x128xf32, #tpu.memory_space<hbm>> -> memref<80x128xf32, #tpu.memory_space<hbm>>
      tpu.wait_dma2 semaphore(%dma_wait3A_408 : memref<!tpu.dma_semaphore, #tpu.memory_space<semaphore_mem>>) src(%dma_wait3A_414 : memref<80x128xf32, #tpu.memory_space<hbm>>) dst(%dma_wait3A_412 : memref<80x128xf32, #tpu.memory_space<vmem>>)
      %dma_start3A_415 = arith.constant 0 : i32
      %dma_start3A_416 = arith.constant 0 : i32
      %dma_start3A_417 = arith.constant 0 : i32
      %dma_start3A_418 = arith.constant 0 : i32
      %dma_start3A_419 = arith.constant 0 : i32
      %dma_start3A_420 = tpu.memref_slice %arg7[%dma_start3A_415, %dma_start3A_418, %dma_start3A_419] : memref<4x80x128xf32, #tpu.memory_space<vmem>> -> memref<1x80x128xf32, #tpu.memory_space<vmem>>
      %dma_start3A_421 = tpu.memref_squeeze %dma_start3A_420 : memref<1x80x128xf32, #tpu.memory_space<vmem>> -> memref<80x128xf32, #tpu.memory_space<vmem>>
      %dma_start3A_422 = arith.constant 0 : i32
      %dma_start3A_423 = tpu.memref_slice %arg6[%dma_start3A_416, %dma_start3A_422] : memref<4x80xi32, #tpu.memory_space<vmem>> -> memref<1x80xi32, #tpu.memory_space<vmem>>
      %dma_start3A_424 = tpu.memref_squeeze %dma_start3A_423 : memref<1x80xi32, #tpu.memory_space<vmem>> -> memref<80xi32, #tpu.memory_space<vmem>>
      %dma_start3A_425 = arith.constant 0 : i32
      %dma_start3A_426 = arith.constant 0 : i32
      %dma_start3A_427 = tpu.memref_slice %arg5[%dma_start3A_425, %dma_start3A_426] : memref<10000x128xf32, #tpu.memory_space<vmem_shared>> -> memref<10000x128xf32, #tpu.memory_space<vmem_shared>>
      %dma_start3A_428 = tpu.memref_slice %arg10[%dma_start3A_417] : memref<4x!tpu.dma_semaphore, #tpu.memory_space<semaphore_mem>> -> memref<1x!tpu.dma_semaphore, #tpu.memory_space<semaphore_mem>>
      %dma_start3A_429 = tpu.memref_squeeze %dma_start3A_428 : memref<1x!tpu.dma_semaphore, #tpu.memory_space<semaphore_mem>> -> memref<!tpu.dma_semaphore, #tpu.memory_space<semaphore_mem>>
      tpu.enqueue_indirect_dma source(%dma_start3A_421 : memref<80x128xf32, #tpu.memory_space<vmem>>) target(%dma_start3A_427 : memref<10000x128xf32, #tpu.memory_space<vmem_shared>>) offsets(%dma_start3A_424 : memref<80xi32, #tpu.memory_space<vmem>>) semaphore(%dma_start3A_429 : memref<!tpu.dma_semaphore, #tpu.memory_space<semaphore_mem>>) {add = true}
      %add3A_430 = arith.constant 4 : i32
      %add3A_431 = arith.addi %add3A_380, %add3A_430 : i32
      %lt3A = arith.constant 63 : i32
      %lt3A_432 = arith.cmpi slt, %add3A_431, %lt3A : i32
      %convert_element_type3A_433 = arith.extui %lt3A_432 : i1 to i32
      %cond3A_434 = arith.constant 0 : i32
      %cond3A_435 = arith.cmpi ne, %convert_element_type3A_433, %cond3A_434 : i32
      scf.if %cond3A_435 {
        %dma_wait3A_610 = arith.constant 0 : i32
        %dma_wait3A_611 = arith.constant 0 : i32
        %dma_wait3A_612 = arith.constant 0 : i32
        %dma_wait3A_613 = arith.constant 0 : i32
        %dma_wait3A_614 = arith.constant 0 : i32
        %dma_wait3A_615 = tpu.memref_slice %arg7[%dma_wait3A_610, %dma_wait3A_613, %dma_wait3A_614] : memref<4x80x128xf32, #tpu.memory_space<vmem>> -> memref<1x80x128xf32, #tpu.memory_space<vmem>>
        %dma_wait3A_616 = tpu.memref_squeeze %dma_wait3A_615 : memref<1x80x128xf32, #tpu.memory_space<vmem>> -> memref<80x128xf32, #tpu.memory_space<vmem>>
        %dma_wait3A_617 = arith.constant 0 : i32
        %dma_wait3A_618 = tpu.memref_slice %arg6[%dma_wait3A_611, %dma_wait3A_617] : memref<4x80xi32, #tpu.memory_space<vmem>> -> memref<1x80xi32, #tpu.memory_space<vmem>>
        %dma_wait3A_619 = tpu.memref_squeeze %dma_wait3A_618 : memref<1x80xi32, #tpu.memory_space<vmem>> -> memref<80xi32, #tpu.memory_space<vmem>>
        %dma_wait3A_620 = arith.constant 0 : i32
        %dma_wait3A_621 = arith.constant 0 : i32
        %dma_wait3A_622 = tpu.memref_slice %arg5[%dma_wait3A_620, %dma_wait3A_621] : memref<10000x128xf32, #tpu.memory_space<vmem_shared>> -> memref<10000x128xf32, #tpu.memory_space<vmem_shared>>
        %dma_wait3A_623 = tpu.memref_slice %arg10[%dma_wait3A_612] : memref<4x!tpu.dma_semaphore, #tpu.memory_space<semaphore_mem>> -> memref<1x!tpu.dma_semaphore, #tpu.memory_space<semaphore_mem>>
        %dma_wait3A_624 = tpu.memref_squeeze %dma_wait3A_623 : memref<1x!tpu.dma_semaphore, #tpu.memory_space<semaphore_mem>> -> memref<!tpu.dma_semaphore, #tpu.memory_space<semaphore_mem>>
        tpu.wait_indirect_dma semaphore(%dma_wait3A_624 : memref<!tpu.dma_semaphore, #tpu.memory_space<semaphore_mem>>) src(%dma_wait3A_616 : memref<80x128xf32, #tpu.memory_space<vmem>>) dst(%dma_wait3A_622 : memref<10000x128xf32, #tpu.memory_space<vmem_shared>>)
        %mul3A_625 = arith.constant 80 : i32
        %mul3A_626 = arith.muli %add3A_431, %mul3A_625 : i32
        %add3A_627 = arith.addi %add3A_4, %mul3A_626 : i32
        %dma_start3A_628 = arith.constant 0 : i32
        %dma_start3A_629 = arith.constant 0 : i32
        %dma_start3A_630 = arith.constant 0 : i32
        %dma_start3A_631 = tpu.memref_slice %arg6[%dma_start3A_628, %dma_start3A_630] : memref<4x80xi32, #tpu.memory_space<vmem>> -> memref<1x80xi32, #tpu.memory_space<vmem>>
        %dma_start3A_632 = tpu.memref_squeeze %dma_start3A_631 : memref<1x80xi32, #tpu.memory_space<vmem>> -> memref<80xi32, #tpu.memory_space<vmem>>
        %dma_start3A_633 = tpu.memref_slice %arg3[%add3A_627] : memref<320000xi32, #tpu.memory_space<hbm>> -> memref<80xi32, #tpu.memory_space<hbm>>
        %dma_start3A_634 = tpu.memref_slice %arg8[%dma_start3A_629] : memref<4x!tpu.dma_semaphore, #tpu.memory_space<semaphore_mem>> -> memref<1x!tpu.dma_semaphore, #tpu.memory_space<semaphore_mem>>
        %dma_start3A_635 = tpu.memref_squeeze %dma_start3A_634 : memref<1x!tpu.dma_semaphore, #tpu.memory_space<semaphore_mem>> -> memref<!tpu.dma_semaphore, #tpu.memory_space<semaphore_mem>>
        %dma_start3A_636 = arith.constant 0 : i32
        %dma_start3A_637 = tpu.memref_slice %arg6[%dma_start3A_628, %dma_start3A_636] : memref<4x80xi32, #tpu.memory_space<vmem>> -> memref<1x80xi32, #tpu.memory_space<vmem>>
        %dma_start3A_638 = tpu.memref_squeeze %dma_start3A_637 : memref<1x80xi32, #tpu.memory_space<vmem>> -> memref<80xi32, #tpu.memory_space<vmem>>
        %dma_start3A_639 = tpu.memref_slice %arg3[%add3A_627] : memref<320000xi32, #tpu.memory_space<hbm>> -> memref<80xi32, #tpu.memory_space<hbm>>
        tpu.enqueue_dma source(%dma_start3A_639 : memref<80xi32, #tpu.memory_space<hbm>>) target(%dma_start3A_638 : memref<80xi32, #tpu.memory_space<vmem>>) target_semaphore(%dma_start3A_635 : memref<!tpu.dma_semaphore, #tpu.memory_space<semaphore_mem>>)
        %mul3A_640 = arith.constant 80 : i32
        %mul3A_641 = arith.muli %add3A_431, %mul3A_640 : i32
        %add3A_642 = arith.addi %mul3A_2, %mul3A_641 : i32
        %dma_start3A_643 = arith.constant 0 : i32
        %dma_start3A_644 = arith.constant 0 : i32
        %dma_start3A_645 = arith.constant 0 : i32
        %dma_start3A_646 = arith.constant 0 : i32
        %dma_start3A_647 = tpu.memref_slice %arg7[%dma_start3A_643, %dma_start3A_645, %dma_start3A_646] : memref<4x80x128xf32, #tpu.memory_space<vmem>> -> memref<1x80x128xf32, #tpu.memory_space<vmem>>
        %dma_start3A_648 = tpu.memref_squeeze %dma_start3A_647 : memref<1x80x128xf32, #tpu.memory_space<vmem>> -> memref<80x128xf32, #tpu.memory_space<vmem>>
        %dma_start3A_649 = arith.constant 0 : i32
        %dma_start3A_650 = tpu.memref_slice %arg2[%add3A_642, %dma_start3A_649] : memref<161280x128xf32, #tpu.memory_space<hbm>> -> memref<80x128xf32, #tpu.memory_space<hbm>>
        %dma_start3A_651 = tpu.memref_slice %arg9[%dma_start3A_644] : memref<4x!tpu.dma_semaphore, #tpu.memory_space<semaphore_mem>> -> memref<1x!tpu.dma_semaphore, #tpu.memory_space<semaphore_mem>>
        %dma_start3A_652 = tpu.memref_squeeze %dma_start3A_651 : memref<1x!tpu.dma_semaphore, #tpu.memory_space<semaphore_mem>> -> memref<!tpu.dma_semaphore, #tpu.memory_space<semaphore_mem>>
        %dma_start3A_653 = arith.constant 0 : i32
        %dma_start3A_654 = arith.constant 0 : i32
        %dma_start3A_655 = tpu.memref_slice %arg7[%dma_start3A_643, %dma_start3A_653, %dma_start3A_654] : memref<4x80x128xf32, #tpu.memory_space<vmem>> -> memref<1x80x128xf32, #tpu.memory_space<vmem>>
        %dma_start3A_656 = tpu.memref_squeeze %dma_start3A_655 : memref<1x80x128xf32, #tpu.memory_space<vmem>> -> memref<80x128xf32, #tpu.memory_space<vmem>>
        %dma_start3A_657 = arith.constant 0 : i32
        %dma_start3A_658 = tpu.memref_slice %arg2[%add3A_642, %dma_start3A_657] : memref<161280x128xf32, #tpu.memory_space<hbm>> -> memref<80x128xf32, #tpu.memory_space<hbm>>
        tpu.enqueue_dma source(%dma_start3A_658 : memref<80x128xf32, #tpu.memory_space<hbm>>) target(%dma_start3A_656 : memref<80x128xf32, #tpu.memory_space<vmem>>) target_semaphore(%dma_start3A_652 : memref<!tpu.dma_semaphore, #tpu.memory_space<semaphore_mem>>)
      } else {
      }
      %add3A_436 = arith.constant 1 : i32
      %add3A_437 = arith.addi %add3A_378, %add3A_436 : i32
      %mul3A_438 = arith.constant 80 : i32
      %mul3A_439 = arith.muli %add3A_437, %mul3A_438 : i32
      %add3A_440 = arith.addi %add3A_4, %mul3A_439 : i32
      %dma_wait3A_441 = arith.constant 1 : i32
      %dma_wait3A_442 = arith.constant 1 : i32
      %dma_wait3A_443 = arith.constant 0 : i32
      %dma_wait3A_444 = tpu.memref_slice %arg6[%dma_wait3A_441, %dma_wait3A_443] : memref<4x80xi32, #tpu.memory_space<vmem>> -> memref<1x80xi32, #tpu.memory_space<vmem>>
      %dma_wait3A_445 = tpu.memref_squeeze %dma_wait3A_444 : memref<1x80xi32, #tpu.memory_space<vmem>> -> memref<80xi32, #tpu.memory_space<vmem>>
      %dma_wait3A_446 = tpu.memref_slice %arg3[%add3A_440] : memref<320000xi32, #tpu.memory_space<hbm>> -> memref<80xi32, #tpu.memory_space<hbm>>
      %dma_wait3A_447 = tpu.memref_slice %arg8[%dma_wait3A_442] : memref<4x!tpu.dma_semaphore, #tpu.memory_space<semaphore_mem>> -> memref<1x!tpu.dma_semaphore, #tpu.memory_space<semaphore_mem>>
      %dma_wait3A_448 = tpu.memref_squeeze %dma_wait3A_447 : memref<1x!tpu.dma_semaphore, #tpu.memory_space<semaphore_mem>> -> memref<!tpu.dma_semaphore, #tpu.memory_space<semaphore_mem>>
      %dma_wait3A_449 = arith.constant 0 : i32
      %dma_wait3A_450 = tpu.memref_slice %arg6[%dma_wait3A_441, %dma_wait3A_449] : memref<4x80xi32, #tpu.memory_space<vmem>> -> memref<1x80xi32, #tpu.memory_space<vmem>>
      %dma_wait3A_451 = tpu.memref_squeeze %dma_wait3A_450 : memref<1x80xi32, #tpu.memory_space<vmem>> -> memref<80xi32, #tpu.memory_space<vmem>>
      %dma_wait3A_452 = tpu.memref_slice %arg3[%add3A_440] : memref<320000xi32, #tpu.memory_space<hbm>> -> memref<80xi32, #tpu.memory_space<hbm>>
      tpu.wait_dma2 semaphore(%dma_wait3A_448 : memref<!tpu.dma_semaphore, #tpu.memory_space<semaphore_mem>>) src(%dma_wait3A_452 : memref<80xi32, #tpu.memory_space<hbm>>) dst(%dma_wait3A_451 : memref<80xi32, #tpu.memory_space<vmem>>)
      %mul3A_453 = arith.constant 80 : i32
      %mul3A_454 = arith.muli %add3A_437, %mul3A_453 : i32
      %add3A_455 = arith.addi %mul3A_2, %mul3A_454 : i32
      %dma_wait3A_456 = arith.constant 1 : i32
      %dma_wait3A_457 = arith.constant 1 : i32
      %dma_wait3A_458 = arith.constant 0 : i32
      %dma_wait3A_459 = arith.constant 0 : i32
      %dma_wait3A_460 = tpu.memref_slice %arg7[%dma_wait3A_456, %dma_wait3A_458, %dma_wait3A_459] : memref<4x80x128xf32, #tpu.memory_space<vmem>> -> memref<1x80x128xf32, #tpu.memory_space<vmem>>
      %dma_wait3A_461 = tpu.memref_squeeze %dma_wait3A_460 : memref<1x80x128xf32, #tpu.memory_space<vmem>> -> memref<80x128xf32, #tpu.memory_space<vmem>>
      %dma_wait3A_462 = arith.constant 0 : i32
      %dma_wait3A_463 = tpu.memref_slice %arg2[%add3A_455, %dma_wait3A_462] : memref<161280x128xf32, #tpu.memory_space<hbm>> -> memref<80x128xf32, #tpu.memory_space<hbm>>
      %dma_wait3A_464 = tpu.memref_slice %arg9[%dma_wait3A_457] : memref<4x!tpu.dma_semaphore, #tpu.memory_space<semaphore_mem>> -> memref<1x!tpu.dma_semaphore, #tpu.memory_space<semaphore_mem>>
      %dma_wait3A_465 = tpu.memref_squeeze %dma_wait3A_464 : memref<1x!tpu.dma_semaphore, #tpu.memory_space<semaphore_mem>> -> memref<!tpu.dma_semaphore, #tpu.memory_space<semaphore_mem>>
      %dma_wait3A_466 = arith.constant 0 : i32
      %dma_wait3A_467 = arith.constant 0 : i32
      %dma_wait3A_468 = tpu.memref_slice %arg7[%dma_wait3A_456, %dma_wait3A_466, %dma_wait3A_467] : memref<4x80x128xf32, #tpu.memory_space<vmem>> -> memref<1x80x128xf32, #tpu.memory_space<vmem>>
      %dma_wait3A_469 = tpu.memref_squeeze %dma_wait3A_468 : memref<1x80x128xf32, #tpu.memory_space<vmem>> -> memref<80x128xf32, #tpu.memory_space<vmem>>
      %dma_wait3A_470 = arith.constant 0 : i32
      %dma_wait3A_471 = tpu.memref_slice %arg2[%add3A_455, %dma_wait3A_470] : memref<161280x128xf32, #tpu.memory_space<hbm>> -> memref<80x128xf32, #tpu.memory_space<hbm>>
      tpu.wait_dma2 semaphore(%dma_wait3A_465 : memref<!tpu.dma_semaphore, #tpu.memory_space<semaphore_mem>>) src(%dma_wait3A_471 : memref<80x128xf32, #tpu.memory_space<hbm>>) dst(%dma_wait3A_469 : memref<80x128xf32, #tpu.memory_space<vmem>>)
      %dma_start3A_472 = arith.constant 1 : i32
      %dma_start3A_473 = arith.constant 1 : i32
      %dma_start3A_474 = arith.constant 1 : i32
      %dma_start3A_475 = arith.constant 0 : i32
      %dma_start3A_476 = arith.constant 0 : i32
      %dma_start3A_477 = tpu.memref_slice %arg7[%dma_start3A_472, %dma_start3A_475, %dma_start3A_476] : memref<4x80x128xf32, #tpu.memory_space<vmem>> -> memref<1x80x128xf32, #tpu.memory_space<vmem>>
      %dma_start3A_478 = tpu.memref_squeeze %dma_start3A_477 : memref<1x80x128xf32, #tpu.memory_space<vmem>> -> memref<80x128xf32, #tpu.memory_space<vmem>>
      %dma_start3A_479 = arith.constant 0 : i32
      %dma_start3A_480 = tpu.memref_slice %arg6[%dma_start3A_473, %dma_start3A_479] : memref<4x80xi32, #tpu.memory_space<vmem>> -> memref<1x80xi32, #tpu.memory_space<vmem>>
      %dma_start3A_481 = tpu.memref_squeeze %dma_start3A_480 : memref<1x80xi32, #tpu.memory_space<vmem>> -> memref<80xi32, #tpu.memory_space<vmem>>
      %dma_start3A_482 = arith.constant 0 : i32
      %dma_start3A_483 = arith.constant 0 : i32
      %dma_start3A_484 = tpu.memref_slice %arg5[%dma_start3A_482, %dma_start3A_483] : memref<10000x128xf32, #tpu.memory_space<vmem_shared>> -> memref<10000x128xf32, #tpu.memory_space<vmem_shared>>
      %dma_start3A_485 = tpu.memref_slice %arg10[%dma_start3A_474] : memref<4x!tpu.dma_semaphore, #tpu.memory_space<semaphore_mem>> -> memref<1x!tpu.dma_semaphore, #tpu.memory_space<semaphore_mem>>
      %dma_start3A_486 = tpu.memref_squeeze %dma_start3A_485 : memref<1x!tpu.dma_semaphore, #tpu.memory_space<semaphore_mem>> -> memref<!tpu.dma_semaphore, #tpu.memory_space<semaphore_mem>>
      tpu.enqueue_indirect_dma source(%dma_start3A_478 : memref<80x128xf32, #tpu.memory_space<vmem>>) target(%dma_start3A_484 : memref<10000x128xf32, #tpu.memory_space<vmem_shared>>) offsets(%dma_start3A_481 : memref<80xi32, #tpu.memory_space<vmem>>) semaphore(%dma_start3A_486 : memref<!tpu.dma_semaphore, #tpu.memory_space<semaphore_mem>>) {add = true}
      %add3A_487 = arith.constant 4 : i32
      %add3A_488 = arith.addi %add3A_437, %add3A_487 : i32
      %lt3A_489 = arith.constant 63 : i32
      %lt3A_490 = arith.cmpi slt, %add3A_488, %lt3A_489 : i32
      %convert_element_type3A_491 = arith.extui %lt3A_490 : i1 to i32
      %cond3A_492 = arith.constant 0 : i32
      %cond3A_493 = arith.cmpi ne, %convert_element_type3A_491, %cond3A_492 : i32
      scf.if %cond3A_493 {
        %dma_wait3A_610 = arith.constant 1 : i32
        %dma_wait3A_611 = arith.constant 1 : i32
        %dma_wait3A_612 = arith.constant 1 : i32
        %dma_wait3A_613 = arith.constant 0 : i32
        %dma_wait3A_614 = arith.constant 0 : i32
        %dma_wait3A_615 = tpu.memref_slice %arg7[%dma_wait3A_610, %dma_wait3A_613, %dma_wait3A_614] : memref<4x80x128xf32, #tpu.memory_space<vmem>> -> memref<1x80x128xf32, #tpu.memory_space<vmem>>
        %dma_wait3A_616 = tpu.memref_squeeze %dma_wait3A_615 : memref<1x80x128xf32, #tpu.memory_space<vmem>> -> memref<80x128xf32, #tpu.memory_space<vmem>>
        %dma_wait3A_617 = arith.constant 0 : i32
        %dma_wait3A_618 = tpu.memref_slice %arg6[%dma_wait3A_611, %dma_wait3A_617] : memref<4x80xi32, #tpu.memory_space<vmem>> -> memref<1x80xi32, #tpu.memory_space<vmem>>
        %dma_wait3A_619 = tpu.memref_squeeze %dma_wait3A_618 : memref<1x80xi32, #tpu.memory_space<vmem>> -> memref<80xi32, #tpu.memory_space<vmem>>
        %dma_wait3A_620 = arith.constant 0 : i32
        %dma_wait3A_621 = arith.constant 0 : i32
        %dma_wait3A_622 = tpu.memref_slice %arg5[%dma_wait3A_620, %dma_wait3A_621] : memref<10000x128xf32, #tpu.memory_space<vmem_shared>> -> memref<10000x128xf32, #tpu.memory_space<vmem_shared>>
        %dma_wait3A_623 = tpu.memref_slice %arg10[%dma_wait3A_612] : memref<4x!tpu.dma_semaphore, #tpu.memory_space<semaphore_mem>> -> memref<1x!tpu.dma_semaphore, #tpu.memory_space<semaphore_mem>>
        %dma_wait3A_624 = tpu.memref_squeeze %dma_wait3A_623 : memref<1x!tpu.dma_semaphore, #tpu.memory_space<semaphore_mem>> -> memref<!tpu.dma_semaphore, #tpu.memory_space<semaphore_mem>>
        tpu.wait_indirect_dma semaphore(%dma_wait3A_624 : memref<!tpu.dma_semaphore, #tpu.memory_space<semaphore_mem>>) src(%dma_wait3A_616 : memref<80x128xf32, #tpu.memory_space<vmem>>) dst(%dma_wait3A_622 : memref<10000x128xf32, #tpu.memory_space<vmem_shared>>)
        %mul3A_625 = arith.constant 80 : i32
        %mul3A_626 = arith.muli %add3A_488, %mul3A_625 : i32
        %add3A_627 = arith.addi %add3A_4, %mul3A_626 : i32
        %dma_start3A_628 = arith.constant 1 : i32
        %dma_start3A_629 = arith.constant 1 : i32
        %dma_start3A_630 = arith.constant 0 : i32
        %dma_start3A_631 = tpu.memref_slice %arg6[%dma_start3A_628, %dma_start3A_630] : memref<4x80xi32, #tpu.memory_space<vmem>> -> memref<1x80xi32, #tpu.memory_space<vmem>>
        %dma_start3A_632 = tpu.memref_squeeze %dma_start3A_631 : memref<1x80xi32, #tpu.memory_space<vmem>> -> memref<80xi32, #tpu.memory_space<vmem>>
        %dma_start3A_633 = tpu.memref_slice %arg3[%add3A_627] : memref<320000xi32, #tpu.memory_space<hbm>> -> memref<80xi32, #tpu.memory_space<hbm>>
        %dma_start3A_634 = tpu.memref_slice %arg8[%dma_start3A_629] : memref<4x!tpu.dma_semaphore, #tpu.memory_space<semaphore_mem>> -> memref<1x!tpu.dma_semaphore, #tpu.memory_space<semaphore_mem>>
        %dma_start3A_635 = tpu.memref_squeeze %dma_start3A_634 : memref<1x!tpu.dma_semaphore, #tpu.memory_space<semaphore_mem>> -> memref<!tpu.dma_semaphore, #tpu.memory_space<semaphore_mem>>
        %dma_start3A_636 = arith.constant 0 : i32
        %dma_start3A_637 = tpu.memref_slice %arg6[%dma_start3A_628, %dma_start3A_636] : memref<4x80xi32, #tpu.memory_space<vmem>> -> memref<1x80xi32, #tpu.memory_space<vmem>>
        %dma_start3A_638 = tpu.memref_squeeze %dma_start3A_637 : memref<1x80xi32, #tpu.memory_space<vmem>> -> memref<80xi32, #tpu.memory_space<vmem>>
        %dma_start3A_639 = tpu.memref_slice %arg3[%add3A_627] : memref<320000xi32, #tpu.memory_space<hbm>> -> memref<80xi32, #tpu.memory_space<hbm>>
        tpu.enqueue_dma source(%dma_start3A_639 : memref<80xi32, #tpu.memory_space<hbm>>) target(%dma_start3A_638 : memref<80xi32, #tpu.memory_space<vmem>>) target_semaphore(%dma_start3A_635 : memref<!tpu.dma_semaphore, #tpu.memory_space<semaphore_mem>>)
        %mul3A_640 = arith.constant 80 : i32
        %mul3A_641 = arith.muli %add3A_488, %mul3A_640 : i32
        %add3A_642 = arith.addi %mul3A_2, %mul3A_641 : i32
        %dma_start3A_643 = arith.constant 1 : i32
        %dma_start3A_644 = arith.constant 1 : i32
        %dma_start3A_645 = arith.constant 0 : i32
        %dma_start3A_646 = arith.constant 0 : i32
        %dma_start3A_647 = tpu.memref_slice %arg7[%dma_start3A_643, %dma_start3A_645, %dma_start3A_646] : memref<4x80x128xf32, #tpu.memory_space<vmem>> -> memref<1x80x128xf32, #tpu.memory_space<vmem>>
        %dma_start3A_648 = tpu.memref_squeeze %dma_start3A_647 : memref<1x80x128xf32, #tpu.memory_space<vmem>> -> memref<80x128xf32, #tpu.memory_space<vmem>>
        %dma_start3A_649 = arith.constant 0 : i32
        %dma_start3A_650 = tpu.memref_slice %arg2[%add3A_642, %dma_start3A_649] : memref<161280x128xf32, #tpu.memory_space<hbm>> -> memref<80x128xf32, #tpu.memory_space<hbm>>
        %dma_start3A_651 = tpu.memref_slice %arg9[%dma_start3A_644] : memref<4x!tpu.dma_semaphore, #tpu.memory_space<semaphore_mem>> -> memref<1x!tpu.dma_semaphore, #tpu.memory_space<semaphore_mem>>
        %dma_start3A_652 = tpu.memref_squeeze %dma_start3A_651 : memref<1x!tpu.dma_semaphore, #tpu.memory_space<semaphore_mem>> -> memref<!tpu.dma_semaphore, #tpu.memory_space<semaphore_mem>>
        %dma_start3A_653 = arith.constant 0 : i32
        %dma_start3A_654 = arith.constant 0 : i32
        %dma_start3A_655 = tpu.memref_slice %arg7[%dma_start3A_643, %dma_start3A_653, %dma_start3A_654] : memref<4x80x128xf32, #tpu.memory_space<vmem>> -> memref<1x80x128xf32, #tpu.memory_space<vmem>>
        %dma_start3A_656 = tpu.memref_squeeze %dma_start3A_655 : memref<1x80x128xf32, #tpu.memory_space<vmem>> -> memref<80x128xf32, #tpu.memory_space<vmem>>
        %dma_start3A_657 = arith.constant 0 : i32
        %dma_start3A_658 = tpu.memref_slice %arg2[%add3A_642, %dma_start3A_657] : memref<161280x128xf32, #tpu.memory_space<hbm>> -> memref<80x128xf32, #tpu.memory_space<hbm>>
        tpu.enqueue_dma source(%dma_start3A_658 : memref<80x128xf32, #tpu.memory_space<hbm>>) target(%dma_start3A_656 : memref<80x128xf32, #tpu.memory_space<vmem>>) target_semaphore(%dma_start3A_652 : memref<!tpu.dma_semaphore, #tpu.memory_space<semaphore_mem>>)
      } else {
      }
      %add3A_494 = arith.constant 2 : i32
      %add3A_495 = arith.addi %add3A_378, %add3A_494 : i32
      %mul3A_496 = arith.constant 80 : i32
      %mul3A_497 = arith.muli %add3A_495, %mul3A_496 : i32
      %add3A_498 = arith.addi %add3A_4, %mul3A_497 : i32
      %dma_wait3A_499 = arith.constant 2 : i32
      %dma_wait3A_500 = arith.constant 2 : i32
      %dma_wait3A_501 = arith.constant 0 : i32
      %dma_wait3A_502 = tpu.memref_slice %arg6[%dma_wait3A_499, %dma_wait3A_501] : memref<4x80xi32, #tpu.memory_space<vmem>> -> memref<1x80xi32, #tpu.memory_space<vmem>>
      %dma_wait3A_503 = tpu.memref_squeeze %dma_wait3A_502 : memref<1x80xi32, #tpu.memory_space<vmem>> -> memref<80xi32, #tpu.memory_space<vmem>>
      %dma_wait3A_504 = tpu.memref_slice %arg3[%add3A_498] : memref<320000xi32, #tpu.memory_space<hbm>> -> memref<80xi32, #tpu.memory_space<hbm>>
      %dma_wait3A_505 = tpu.memref_slice %arg8[%dma_wait3A_500] : memref<4x!tpu.dma_semaphore, #tpu.memory_space<semaphore_mem>> -> memref<1x!tpu.dma_semaphore, #tpu.memory_space<semaphore_mem>>
      %dma_wait3A_506 = tpu.memref_squeeze %dma_wait3A_505 : memref<1x!tpu.dma_semaphore, #tpu.memory_space<semaphore_mem>> -> memref<!tpu.dma_semaphore, #tpu.memory_space<semaphore_mem>>
      %dma_wait3A_507 = arith.constant 0 : i32
      %dma_wait3A_508 = tpu.memref_slice %arg6[%dma_wait3A_499, %dma_wait3A_507] : memref<4x80xi32, #tpu.memory_space<vmem>> -> memref<1x80xi32, #tpu.memory_space<vmem>>
      %dma_wait3A_509 = tpu.memref_squeeze %dma_wait3A_508 : memref<1x80xi32, #tpu.memory_space<vmem>> -> memref<80xi32, #tpu.memory_space<vmem>>
      %dma_wait3A_510 = tpu.memref_slice %arg3[%add3A_498] : memref<320000xi32, #tpu.memory_space<hbm>> -> memref<80xi32, #tpu.memory_space<hbm>>
      tpu.wait_dma2 semaphore(%dma_wait3A_506 : memref<!tpu.dma_semaphore, #tpu.memory_space<semaphore_mem>>) src(%dma_wait3A_510 : memref<80xi32, #tpu.memory_space<hbm>>) dst(%dma_wait3A_509 : memref<80xi32, #tpu.memory_space<vmem>>)
      %mul3A_511 = arith.constant 80 : i32
      %mul3A_512 = arith.muli %add3A_495, %mul3A_511 : i32
      %add3A_513 = arith.addi %mul3A_2, %mul3A_512 : i32
      %dma_wait3A_514 = arith.constant 2 : i32
      %dma_wait3A_515 = arith.constant 2 : i32
      %dma_wait3A_516 = arith.constant 0 : i32
      %dma_wait3A_517 = arith.constant 0 : i32
      %dma_wait3A_518 = tpu.memref_slice %arg7[%dma_wait3A_514, %dma_wait3A_516, %dma_wait3A_517] : memref<4x80x128xf32, #tpu.memory_space<vmem>> -> memref<1x80x128xf32, #tpu.memory_space<vmem>>
      %dma_wait3A_519 = tpu.memref_squeeze %dma_wait3A_518 : memref<1x80x128xf32, #tpu.memory_space<vmem>> -> memref<80x128xf32, #tpu.memory_space<vmem>>
      %dma_wait3A_520 = arith.constant 0 : i32
      %dma_wait3A_521 = tpu.memref_slice %arg2[%add3A_513, %dma_wait3A_520] : memref<161280x128xf32, #tpu.memory_space<hbm>> -> memref<80x128xf32, #tpu.memory_space<hbm>>
      %dma_wait3A_522 = tpu.memref_slice %arg9[%dma_wait3A_515] : memref<4x!tpu.dma_semaphore, #tpu.memory_space<semaphore_mem>> -> memref<1x!tpu.dma_semaphore, #tpu.memory_space<semaphore_mem>>
      %dma_wait3A_523 = tpu.memref_squeeze %dma_wait3A_522 : memref<1x!tpu.dma_semaphore, #tpu.memory_space<semaphore_mem>> -> memref<!tpu.dma_semaphore, #tpu.memory_space<semaphore_mem>>
      %dma_wait3A_524 = arith.constant 0 : i32
      %dma_wait3A_525 = arith.constant 0 : i32
      %dma_wait3A_526 = tpu.memref_slice %arg7[%dma_wait3A_514, %dma_wait3A_524, %dma_wait3A_525] : memref<4x80x128xf32, #tpu.memory_space<vmem>> -> memref<1x80x128xf32, #tpu.memory_space<vmem>>
      %dma_wait3A_527 = tpu.memref_squeeze %dma_wait3A_526 : memref<1x80x128xf32, #tpu.memory_space<vmem>> -> memref<80x128xf32, #tpu.memory_space<vmem>>
      %dma_wait3A_528 = arith.constant 0 : i32
      %dma_wait3A_529 = tpu.memref_slice %arg2[%add3A_513, %dma_wait3A_528] : memref<161280x128xf32, #tpu.memory_space<hbm>> -> memref<80x128xf32, #tpu.memory_space<hbm>>
      tpu.wait_dma2 semaphore(%dma_wait3A_523 : memref<!tpu.dma_semaphore, #tpu.memory_space<semaphore_mem>>) src(%dma_wait3A_529 : memref<80x128xf32, #tpu.memory_space<hbm>>) dst(%dma_wait3A_527 : memref<80x128xf32, #tpu.memory_space<vmem>>)
      %dma_start3A_530 = arith.constant 2 : i32
      %dma_start3A_531 = arith.constant 2 : i32
      %dma_start3A_532 = arith.constant 2 : i32
      %dma_start3A_533 = arith.constant 0 : i32
      %dma_start3A_534 = arith.constant 0 : i32
      %dma_start3A_535 = tpu.memref_slice %arg7[%dma_start3A_530, %dma_start3A_533, %dma_start3A_534] : memref<4x80x128xf32, #tpu.memory_space<vmem>> -> memref<1x80x128xf32, #tpu.memory_space<vmem>>
      %dma_start3A_536 = tpu.memref_squeeze %dma_start3A_535 : memref<1x80x128xf32, #tpu.memory_space<vmem>> -> memref<80x128xf32, #tpu.memory_space<vmem>>
      %dma_start3A_537 = arith.constant 0 : i32
      %dma_start3A_538 = tpu.memref_slice %arg6[%dma_start3A_531, %dma_start3A_537] : memref<4x80xi32, #tpu.memory_space<vmem>> -> memref<1x80xi32, #tpu.memory_space<vmem>>
      %dma_start3A_539 = tpu.memref_squeeze %dma_start3A_538 : memref<1x80xi32, #tpu.memory_space<vmem>> -> memref<80xi32, #tpu.memory_space<vmem>>
      %dma_start3A_540 = arith.constant 0 : i32
      %dma_start3A_541 = arith.constant 0 : i32
      %dma_start3A_542 = tpu.memref_slice %arg5[%dma_start3A_540, %dma_start3A_541] : memref<10000x128xf32, #tpu.memory_space<vmem_shared>> -> memref<10000x128xf32, #tpu.memory_space<vmem_shared>>
      %dma_start3A_543 = tpu.memref_slice %arg10[%dma_start3A_532] : memref<4x!tpu.dma_semaphore, #tpu.memory_space<semaphore_mem>> -> memref<1x!tpu.dma_semaphore, #tpu.memory_space<semaphore_mem>>
      %dma_start3A_544 = tpu.memref_squeeze %dma_start3A_543 : memref<1x!tpu.dma_semaphore, #tpu.memory_space<semaphore_mem>> -> memref<!tpu.dma_semaphore, #tpu.memory_space<semaphore_mem>>
      tpu.enqueue_indirect_dma source(%dma_start3A_536 : memref<80x128xf32, #tpu.memory_space<vmem>>) target(%dma_start3A_542 : memref<10000x128xf32, #tpu.memory_space<vmem_shared>>) offsets(%dma_start3A_539 : memref<80xi32, #tpu.memory_space<vmem>>) semaphore(%dma_start3A_544 : memref<!tpu.dma_semaphore, #tpu.memory_space<semaphore_mem>>) {add = true}
      %add3A_545 = arith.constant 4 : i32
      %add3A_546 = arith.addi %add3A_495, %add3A_545 : i32
      %lt3A_547 = arith.constant 63 : i32
      %lt3A_548 = arith.cmpi slt, %add3A_546, %lt3A_547 : i32
      %convert_element_type3A_549 = arith.extui %lt3A_548 : i1 to i32
      %cond3A_550 = arith.constant 0 : i32
      %cond3A_551 = arith.cmpi ne, %convert_element_type3A_549, %cond3A_550 : i32
      scf.if %cond3A_551 {
        %dma_wait3A_610 = arith.constant 2 : i32
        %dma_wait3A_611 = arith.constant 2 : i32
        %dma_wait3A_612 = arith.constant 2 : i32
        %dma_wait3A_613 = arith.constant 0 : i32
        %dma_wait3A_614 = arith.constant 0 : i32
        %dma_wait3A_615 = tpu.memref_slice %arg7[%dma_wait3A_610, %dma_wait3A_613, %dma_wait3A_614] : memref<4x80x128xf32, #tpu.memory_space<vmem>> -> memref<1x80x128xf32, #tpu.memory_space<vmem>>
        %dma_wait3A_616 = tpu.memref_squeeze %dma_wait3A_615 : memref<1x80x128xf32, #tpu.memory_space<vmem>> -> memref<80x128xf32, #tpu.memory_space<vmem>>
        %dma_wait3A_617 = arith.constant 0 : i32
        %dma_wait3A_618 = tpu.memref_slice %arg6[%dma_wait3A_611, %dma_wait3A_617] : memref<4x80xi32, #tpu.memory_space<vmem>> -> memref<1x80xi32, #tpu.memory_space<vmem>>
        %dma_wait3A_619 = tpu.memref_squeeze %dma_wait3A_618 : memref<1x80xi32, #tpu.memory_space<vmem>> -> memref<80xi32, #tpu.memory_space<vmem>>
        %dma_wait3A_620 = arith.constant 0 : i32
        %dma_wait3A_621 = arith.constant 0 : i32
        %dma_wait3A_622 = tpu.memref_slice %arg5[%dma_wait3A_620, %dma_wait3A_621] : memref<10000x128xf32, #tpu.memory_space<vmem_shared>> -> memref<10000x128xf32, #tpu.memory_space<vmem_shared>>
        %dma_wait3A_623 = tpu.memref_slice %arg10[%dma_wait3A_612] : memref<4x!tpu.dma_semaphore, #tpu.memory_space<semaphore_mem>> -> memref<1x!tpu.dma_semaphore, #tpu.memory_space<semaphore_mem>>
        %dma_wait3A_624 = tpu.memref_squeeze %dma_wait3A_623 : memref<1x!tpu.dma_semaphore, #tpu.memory_space<semaphore_mem>> -> memref<!tpu.dma_semaphore, #tpu.memory_space<semaphore_mem>>
        tpu.wait_indirect_dma semaphore(%dma_wait3A_624 : memref<!tpu.dma_semaphore, #tpu.memory_space<semaphore_mem>>) src(%dma_wait3A_616 : memref<80x128xf32, #tpu.memory_space<vmem>>) dst(%dma_wait3A_622 : memref<10000x128xf32, #tpu.memory_space<vmem_shared>>)
        %mul3A_625 = arith.constant 80 : i32
        %mul3A_626 = arith.muli %add3A_546, %mul3A_625 : i32
        %add3A_627 = arith.addi %add3A_4, %mul3A_626 : i32
        %dma_start3A_628 = arith.constant 2 : i32
        %dma_start3A_629 = arith.constant 2 : i32
        %dma_start3A_630 = arith.constant 0 : i32
        %dma_start3A_631 = tpu.memref_slice %arg6[%dma_start3A_628, %dma_start3A_630] : memref<4x80xi32, #tpu.memory_space<vmem>> -> memref<1x80xi32, #tpu.memory_space<vmem>>
        %dma_start3A_632 = tpu.memref_squeeze %dma_start3A_631 : memref<1x80xi32, #tpu.memory_space<vmem>> -> memref<80xi32, #tpu.memory_space<vmem>>
        %dma_start3A_633 = tpu.memref_slice %arg3[%add3A_627] : memref<320000xi32, #tpu.memory_space<hbm>> -> memref<80xi32, #tpu.memory_space<hbm>>
        %dma_start3A_634 = tpu.memref_slice %arg8[%dma_start3A_629] : memref<4x!tpu.dma_semaphore, #tpu.memory_space<semaphore_mem>> -> memref<1x!tpu.dma_semaphore, #tpu.memory_space<semaphore_mem>>
        %dma_start3A_635 = tpu.memref_squeeze %dma_start3A_634 : memref<1x!tpu.dma_semaphore, #tpu.memory_space<semaphore_mem>> -> memref<!tpu.dma_semaphore, #tpu.memory_space<semaphore_mem>>
        %dma_start3A_636 = arith.constant 0 : i32
        %dma_start3A_637 = tpu.memref_slice %arg6[%dma_start3A_628, %dma_start3A_636] : memref<4x80xi32, #tpu.memory_space<vmem>> -> memref<1x80xi32, #tpu.memory_space<vmem>>
        %dma_start3A_638 = tpu.memref_squeeze %dma_start3A_637 : memref<1x80xi32, #tpu.memory_space<vmem>> -> memref<80xi32, #tpu.memory_space<vmem>>
        %dma_start3A_639 = tpu.memref_slice %arg3[%add3A_627] : memref<320000xi32, #tpu.memory_space<hbm>> -> memref<80xi32, #tpu.memory_space<hbm>>
        tpu.enqueue_dma source(%dma_start3A_639 : memref<80xi32, #tpu.memory_space<hbm>>) target(%dma_start3A_638 : memref<80xi32, #tpu.memory_space<vmem>>) target_semaphore(%dma_start3A_635 : memref<!tpu.dma_semaphore, #tpu.memory_space<semaphore_mem>>)
        %mul3A_640 = arith.constant 80 : i32
        %mul3A_641 = arith.muli %add3A_546, %mul3A_640 : i32
        %add3A_642 = arith.addi %mul3A_2, %mul3A_641 : i32
        %dma_start3A_643 = arith.constant 2 : i32
        %dma_start3A_644 = arith.constant 2 : i32
        %dma_start3A_645 = arith.constant 0 : i32
        %dma_start3A_646 = arith.constant 0 : i32
        %dma_start3A_647 = tpu.memref_slice %arg7[%dma_start3A_643, %dma_start3A_645, %dma_start3A_646] : memref<4x80x128xf32, #tpu.memory_space<vmem>> -> memref<1x80x128xf32, #tpu.memory_space<vmem>>
        %dma_start3A_648 = tpu.memref_squeeze %dma_start3A_647 : memref<1x80x128xf32, #tpu.memory_space<vmem>> -> memref<80x128xf32, #tpu.memory_space<vmem>>
        %dma_start3A_649 = arith.constant 0 : i32
        %dma_start3A_650 = tpu.memref_slice %arg2[%add3A_642, %dma_start3A_649] : memref<161280x128xf32, #tpu.memory_space<hbm>> -> memref<80x128xf32, #tpu.memory_space<hbm>>
        %dma_start3A_651 = tpu.memref_slice %arg9[%dma_start3A_644] : memref<4x!tpu.dma_semaphore, #tpu.memory_space<semaphore_mem>> -> memref<1x!tpu.dma_semaphore, #tpu.memory_space<semaphore_mem>>
        %dma_start3A_652 = tpu.memref_squeeze %dma_start3A_651 : memref<1x!tpu.dma_semaphore, #tpu.memory_space<semaphore_mem>> -> memref<!tpu.dma_semaphore, #tpu.memory_space<semaphore_mem>>
        %dma_start3A_653 = arith.constant 0 : i32
        %dma_start3A_654 = arith.constant 0 : i32
        %dma_start3A_655 = tpu.memref_slice %arg7[%dma_start3A_643, %dma_start3A_653, %dma_start3A_654] : memref<4x80x128xf32, #tpu.memory_space<vmem>> -> memref<1x80x128xf32, #tpu.memory_space<vmem>>
        %dma_start3A_656 = tpu.memref_squeeze %dma_start3A_655 : memref<1x80x128xf32, #tpu.memory_space<vmem>> -> memref<80x128xf32, #tpu.memory_space<vmem>>
        %dma_start3A_657 = arith.constant 0 : i32
        %dma_start3A_658 = tpu.memref_slice %arg2[%add3A_642, %dma_start3A_657] : memref<161280x128xf32, #tpu.memory_space<hbm>> -> memref<80x128xf32, #tpu.memory_space<hbm>>
        tpu.enqueue_dma source(%dma_start3A_658 : memref<80x128xf32, #tpu.memory_space<hbm>>) target(%dma_start3A_656 : memref<80x128xf32, #tpu.memory_space<vmem>>) target_semaphore(%dma_start3A_652 : memref<!tpu.dma_semaphore, #tpu.memory_space<semaphore_mem>>)
      } else {
      }
      %add3A_552 = arith.constant 3 : i32
      %add3A_553 = arith.addi %add3A_378, %add3A_552 : i32
      %mul3A_554 = arith.constant 80 : i32
      %mul3A_555 = arith.muli %add3A_553, %mul3A_554 : i32
      %add3A_556 = arith.addi %add3A_4, %mul3A_555 : i32
      %dma_wait3A_557 = arith.constant 3 : i32
      %dma_wait3A_558 = arith.constant 3 : i32
      %dma_wait3A_559 = arith.constant 0 : i32
      %dma_wait3A_560 = tpu.memref_slice %arg6[%dma_wait3A_557, %dma_wait3A_559] : memref<4x80xi32, #tpu.memory_space<vmem>> -> memref<1x80xi32, #tpu.memory_space<vmem>>
      %dma_wait3A_561 = tpu.memref_squeeze %dma_wait3A_560 : memref<1x80xi32, #tpu.memory_space<vmem>> -> memref<80xi32, #tpu.memory_space<vmem>>
      %dma_wait3A_562 = tpu.memref_slice %arg3[%add3A_556] : memref<320000xi32, #tpu.memory_space<hbm>> -> memref<80xi32, #tpu.memory_space<hbm>>
      %dma_wait3A_563 = tpu.memref_slice %arg8[%dma_wait3A_558] : memref<4x!tpu.dma_semaphore, #tpu.memory_space<semaphore_mem>> -> memref<1x!tpu.dma_semaphore, #tpu.memory_space<semaphore_mem>>
      %dma_wait3A_564 = tpu.memref_squeeze %dma_wait3A_563 : memref<1x!tpu.dma_semaphore, #tpu.memory_space<semaphore_mem>> -> memref<!tpu.dma_semaphore, #tpu.memory_space<semaphore_mem>>
      %dma_wait3A_565 = arith.constant 0 : i32
      %dma_wait3A_566 = tpu.memref_slice %arg6[%dma_wait3A_557, %dma_wait3A_565] : memref<4x80xi32, #tpu.memory_space<vmem>> -> memref<1x80xi32, #tpu.memory_space<vmem>>
      %dma_wait3A_567 = tpu.memref_squeeze %dma_wait3A_566 : memref<1x80xi32, #tpu.memory_space<vmem>> -> memref<80xi32, #tpu.memory_space<vmem>>
      %dma_wait3A_568 = tpu.memref_slice %arg3[%add3A_556] : memref<320000xi32, #tpu.memory_space<hbm>> -> memref<80xi32, #tpu.memory_space<hbm>>
      tpu.wait_dma2 semaphore(%dma_wait3A_564 : memref<!tpu.dma_semaphore, #tpu.memory_space<semaphore_mem>>) src(%dma_wait3A_568 : memref<80xi32, #tpu.memory_space<hbm>>) dst(%dma_wait3A_567 : memref<80xi32, #tpu.memory_space<vmem>>)
      %mul3A_569 = arith.constant 80 : i32
      %mul3A_570 = arith.muli %add3A_553, %mul3A_569 : i32
      %add3A_571 = arith.addi %mul3A_2, %mul3A_570 : i32
      %dma_wait3A_572 = arith.constant 3 : i32
      %dma_wait3A_573 = arith.constant 3 : i32
      %dma_wait3A_574 = arith.constant 0 : i32
      %dma_wait3A_575 = arith.constant 0 : i32
      %dma_wait3A_576 = tpu.memref_slice %arg7[%dma_wait3A_572, %dma_wait3A_574, %dma_wait3A_575] : memref<4x80x128xf32, #tpu.memory_space<vmem>> -> memref<1x80x128xf32, #tpu.memory_space<vmem>>
      %dma_wait3A_577 = tpu.memref_squeeze %dma_wait3A_576 : memref<1x80x128xf32, #tpu.memory_space<vmem>> -> memref<80x128xf32, #tpu.memory_space<vmem>>
      %dma_wait3A_578 = arith.constant 0 : i32
      %dma_wait3A_579 = tpu.memref_slice %arg2[%add3A_571, %dma_wait3A_578] : memref<161280x128xf32, #tpu.memory_space<hbm>> -> memref<80x128xf32, #tpu.memory_space<hbm>>
      %dma_wait3A_580 = tpu.memref_slice %arg9[%dma_wait3A_573] : memref<4x!tpu.dma_semaphore, #tpu.memory_space<semaphore_mem>> -> memref<1x!tpu.dma_semaphore, #tpu.memory_space<semaphore_mem>>
      %dma_wait3A_581 = tpu.memref_squeeze %dma_wait3A_580 : memref<1x!tpu.dma_semaphore, #tpu.memory_space<semaphore_mem>> -> memref<!tpu.dma_semaphore, #tpu.memory_space<semaphore_mem>>
      %dma_wait3A_582 = arith.constant 0 : i32
      %dma_wait3A_583 = arith.constant 0 : i32
      %dma_wait3A_584 = tpu.memref_slice %arg7[%dma_wait3A_572, %dma_wait3A_582, %dma_wait3A_583] : memref<4x80x128xf32, #tpu.memory_space<vmem>> -> memref<1x80x128xf32, #tpu.memory_space<vmem>>
      %dma_wait3A_585 = tpu.memref_squeeze %dma_wait3A_584 : memref<1x80x128xf32, #tpu.memory_space<vmem>> -> memref<80x128xf32, #tpu.memory_space<vmem>>
      %dma_wait3A_586 = arith.constant 0 : i32
      %dma_wait3A_587 = tpu.memref_slice %arg2[%add3A_571, %dma_wait3A_586] : memref<161280x128xf32, #tpu.memory_space<hbm>> -> memref<80x128xf32, #tpu.memory_space<hbm>>
      tpu.wait_dma2 semaphore(%dma_wait3A_581 : memref<!tpu.dma_semaphore, #tpu.memory_space<semaphore_mem>>) src(%dma_wait3A_587 : memref<80x128xf32, #tpu.memory_space<hbm>>) dst(%dma_wait3A_585 : memref<80x128xf32, #tpu.memory_space<vmem>>)
      %dma_start3A_588 = arith.constant 3 : i32
      %dma_start3A_589 = arith.constant 3 : i32
      %dma_start3A_590 = arith.constant 3 : i32
      %dma_start3A_591 = arith.constant 0 : i32
      %dma_start3A_592 = arith.constant 0 : i32
      %dma_start3A_593 = tpu.memref_slice %arg7[%dma_start3A_588, %dma_start3A_591, %dma_start3A_592] : memref<4x80x128xf32, #tpu.memory_space<vmem>> -> memref<1x80x128xf32, #tpu.memory_space<vmem>>
      %dma_start3A_594 = tpu.memref_squeeze %dma_start3A_593 : memref<1x80x128xf32, #tpu.memory_space<vmem>> -> memref<80x128xf32, #tpu.memory_space<vmem>>
      %dma_start3A_595 = arith.constant 0 : i32
      %dma_start3A_596 = tpu.memref_slice %arg6[%dma_start3A_589, %dma_start3A_595] : memref<4x80xi32, #tpu.memory_space<vmem>> -> memref<1x80xi32, #tpu.memory_space<vmem>>
      %dma_start3A_597 = tpu.memref_squeeze %dma_start3A_596 : memref<1x80xi32, #tpu.memory_space<vmem>> -> memref<80xi32, #tpu.memory_space<vmem>>
      %dma_start3A_598 = arith.constant 0 : i32
      %dma_start3A_599 = arith.constant 0 : i32
      %dma_start3A_600 = tpu.memref_slice %arg5[%dma_start3A_598, %dma_start3A_599] : memref<10000x128xf32, #tpu.memory_space<vmem_shared>> -> memref<10000x128xf32, #tpu.memory_space<vmem_shared>>
      %dma_start3A_601 = tpu.memref_slice %arg10[%dma_start3A_590] : memref<4x!tpu.dma_semaphore, #tpu.memory_space<semaphore_mem>> -> memref<1x!tpu.dma_semaphore, #tpu.memory_space<semaphore_mem>>
      %dma_start3A_602 = tpu.memref_squeeze %dma_start3A_601 : memref<1x!tpu.dma_semaphore, #tpu.memory_space<semaphore_mem>> -> memref<!tpu.dma_semaphore, #tpu.memory_space<semaphore_mem>>
      tpu.enqueue_indirect_dma source(%dma_start3A_594 : memref<80x128xf32, #tpu.memory_space<vmem>>) target(%dma_start3A_600 : memref<10000x128xf32, #tpu.memory_space<vmem_shared>>) offsets(%dma_start3A_597 : memref<80xi32, #tpu.memory_space<vmem>>) semaphore(%dma_start3A_602 : memref<!tpu.dma_semaphore, #tpu.memory_space<semaphore_mem>>) {add = true}
      %add3A_603 = arith.constant 4 : i32
      %add3A_604 = arith.addi %add3A_553, %add3A_603 : i32
      %lt3A_605 = arith.constant 63 : i32
      %lt3A_606 = arith.cmpi slt, %add3A_604, %lt3A_605 : i32
      %convert_element_type3A_607 = arith.extui %lt3A_606 : i1 to i32
      %cond3A_608 = arith.constant 0 : i32
      %cond3A_609 = arith.cmpi ne, %convert_element_type3A_607, %cond3A_608 : i32
      scf.if %cond3A_609 {
        %dma_wait3A_610 = arith.constant 3 : i32
        %dma_wait3A_611 = arith.constant 3 : i32
        %dma_wait3A_612 = arith.constant 3 : i32
        %dma_wait3A_613 = arith.constant 0 : i32
        %dma_wait3A_614 = arith.constant 0 : i32
        %dma_wait3A_615 = tpu.memref_slice %arg7[%dma_wait3A_610, %dma_wait3A_613, %dma_wait3A_614] : memref<4x80x128xf32, #tpu.memory_space<vmem>> -> memref<1x80x128xf32, #tpu.memory_space<vmem>>
        %dma_wait3A_616 = tpu.memref_squeeze %dma_wait3A_615 : memref<1x80x128xf32, #tpu.memory_space<vmem>> -> memref<80x128xf32, #tpu.memory_space<vmem>>
        %dma_wait3A_617 = arith.constant 0 : i32
        %dma_wait3A_618 = tpu.memref_slice %arg6[%dma_wait3A_611, %dma_wait3A_617] : memref<4x80xi32, #tpu.memory_space<vmem>> -> memref<1x80xi32, #tpu.memory_space<vmem>>
        %dma_wait3A_619 = tpu.memref_squeeze %dma_wait3A_618 : memref<1x80xi32, #tpu.memory_space<vmem>> -> memref<80xi32, #tpu.memory_space<vmem>>
        %dma_wait3A_620 = arith.constant 0 : i32
        %dma_wait3A_621 = arith.constant 0 : i32
        %dma_wait3A_622 = tpu.memref_slice %arg5[%dma_wait3A_620, %dma_wait3A_621] : memref<10000x128xf32, #tpu.memory_space<vmem_shared>> -> memref<10000x128xf32, #tpu.memory_space<vmem_shared>>
        %dma_wait3A_623 = tpu.memref_slice %arg10[%dma_wait3A_612] : memref<4x!tpu.dma_semaphore, #tpu.memory_space<semaphore_mem>> -> memref<1x!tpu.dma_semaphore, #tpu.memory_space<semaphore_mem>>
        %dma_wait3A_624 = tpu.memref_squeeze %dma_wait3A_623 : memref<1x!tpu.dma_semaphore, #tpu.memory_space<semaphore_mem>> -> memref<!tpu.dma_semaphore, #tpu.memory_space<semaphore_mem>>
        tpu.wait_indirect_dma semaphore(%dma_wait3A_624 : memref<!tpu.dma_semaphore, #tpu.memory_space<semaphore_mem>>) src(%dma_wait3A_616 : memref<80x128xf32, #tpu.memory_space<vmem>>) dst(%dma_wait3A_622 : memref<10000x128xf32, #tpu.memory_space<vmem_shared>>)
        %mul3A_625 = arith.constant 80 : i32
        %mul3A_626 = arith.muli %add3A_604, %mul3A_625 : i32
        %add3A_627 = arith.addi %add3A_4, %mul3A_626 : i32
        %dma_start3A_628 = arith.constant 3 : i32
        %dma_start3A_629 = arith.constant 3 : i32
        %dma_start3A_630 = arith.constant 0 : i32
        %dma_start3A_631 = tpu.memref_slice %arg6[%dma_start3A_628, %dma_start3A_630] : memref<4x80xi32, #tpu.memory_space<vmem>> -> memref<1x80xi32, #tpu.memory_space<vmem>>
        %dma_start3A_632 = tpu.memref_squeeze %dma_start3A_631 : memref<1x80xi32, #tpu.memory_space<vmem>> -> memref<80xi32, #tpu.memory_space<vmem>>
        %dma_start3A_633 = tpu.memref_slice %arg3[%add3A_627] : memref<320000xi32, #tpu.memory_space<hbm>> -> memref<80xi32, #tpu.memory_space<hbm>>
        %dma_start3A_634 = tpu.memref_slice %arg8[%dma_start3A_629] : memref<4x!tpu.dma_semaphore, #tpu.memory_space<semaphore_mem>> -> memref<1x!tpu.dma_semaphore, #tpu.memory_space<semaphore_mem>>
        %dma_start3A_635 = tpu.memref_squeeze %dma_start3A_634 : memref<1x!tpu.dma_semaphore, #tpu.memory_space<semaphore_mem>> -> memref<!tpu.dma_semaphore, #tpu.memory_space<semaphore_mem>>
        %dma_start3A_636 = arith.constant 0 : i32
        %dma_start3A_637 = tpu.memref_slice %arg6[%dma_start3A_628, %dma_start3A_636] : memref<4x80xi32, #tpu.memory_space<vmem>> -> memref<1x80xi32, #tpu.memory_space<vmem>>
        %dma_start3A_638 = tpu.memref_squeeze %dma_start3A_637 : memref<1x80xi32, #tpu.memory_space<vmem>> -> memref<80xi32, #tpu.memory_space<vmem>>
        %dma_start3A_639 = tpu.memref_slice %arg3[%add3A_627] : memref<320000xi32, #tpu.memory_space<hbm>> -> memref<80xi32, #tpu.memory_space<hbm>>
        tpu.enqueue_dma source(%dma_start3A_639 : memref<80xi32, #tpu.memory_space<hbm>>) target(%dma_start3A_638 : memref<80xi32, #tpu.memory_space<vmem>>) target_semaphore(%dma_start3A_635 : memref<!tpu.dma_semaphore, #tpu.memory_space<semaphore_mem>>)
        %mul3A_640 = arith.constant 80 : i32
        %mul3A_641 = arith.muli %add3A_604, %mul3A_640 : i32
        %add3A_642 = arith.addi %mul3A_2, %mul3A_641 : i32
        %dma_start3A_643 = arith.constant 3 : i32
        %dma_start3A_644 = arith.constant 3 : i32
        %dma_start3A_645 = arith.constant 0 : i32
        %dma_start3A_646 = arith.constant 0 : i32
        %dma_start3A_647 = tpu.memref_slice %arg7[%dma_start3A_643, %dma_start3A_645, %dma_start3A_646] : memref<4x80x128xf32, #tpu.memory_space<vmem>> -> memref<1x80x128xf32, #tpu.memory_space<vmem>>
        %dma_start3A_648 = tpu.memref_squeeze %dma_start3A_647 : memref<1x80x128xf32, #tpu.memory_space<vmem>> -> memref<80x128xf32, #tpu.memory_space<vmem>>
        %dma_start3A_649 = arith.constant 0 : i32
        %dma_start3A_650 = tpu.memref_slice %arg2[%add3A_642, %dma_start3A_649] : memref<161280x128xf32, #tpu.memory_space<hbm>> -> memref<80x128xf32, #tpu.memory_space<hbm>>
        %dma_start3A_651 = tpu.memref_slice %arg9[%dma_start3A_644] : memref<4x!tpu.dma_semaphore, #tpu.memory_space<semaphore_mem>> -> memref<1x!tpu.dma_semaphore, #tpu.memory_space<semaphore_mem>>
        %dma_start3A_652 = tpu.memref_squeeze %dma_start3A_651 : memref<1x!tpu.dma_semaphore, #tpu.memory_space<semaphore_mem>> -> memref<!tpu.dma_semaphore, #tpu.memory_space<semaphore_mem>>
        %dma_start3A_653 = arith.constant 0 : i32
        %dma_start3A_654 = arith.constant 0 : i32
        %dma_start3A_655 = tpu.memref_slice %arg7[%dma_start3A_643, %dma_start3A_653, %dma_start3A_654] : memref<4x80x128xf32, #tpu.memory_space<vmem>> -> memref<1x80x128xf32, #tpu.memory_space<vmem>>
        %dma_start3A_656 = tpu.memref_squeeze %dma_start3A_655 : memref<1x80x128xf32, #tpu.memory_space<vmem>> -> memref<80x128xf32, #tpu.memory_space<vmem>>
        %dma_start3A_657 = arith.constant 0 : i32
        %dma_start3A_658 = tpu.memref_slice %arg2[%add3A_642, %dma_start3A_657] : memref<161280x128xf32, #tpu.memory_space<hbm>> -> memref<80x128xf32, #tpu.memory_space<hbm>>
        tpu.enqueue_dma source(%dma_start3A_658 : memref<80x128xf32, #tpu.memory_space<hbm>>) target(%dma_start3A_656 : memref<80x128xf32, #tpu.memory_space<vmem>>) target_semaphore(%dma_start3A_652 : memref<!tpu.dma_semaphore, #tpu.memory_space<semaphore_mem>>)
      } else {
      }
    }
    %scan3A_167 = arith.constant 15 : i32
    %add3A_168 = arith.constant 4800 : i32
    %add3A_169 = arith.addi %add3A_4, %add3A_168 : i32
    %dma_wait3A = arith.constant 0 : i32
    %dma_wait3A_170 = arith.constant 0 : i32
    %dma_wait3A_171 = arith.constant 0 : i32
    %dma_wait3A_172 = tpu.memref_slice %arg6[%dma_wait3A, %dma_wait3A_171] : memref<4x80xi32, #tpu.memory_space<vmem>> -> memref<1x80xi32, #tpu.memory_space<vmem>>
    %dma_wait3A_173 = tpu.memref_squeeze %dma_wait3A_172 : memref<1x80xi32, #tpu.memory_space<vmem>> -> memref<80xi32, #tpu.memory_space<vmem>>
    %dma_wait3A_174 = tpu.memref_slice %arg3[%add3A_169] : memref<320000xi32, #tpu.memory_space<hbm>> -> memref<80xi32, #tpu.memory_space<hbm>>
    %dma_wait3A_175 = tpu.memref_slice %arg8[%dma_wait3A_170] : memref<4x!tpu.dma_semaphore, #tpu.memory_space<semaphore_mem>> -> memref<1x!tpu.dma_semaphore, #tpu.memory_space<semaphore_mem>>
    %dma_wait3A_176 = tpu.memref_squeeze %dma_wait3A_175 : memref<1x!tpu.dma_semaphore, #tpu.memory_space<semaphore_mem>> -> memref<!tpu.dma_semaphore, #tpu.memory_space<semaphore_mem>>
    %dma_wait3A_177 = arith.constant 0 : i32
    %dma_wait3A_178 = tpu.memref_slice %arg6[%dma_wait3A, %dma_wait3A_177] : memref<4x80xi32, #tpu.memory_space<vmem>> -> memref<1x80xi32, #tpu.memory_space<vmem>>
    %dma_wait3A_179 = tpu.memref_squeeze %dma_wait3A_178 : memref<1x80xi32, #tpu.memory_space<vmem>> -> memref<80xi32, #tpu.memory_space<vmem>>
    %dma_wait3A_180 = tpu.memref_slice %arg3[%add3A_169] : memref<320000xi32, #tpu.memory_space<hbm>> -> memref<80xi32, #tpu.memory_space<hbm>>
    tpu.wait_dma2 semaphore(%dma_wait3A_176 : memref<!tpu.dma_semaphore, #tpu.memory_space<semaphore_mem>>) src(%dma_wait3A_180 : memref<80xi32, #tpu.memory_space<hbm>>) dst(%dma_wait3A_179 : memref<80xi32, #tpu.memory_space<vmem>>)
    %add3A_181 = arith.constant 4800 : i32
    %add3A_182 = arith.addi %mul3A_2, %add3A_181 : i32
    %dma_wait3A_183 = arith.constant 0 : i32
    %dma_wait3A_184 = arith.constant 0 : i32
    %dma_wait3A_185 = arith.constant 0 : i32
    %dma_wait3A_186 = arith.constant 0 : i32
    %dma_wait3A_187 = tpu.memref_slice %arg7[%dma_wait3A_183, %dma_wait3A_185, %dma_wait3A_186] : memref<4x80x128xf32, #tpu.memory_space<vmem>> -> memref<1x80x128xf32, #tpu.memory_space<vmem>>
    %dma_wait3A_188 = tpu.memref_squeeze %dma_wait3A_187 : memref<1x80x128xf32, #tpu.memory_space<vmem>> -> memref<80x128xf32, #tpu.memory_space<vmem>>
    %dma_wait3A_189 = arith.constant 0 : i32
    %dma_wait3A_190 = tpu.memref_slice %arg2[%add3A_182, %dma_wait3A_189] : memref<161280x128xf32, #tpu.memory_space<hbm>> -> memref<80x128xf32, #tpu.memory_space<hbm>>
    %dma_wait3A_191 = tpu.memref_slice %arg9[%dma_wait3A_184] : memref<4x!tpu.dma_semaphore, #tpu.memory_space<semaphore_mem>> -> memref<1x!tpu.dma_semaphore, #tpu.memory_space<semaphore_mem>>
    %dma_wait3A_192 = tpu.memref_squeeze %dma_wait3A_191 : memref<1x!tpu.dma_semaphore, #tpu.memory_space<semaphore_mem>> -> memref<!tpu.dma_semaphore, #tpu.memory_space<semaphore_mem>>
    %dma_wait3A_193 = arith.constant 0 : i32
    %dma_wait3A_194 = arith.constant 0 : i32
    %dma_wait3A_195 = tpu.memref_slice %arg7[%dma_wait3A_183, %dma_wait3A_193, %dma_wait3A_194] : memref<4x80x128xf32, #tpu.memory_space<vmem>> -> memref<1x80x128xf32, #tpu.memory_space<vmem>>
    %dma_wait3A_196 = tpu.memref_squeeze %dma_wait3A_195 : memref<1x80x128xf32, #tpu.memory_space<vmem>> -> memref<80x128xf32, #tpu.memory_space<vmem>>
    %dma_wait3A_197 = arith.constant 0 : i32
    %dma_wait3A_198 = tpu.memref_slice %arg2[%add3A_182, %dma_wait3A_197] : memref<161280x128xf32, #tpu.memory_space<hbm>> -> memref<80x128xf32, #tpu.memory_space<hbm>>
    tpu.wait_dma2 semaphore(%dma_wait3A_192 : memref<!tpu.dma_semaphore, #tpu.memory_space<semaphore_mem>>) src(%dma_wait3A_198 : memref<80x128xf32, #tpu.memory_space<hbm>>) dst(%dma_wait3A_196 : memref<80x128xf32, #tpu.memory_space<vmem>>)
    %dma_start3A_199 = arith.constant 0 : i32
    %dma_start3A_200 = arith.constant 0 : i32
    %dma_start3A_201 = arith.constant 0 : i32
    %dma_start3A_202 = arith.constant 0 : i32
    %dma_start3A_203 = arith.constant 0 : i32
    %dma_start3A_204 = tpu.memref_slice %arg7[%dma_start3A_199, %dma_start3A_202, %dma_start3A_203] : memref<4x80x128xf32, #tpu.memory_space<vmem>> -> memref<1x80x128xf32, #tpu.memory_space<vmem>>
    %dma_start3A_205 = tpu.memref_squeeze %dma_start3A_204 : memref<1x80x128xf32, #tpu.memory_space<vmem>> -> memref<80x128xf32, #tpu.memory_space<vmem>>
    %dma_start3A_206 = arith.constant 0 : i32
    %dma_start3A_207 = tpu.memref_slice %arg6[%dma_start3A_200, %dma_start3A_206] : memref<4x80xi32, #tpu.memory_space<vmem>> -> memref<1x80xi32, #tpu.memory_space<vmem>>
    %dma_start3A_208 = tpu.memref_squeeze %dma_start3A_207 : memref<1x80xi32, #tpu.memory_space<vmem>> -> memref<80xi32, #tpu.memory_space<vmem>>
    %dma_start3A_209 = arith.constant 0 : i32
    %dma_start3A_210 = arith.constant 0 : i32
    %dma_start3A_211 = tpu.memref_slice %arg5[%dma_start3A_209, %dma_start3A_210] : memref<10000x128xf32, #tpu.memory_space<vmem_shared>> -> memref<10000x128xf32, #tpu.memory_space<vmem_shared>>
    %dma_start3A_212 = tpu.memref_slice %arg10[%dma_start3A_201] : memref<4x!tpu.dma_semaphore, #tpu.memory_space<semaphore_mem>> -> memref<1x!tpu.dma_semaphore, #tpu.memory_space<semaphore_mem>>
    %dma_start3A_213 = tpu.memref_squeeze %dma_start3A_212 : memref<1x!tpu.dma_semaphore, #tpu.memory_space<semaphore_mem>> -> memref<!tpu.dma_semaphore, #tpu.memory_space<semaphore_mem>>
    tpu.enqueue_indirect_dma source(%dma_start3A_205 : memref<80x128xf32, #tpu.memory_space<vmem>>) target(%dma_start3A_211 : memref<10000x128xf32, #tpu.memory_space<vmem_shared>>) offsets(%dma_start3A_208 : memref<80xi32, #tpu.memory_space<vmem>>) semaphore(%dma_start3A_213 : memref<!tpu.dma_semaphore, #tpu.memory_space<semaphore_mem>>) {add = true}
    %add3A_214 = arith.constant 4880 : i32
    %add3A_215 = arith.addi %add3A_4, %add3A_214 : i32
    %dma_wait3A_216 = arith.constant 1 : i32
    %dma_wait3A_217 = arith.constant 1 : i32
    %dma_wait3A_218 = arith.constant 0 : i32
    %dma_wait3A_219 = tpu.memref_slice %arg6[%dma_wait3A_216, %dma_wait3A_218] : memref<4x80xi32, #tpu.memory_space<vmem>> -> memref<1x80xi32, #tpu.memory_space<vmem>>
    %dma_wait3A_220 = tpu.memref_squeeze %dma_wait3A_219 : memref<1x80xi32, #tpu.memory_space<vmem>> -> memref<80xi32, #tpu.memory_space<vmem>>
    %dma_wait3A_221 = tpu.memref_slice %arg3[%add3A_215] : memref<320000xi32, #tpu.memory_space<hbm>> -> memref<80xi32, #tpu.memory_space<hbm>>
    %dma_wait3A_222 = tpu.memref_slice %arg8[%dma_wait3A_217] : memref<4x!tpu.dma_semaphore, #tpu.memory_space<semaphore_mem>> -> memref<1x!tpu.dma_semaphore, #tpu.memory_space<semaphore_mem>>
    %dma_wait3A_223 = tpu.memref_squeeze %dma_wait3A_222 : memref<1x!tpu.dma_semaphore, #tpu.memory_space<semaphore_mem>> -> memref<!tpu.dma_semaphore, #tpu.memory_space<semaphore_mem>>
    %dma_wait3A_224 = arith.constant 0 : i32
    %dma_wait3A_225 = tpu.memref_slice %arg6[%dma_wait3A_216, %dma_wait3A_224] : memref<4x80xi32, #tpu.memory_space<vmem>> -> memref<1x80xi32, #tpu.memory_space<vmem>>
    %dma_wait3A_226 = tpu.memref_squeeze %dma_wait3A_225 : memref<1x80xi32, #tpu.memory_space<vmem>> -> memref<80xi32, #tpu.memory_space<vmem>>
    %dma_wait3A_227 = tpu.memref_slice %arg3[%add3A_215] : memref<320000xi32, #tpu.memory_space<hbm>> -> memref<80xi32, #tpu.memory_space<hbm>>
    tpu.wait_dma2 semaphore(%dma_wait3A_223 : memref<!tpu.dma_semaphore, #tpu.memory_space<semaphore_mem>>) src(%dma_wait3A_227 : memref<80xi32, #tpu.memory_space<hbm>>) dst(%dma_wait3A_226 : memref<80xi32, #tpu.memory_space<vmem>>)
    %add3A_228 = arith.constant 4880 : i32
    %add3A_229 = arith.addi %mul3A_2, %add3A_228 : i32
    %dma_wait3A_230 = arith.constant 1 : i32
    %dma_wait3A_231 = arith.constant 1 : i32
    %dma_wait3A_232 = arith.constant 0 : i32
    %dma_wait3A_233 = arith.constant 0 : i32
    %dma_wait3A_234 = tpu.memref_slice %arg7[%dma_wait3A_230, %dma_wait3A_232, %dma_wait3A_233] : memref<4x80x128xf32, #tpu.memory_space<vmem>> -> memref<1x80x128xf32, #tpu.memory_space<vmem>>
    %dma_wait3A_235 = tpu.memref_squeeze %dma_wait3A_234 : memref<1x80x128xf32, #tpu.memory_space<vmem>> -> memref<80x128xf32, #tpu.memory_space<vmem>>
    %dma_wait3A_236 = arith.constant 0 : i32
    %dma_wait3A_237 = tpu.memref_slice %arg2[%add3A_229, %dma_wait3A_236] : memref<161280x128xf32, #tpu.memory_space<hbm>> -> memref<80x128xf32, #tpu.memory_space<hbm>>
    %dma_wait3A_238 = tpu.memref_slice %arg9[%dma_wait3A_231] : memref<4x!tpu.dma_semaphore, #tpu.memory_space<semaphore_mem>> -> memref<1x!tpu.dma_semaphore, #tpu.memory_space<semaphore_mem>>
    %dma_wait3A_239 = tpu.memref_squeeze %dma_wait3A_238 : memref<1x!tpu.dma_semaphore, #tpu.memory_space<semaphore_mem>> -> memref<!tpu.dma_semaphore, #tpu.memory_space<semaphore_mem>>
    %dma_wait3A_240 = arith.constant 0 : i32
    %dma_wait3A_241 = arith.constant 0 : i32
    %dma_wait3A_242 = tpu.memref_slice %arg7[%dma_wait3A_230, %dma_wait3A_240, %dma_wait3A_241] : memref<4x80x128xf32, #tpu.memory_space<vmem>> -> memref<1x80x128xf32, #tpu.memory_space<vmem>>
    %dma_wait3A_243 = tpu.memref_squeeze %dma_wait3A_242 : memref<1x80x128xf32, #tpu.memory_space<vmem>> -> memref<80x128xf32, #tpu.memory_space<vmem>>
    %dma_wait3A_244 = arith.constant 0 : i32
    %dma_wait3A_245 = tpu.memref_slice %arg2[%add3A_229, %dma_wait3A_244] : memref<161280x128xf32, #tpu.memory_space<hbm>> -> memref<80x128xf32, #tpu.memory_space<hbm>>
    tpu.wait_dma2 semaphore(%dma_wait3A_239 : memref<!tpu.dma_semaphore, #tpu.memory_space<semaphore_mem>>) src(%dma_wait3A_245 : memref<80x128xf32, #tpu.memory_space<hbm>>) dst(%dma_wait3A_243 : memref<80x128xf32, #tpu.memory_space<vmem>>)
    %dma_start3A_246 = arith.constant 1 : i32
    %dma_start3A_247 = arith.constant 1 : i32
    %dma_start3A_248 = arith.constant 1 : i32
    %dma_start3A_249 = arith.constant 0 : i32
    %dma_start3A_250 = arith.constant 0 : i32
    %dma_start3A_251 = tpu.memref_slice %arg7[%dma_start3A_246, %dma_start3A_249, %dma_start3A_250] : memref<4x80x128xf32, #tpu.memory_space<vmem>> -> memref<1x80x128xf32, #tpu.memory_space<vmem>>
    %dma_start3A_252 = tpu.memref_squeeze %dma_start3A_251 : memref<1x80x128xf32, #tpu.memory_space<vmem>> -> memref<80x128xf32, #tpu.memory_space<vmem>>
    %dma_start3A_253 = arith.constant 0 : i32
    %dma_start3A_254 = tpu.memref_slice %arg6[%dma_start3A_247, %dma_start3A_253] : memref<4x80xi32, #tpu.memory_space<vmem>> -> memref<1x80xi32, #tpu.memory_space<vmem>>
    %dma_start3A_255 = tpu.memref_squeeze %dma_start3A_254 : memref<1x80xi32, #tpu.memory_space<vmem>> -> memref<80xi32, #tpu.memory_space<vmem>>
    %dma_start3A_256 = arith.constant 0 : i32
    %dma_start3A_257 = arith.constant 0 : i32
    %dma_start3A_258 = tpu.memref_slice %arg5[%dma_start3A_256, %dma_start3A_257] : memref<10000x128xf32, #tpu.memory_space<vmem_shared>> -> memref<10000x128xf32, #tpu.memory_space<vmem_shared>>
    %dma_start3A_259 = tpu.memref_slice %arg10[%dma_start3A_248] : memref<4x!tpu.dma_semaphore, #tpu.memory_space<semaphore_mem>> -> memref<1x!tpu.dma_semaphore, #tpu.memory_space<semaphore_mem>>
    %dma_start3A_260 = tpu.memref_squeeze %dma_start3A_259 : memref<1x!tpu.dma_semaphore, #tpu.memory_space<semaphore_mem>> -> memref<!tpu.dma_semaphore, #tpu.memory_space<semaphore_mem>>
    tpu.enqueue_indirect_dma source(%dma_start3A_252 : memref<80x128xf32, #tpu.memory_space<vmem>>) target(%dma_start3A_258 : memref<10000x128xf32, #tpu.memory_space<vmem_shared>>) offsets(%dma_start3A_255 : memref<80xi32, #tpu.memory_space<vmem>>) semaphore(%dma_start3A_260 : memref<!tpu.dma_semaphore, #tpu.memory_space<semaphore_mem>>) {add = true}
    %add3A_261 = arith.constant 4960 : i32
    %add3A_262 = arith.addi %add3A_4, %add3A_261 : i32
    %dma_wait3A_263 = arith.constant 2 : i32
    %dma_wait3A_264 = arith.constant 2 : i32
    %dma_wait3A_265 = arith.constant 0 : i32
    %dma_wait3A_266 = tpu.memref_slice %arg6[%dma_wait3A_263, %dma_wait3A_265] : memref<4x80xi32, #tpu.memory_space<vmem>> -> memref<1x80xi32, #tpu.memory_space<vmem>>
    %dma_wait3A_267 = tpu.memref_squeeze %dma_wait3A_266 : memref<1x80xi32, #tpu.memory_space<vmem>> -> memref<80xi32, #tpu.memory_space<vmem>>
    %dma_wait3A_268 = tpu.memref_slice %arg3[%add3A_262] : memref<320000xi32, #tpu.memory_space<hbm>> -> memref<80xi32, #tpu.memory_space<hbm>>
    %dma_wait3A_269 = tpu.memref_slice %arg8[%dma_wait3A_264] : memref<4x!tpu.dma_semaphore, #tpu.memory_space<semaphore_mem>> -> memref<1x!tpu.dma_semaphore, #tpu.memory_space<semaphore_mem>>
    %dma_wait3A_270 = tpu.memref_squeeze %dma_wait3A_269 : memref<1x!tpu.dma_semaphore, #tpu.memory_space<semaphore_mem>> -> memref<!tpu.dma_semaphore, #tpu.memory_space<semaphore_mem>>
    %dma_wait3A_271 = arith.constant 0 : i32
    %dma_wait3A_272 = tpu.memref_slice %arg6[%dma_wait3A_263, %dma_wait3A_271] : memref<4x80xi32, #tpu.memory_space<vmem>> -> memref<1x80xi32, #tpu.memory_space<vmem>>
    %dma_wait3A_273 = tpu.memref_squeeze %dma_wait3A_272 : memref<1x80xi32, #tpu.memory_space<vmem>> -> memref<80xi32, #tpu.memory_space<vmem>>
    %dma_wait3A_274 = tpu.memref_slice %arg3[%add3A_262] : memref<320000xi32, #tpu.memory_space<hbm>> -> memref<80xi32, #tpu.memory_space<hbm>>
    tpu.wait_dma2 semaphore(%dma_wait3A_270 : memref<!tpu.dma_semaphore, #tpu.memory_space<semaphore_mem>>) src(%dma_wait3A_274 : memref<80xi32, #tpu.memory_space<hbm>>) dst(%dma_wait3A_273 : memref<80xi32, #tpu.memory_space<vmem>>)
    %add3A_275 = arith.constant 4960 : i32
    %add3A_276 = arith.addi %mul3A_2, %add3A_275 : i32
    %dma_wait3A_277 = arith.constant 2 : i32
    %dma_wait3A_278 = arith.constant 2 : i32
    %dma_wait3A_279 = arith.constant 0 : i32
    %dma_wait3A_280 = arith.constant 0 : i32
    %dma_wait3A_281 = tpu.memref_slice %arg7[%dma_wait3A_277, %dma_wait3A_279, %dma_wait3A_280] : memref<4x80x128xf32, #tpu.memory_space<vmem>> -> memref<1x80x128xf32, #tpu.memory_space<vmem>>
    %dma_wait3A_282 = tpu.memref_squeeze %dma_wait3A_281 : memref<1x80x128xf32, #tpu.memory_space<vmem>> -> memref<80x128xf32, #tpu.memory_space<vmem>>
    %dma_wait3A_283 = arith.constant 0 : i32
    %dma_wait3A_284 = tpu.memref_slice %arg2[%add3A_276, %dma_wait3A_283] : memref<161280x128xf32, #tpu.memory_space<hbm>> -> memref<80x128xf32, #tpu.memory_space<hbm>>
    %dma_wait3A_285 = tpu.memref_slice %arg9[%dma_wait3A_278] : memref<4x!tpu.dma_semaphore, #tpu.memory_space<semaphore_mem>> -> memref<1x!tpu.dma_semaphore, #tpu.memory_space<semaphore_mem>>
    %dma_wait3A_286 = tpu.memref_squeeze %dma_wait3A_285 : memref<1x!tpu.dma_semaphore, #tpu.memory_space<semaphore_mem>> -> memref<!tpu.dma_semaphore, #tpu.memory_space<semaphore_mem>>
    %dma_wait3A_287 = arith.constant 0 : i32
    %dma_wait3A_288 = arith.constant 0 : i32
    %dma_wait3A_289 = tpu.memref_slice %arg7[%dma_wait3A_277, %dma_wait3A_287, %dma_wait3A_288] : memref<4x80x128xf32, #tpu.memory_space<vmem>> -> memref<1x80x128xf32, #tpu.memory_space<vmem>>
    %dma_wait3A_290 = tpu.memref_squeeze %dma_wait3A_289 : memref<1x80x128xf32, #tpu.memory_space<vmem>> -> memref<80x128xf32, #tpu.memory_space<vmem>>
    %dma_wait3A_291 = arith.constant 0 : i32
    %dma_wait3A_292 = tpu.memref_slice %arg2[%add3A_276, %dma_wait3A_291] : memref<161280x128xf32, #tpu.memory_space<hbm>> -> memref<80x128xf32, #tpu.memory_space<hbm>>
    tpu.wait_dma2 semaphore(%dma_wait3A_286 : memref<!tpu.dma_semaphore, #tpu.memory_space<semaphore_mem>>) src(%dma_wait3A_292 : memref<80x128xf32, #tpu.memory_space<hbm>>) dst(%dma_wait3A_290 : memref<80x128xf32, #tpu.memory_space<vmem>>)
    %dma_start3A_293 = arith.constant 2 : i32
    %dma_start3A_294 = arith.constant 2 : i32
    %dma_start3A_295 = arith.constant 2 : i32
    %dma_start3A_296 = arith.constant 0 : i32
    %dma_start3A_297 = arith.constant 0 : i32
    %dma_start3A_298 = tpu.memref_slice %arg7[%dma_start3A_293, %dma_start3A_296, %dma_start3A_297] : memref<4x80x128xf32, #tpu.memory_space<vmem>> -> memref<1x80x128xf32, #tpu.memory_space<vmem>>
    %dma_start3A_299 = tpu.memref_squeeze %dma_start3A_298 : memref<1x80x128xf32, #tpu.memory_space<vmem>> -> memref<80x128xf32, #tpu.memory_space<vmem>>
    %dma_start3A_300 = arith.constant 0 : i32
    %dma_start3A_301 = tpu.memref_slice %arg6[%dma_start3A_294, %dma_start3A_300] : memref<4x80xi32, #tpu.memory_space<vmem>> -> memref<1x80xi32, #tpu.memory_space<vmem>>
    %dma_start3A_302 = tpu.memref_squeeze %dma_start3A_301 : memref<1x80xi32, #tpu.memory_space<vmem>> -> memref<80xi32, #tpu.memory_space<vmem>>
    %dma_start3A_303 = arith.constant 0 : i32
    %dma_start3A_304 = arith.constant 0 : i32
    %dma_start3A_305 = tpu.memref_slice %arg5[%dma_start3A_303, %dma_start3A_304] : memref<10000x128xf32, #tpu.memory_space<vmem_shared>> -> memref<10000x128xf32, #tpu.memory_space<vmem_shared>>
    %dma_start3A_306 = tpu.memref_slice %arg10[%dma_start3A_295] : memref<4x!tpu.dma_semaphore, #tpu.memory_space<semaphore_mem>> -> memref<1x!tpu.dma_semaphore, #tpu.memory_space<semaphore_mem>>
    %dma_start3A_307 = tpu.memref_squeeze %dma_start3A_306 : memref<1x!tpu.dma_semaphore, #tpu.memory_space<semaphore_mem>> -> memref<!tpu.dma_semaphore, #tpu.memory_space<semaphore_mem>>
    tpu.enqueue_indirect_dma source(%dma_start3A_299 : memref<80x128xf32, #tpu.memory_space<vmem>>) target(%dma_start3A_305 : memref<10000x128xf32, #tpu.memory_space<vmem_shared>>) offsets(%dma_start3A_302 : memref<80xi32, #tpu.memory_space<vmem>>) semaphore(%dma_start3A_307 : memref<!tpu.dma_semaphore, #tpu.memory_space<semaphore_mem>>) {add = true}
    %dma_wait3A_308 = arith.constant 0 : i32
    %dma_wait3A_309 = arith.constant 0 : i32
    %dma_wait3A_310 = arith.constant 0 : i32
    %dma_wait3A_311 = arith.constant 0 : i32
    %dma_wait3A_312 = arith.constant 0 : i32
    %dma_wait3A_313 = tpu.memref_slice %arg7[%dma_wait3A_308, %dma_wait3A_311, %dma_wait3A_312] : memref<4x80x128xf32, #tpu.memory_space<vmem>> -> memref<1x80x128xf32, #tpu.memory_space<vmem>>
    %dma_wait3A_314 = tpu.memref_squeeze %dma_wait3A_313 : memref<1x80x128xf32, #tpu.memory_space<vmem>> -> memref<80x128xf32, #tpu.memory_space<vmem>>
    %dma_wait3A_315 = arith.constant 0 : i32
    %dma_wait3A_316 = tpu.memref_slice %arg6[%dma_wait3A_309, %dma_wait3A_315] : memref<4x80xi32, #tpu.memory_space<vmem>> -> memref<1x80xi32, #tpu.memory_space<vmem>>
    %dma_wait3A_317 = tpu.memref_squeeze %dma_wait3A_316 : memref<1x80xi32, #tpu.memory_space<vmem>> -> memref<80xi32, #tpu.memory_space<vmem>>
    %dma_wait3A_318 = arith.constant 0 : i32
    %dma_wait3A_319 = arith.constant 0 : i32
    %dma_wait3A_320 = tpu.memref_slice %arg5[%dma_wait3A_318, %dma_wait3A_319] : memref<10000x128xf32, #tpu.memory_space<vmem_shared>> -> memref<10000x128xf32, #tpu.memory_space<vmem_shared>>
    %dma_wait3A_321 = tpu.memref_slice %arg10[%dma_wait3A_310] : memref<4x!tpu.dma_semaphore, #tpu.memory_space<semaphore_mem>> -> memref<1x!tpu.dma_semaphore, #tpu.memory_space<semaphore_mem>>
    %dma_wait3A_322 = tpu.memref_squeeze %dma_wait3A_321 : memref<1x!tpu.dma_semaphore, #tpu.memory_space<semaphore_mem>> -> memref<!tpu.dma_semaphore, #tpu.memory_space<semaphore_mem>>
    tpu.wait_indirect_dma semaphore(%dma_wait3A_322 : memref<!tpu.dma_semaphore, #tpu.memory_space<semaphore_mem>>) src(%dma_wait3A_314 : memref<80x128xf32, #tpu.memory_space<vmem>>) dst(%dma_wait3A_320 : memref<10000x128xf32, #tpu.memory_space<vmem_shared>>)
    %dma_wait3A_323 = arith.constant 1 : i32
    %dma_wait3A_324 = arith.constant 1 : i32
    %dma_wait3A_325 = arith.constant 1 : i32
    %dma_wait3A_326 = arith.constant 0 : i32
    %dma_wait3A_327 = arith.constant 0 : i32
    %dma_wait3A_328 = tpu.memref_slice %arg7[%dma_wait3A_323, %dma_wait3A_326, %dma_wait3A_327] : memref<4x80x128xf32, #tpu.memory_space<vmem>> -> memref<1x80x128xf32, #tpu.memory_space<vmem>>
    %dma_wait3A_329 = tpu.memref_squeeze %dma_wait3A_328 : memref<1x80x128xf32, #tpu.memory_space<vmem>> -> memref<80x128xf32, #tpu.memory_space<vmem>>
    %dma_wait3A_330 = arith.constant 0 : i32
    %dma_wait3A_331 = tpu.memref_slice %arg6[%dma_wait3A_324, %dma_wait3A_330] : memref<4x80xi32, #tpu.memory_space<vmem>> -> memref<1x80xi32, #tpu.memory_space<vmem>>
    %dma_wait3A_332 = tpu.memref_squeeze %dma_wait3A_331 : memref<1x80xi32, #tpu.memory_space<vmem>> -> memref<80xi32, #tpu.memory_space<vmem>>
    %dma_wait3A_333 = arith.constant 0 : i32
    %dma_wait3A_334 = arith.constant 0 : i32
    %dma_wait3A_335 = tpu.memref_slice %arg5[%dma_wait3A_333, %dma_wait3A_334] : memref<10000x128xf32, #tpu.memory_space<vmem_shared>> -> memref<10000x128xf32, #tpu.memory_space<vmem_shared>>
    %dma_wait3A_336 = tpu.memref_slice %arg10[%dma_wait3A_325] : memref<4x!tpu.dma_semaphore, #tpu.memory_space<semaphore_mem>> -> memref<1x!tpu.dma_semaphore, #tpu.memory_space<semaphore_mem>>
    %dma_wait3A_337 = tpu.memref_squeeze %dma_wait3A_336 : memref<1x!tpu.dma_semaphore, #tpu.memory_space<semaphore_mem>> -> memref<!tpu.dma_semaphore, #tpu.memory_space<semaphore_mem>>
    tpu.wait_indirect_dma semaphore(%dma_wait3A_337 : memref<!tpu.dma_semaphore, #tpu.memory_space<semaphore_mem>>) src(%dma_wait3A_329 : memref<80x128xf32, #tpu.memory_space<vmem>>) dst(%dma_wait3A_335 : memref<10000x128xf32, #tpu.memory_space<vmem_shared>>)
    %dma_wait3A_338 = arith.constant 2 : i32
    %dma_wait3A_339 = arith.constant 2 : i32
    %dma_wait3A_340 = arith.constant 2 : i32
    %dma_wait3A_341 = arith.constant 0 : i32
    %dma_wait3A_342 = arith.constant 0 : i32
    %dma_wait3A_343 = tpu.memref_slice %arg7[%dma_wait3A_338, %dma_wait3A_341, %dma_wait3A_342] : memref<4x80x128xf32, #tpu.memory_space<vmem>> -> memref<1x80x128xf32, #tpu.memory_space<vmem>>
    %dma_wait3A_344 = tpu.memref_squeeze %dma_wait3A_343 : memref<1x80x128xf32, #tpu.memory_space<vmem>> -> memref<80x128xf32, #tpu.memory_space<vmem>>
    %dma_wait3A_345 = arith.constant 0 : i32
    %dma_wait3A_346 = tpu.memref_slice %arg6[%dma_wait3A_339, %dma_wait3A_345] : memref<4x80xi32, #tpu.memory_space<vmem>> -> memref<1x80xi32, #tpu.memory_space<vmem>>
    %dma_wait3A_347 = tpu.memref_squeeze %dma_wait3A_346 : memref<1x80xi32, #tpu.memory_space<vmem>> -> memref<80xi32, #tpu.memory_space<vmem>>
    %dma_wait3A_348 = arith.constant 0 : i32
    %dma_wait3A_349 = arith.constant 0 : i32
    %dma_wait3A_350 = tpu.memref_slice %arg5[%dma_wait3A_348, %dma_wait3A_349] : memref<10000x128xf32, #tpu.memory_space<vmem_shared>> -> memref<10000x128xf32, #tpu.memory_space<vmem_shared>>
    %dma_wait3A_351 = tpu.memref_slice %arg10[%dma_wait3A_340] : memref<4x!tpu.dma_semaphore, #tpu.memory_space<semaphore_mem>> -> memref<1x!tpu.dma_semaphore, #tpu.memory_space<semaphore_mem>>
    %dma_wait3A_352 = tpu.memref_squeeze %dma_wait3A_351 : memref<1x!tpu.dma_semaphore, #tpu.memory_space<semaphore_mem>> -> memref<!tpu.dma_semaphore, #tpu.memory_space<semaphore_mem>>
    tpu.wait_indirect_dma semaphore(%dma_wait3A_352 : memref<!tpu.dma_semaphore, #tpu.memory_space<semaphore_mem>>) src(%dma_wait3A_344 : memref<80x128xf32, #tpu.memory_space<vmem>>) dst(%dma_wait3A_350 : memref<10000x128xf32, #tpu.memory_space<vmem_shared>>)
    %dma_wait3A_353 = arith.constant 3 : i32
    %dma_wait3A_354 = arith.constant 3 : i32
    %dma_wait3A_355 = arith.constant 3 : i32
    %dma_wait3A_356 = arith.constant 0 : i32
    %dma_wait3A_357 = arith.constant 0 : i32
    %dma_wait3A_358 = tpu.memref_slice %arg7[%dma_wait3A_353, %dma_wait3A_356, %dma_wait3A_357] : memref<4x80x128xf32, #tpu.memory_space<vmem>> -> memref<1x80x128xf32, #tpu.memory_space<vmem>>
    %dma_wait3A_359 = tpu.memref_squeeze %dma_wait3A_358 : memref<1x80x128xf32, #tpu.memory_space<vmem>> -> memref<80x128xf32, #tpu.memory_space<vmem>>
    %dma_wait3A_360 = arith.constant 0 : i32
    %dma_wait3A_361 = tpu.memref_slice %arg6[%dma_wait3A_354, %dma_wait3A_360] : memref<4x80xi32, #tpu.memory_space<vmem>> -> memref<1x80xi32, #tpu.memory_space<vmem>>
    %dma_wait3A_362 = tpu.memref_squeeze %dma_wait3A_361 : memref<1x80xi32, #tpu.memory_space<vmem>> -> memref<80xi32, #tpu.memory_space<vmem>>
    %dma_wait3A_363 = arith.constant 0 : i32
    %dma_wait3A_364 = arith.constant 0 : i32
    %dma_wait3A_365 = tpu.memref_slice %arg5[%dma_wait3A_363, %dma_wait3A_364] : memref<10000x128xf32, #tpu.memory_space<vmem_shared>> -> memref<10000x128xf32, #tpu.memory_space<vmem_shared>>
    %dma_wait3A_366 = tpu.memref_slice %arg10[%dma_wait3A_355] : memref<4x!tpu.dma_semaphore, #tpu.memory_space<semaphore_mem>> -> memref<1x!tpu.dma_semaphore, #tpu.memory_space<semaphore_mem>>
    %dma_wait3A_367 = tpu.memref_squeeze %dma_wait3A_366 : memref<1x!tpu.dma_semaphore, #tpu.memory_space<semaphore_mem>> -> memref<!tpu.dma_semaphore, #tpu.memory_space<semaphore_mem>>
    tpu.wait_indirect_dma semaphore(%dma_wait3A_367 : memref<!tpu.dma_semaphore, #tpu.memory_space<semaphore_mem>>) src(%dma_wait3A_359 : memref<80x128xf32, #tpu.memory_space<vmem>>) dst(%dma_wait3A_365 : memref<10000x128xf32, #tpu.memory_space<vmem_shared>>)
    %barrier3A_368 = arith.constant 0 : index
    tpu.barrier barrier_id(%barrier3A_368)
    "tpu.region"() ({
      %run_scoped3A_374 = tpu.sem_alloc : memref<!tpu.dma_semaphore, #tpu.memory_space<semaphore_mem>>
      %dma_start3A_375 = arith.constant 0 : i32
      %dma_start3A_376 = tpu.memref_slice %arg4[%arg0, %mul3A_6, %dma_start3A_375] : memref<2x10000x128xf32, #tpu.memory_space<hbm>> -> memref<1x624x128xf32, #tpu.memory_space<hbm>>
      %dma_start3A_377 = tpu.memref_squeeze %dma_start3A_376 : memref<1x624x128xf32, #tpu.memory_space<hbm>> -> memref<624x128xf32, #tpu.memory_space<hbm>>
      %dma_start3A_378 = arith.constant 0 : i32
      %dma_start3A_379 = tpu.memref_slice %arg5[%mul3A_6, %dma_start3A_378] : memref<10000x128xf32, #tpu.memory_space<vmem_shared>> -> memref<624x128xf32, #tpu.memory_space<vmem_shared>>
      tpu.enqueue_dma source(%dma_start3A_379 : memref<624x128xf32, #tpu.memory_space<vmem_shared>>) target(%dma_start3A_377 : memref<624x128xf32, #tpu.memory_space<hbm>>) target_semaphore(%run_scoped3A_374 : memref<!tpu.dma_semaphore, #tpu.memory_space<semaphore_mem>>)
      %dma_wait3A_380 = arith.constant 0 : i32
      %dma_wait3A_381 = tpu.memref_slice %arg4[%arg0, %mul3A_6, %dma_wait3A_380] : memref<2x10000x128xf32, #tpu.memory_space<hbm>> -> memref<1x624x128xf32, #tpu.memory_space<hbm>>
      %dma_wait3A_382 = tpu.memref_squeeze %dma_wait3A_381 : memref<1x624x128xf32, #tpu.memory_space<hbm>> -> memref<624x128xf32, #tpu.memory_space<hbm>>
      %dma_wait3A_383 = arith.constant 0 : i32
      %dma_wait3A_384 = tpu.memref_slice %arg5[%mul3A_6, %dma_wait3A_383] : memref<10000x128xf32, #tpu.memory_space<vmem_shared>> -> memref<624x128xf32, #tpu.memory_space<vmem_shared>>
      tpu.wait_dma2 semaphore(%run_scoped3A_374 : memref<!tpu.dma_semaphore, #tpu.memory_space<semaphore_mem>>) src(%dma_wait3A_384 : memref<624x128xf32, #tpu.memory_space<vmem_shared>>) dst(%dma_wait3A_382 : memref<624x128xf32, #tpu.memory_space<hbm>>)
      tpu.yield
    }) : () -> ()
    %eq3A_369 = arith.constant 15 : i32
    %eq3A_370 = arith.cmpi eq, %arg1, %eq3A_369 : i32
    %convert_element_type3A_371 = arith.extui %eq3A_370 : i1 to i32
    %cond3A_372 = arith.constant 0 : i32
    %cond3A_373 = arith.cmpi ne, %convert_element_type3A_371, %cond3A_372 : i32
    scf.if %cond3A_373 {
      "tpu.region"() ({
        %run_scoped3A_374 = tpu.sem_alloc : memref<!tpu.dma_semaphore, #tpu.memory_space<semaphore_mem>>
        %dma_start3A_375 = arith.constant 9984 : i32
        %dma_start3A_376 = arith.constant 0 : i32
        %dma_start3A_377 = tpu.memref_slice %arg4[%arg0, %dma_start3A_375, %dma_start3A_376] : memref<2x10000x128xf32, #tpu.memory_space<hbm>> -> memref<1x16x128xf32, #tpu.memory_space<hbm>>
        %dma_start3A_378 = tpu.memref_squeeze %dma_start3A_377 : memref<1x16x128xf32, #tpu.memory_space<hbm>> -> memref<16x128xf32, #tpu.memory_space<hbm>>
        %dma_start3A_379 = arith.constant 9984 : i32
        %dma_start3A_380 = arith.constant 0 : i32
        %dma_start3A_381 = tpu.memref_slice %arg5[%dma_start3A_379, %dma_start3A_380] : memref<10000x128xf32, #tpu.memory_space<vmem_shared>> -> memref<16x128xf32, #tpu.memory_space<vmem_shared>>
        tpu.enqueue_dma source(%dma_start3A_381 : memref<16x128xf32, #tpu.memory_space<vmem_shared>>) target(%dma_start3A_378 : memref<16x128xf32, #tpu.memory_space<hbm>>) target_semaphore(%run_scoped3A_374 : memref<!tpu.dma_semaphore, #tpu.memory_space<semaphore_mem>>)
        %dma_wait3A_382 = arith.constant 9984 : i32
        %dma_wait3A_383 = arith.constant 0 : i32
        %dma_wait3A_384 = tpu.memref_slice %arg4[%arg0, %dma_wait3A_382, %dma_wait3A_383] : memref<2x10000x128xf32, #tpu.memory_space<hbm>> -> memref<1x16x128xf32, #tpu.memory_space<hbm>>
        %dma_wait3A_385 = tpu.memref_squeeze %dma_wait3A_384 : memref<1x16x128xf32, #tpu.memory_space<hbm>> -> memref<16x128xf32, #tpu.memory_space<hbm>>
        %dma_wait3A_386 = arith.constant 9984 : i32
        %dma_wait3A_387 = arith.constant 0 : i32
        %dma_wait3A_388 = tpu.memref_slice %arg5[%dma_wait3A_386, %dma_wait3A_387] : memref<10000x128xf32, #tpu.memory_space<vmem_shared>> -> memref<16x128xf32, #tpu.memory_space<vmem_shared>>
        tpu.wait_dma2 semaphore(%run_scoped3A_374 : memref<!tpu.dma_semaphore, #tpu.memory_space<semaphore_mem>>) src(%dma_wait3A_388 : memref<16x128xf32, #tpu.memory_space<vmem_shared>>) dst(%dma_wait3A_385 : memref<16x128xf32, #tpu.memory_space<hbm>>)
        tpu.yield
      }) : () -> ()
    } else {
    }
    return
  }
}

#map = affine_map<(d0, d1) -> (0, 0)>
#map1 = affine_map<(d0, d1) -> (0)>
#map2 = affine_map<(d0, d1) -> (0, 0, 0)>
module attributes {stable_mosaic.version = 14 : i64} {
  func.func @_seg_sum_body(%arg0: i32, %arg1: i32, %arg2: memref<158720x128xf32, #tpu.memory_space<hbm>>, %arg3: memref<320000xi32, #tpu.memory_space<hbm>>, %arg4: memref<2x10000x128xf32, #tpu.memory_space<hbm>>, %arg5: memref<10000x128xf32, #tpu.memory_space<vmem_shared>>, %arg6: memref<4x80xi32, #tpu.memory_space<vmem>>, %arg7: memref<4x80x128xf32, #tpu.memory_space<vmem>>, %arg8: memref<4x!tpu.dma_semaphore, #tpu.memory_space<semaphore_mem>>, %arg9: memref<4x!tpu.dma_semaphore, #tpu.memory_space<semaphore_mem>>, %arg10: memref<4x!tpu.dma_semaphore, #tpu.memory_space<semaphore_mem>>) attributes {dimension_semantics = [#tpu.dimension_semantics<core_parallel>, #tpu.dimension_semantics<subcore_parallel>], iteration_bounds = array<i64: 2, 16>, scalar_prefetch = 0 : i64, scratch_operands = 6 : i64, tpu.core_type = #tpu.core_type<sc_vector_subcore>, window_params = [{transform_indices = #map}, {transform_indices = #map1}, {transform_indices = #map2}]} {
    %mul3A = arith.constant 16 : i32
    %mul3A_0 = arith.muli %arg0, %mul3A : i32
    %add3A = arith.addi %mul3A_0, %arg1 : i32
    %mul3A_1 = arith.constant 4960 : i32
    %mul3A_2 = arith.muli %add3A, %mul3A_1 : i32
    %add3A_3 = arith.constant 161280 : i32
    %add3A_4 = arith.addi %add3A_3, %mul3A_2 : i32
    %mul3A_5 = arith.constant 624 : i32
    %mul3A_6 = arith.muli %arg1, %mul3A_5 : i32
    %scan3A = arith.constant 0 : i32
    %scan3A_7 = arith.constant 80 : i32
    %scan3A_8 = arith.addi %scan3A, %scan3A_7 : i32
    %scan3A_9 = arith.constant 1 : i32
    scf.for %scan3A_327 = %scan3A to %scan3A_8 step %scan3A_9  : i32 {
      %mul3A_328 = arith.constant 1 : i32
      %mul3A_329 = arith.muli %scan3A_327, %mul3A_328 : i32
      %add3A_330 = arith.constant 0 : i32
      %add3A_331 = arith.addi %add3A_330, %mul3A_329 : i32
      %broadcast_in_dim3A = arith.constant 0.000000e+00 : f32
      %broadcast_in_dim3A_332 = vector.broadcast %broadcast_in_dim3A : f32 to vector<16xf32>
      %swap3A = arith.constant 0 : i32
      %swap3A_333 = arith.index_cast %swap3A : i32 to index
      %swap3A_334 = arith.index_cast %add3A_331 : i32 to index
      %swap3A_335 = arith.constant 0 : index
      %swap3A_336 = tpu.vector_load %arg7[%swap3A_333, %swap3A_334, %swap3A_335] {strides = array<i32>} : memref<4x80x128xf32, #tpu.memory_space<vmem>>, vector<1x1x16xf32>,
      %swap3A_337 = vector.shape_cast %swap3A_336 : vector<1x1x16xf32> to vector<16xf32>
      %swap3A_338 = vector.shape_cast %broadcast_in_dim3A_332 : vector<16xf32> to vector<1x1x16xf32>
      tpu.vector_store %arg7[%swap3A_333, %swap3A_334, %swap3A_335], %swap3A_338 {strides = array<i32>} : memref<4x80x128xf32, #tpu.memory_space<vmem>>, vector<1x1x16xf32>,
      %broadcast_in_dim3A_339 = arith.constant 0.000000e+00 : f32
      %broadcast_in_dim3A_340 = vector.broadcast %broadcast_in_dim3A_339 : f32 to vector<16xf32>
      %swap3A_341 = arith.constant 0 : i32
      %swap3A_342 = arith.index_cast %swap3A_341 : i32 to index
      %swap3A_343 = arith.index_cast %add3A_331 : i32 to index
      %swap3A_344 = arith.constant 16 : index
      %swap3A_345 = tpu.vector_load %arg7[%swap3A_342, %swap3A_343, %swap3A_344] {strides = array<i32>} : memref<4x80x128xf32, #tpu.memory_space<vmem>>, vector<1x1x16xf32>,
      %swap3A_346 = vector.shape_cast %swap3A_345 : vector<1x1x16xf32> to vector<16xf32>
      %swap3A_347 = vector.shape_cast %broadcast_in_dim3A_340 : vector<16xf32> to vector<1x1x16xf32>
      tpu.vector_store %arg7[%swap3A_342, %swap3A_343, %swap3A_344], %swap3A_347 {strides = array<i32>} : memref<4x80x128xf32, #tpu.memory_space<vmem>>, vector<1x1x16xf32>,
      %broadcast_in_dim3A_348 = arith.constant 0.000000e+00 : f32
      %broadcast_in_dim3A_349 = vector.broadcast %broadcast_in_dim3A_348 : f32 to vector<16xf32>
      %swap3A_350 = arith.constant 0 : i32
      %swap3A_351 = arith.index_cast %swap3A_350 : i32 to index
      %swap3A_352 = arith.index_cast %add3A_331 : i32 to index
      %swap3A_353 = arith.constant 32 : index
      %swap3A_354 = tpu.vector_load %arg7[%swap3A_351, %swap3A_352, %swap3A_353] {strides = array<i32>} : memref<4x80x128xf32, #tpu.memory_space<vmem>>, vector<1x1x16xf32>,
      %swap3A_355 = vector.shape_cast %swap3A_354 : vector<1x1x16xf32> to vector<16xf32>
      %swap3A_356 = vector.shape_cast %broadcast_in_dim3A_349 : vector<16xf32> to vector<1x1x16xf32>
      tpu.vector_store %arg7[%swap3A_351, %swap3A_352, %swap3A_353], %swap3A_356 {strides = array<i32>} : memref<4x80x128xf32, #tpu.memory_space<vmem>>, vector<1x1x16xf32>,
      %broadcast_in_dim3A_357 = arith.constant 0.000000e+00 : f32
      %broadcast_in_dim3A_358 = vector.broadcast %broadcast_in_dim3A_357 : f32 to vector<16xf32>
      %swap3A_359 = arith.constant 0 : i32
      %swap3A_360 = arith.index_cast %swap3A_359 : i32 to index
      %swap3A_361 = arith.index_cast %add3A_331 : i32 to index
      %swap3A_362 = arith.constant 48 : index
      %swap3A_363 = tpu.vector_load %arg7[%swap3A_360, %swap3A_361, %swap3A_362] {strides = array<i32>} : memref<4x80x128xf32, #tpu.memory_space<vmem>>, vector<1x1x16xf32>,
      %swap3A_364 = vector.shape_cast %swap3A_363 : vector<1x1x16xf32> to vector<16xf32>
      %swap3A_365 = vector.shape_cast %broadcast_in_dim3A_358 : vector<16xf32> to vector<1x1x16xf32>
      tpu.vector_store %arg7[%swap3A_360, %swap3A_361, %swap3A_362], %swap3A_365 {strides = array<i32>} : memref<4x80x128xf32, #tpu.memory_space<vmem>>, vector<1x1x16xf32>,
      %broadcast_in_dim3A_366 = arith.constant 0.000000e+00 : f32
      %broadcast_in_dim3A_367 = vector.broadcast %broadcast_in_dim3A_366 : f32 to vector<16xf32>
      %swap3A_368 = arith.constant 0 : i32
      %swap3A_369 = arith.index_cast %swap3A_368 : i32 to index
      %swap3A_370 = arith.index_cast %add3A_331 : i32 to index
      %swap3A_371 = arith.constant 64 : index
      %swap3A_372 = tpu.vector_load %arg7[%swap3A_369, %swap3A_370, %swap3A_371] {strides = array<i32>} : memref<4x80x128xf32, #tpu.memory_space<vmem>>, vector<1x1x16xf32>,
      %swap3A_373 = vector.shape_cast %swap3A_372 : vector<1x1x16xf32> to vector<16xf32>
      %swap3A_374 = vector.shape_cast %broadcast_in_dim3A_367 : vector<16xf32> to vector<1x1x16xf32>
      tpu.vector_store %arg7[%swap3A_369, %swap3A_370, %swap3A_371], %swap3A_374 {strides = array<i32>} : memref<4x80x128xf32, #tpu.memory_space<vmem>>, vector<1x1x16xf32>,
      %broadcast_in_dim3A_375 = arith.constant 0.000000e+00 : f32
      %broadcast_in_dim3A_376 = vector.broadcast %broadcast_in_dim3A_375 : f32 to vector<16xf32>
      %swap3A_377 = arith.constant 0 : i32
      %swap3A_378 = arith.index_cast %swap3A_377 : i32 to index
      %swap3A_379 = arith.index_cast %add3A_331 : i32 to index
      %swap3A_380 = arith.constant 80 : index
      %swap3A_381 = tpu.vector_load %arg7[%swap3A_378, %swap3A_379, %swap3A_380] {strides = array<i32>} : memref<4x80x128xf32, #tpu.memory_space<vmem>>, vector<1x1x16xf32>,
      %swap3A_382 = vector.shape_cast %swap3A_381 : vector<1x1x16xf32> to vector<16xf32>
      %swap3A_383 = vector.shape_cast %broadcast_in_dim3A_376 : vector<16xf32> to vector<1x1x16xf32>
      tpu.vector_store %arg7[%swap3A_378, %swap3A_379, %swap3A_380], %swap3A_383 {strides = array<i32>} : memref<4x80x128xf32, #tpu.memory_space<vmem>>, vector<1x1x16xf32>,
      %broadcast_in_dim3A_384 = arith.constant 0.000000e+00 : f32
      %broadcast_in_dim3A_385 = vector.broadcast %broadcast_in_dim3A_384 : f32 to vector<16xf32>
      %swap3A_386 = arith.constant 0 : i32
      %swap3A_387 = arith.index_cast %swap3A_386 : i32 to index
      %swap3A_388 = arith.index_cast %add3A_331 : i32 to index
      %swap3A_389 = arith.constant 96 : index
      %swap3A_390 = tpu.vector_load %arg7[%swap3A_387, %swap3A_388, %swap3A_389] {strides = array<i32>} : memref<4x80x128xf32, #tpu.memory_space<vmem>>, vector<1x1x16xf32>,
      %swap3A_391 = vector.shape_cast %swap3A_390 : vector<1x1x16xf32> to vector<16xf32>
      %swap3A_392 = vector.shape_cast %broadcast_in_dim3A_385 : vector<16xf32> to vector<1x1x16xf32>
      tpu.vector_store %arg7[%swap3A_387, %swap3A_388, %swap3A_389], %swap3A_392 {strides = array<i32>} : memref<4x80x128xf32, #tpu.memory_space<vmem>>, vector<1x1x16xf32>,
      %broadcast_in_dim3A_393 = arith.constant 0.000000e+00 : f32
      %broadcast_in_dim3A_394 = vector.broadcast %broadcast_in_dim3A_393 : f32 to vector<16xf32>
      %swap3A_395 = arith.constant 0 : i32
      %swap3A_396 = arith.index_cast %swap3A_395 : i32 to index
      %swap3A_397 = arith.index_cast %add3A_331 : i32 to index
      %swap3A_398 = arith.constant 112 : index
      %swap3A_399 = tpu.vector_load %arg7[%swap3A_396, %swap3A_397, %swap3A_398] {strides = array<i32>} : memref<4x80x128xf32, #tpu.memory_space<vmem>>, vector<1x1x16xf32>,
      %swap3A_400 = vector.shape_cast %swap3A_399 : vector<1x1x16xf32> to vector<16xf32>
      %swap3A_401 = vector.shape_cast %broadcast_in_dim3A_394 : vector<16xf32> to vector<1x1x16xf32>
      tpu.vector_store %arg7[%swap3A_396, %swap3A_397, %swap3A_398], %swap3A_401 {strides = array<i32>} : memref<4x80x128xf32, #tpu.memory_space<vmem>>, vector<1x1x16xf32>,
    }
    %scan3A_10 = arith.constant 80 : i32
    %add3A_11 = arith.constant 0 : i32
    %add3A_12 = arith.addi %mul3A_6, %add3A_11 : i32
    %run_scoped3A = arith.constant 0 : i32
    "tpu.region"() ({
      %run_scoped3A_327 = tpu.sem_alloc : memref<!tpu.dma_semaphore, #tpu.memory_space<semaphore_mem>>
      %dma_start3A_328 = arith.constant 0 : i32
      %dma_start3A_329 = arith.constant 0 : i32
      %dma_start3A_330 = tpu.memref_slice %arg7[%run_scoped3A, %dma_start3A_328, %dma_start3A_329] : memref<4x80x128xf32, #tpu.memory_space<vmem>> -> memref<1x80x128xf32, #tpu.memory_space<vmem>>
      %dma_start3A_331 = tpu.memref_squeeze %dma_start3A_330 : memref<1x80x128xf32, #tpu.memory_space<vmem>> -> memref<80x128xf32, #tpu.memory_space<vmem>>
      %dma_start3A_332 = arith.constant 0 : i32
      %dma_start3A_333 = tpu.memref_slice %arg5[%add3A_12, %dma_start3A_332] : memref<10000x128xf32, #tpu.memory_space<vmem_shared>> -> memref<80x128xf32, #tpu.memory_space<vmem_shared>>
      %dma_start3A_334 = arith.constant 0 : i32
      %dma_start3A_335 = tpu.memref_slice %arg5[%add3A_12, %dma_start3A_334] : memref<10000x128xf32, #tpu.memory_space<vmem_shared>> -> memref<80x128xf32, #tpu.memory_space<vmem_shared>>
      %dma_start3A_336 = arith.constant 0 : i32
      %dma_start3A_337 = arith.constant 0 : i32
      %dma_start3A_338 = tpu.memref_slice %arg7[%run_scoped3A, %dma_start3A_336, %dma_start3A_337] : memref<4x80x128xf32, #tpu.memory_space<vmem>> -> memref<1x80x128xf32, #tpu.memory_space<vmem>>
      %dma_start3A_339 = tpu.memref_squeeze %dma_start3A_338 : memref<1x80x128xf32, #tpu.memory_space<vmem>> -> memref<80x128xf32, #tpu.memory_space<vmem>>
      tpu.enqueue_dma source(%dma_start3A_339 : memref<80x128xf32, #tpu.memory_space<vmem>>) target(%dma_start3A_335 : memref<80x128xf32, #tpu.memory_space<vmem_shared>>) target_semaphore(%run_scoped3A_327 : memref<!tpu.dma_semaphore, #tpu.memory_space<semaphore_mem>>)
      %dma_wait3A_340 = arith.constant 0 : i32
      %dma_wait3A_341 = arith.constant 0 : i32
      %dma_wait3A_342 = tpu.memref_slice %arg7[%run_scoped3A, %dma_wait3A_340, %dma_wait3A_341] : memref<4x80x128xf32, #tpu.memory_space<vmem>> -> memref<1x80x128xf32, #tpu.memory_space<vmem>>
      %dma_wait3A_343 = tpu.memref_squeeze %dma_wait3A_342 : memref<1x80x128xf32, #tpu.memory_space<vmem>> -> memref<80x128xf32, #tpu.memory_space<vmem>>
      %dma_wait3A_344 = arith.constant 0 : i32
      %dma_wait3A_345 = tpu.memref_slice %arg5[%add3A_12, %dma_wait3A_344] : memref<10000x128xf32, #tpu.memory_space<vmem_shared>> -> memref<80x128xf32, #tpu.memory_space<vmem_shared>>
      %dma_wait3A_346 = arith.constant 0 : i32
      %dma_wait3A_347 = tpu.memref_slice %arg5[%add3A_12, %dma_wait3A_346] : memref<10000x128xf32, #tpu.memory_space<vmem_shared>> -> memref<80x128xf32, #tpu.memory_space<vmem_shared>>
      %dma_wait3A_348 = arith.constant 0 : i32
      %dma_wait3A_349 = arith.constant 0 : i32
      %dma_wait3A_350 = tpu.memref_slice %arg7[%run_scoped3A, %dma_wait3A_348, %dma_wait3A_349] : memref<4x80x128xf32, #tpu.memory_space<vmem>> -> memref<1x80x128xf32, #tpu.memory_space<vmem>>
      %dma_wait3A_351 = tpu.memref_squeeze %dma_wait3A_350 : memref<1x80x128xf32, #tpu.memory_space<vmem>> -> memref<80x128xf32, #tpu.memory_space<vmem>>
      tpu.wait_dma2 semaphore(%run_scoped3A_327 : memref<!tpu.dma_semaphore, #tpu.memory_space<semaphore_mem>>) src(%dma_wait3A_351 : memref<80x128xf32, #tpu.memory_space<vmem>>) dst(%dma_wait3A_347 : memref<80x128xf32, #tpu.memory_space<vmem_shared>>)
      tpu.yield
    }) : () -> ()
    %add3A_13 = arith.constant 80 : i32
    %add3A_14 = arith.addi %mul3A_6, %add3A_13 : i32
    %run_scoped3A_15 = arith.constant 0 : i32
    "tpu.region"() ({
      %run_scoped3A_327 = tpu.sem_alloc : memref<!tpu.dma_semaphore, #tpu.memory_space<semaphore_mem>>
      %dma_start3A_328 = arith.constant 0 : i32
      %dma_start3A_329 = arith.constant 0 : i32
      %dma_start3A_330 = tpu.memref_slice %arg7[%run_scoped3A_15, %dma_start3A_328, %dma_start3A_329] : memref<4x80x128xf32, #tpu.memory_space<vmem>> -> memref<1x80x128xf32, #tpu.memory_space<vmem>>
      %dma_start3A_331 = tpu.memref_squeeze %dma_start3A_330 : memref<1x80x128xf32, #tpu.memory_space<vmem>> -> memref<80x128xf32, #tpu.memory_space<vmem>>
      %dma_start3A_332 = arith.constant 0 : i32
      %dma_start3A_333 = tpu.memref_slice %arg5[%add3A_14, %dma_start3A_332] : memref<10000x128xf32, #tpu.memory_space<vmem_shared>> -> memref<80x128xf32, #tpu.memory_space<vmem_shared>>
      %dma_start3A_334 = arith.constant 0 : i32
      %dma_start3A_335 = tpu.memref_slice %arg5[%add3A_14, %dma_start3A_334] : memref<10000x128xf32, #tpu.memory_space<vmem_shared>> -> memref<80x128xf32, #tpu.memory_space<vmem_shared>>
      %dma_start3A_336 = arith.constant 0 : i32
      %dma_start3A_337 = arith.constant 0 : i32
      %dma_start3A_338 = tpu.memref_slice %arg7[%run_scoped3A_15, %dma_start3A_336, %dma_start3A_337] : memref<4x80x128xf32, #tpu.memory_space<vmem>> -> memref<1x80x128xf32, #tpu.memory_space<vmem>>
      %dma_start3A_339 = tpu.memref_squeeze %dma_start3A_338 : memref<1x80x128xf32, #tpu.memory_space<vmem>> -> memref<80x128xf32, #tpu.memory_space<vmem>>
      tpu.enqueue_dma source(%dma_start3A_339 : memref<80x128xf32, #tpu.memory_space<vmem>>) target(%dma_start3A_335 : memref<80x128xf32, #tpu.memory_space<vmem_shared>>) target_semaphore(%run_scoped3A_327 : memref<!tpu.dma_semaphore, #tpu.memory_space<semaphore_mem>>)
      %dma_wait3A_340 = arith.constant 0 : i32
      %dma_wait3A_341 = arith.constant 0 : i32
      %dma_wait3A_342 = tpu.memref_slice %arg7[%run_scoped3A_15, %dma_wait3A_340, %dma_wait3A_341] : memref<4x80x128xf32, #tpu.memory_space<vmem>> -> memref<1x80x128xf32, #tpu.memory_space<vmem>>
      %dma_wait3A_343 = tpu.memref_squeeze %dma_wait3A_342 : memref<1x80x128xf32, #tpu.memory_space<vmem>> -> memref<80x128xf32, #tpu.memory_space<vmem>>
      %dma_wait3A_344 = arith.constant 0 : i32
      %dma_wait3A_345 = tpu.memref_slice %arg5[%add3A_14, %dma_wait3A_344] : memref<10000x128xf32, #tpu.memory_space<vmem_shared>> -> memref<80x128xf32, #tpu.memory_space<vmem_shared>>
      %dma_wait3A_346 = arith.constant 0 : i32
      %dma_wait3A_347 = tpu.memref_slice %arg5[%add3A_14, %dma_wait3A_346] : memref<10000x128xf32, #tpu.memory_space<vmem_shared>> -> memref<80x128xf32, #tpu.memory_space<vmem_shared>>
      %dma_wait3A_348 = arith.constant 0 : i32
      %dma_wait3A_349 = arith.constant 0 : i32
      %dma_wait3A_350 = tpu.memref_slice %arg7[%run_scoped3A_15, %dma_wait3A_348, %dma_wait3A_349] : memref<4x80x128xf32, #tpu.memory_space<vmem>> -> memref<1x80x128xf32, #tpu.memory_space<vmem>>
      %dma_wait3A_351 = tpu.memref_squeeze %dma_wait3A_350 : memref<1x80x128xf32, #tpu.memory_space<vmem>> -> memref<80x128xf32, #tpu.memory_space<vmem>>
      tpu.wait_dma2 semaphore(%run_scoped3A_327 : memref<!tpu.dma_semaphore, #tpu.memory_space<semaphore_mem>>) src(%dma_wait3A_351 : memref<80x128xf32, #tpu.memory_space<vmem>>) dst(%dma_wait3A_347 : memref<80x128xf32, #tpu.memory_space<vmem_shared>>)
      tpu.yield
    }) : () -> ()
    %add3A_16 = arith.constant 160 : i32
    %add3A_17 = arith.addi %mul3A_6, %add3A_16 : i32
    %run_scoped3A_18 = arith.constant 0 : i32
    "tpu.region"() ({
      %run_scoped3A_327 = tpu.sem_alloc : memref<!tpu.dma_semaphore, #tpu.memory_space<semaphore_mem>>
      %dma_start3A_328 = arith.constant 0 : i32
      %dma_start3A_329 = arith.constant 0 : i32
      %dma_start3A_330 = tpu.memref_slice %arg7[%run_scoped3A_18, %dma_start3A_328, %dma_start3A_329] : memref<4x80x128xf32, #tpu.memory_space<vmem>> -> memref<1x80x128xf32, #tpu.memory_space<vmem>>
      %dma_start3A_331 = tpu.memref_squeeze %dma_start3A_330 : memref<1x80x128xf32, #tpu.memory_space<vmem>> -> memref<80x128xf32, #tpu.memory_space<vmem>>
      %dma_start3A_332 = arith.constant 0 : i32
      %dma_start3A_333 = tpu.memref_slice %arg5[%add3A_17, %dma_start3A_332] : memref<10000x128xf32, #tpu.memory_space<vmem_shared>> -> memref<80x128xf32, #tpu.memory_space<vmem_shared>>
      %dma_start3A_334 = arith.constant 0 : i32
      %dma_start3A_335 = tpu.memref_slice %arg5[%add3A_17, %dma_start3A_334] : memref<10000x128xf32, #tpu.memory_space<vmem_shared>> -> memref<80x128xf32, #tpu.memory_space<vmem_shared>>
      %dma_start3A_336 = arith.constant 0 : i32
      %dma_start3A_337 = arith.constant 0 : i32
      %dma_start3A_338 = tpu.memref_slice %arg7[%run_scoped3A_18, %dma_start3A_336, %dma_start3A_337] : memref<4x80x128xf32, #tpu.memory_space<vmem>> -> memref<1x80x128xf32, #tpu.memory_space<vmem>>
      %dma_start3A_339 = tpu.memref_squeeze %dma_start3A_338 : memref<1x80x128xf32, #tpu.memory_space<vmem>> -> memref<80x128xf32, #tpu.memory_space<vmem>>
      tpu.enqueue_dma source(%dma_start3A_339 : memref<80x128xf32, #tpu.memory_space<vmem>>) target(%dma_start3A_335 : memref<80x128xf32, #tpu.memory_space<vmem_shared>>) target_semaphore(%run_scoped3A_327 : memref<!tpu.dma_semaphore, #tpu.memory_space<semaphore_mem>>)
      %dma_wait3A_340 = arith.constant 0 : i32
      %dma_wait3A_341 = arith.constant 0 : i32
      %dma_wait3A_342 = tpu.memref_slice %arg7[%run_scoped3A_18, %dma_wait3A_340, %dma_wait3A_341] : memref<4x80x128xf32, #tpu.memory_space<vmem>> -> memref<1x80x128xf32, #tpu.memory_space<vmem>>
      %dma_wait3A_343 = tpu.memref_squeeze %dma_wait3A_342 : memref<1x80x128xf32, #tpu.memory_space<vmem>> -> memref<80x128xf32, #tpu.memory_space<vmem>>
      %dma_wait3A_344 = arith.constant 0 : i32
      %dma_wait3A_345 = tpu.memref_slice %arg5[%add3A_17, %dma_wait3A_344] : memref<10000x128xf32, #tpu.memory_space<vmem_shared>> -> memref<80x128xf32, #tpu.memory_space<vmem_shared>>
      %dma_wait3A_346 = arith.constant 0 : i32
      %dma_wait3A_347 = tpu.memref_slice %arg5[%add3A_17, %dma_wait3A_346] : memref<10000x128xf32, #tpu.memory_space<vmem_shared>> -> memref<80x128xf32, #tpu.memory_space<vmem_shared>>
      %dma_wait3A_348 = arith.constant 0 : i32
      %dma_wait3A_349 = arith.constant 0 : i32
      %dma_wait3A_350 = tpu.memref_slice %arg7[%run_scoped3A_18, %dma_wait3A_348, %dma_wait3A_349] : memref<4x80x128xf32, #tpu.memory_space<vmem>> -> memref<1x80x128xf32, #tpu.memory_space<vmem>>
      %dma_wait3A_351 = tpu.memref_squeeze %dma_wait3A_350 : memref<1x80x128xf32, #tpu.memory_space<vmem>> -> memref<80x128xf32, #tpu.memory_space<vmem>>
      tpu.wait_dma2 semaphore(%run_scoped3A_327 : memref<!tpu.dma_semaphore, #tpu.memory_space<semaphore_mem>>) src(%dma_wait3A_351 : memref<80x128xf32, #tpu.memory_space<vmem>>) dst(%dma_wait3A_347 : memref<80x128xf32, #tpu.memory_space<vmem_shared>>)
      tpu.yield
    }) : () -> ()
    %add3A_19 = arith.constant 240 : i32
    %add3A_20 = arith.addi %mul3A_6, %add3A_19 : i32
    %run_scoped3A_21 = arith.constant 0 : i32
    "tpu.region"() ({
      %run_scoped3A_327 = tpu.sem_alloc : memref<!tpu.dma_semaphore, #tpu.memory_space<semaphore_mem>>
      %dma_start3A_328 = arith.constant 0 : i32
      %dma_start3A_329 = arith.constant 0 : i32
      %dma_start3A_330 = tpu.memref_slice %arg7[%run_scoped3A_21, %dma_start3A_328, %dma_start3A_329] : memref<4x80x128xf32, #tpu.memory_space<vmem>> -> memref<1x80x128xf32, #tpu.memory_space<vmem>>
      %dma_start3A_331 = tpu.memref_squeeze %dma_start3A_330 : memref<1x80x128xf32, #tpu.memory_space<vmem>> -> memref<80x128xf32, #tpu.memory_space<vmem>>
      %dma_start3A_332 = arith.constant 0 : i32
      %dma_start3A_333 = tpu.memref_slice %arg5[%add3A_20, %dma_start3A_332] : memref<10000x128xf32, #tpu.memory_space<vmem_shared>> -> memref<80x128xf32, #tpu.memory_space<vmem_shared>>
      %dma_start3A_334 = arith.constant 0 : i32
      %dma_start3A_335 = tpu.memref_slice %arg5[%add3A_20, %dma_start3A_334] : memref<10000x128xf32, #tpu.memory_space<vmem_shared>> -> memref<80x128xf32, #tpu.memory_space<vmem_shared>>
      %dma_start3A_336 = arith.constant 0 : i32
      %dma_start3A_337 = arith.constant 0 : i32
      %dma_start3A_338 = tpu.memref_slice %arg7[%run_scoped3A_21, %dma_start3A_336, %dma_start3A_337] : memref<4x80x128xf32, #tpu.memory_space<vmem>> -> memref<1x80x128xf32, #tpu.memory_space<vmem>>
      %dma_start3A_339 = tpu.memref_squeeze %dma_start3A_338 : memref<1x80x128xf32, #tpu.memory_space<vmem>> -> memref<80x128xf32, #tpu.memory_space<vmem>>
      tpu.enqueue_dma source(%dma_start3A_339 : memref<80x128xf32, #tpu.memory_space<vmem>>) target(%dma_start3A_335 : memref<80x128xf32, #tpu.memory_space<vmem_shared>>) target_semaphore(%run_scoped3A_327 : memref<!tpu.dma_semaphore, #tpu.memory_space<semaphore_mem>>)
      %dma_wait3A_340 = arith.constant 0 : i32
      %dma_wait3A_341 = arith.constant 0 : i32
      %dma_wait3A_342 = tpu.memref_slice %arg7[%run_scoped3A_21, %dma_wait3A_340, %dma_wait3A_341] : memref<4x80x128xf32, #tpu.memory_space<vmem>> -> memref<1x80x128xf32, #tpu.memory_space<vmem>>
      %dma_wait3A_343 = tpu.memref_squeeze %dma_wait3A_342 : memref<1x80x128xf32, #tpu.memory_space<vmem>> -> memref<80x128xf32, #tpu.memory_space<vmem>>
      %dma_wait3A_344 = arith.constant 0 : i32
      %dma_wait3A_345 = tpu.memref_slice %arg5[%add3A_20, %dma_wait3A_344] : memref<10000x128xf32, #tpu.memory_space<vmem_shared>> -> memref<80x128xf32, #tpu.memory_space<vmem_shared>>
      %dma_wait3A_346 = arith.constant 0 : i32
      %dma_wait3A_347 = tpu.memref_slice %arg5[%add3A_20, %dma_wait3A_346] : memref<10000x128xf32, #tpu.memory_space<vmem_shared>> -> memref<80x128xf32, #tpu.memory_space<vmem_shared>>
      %dma_wait3A_348 = arith.constant 0 : i32
      %dma_wait3A_349 = arith.constant 0 : i32
      %dma_wait3A_350 = tpu.memref_slice %arg7[%run_scoped3A_21, %dma_wait3A_348, %dma_wait3A_349] : memref<4x80x128xf32, #tpu.memory_space<vmem>> -> memref<1x80x128xf32, #tpu.memory_space<vmem>>
      %dma_wait3A_351 = tpu.memref_squeeze %dma_wait3A_350 : memref<1x80x128xf32, #tpu.memory_space<vmem>> -> memref<80x128xf32, #tpu.memory_space<vmem>>
      tpu.wait_dma2 semaphore(%run_scoped3A_327 : memref<!tpu.dma_semaphore, #tpu.memory_space<semaphore_mem>>) src(%dma_wait3A_351 : memref<80x128xf32, #tpu.memory_space<vmem>>) dst(%dma_wait3A_347 : memref<80x128xf32, #tpu.memory_space<vmem_shared>>)
      tpu.yield
    }) : () -> ()
    %add3A_22 = arith.constant 320 : i32
    %add3A_23 = arith.addi %mul3A_6, %add3A_22 : i32
    %run_scoped3A_24 = arith.constant 0 : i32
    "tpu.region"() ({
      %run_scoped3A_327 = tpu.sem_alloc : memref<!tpu.dma_semaphore, #tpu.memory_space<semaphore_mem>>
      %dma_start3A_328 = arith.constant 0 : i32
      %dma_start3A_329 = arith.constant 0 : i32
      %dma_start3A_330 = tpu.memref_slice %arg7[%run_scoped3A_24, %dma_start3A_328, %dma_start3A_329] : memref<4x80x128xf32, #tpu.memory_space<vmem>> -> memref<1x80x128xf32, #tpu.memory_space<vmem>>
      %dma_start3A_331 = tpu.memref_squeeze %dma_start3A_330 : memref<1x80x128xf32, #tpu.memory_space<vmem>> -> memref<80x128xf32, #tpu.memory_space<vmem>>
      %dma_start3A_332 = arith.constant 0 : i32
      %dma_start3A_333 = tpu.memref_slice %arg5[%add3A_23, %dma_start3A_332] : memref<10000x128xf32, #tpu.memory_space<vmem_shared>> -> memref<80x128xf32, #tpu.memory_space<vmem_shared>>
      %dma_start3A_334 = arith.constant 0 : i32
      %dma_start3A_335 = tpu.memref_slice %arg5[%add3A_23, %dma_start3A_334] : memref<10000x128xf32, #tpu.memory_space<vmem_shared>> -> memref<80x128xf32, #tpu.memory_space<vmem_shared>>
      %dma_start3A_336 = arith.constant 0 : i32
      %dma_start3A_337 = arith.constant 0 : i32
      %dma_start3A_338 = tpu.memref_slice %arg7[%run_scoped3A_24, %dma_start3A_336, %dma_start3A_337] : memref<4x80x128xf32, #tpu.memory_space<vmem>> -> memref<1x80x128xf32, #tpu.memory_space<vmem>>
      %dma_start3A_339 = tpu.memref_squeeze %dma_start3A_338 : memref<1x80x128xf32, #tpu.memory_space<vmem>> -> memref<80x128xf32, #tpu.memory_space<vmem>>
      tpu.enqueue_dma source(%dma_start3A_339 : memref<80x128xf32, #tpu.memory_space<vmem>>) target(%dma_start3A_335 : memref<80x128xf32, #tpu.memory_space<vmem_shared>>) target_semaphore(%run_scoped3A_327 : memref<!tpu.dma_semaphore, #tpu.memory_space<semaphore_mem>>)
      %dma_wait3A_340 = arith.constant 0 : i32
      %dma_wait3A_341 = arith.constant 0 : i32
      %dma_wait3A_342 = tpu.memref_slice %arg7[%run_scoped3A_24, %dma_wait3A_340, %dma_wait3A_341] : memref<4x80x128xf32, #tpu.memory_space<vmem>> -> memref<1x80x128xf32, #tpu.memory_space<vmem>>
      %dma_wait3A_343 = tpu.memref_squeeze %dma_wait3A_342 : memref<1x80x128xf32, #tpu.memory_space<vmem>> -> memref<80x128xf32, #tpu.memory_space<vmem>>
      %dma_wait3A_344 = arith.constant 0 : i32
      %dma_wait3A_345 = tpu.memref_slice %arg5[%add3A_23, %dma_wait3A_344] : memref<10000x128xf32, #tpu.memory_space<vmem_shared>> -> memref<80x128xf32, #tpu.memory_space<vmem_shared>>
      %dma_wait3A_346 = arith.constant 0 : i32
      %dma_wait3A_347 = tpu.memref_slice %arg5[%add3A_23, %dma_wait3A_346] : memref<10000x128xf32, #tpu.memory_space<vmem_shared>> -> memref<80x128xf32, #tpu.memory_space<vmem_shared>>
      %dma_wait3A_348 = arith.constant 0 : i32
      %dma_wait3A_349 = arith.constant 0 : i32
      %dma_wait3A_350 = tpu.memref_slice %arg7[%run_scoped3A_24, %dma_wait3A_348, %dma_wait3A_349] : memref<4x80x128xf32, #tpu.memory_space<vmem>> -> memref<1x80x128xf32, #tpu.memory_space<vmem>>
      %dma_wait3A_351 = tpu.memref_squeeze %dma_wait3A_350 : memref<1x80x128xf32, #tpu.memory_space<vmem>> -> memref<80x128xf32, #tpu.memory_space<vmem>>
      tpu.wait_dma2 semaphore(%run_scoped3A_327 : memref<!tpu.dma_semaphore, #tpu.memory_space<semaphore_mem>>) src(%dma_wait3A_351 : memref<80x128xf32, #tpu.memory_space<vmem>>) dst(%dma_wait3A_347 : memref<80x128xf32, #tpu.memory_space<vmem_shared>>)
      tpu.yield
    }) : () -> ()
    %add3A_25 = arith.constant 400 : i32
    %add3A_26 = arith.addi %mul3A_6, %add3A_25 : i32
    %run_scoped3A_27 = arith.constant 0 : i32
    "tpu.region"() ({
      %run_scoped3A_327 = tpu.sem_alloc : memref<!tpu.dma_semaphore, #tpu.memory_space<semaphore_mem>>
      %dma_start3A_328 = arith.constant 0 : i32
      %dma_start3A_329 = arith.constant 0 : i32
      %dma_start3A_330 = tpu.memref_slice %arg7[%run_scoped3A_27, %dma_start3A_328, %dma_start3A_329] : memref<4x80x128xf32, #tpu.memory_space<vmem>> -> memref<1x80x128xf32, #tpu.memory_space<vmem>>
      %dma_start3A_331 = tpu.memref_squeeze %dma_start3A_330 : memref<1x80x128xf32, #tpu.memory_space<vmem>> -> memref<80x128xf32, #tpu.memory_space<vmem>>
      %dma_start3A_332 = arith.constant 0 : i32
      %dma_start3A_333 = tpu.memref_slice %arg5[%add3A_26, %dma_start3A_332] : memref<10000x128xf32, #tpu.memory_space<vmem_shared>> -> memref<80x128xf32, #tpu.memory_space<vmem_shared>>
      %dma_start3A_334 = arith.constant 0 : i32
      %dma_start3A_335 = tpu.memref_slice %arg5[%add3A_26, %dma_start3A_334] : memref<10000x128xf32, #tpu.memory_space<vmem_shared>> -> memref<80x128xf32, #tpu.memory_space<vmem_shared>>
      %dma_start3A_336 = arith.constant 0 : i32
      %dma_start3A_337 = arith.constant 0 : i32
      %dma_start3A_338 = tpu.memref_slice %arg7[%run_scoped3A_27, %dma_start3A_336, %dma_start3A_337] : memref<4x80x128xf32, #tpu.memory_space<vmem>> -> memref<1x80x128xf32, #tpu.memory_space<vmem>>
      %dma_start3A_339 = tpu.memref_squeeze %dma_start3A_338 : memref<1x80x128xf32, #tpu.memory_space<vmem>> -> memref<80x128xf32, #tpu.memory_space<vmem>>
      tpu.enqueue_dma source(%dma_start3A_339 : memref<80x128xf32, #tpu.memory_space<vmem>>) target(%dma_start3A_335 : memref<80x128xf32, #tpu.memory_space<vmem_shared>>) target_semaphore(%run_scoped3A_327 : memref<!tpu.dma_semaphore, #tpu.memory_space<semaphore_mem>>)
      %dma_wait3A_340 = arith.constant 0 : i32
      %dma_wait3A_341 = arith.constant 0 : i32
      %dma_wait3A_342 = tpu.memref_slice %arg7[%run_scoped3A_27, %dma_wait3A_340, %dma_wait3A_341] : memref<4x80x128xf32, #tpu.memory_space<vmem>> -> memref<1x80x128xf32, #tpu.memory_space<vmem>>
      %dma_wait3A_343 = tpu.memref_squeeze %dma_wait3A_342 : memref<1x80x128xf32, #tpu.memory_space<vmem>> -> memref<80x128xf32, #tpu.memory_space<vmem>>
      %dma_wait3A_344 = arith.constant 0 : i32
      %dma_wait3A_345 = tpu.memref_slice %arg5[%add3A_26, %dma_wait3A_344] : memref<10000x128xf32, #tpu.memory_space<vmem_shared>> -> memref<80x128xf32, #tpu.memory_space<vmem_shared>>
      %dma_wait3A_346 = arith.constant 0 : i32
      %dma_wait3A_347 = tpu.memref_slice %arg5[%add3A_26, %dma_wait3A_346] : memref<10000x128xf32, #tpu.memory_space<vmem_shared>> -> memref<80x128xf32, #tpu.memory_space<vmem_shared>>
      %dma_wait3A_348 = arith.constant 0 : i32
      %dma_wait3A_349 = arith.constant 0 : i32
      %dma_wait3A_350 = tpu.memref_slice %arg7[%run_scoped3A_27, %dma_wait3A_348, %dma_wait3A_349] : memref<4x80x128xf32, #tpu.memory_space<vmem>> -> memref<1x80x128xf32, #tpu.memory_space<vmem>>
      %dma_wait3A_351 = tpu.memref_squeeze %dma_wait3A_350 : memref<1x80x128xf32, #tpu.memory_space<vmem>> -> memref<80x128xf32, #tpu.memory_space<vmem>>
      tpu.wait_dma2 semaphore(%run_scoped3A_327 : memref<!tpu.dma_semaphore, #tpu.memory_space<semaphore_mem>>) src(%dma_wait3A_351 : memref<80x128xf32, #tpu.memory_space<vmem>>) dst(%dma_wait3A_347 : memref<80x128xf32, #tpu.memory_space<vmem_shared>>)
      tpu.yield
    }) : () -> ()
    %add3A_28 = arith.constant 480 : i32
    %add3A_29 = arith.addi %mul3A_6, %add3A_28 : i32
    %run_scoped3A_30 = arith.constant 0 : i32
    "tpu.region"() ({
      %run_scoped3A_327 = tpu.sem_alloc : memref<!tpu.dma_semaphore, #tpu.memory_space<semaphore_mem>>
      %dma_start3A_328 = arith.constant 0 : i32
      %dma_start3A_329 = arith.constant 0 : i32
      %dma_start3A_330 = tpu.memref_slice %arg7[%run_scoped3A_30, %dma_start3A_328, %dma_start3A_329] : memref<4x80x128xf32, #tpu.memory_space<vmem>> -> memref<1x80x128xf32, #tpu.memory_space<vmem>>
      %dma_start3A_331 = tpu.memref_squeeze %dma_start3A_330 : memref<1x80x128xf32, #tpu.memory_space<vmem>> -> memref<80x128xf32, #tpu.memory_space<vmem>>
      %dma_start3A_332 = arith.constant 0 : i32
      %dma_start3A_333 = tpu.memref_slice %arg5[%add3A_29, %dma_start3A_332] : memref<10000x128xf32, #tpu.memory_space<vmem_shared>> -> memref<80x128xf32, #tpu.memory_space<vmem_shared>>
      %dma_start3A_334 = arith.constant 0 : i32
      %dma_start3A_335 = tpu.memref_slice %arg5[%add3A_29, %dma_start3A_334] : memref<10000x128xf32, #tpu.memory_space<vmem_shared>> -> memref<80x128xf32, #tpu.memory_space<vmem_shared>>
      %dma_start3A_336 = arith.constant 0 : i32
      %dma_start3A_337 = arith.constant 0 : i32
      %dma_start3A_338 = tpu.memref_slice %arg7[%run_scoped3A_30, %dma_start3A_336, %dma_start3A_337] : memref<4x80x128xf32, #tpu.memory_space<vmem>> -> memref<1x80x128xf32, #tpu.memory_space<vmem>>
      %dma_start3A_339 = tpu.memref_squeeze %dma_start3A_338 : memref<1x80x128xf32, #tpu.memory_space<vmem>> -> memref<80x128xf32, #tpu.memory_space<vmem>>
      tpu.enqueue_dma source(%dma_start3A_339 : memref<80x128xf32, #tpu.memory_space<vmem>>) target(%dma_start3A_335 : memref<80x128xf32, #tpu.memory_space<vmem_shared>>) target_semaphore(%run_scoped3A_327 : memref<!tpu.dma_semaphore, #tpu.memory_space<semaphore_mem>>)
      %dma_wait3A_340 = arith.constant 0 : i32
      %dma_wait3A_341 = arith.constant 0 : i32
      %dma_wait3A_342 = tpu.memref_slice %arg7[%run_scoped3A_30, %dma_wait3A_340, %dma_wait3A_341] : memref<4x80x128xf32, #tpu.memory_space<vmem>> -> memref<1x80x128xf32, #tpu.memory_space<vmem>>
      %dma_wait3A_343 = tpu.memref_squeeze %dma_wait3A_342 : memref<1x80x128xf32, #tpu.memory_space<vmem>> -> memref<80x128xf32, #tpu.memory_space<vmem>>
      %dma_wait3A_344 = arith.constant 0 : i32
      %dma_wait3A_345 = tpu.memref_slice %arg5[%add3A_29, %dma_wait3A_344] : memref<10000x128xf32, #tpu.memory_space<vmem_shared>> -> memref<80x128xf32, #tpu.memory_space<vmem_shared>>
      %dma_wait3A_346 = arith.constant 0 : i32
      %dma_wait3A_347 = tpu.memref_slice %arg5[%add3A_29, %dma_wait3A_346] : memref<10000x128xf32, #tpu.memory_space<vmem_shared>> -> memref<80x128xf32, #tpu.memory_space<vmem_shared>>
      %dma_wait3A_348 = arith.constant 0 : i32
      %dma_wait3A_349 = arith.constant 0 : i32
      %dma_wait3A_350 = tpu.memref_slice %arg7[%run_scoped3A_30, %dma_wait3A_348, %dma_wait3A_349] : memref<4x80x128xf32, #tpu.memory_space<vmem>> -> memref<1x80x128xf32, #tpu.memory_space<vmem>>
      %dma_wait3A_351 = tpu.memref_squeeze %dma_wait3A_350 : memref<1x80x128xf32, #tpu.memory_space<vmem>> -> memref<80x128xf32, #tpu.memory_space<vmem>>
      tpu.wait_dma2 semaphore(%run_scoped3A_327 : memref<!tpu.dma_semaphore, #tpu.memory_space<semaphore_mem>>) src(%dma_wait3A_351 : memref<80x128xf32, #tpu.memory_space<vmem>>) dst(%dma_wait3A_347 : memref<80x128xf32, #tpu.memory_space<vmem_shared>>)
      tpu.yield
    }) : () -> ()
    %add3A_31 = arith.constant 560 : i32
    %add3A_32 = arith.addi %mul3A_6, %add3A_31 : i32
    %run_scoped3A_33 = arith.constant 0 : i32
    "tpu.region"() ({
      %run_scoped3A_327 = tpu.sem_alloc : memref<!tpu.dma_semaphore, #tpu.memory_space<semaphore_mem>>
      %dma_start3A_328 = arith.constant 0 : i32
      %dma_start3A_329 = arith.constant 0 : i32
      %dma_start3A_330 = tpu.memref_slice %arg7[%run_scoped3A_33, %dma_start3A_328, %dma_start3A_329] : memref<4x80x128xf32, #tpu.memory_space<vmem>> -> memref<1x64x128xf32, #tpu.memory_space<vmem>>
      %dma_start3A_331 = tpu.memref_squeeze %dma_start3A_330 : memref<1x64x128xf32, #tpu.memory_space<vmem>> -> memref<64x128xf32, #tpu.memory_space<vmem>>
      %dma_start3A_332 = arith.constant 0 : i32
      %dma_start3A_333 = tpu.memref_slice %arg5[%add3A_32, %dma_start3A_332] : memref<10000x128xf32, #tpu.memory_space<vmem_shared>> -> memref<64x128xf32, #tpu.memory_space<vmem_shared>>
      %dma_start3A_334 = arith.constant 0 : i32
      %dma_start3A_335 = tpu.memref_slice %arg5[%add3A_32, %dma_start3A_334] : memref<10000x128xf32, #tpu.memory_space<vmem_shared>> -> memref<64x128xf32, #tpu.memory_space<vmem_shared>>
      %dma_start3A_336 = arith.constant 0 : i32
      %dma_start3A_337 = arith.constant 0 : i32
      %dma_start3A_338 = tpu.memref_slice %arg7[%run_scoped3A_33, %dma_start3A_336, %dma_start3A_337] : memref<4x80x128xf32, #tpu.memory_space<vmem>> -> memref<1x64x128xf32, #tpu.memory_space<vmem>>
      %dma_start3A_339 = tpu.memref_squeeze %dma_start3A_338 : memref<1x64x128xf32, #tpu.memory_space<vmem>> -> memref<64x128xf32, #tpu.memory_space<vmem>>
      tpu.enqueue_dma source(%dma_start3A_339 : memref<64x128xf32, #tpu.memory_space<vmem>>) target(%dma_start3A_335 : memref<64x128xf32, #tpu.memory_space<vmem_shared>>) target_semaphore(%run_scoped3A_327 : memref<!tpu.dma_semaphore, #tpu.memory_space<semaphore_mem>>)
      %dma_wait3A_340 = arith.constant 0 : i32
      %dma_wait3A_341 = arith.constant 0 : i32
      %dma_wait3A_342 = tpu.memref_slice %arg7[%run_scoped3A_33, %dma_wait3A_340, %dma_wait3A_341] : memref<4x80x128xf32, #tpu.memory_space<vmem>> -> memref<1x64x128xf32, #tpu.memory_space<vmem>>
      %dma_wait3A_343 = tpu.memref_squeeze %dma_wait3A_342 : memref<1x64x128xf32, #tpu.memory_space<vmem>> -> memref<64x128xf32, #tpu.memory_space<vmem>>
      %dma_wait3A_344 = arith.constant 0 : i32
      %dma_wait3A_345 = tpu.memref_slice %arg5[%add3A_32, %dma_wait3A_344] : memref<10000x128xf32, #tpu.memory_space<vmem_shared>> -> memref<64x128xf32, #tpu.memory_space<vmem_shared>>
      %dma_wait3A_346 = arith.constant 0 : i32
      %dma_wait3A_347 = tpu.memref_slice %arg5[%add3A_32, %dma_wait3A_346] : memref<10000x128xf32, #tpu.memory_space<vmem_shared>> -> memref<64x128xf32, #tpu.memory_space<vmem_shared>>
      %dma_wait3A_348 = arith.constant 0 : i32
      %dma_wait3A_349 = arith.constant 0 : i32
      %dma_wait3A_350 = tpu.memref_slice %arg7[%run_scoped3A_33, %dma_wait3A_348, %dma_wait3A_349] : memref<4x80x128xf32, #tpu.memory_space<vmem>> -> memref<1x64x128xf32, #tpu.memory_space<vmem>>
      %dma_wait3A_351 = tpu.memref_squeeze %dma_wait3A_350 : memref<1x64x128xf32, #tpu.memory_space<vmem>> -> memref<64x128xf32, #tpu.memory_space<vmem>>
      tpu.wait_dma2 semaphore(%run_scoped3A_327 : memref<!tpu.dma_semaphore, #tpu.memory_space<semaphore_mem>>) src(%dma_wait3A_351 : memref<64x128xf32, #tpu.memory_space<vmem>>) dst(%dma_wait3A_347 : memref<64x128xf32, #tpu.memory_space<vmem_shared>>)
      tpu.yield
    }) : () -> ()
    %eq3A = arith.constant 15 : i32
    %eq3A_34 = arith.cmpi eq, %arg1, %eq3A : i32
    %convert_element_type3A = arith.extui %eq3A_34 : i1 to i32
    %cond3A = arith.constant 0 : i32
    %cond3A_35 = arith.cmpi ne, %convert_element_type3A, %cond3A : i32
    scf.if %cond3A_35 {
      %run_scoped3A_327 = arith.constant 0 : i32
      "tpu.region"() ({
        %run_scoped3A_328 = tpu.sem_alloc : memref<!tpu.dma_semaphore, #tpu.memory_space<semaphore_mem>>
        %dma_start3A_329 = arith.constant 0 : i32
        %dma_start3A_330 = arith.constant 0 : i32
        %dma_start3A_331 = tpu.memref_slice %arg7[%run_scoped3A_327, %dma_start3A_329, %dma_start3A_330] : memref<4x80x128xf32, #tpu.memory_space<vmem>> -> memref<1x16x128xf32, #tpu.memory_space<vmem>>
        %dma_start3A_332 = tpu.memref_squeeze %dma_start3A_331 : memref<1x16x128xf32, #tpu.memory_space<vmem>> -> memref<16x128xf32, #tpu.memory_space<vmem>>
        %dma_start3A_333 = arith.constant 9984 : i32
        %dma_start3A_334 = arith.constant 0 : i32
        %dma_start3A_335 = tpu.memref_slice %arg5[%dma_start3A_333, %dma_start3A_334] : memref<10000x128xf32, #tpu.memory_space<vmem_shared>> -> memref<16x128xf32, #tpu.memory_space<vmem_shared>>
        %dma_start3A_336 = arith.constant 9984 : i32
        %dma_start3A_337 = arith.constant 0 : i32
        %dma_start3A_338 = tpu.memref_slice %arg5[%dma_start3A_336, %dma_start3A_337] : memref<10000x128xf32, #tpu.memory_space<vmem_shared>> -> memref<16x128xf32, #tpu.memory_space<vmem_shared>>
        %dma_start3A_339 = arith.constant 0 : i32
        %dma_start3A_340 = arith.constant 0 : i32
        %dma_start3A_341 = tpu.memref_slice %arg7[%run_scoped3A_327, %dma_start3A_339, %dma_start3A_340] : memref<4x80x128xf32, #tpu.memory_space<vmem>> -> memref<1x16x128xf32, #tpu.memory_space<vmem>>
        %dma_start3A_342 = tpu.memref_squeeze %dma_start3A_341 : memref<1x16x128xf32, #tpu.memory_space<vmem>> -> memref<16x128xf32, #tpu.memory_space<vmem>>
        tpu.enqueue_dma source(%dma_start3A_342 : memref<16x128xf32, #tpu.memory_space<vmem>>) target(%dma_start3A_338 : memref<16x128xf32, #tpu.memory_space<vmem_shared>>) target_semaphore(%run_scoped3A_328 : memref<!tpu.dma_semaphore, #tpu.memory_space<semaphore_mem>>)
        %dma_wait3A_343 = arith.constant 0 : i32
        %dma_wait3A_344 = arith.constant 0 : i32
        %dma_wait3A_345 = tpu.memref_slice %arg7[%run_scoped3A_327, %dma_wait3A_343, %dma_wait3A_344] : memref<4x80x128xf32, #tpu.memory_space<vmem>> -> memref<1x16x128xf32, #tpu.memory_space<vmem>>
        %dma_wait3A_346 = tpu.memref_squeeze %dma_wait3A_345 : memref<1x16x128xf32, #tpu.memory_space<vmem>> -> memref<16x128xf32, #tpu.memory_space<vmem>>
        %dma_wait3A_347 = arith.constant 9984 : i32
        %dma_wait3A_348 = arith.constant 0 : i32
        %dma_wait3A_349 = tpu.memref_slice %arg5[%dma_wait3A_347, %dma_wait3A_348] : memref<10000x128xf32, #tpu.memory_space<vmem_shared>> -> memref<16x128xf32, #tpu.memory_space<vmem_shared>>
        %dma_wait3A_350 = arith.constant 9984 : i32
        %dma_wait3A_351 = arith.constant 0 : i32
        %dma_wait3A_352 = tpu.memref_slice %arg5[%dma_wait3A_350, %dma_wait3A_351] : memref<10000x128xf32, #tpu.memory_space<vmem_shared>> -> memref<16x128xf32, #tpu.memory_space<vmem_shared>>
        %dma_wait3A_353 = arith.constant 0 : i32
        %dma_wait3A_354 = arith.constant 0 : i32
        %dma_wait3A_355 = tpu.memref_slice %arg7[%run_scoped3A_327, %dma_wait3A_353, %dma_wait3A_354] : memref<4x80x128xf32, #tpu.memory_space<vmem>> -> memref<1x16x128xf32, #tpu.memory_space<vmem>>
        %dma_wait3A_356 = tpu.memref_squeeze %dma_wait3A_355 : memref<1x16x128xf32, #tpu.memory_space<vmem>> -> memref<16x128xf32, #tpu.memory_space<vmem>>
        tpu.wait_dma2 semaphore(%run_scoped3A_328 : memref<!tpu.dma_semaphore, #tpu.memory_space<semaphore_mem>>) src(%dma_wait3A_356 : memref<16x128xf32, #tpu.memory_space<vmem>>) dst(%dma_wait3A_352 : memref<16x128xf32, #tpu.memory_space<vmem_shared>>)
        tpu.yield
      }) : () -> ()
    } else {
    }
    %barrier3A = arith.constant 0 : index
    tpu.barrier barrier_id(%barrier3A)
    %add3A_36 = arith.constant 0 : i32
    %add3A_37 = arith.addi %add3A_4, %add3A_36 : i32
    %dma_start3A = arith.constant 0 : i32
    %dma_start3A_38 = arith.constant 0 : i32
    %dma_start3A_39 = arith.constant 0 : i32
    %dma_start3A_40 = tpu.memref_slice %arg6[%dma_start3A, %dma_start3A_39] : memref<4x80xi32, #tpu.memory_space<vmem>> -> memref<1x80xi32, #tpu.memory_space<vmem>>
    %dma_start3A_41 = tpu.memref_squeeze %dma_start3A_40 : memref<1x80xi32, #tpu.memory_space<vmem>> -> memref<80xi32, #tpu.memory_space<vmem>>
    %dma_start3A_42 = tpu.memref_slice %arg3[%add3A_37] : memref<320000xi32, #tpu.memory_space<hbm>> -> memref<80xi32, #tpu.memory_space<hbm>>
    %dma_start3A_43 = tpu.memref_slice %arg8[%dma_start3A_38] : memref<4x!tpu.dma_semaphore, #tpu.memory_space<semaphore_mem>> -> memref<1x!tpu.dma_semaphore, #tpu.memory_space<semaphore_mem>>
    %dma_start3A_44 = tpu.memref_squeeze %dma_start3A_43 : memref<1x!tpu.dma_semaphore, #tpu.memory_space<semaphore_mem>> -> memref<!tpu.dma_semaphore, #tpu.memory_space<semaphore_mem>>
    %dma_start3A_45 = arith.constant 0 : i32
    %dma_start3A_46 = tpu.memref_slice %arg6[%dma_start3A, %dma_start3A_45] : memref<4x80xi32, #tpu.memory_space<vmem>> -> memref<1x80xi32, #tpu.memory_space<vmem>>
    %dma_start3A_47 = tpu.memref_squeeze %dma_start3A_46 : memref<1x80xi32, #tpu.memory_space<vmem>> -> memref<80xi32, #tpu.memory_space<vmem>>
    %dma_start3A_48 = tpu.memref_slice %arg3[%add3A_37] : memref<320000xi32, #tpu.memory_space<hbm>> -> memref<80xi32, #tpu.memory_space<hbm>>
    tpu.enqueue_dma source(%dma_start3A_48 : memref<80xi32, #tpu.memory_space<hbm>>) target(%dma_start3A_47 : memref<80xi32, #tpu.memory_space<vmem>>) target_semaphore(%dma_start3A_44 : memref<!tpu.dma_semaphore, #tpu.memory_space<semaphore_mem>>)
    %add3A_49 = arith.constant 0 : i32
    %add3A_50 = arith.addi %mul3A_2, %add3A_49 : i32
    %dma_start3A_51 = arith.constant 0 : i32
    %dma_start3A_52 = arith.constant 0 : i32
    %dma_start3A_53 = arith.constant 0 : i32
    %dma_start3A_54 = arith.constant 0 : i32
    %dma_start3A_55 = tpu.memref_slice %arg7[%dma_start3A_51, %dma_start3A_53, %dma_start3A_54] : memref<4x80x128xf32, #tpu.memory_space<vmem>> -> memref<1x80x128xf32, #tpu.memory_space<vmem>>
    %dma_start3A_56 = tpu.memref_squeeze %dma_start3A_55 : memref<1x80x128xf32, #tpu.memory_space<vmem>> -> memref<80x128xf32, #tpu.memory_space<vmem>>
    %dma_start3A_57 = arith.constant 0 : i32
    %dma_start3A_58 = tpu.memref_slice %arg2[%add3A_50, %dma_start3A_57] : memref<158720x128xf32, #tpu.memory_space<hbm>> -> memref<80x128xf32, #tpu.memory_space<hbm>>
    %dma_start3A_59 = tpu.memref_slice %arg9[%dma_start3A_52] : memref<4x!tpu.dma_semaphore, #tpu.memory_space<semaphore_mem>> -> memref<1x!tpu.dma_semaphore, #tpu.memory_space<semaphore_mem>>
    %dma_start3A_60 = tpu.memref_squeeze %dma_start3A_59 : memref<1x!tpu.dma_semaphore, #tpu.memory_space<semaphore_mem>> -> memref<!tpu.dma_semaphore, #tpu.memory_space<semaphore_mem>>
    %dma_start3A_61 = arith.constant 0 : i32
    %dma_start3A_62 = arith.constant 0 : i32
    %dma_start3A_63 = tpu.memref_slice %arg7[%dma_start3A_51, %dma_start3A_61, %dma_start3A_62] : memref<4x80x128xf32, #tpu.memory_space<vmem>> -> memref<1x80x128xf32, #tpu.memory_space<vmem>>
    %dma_start3A_64 = tpu.memref_squeeze %dma_start3A_63 : memref<1x80x128xf32, #tpu.memory_space<vmem>> -> memref<80x128xf32, #tpu.memory_space<vmem>>
    %dma_start3A_65 = arith.constant 0 : i32
    %dma_start3A_66 = tpu.memref_slice %arg2[%add3A_50, %dma_start3A_65] : memref<158720x128xf32, #tpu.memory_space<hbm>> -> memref<80x128xf32, #tpu.memory_space<hbm>>
    tpu.enqueue_dma source(%dma_start3A_66 : memref<80x128xf32, #tpu.memory_space<hbm>>) target(%dma_start3A_64 : memref<80x128xf32, #tpu.memory_space<vmem>>) target_semaphore(%dma_start3A_60 : memref<!tpu.dma_semaphore, #tpu.memory_space<semaphore_mem>>)
    %add3A_67 = arith.constant 80 : i32
    %add3A_68 = arith.addi %add3A_4, %add3A_67 : i32
    %dma_start3A_69 = arith.constant 1 : i32
    %dma_start3A_70 = arith.constant 1 : i32
    %dma_start3A_71 = arith.constant 0 : i32
    %dma_start3A_72 = tpu.memref_slice %arg6[%dma_start3A_69, %dma_start3A_71] : memref<4x80xi32, #tpu.memory_space<vmem>> -> memref<1x80xi32, #tpu.memory_space<vmem>>
    %dma_start3A_73 = tpu.memref_squeeze %dma_start3A_72 : memref<1x80xi32, #tpu.memory_space<vmem>> -> memref<80xi32, #tpu.memory_space<vmem>>
    %dma_start3A_74 = tpu.memref_slice %arg3[%add3A_68] : memref<320000xi32, #tpu.memory_space<hbm>> -> memref<80xi32, #tpu.memory_space<hbm>>
    %dma_start3A_75 = tpu.memref_slice %arg8[%dma_start3A_70] : memref<4x!tpu.dma_semaphore, #tpu.memory_space<semaphore_mem>> -> memref<1x!tpu.dma_semaphore, #tpu.memory_space<semaphore_mem>>
    %dma_start3A_76 = tpu.memref_squeeze %dma_start3A_75 : memref<1x!tpu.dma_semaphore, #tpu.memory_space<semaphore_mem>> -> memref<!tpu.dma_semaphore, #tpu.memory_space<semaphore_mem>>
    %dma_start3A_77 = arith.constant 0 : i32
    %dma_start3A_78 = tpu.memref_slice %arg6[%dma_start3A_69, %dma_start3A_77] : memref<4x80xi32, #tpu.memory_space<vmem>> -> memref<1x80xi32, #tpu.memory_space<vmem>>
    %dma_start3A_79 = tpu.memref_squeeze %dma_start3A_78 : memref<1x80xi32, #tpu.memory_space<vmem>> -> memref<80xi32, #tpu.memory_space<vmem>>
    %dma_start3A_80 = tpu.memref_slice %arg3[%add3A_68] : memref<320000xi32, #tpu.memory_space<hbm>> -> memref<80xi32, #tpu.memory_space<hbm>>
    tpu.enqueue_dma source(%dma_start3A_80 : memref<80xi32, #tpu.memory_space<hbm>>) target(%dma_start3A_79 : memref<80xi32, #tpu.memory_space<vmem>>) target_semaphore(%dma_start3A_76 : memref<!tpu.dma_semaphore, #tpu.memory_space<semaphore_mem>>)
    %add3A_81 = arith.constant 80 : i32
    %add3A_82 = arith.addi %mul3A_2, %add3A_81 : i32
    %dma_start3A_83 = arith.constant 1 : i32
    %dma_start3A_84 = arith.constant 1 : i32
    %dma_start3A_85 = arith.constant 0 : i32
    %dma_start3A_86 = arith.constant 0 : i32
    %dma_start3A_87 = tpu.memref_slice %arg7[%dma_start3A_83, %dma_start3A_85, %dma_start3A_86] : memref<4x80x128xf32, #tpu.memory_space<vmem>> -> memref<1x80x128xf32, #tpu.memory_space<vmem>>
    %dma_start3A_88 = tpu.memref_squeeze %dma_start3A_87 : memref<1x80x128xf32, #tpu.memory_space<vmem>> -> memref<80x128xf32, #tpu.memory_space<vmem>>
    %dma_start3A_89 = arith.constant 0 : i32
    %dma_start3A_90 = tpu.memref_slice %arg2[%add3A_82, %dma_start3A_89] : memref<158720x128xf32, #tpu.memory_space<hbm>> -> memref<80x128xf32, #tpu.memory_space<hbm>>
    %dma_start3A_91 = tpu.memref_slice %arg9[%dma_start3A_84] : memref<4x!tpu.dma_semaphore, #tpu.memory_space<semaphore_mem>> -> memref<1x!tpu.dma_semaphore, #tpu.memory_space<semaphore_mem>>
    %dma_start3A_92 = tpu.memref_squeeze %dma_start3A_91 : memref<1x!tpu.dma_semaphore, #tpu.memory_space<semaphore_mem>> -> memref<!tpu.dma_semaphore, #tpu.memory_space<semaphore_mem>>
    %dma_start3A_93 = arith.constant 0 : i32
    %dma_start3A_94 = arith.constant 0 : i32
    %dma_start3A_95 = tpu.memref_slice %arg7[%dma_start3A_83, %dma_start3A_93, %dma_start3A_94] : memref<4x80x128xf32, #tpu.memory_space<vmem>> -> memref<1x80x128xf32, #tpu.memory_space<vmem>>
    %dma_start3A_96 = tpu.memref_squeeze %dma_start3A_95 : memref<1x80x128xf32, #tpu.memory_space<vmem>> -> memref<80x128xf32, #tpu.memory_space<vmem>>
    %dma_start3A_97 = arith.constant 0 : i32
    %dma_start3A_98 = tpu.memref_slice %arg2[%add3A_82, %dma_start3A_97] : memref<158720x128xf32, #tpu.memory_space<hbm>> -> memref<80x128xf32, #tpu.memory_space<hbm>>
    tpu.enqueue_dma source(%dma_start3A_98 : memref<80x128xf32, #tpu.memory_space<hbm>>) target(%dma_start3A_96 : memref<80x128xf32, #tpu.memory_space<vmem>>) target_semaphore(%dma_start3A_92 : memref<!tpu.dma_semaphore, #tpu.memory_space<semaphore_mem>>)
    %add3A_99 = arith.constant 160 : i32
    %add3A_100 = arith.addi %add3A_4, %add3A_99 : i32
    %dma_start3A_101 = arith.constant 2 : i32
    %dma_start3A_102 = arith.constant 2 : i32
    %dma_start3A_103 = arith.constant 0 : i32
    %dma_start3A_104 = tpu.memref_slice %arg6[%dma_start3A_101, %dma_start3A_103] : memref<4x80xi32, #tpu.memory_space<vmem>> -> memref<1x80xi32, #tpu.memory_space<vmem>>
    %dma_start3A_105 = tpu.memref_squeeze %dma_start3A_104 : memref<1x80xi32, #tpu.memory_space<vmem>> -> memref<80xi32, #tpu.memory_space<vmem>>
    %dma_start3A_106 = tpu.memref_slice %arg3[%add3A_100] : memref<320000xi32, #tpu.memory_space<hbm>> -> memref<80xi32, #tpu.memory_space<hbm>>
    %dma_start3A_107 = tpu.memref_slice %arg8[%dma_start3A_102] : memref<4x!tpu.dma_semaphore, #tpu.memory_space<semaphore_mem>> -> memref<1x!tpu.dma_semaphore, #tpu.memory_space<semaphore_mem>>
    %dma_start3A_108 = tpu.memref_squeeze %dma_start3A_107 : memref<1x!tpu.dma_semaphore, #tpu.memory_space<semaphore_mem>> -> memref<!tpu.dma_semaphore, #tpu.memory_space<semaphore_mem>>
    %dma_start3A_109 = arith.constant 0 : i32
    %dma_start3A_110 = tpu.memref_slice %arg6[%dma_start3A_101, %dma_start3A_109] : memref<4x80xi32, #tpu.memory_space<vmem>> -> memref<1x80xi32, #tpu.memory_space<vmem>>
    %dma_start3A_111 = tpu.memref_squeeze %dma_start3A_110 : memref<1x80xi32, #tpu.memory_space<vmem>> -> memref<80xi32, #tpu.memory_space<vmem>>
    %dma_start3A_112 = tpu.memref_slice %arg3[%add3A_100] : memref<320000xi32, #tpu.memory_space<hbm>> -> memref<80xi32, #tpu.memory_space<hbm>>
    tpu.enqueue_dma source(%dma_start3A_112 : memref<80xi32, #tpu.memory_space<hbm>>) target(%dma_start3A_111 : memref<80xi32, #tpu.memory_space<vmem>>) target_semaphore(%dma_start3A_108 : memref<!tpu.dma_semaphore, #tpu.memory_space<semaphore_mem>>)
    %add3A_113 = arith.constant 160 : i32
    %add3A_114 = arith.addi %mul3A_2, %add3A_113 : i32
    %dma_start3A_115 = arith.constant 2 : i32
    %dma_start3A_116 = arith.constant 2 : i32
    %dma_start3A_117 = arith.constant 0 : i32
    %dma_start3A_118 = arith.constant 0 : i32
    %dma_start3A_119 = tpu.memref_slice %arg7[%dma_start3A_115, %dma_start3A_117, %dma_start3A_118] : memref<4x80x128xf32, #tpu.memory_space<vmem>> -> memref<1x80x128xf32, #tpu.memory_space<vmem>>
    %dma_start3A_120 = tpu.memref_squeeze %dma_start3A_119 : memref<1x80x128xf32, #tpu.memory_space<vmem>> -> memref<80x128xf32, #tpu.memory_space<vmem>>
    %dma_start3A_121 = arith.constant 0 : i32
    %dma_start3A_122 = tpu.memref_slice %arg2[%add3A_114, %dma_start3A_121] : memref<158720x128xf32, #tpu.memory_space<hbm>> -> memref<80x128xf32, #tpu.memory_space<hbm>>
    %dma_start3A_123 = tpu.memref_slice %arg9[%dma_start3A_116] : memref<4x!tpu.dma_semaphore, #tpu.memory_space<semaphore_mem>> -> memref<1x!tpu.dma_semaphore, #tpu.memory_space<semaphore_mem>>
    %dma_start3A_124 = tpu.memref_squeeze %dma_start3A_123 : memref<1x!tpu.dma_semaphore, #tpu.memory_space<semaphore_mem>> -> memref<!tpu.dma_semaphore, #tpu.memory_space<semaphore_mem>>
    %dma_start3A_125 = arith.constant 0 : i32
    %dma_start3A_126 = arith.constant 0 : i32
    %dma_start3A_127 = tpu.memref_slice %arg7[%dma_start3A_115, %dma_start3A_125, %dma_start3A_126] : memref<4x80x128xf32, #tpu.memory_space<vmem>> -> memref<1x80x128xf32, #tpu.memory_space<vmem>>
    %dma_start3A_128 = tpu.memref_squeeze %dma_start3A_127 : memref<1x80x128xf32, #tpu.memory_space<vmem>> -> memref<80x128xf32, #tpu.memory_space<vmem>>
    %dma_start3A_129 = arith.constant 0 : i32
    %dma_start3A_130 = tpu.memref_slice %arg2[%add3A_114, %dma_start3A_129] : memref<158720x128xf32, #tpu.memory_space<hbm>> -> memref<80x128xf32, #tpu.memory_space<hbm>>
    tpu.enqueue_dma source(%dma_start3A_130 : memref<80x128xf32, #tpu.memory_space<hbm>>) target(%dma_start3A_128 : memref<80x128xf32, #tpu.memory_space<vmem>>) target_semaphore(%dma_start3A_124 : memref<!tpu.dma_semaphore, #tpu.memory_space<semaphore_mem>>)
    %add3A_131 = arith.constant 240 : i32
    %add3A_132 = arith.addi %add3A_4, %add3A_131 : i32
    %dma_start3A_133 = arith.constant 3 : i32
    %dma_start3A_134 = arith.constant 3 : i32
    %dma_start3A_135 = arith.constant 0 : i32
    %dma_start3A_136 = tpu.memref_slice %arg6[%dma_start3A_133, %dma_start3A_135] : memref<4x80xi32, #tpu.memory_space<vmem>> -> memref<1x80xi32, #tpu.memory_space<vmem>>
    %dma_start3A_137 = tpu.memref_squeeze %dma_start3A_136 : memref<1x80xi32, #tpu.memory_space<vmem>> -> memref<80xi32, #tpu.memory_space<vmem>>
    %dma_start3A_138 = tpu.memref_slice %arg3[%add3A_132] : memref<320000xi32, #tpu.memory_space<hbm>> -> memref<80xi32, #tpu.memory_space<hbm>>
    %dma_start3A_139 = tpu.memref_slice %arg8[%dma_start3A_134] : memref<4x!tpu.dma_semaphore, #tpu.memory_space<semaphore_mem>> -> memref<1x!tpu.dma_semaphore, #tpu.memory_space<semaphore_mem>>
    %dma_start3A_140 = tpu.memref_squeeze %dma_start3A_139 : memref<1x!tpu.dma_semaphore, #tpu.memory_space<semaphore_mem>> -> memref<!tpu.dma_semaphore, #tpu.memory_space<semaphore_mem>>
    %dma_start3A_141 = arith.constant 0 : i32
    %dma_start3A_142 = tpu.memref_slice %arg6[%dma_start3A_133, %dma_start3A_141] : memref<4x80xi32, #tpu.memory_space<vmem>> -> memref<1x80xi32, #tpu.memory_space<vmem>>
    %dma_start3A_143 = tpu.memref_squeeze %dma_start3A_142 : memref<1x80xi32, #tpu.memory_space<vmem>> -> memref<80xi32, #tpu.memory_space<vmem>>
    %dma_start3A_144 = tpu.memref_slice %arg3[%add3A_132] : memref<320000xi32, #tpu.memory_space<hbm>> -> memref<80xi32, #tpu.memory_space<hbm>>
    tpu.enqueue_dma source(%dma_start3A_144 : memref<80xi32, #tpu.memory_space<hbm>>) target(%dma_start3A_143 : memref<80xi32, #tpu.memory_space<vmem>>) target_semaphore(%dma_start3A_140 : memref<!tpu.dma_semaphore, #tpu.memory_space<semaphore_mem>>)
    %add3A_145 = arith.constant 240 : i32
    %add3A_146 = arith.addi %mul3A_2, %add3A_145 : i32
    %dma_start3A_147 = arith.constant 3 : i32
    %dma_start3A_148 = arith.constant 3 : i32
    %dma_start3A_149 = arith.constant 0 : i32
    %dma_start3A_150 = arith.constant 0 : i32
    %dma_start3A_151 = tpu.memref_slice %arg7[%dma_start3A_147, %dma_start3A_149, %dma_start3A_150] : memref<4x80x128xf32, #tpu.memory_space<vmem>> -> memref<1x80x128xf32, #tpu.memory_space<vmem>>
    %dma_start3A_152 = tpu.memref_squeeze %dma_start3A_151 : memref<1x80x128xf32, #tpu.memory_space<vmem>> -> memref<80x128xf32, #tpu.memory_space<vmem>>
    %dma_start3A_153 = arith.constant 0 : i32
    %dma_start3A_154 = tpu.memref_slice %arg2[%add3A_146, %dma_start3A_153] : memref<158720x128xf32, #tpu.memory_space<hbm>> -> memref<80x128xf32, #tpu.memory_space<hbm>>
    %dma_start3A_155 = tpu.memref_slice %arg9[%dma_start3A_148] : memref<4x!tpu.dma_semaphore, #tpu.memory_space<semaphore_mem>> -> memref<1x!tpu.dma_semaphore, #tpu.memory_space<semaphore_mem>>
    %dma_start3A_156 = tpu.memref_squeeze %dma_start3A_155 : memref<1x!tpu.dma_semaphore, #tpu.memory_space<semaphore_mem>> -> memref<!tpu.dma_semaphore, #tpu.memory_space<semaphore_mem>>
    %dma_start3A_157 = arith.constant 0 : i32
    %dma_start3A_158 = arith.constant 0 : i32
    %dma_start3A_159 = tpu.memref_slice %arg7[%dma_start3A_147, %dma_start3A_157, %dma_start3A_158] : memref<4x80x128xf32, #tpu.memory_space<vmem>> -> memref<1x80x128xf32, #tpu.memory_space<vmem>>
    %dma_start3A_160 = tpu.memref_squeeze %dma_start3A_159 : memref<1x80x128xf32, #tpu.memory_space<vmem>> -> memref<80x128xf32, #tpu.memory_space<vmem>>
    %dma_start3A_161 = arith.constant 0 : i32
    %dma_start3A_162 = tpu.memref_slice %arg2[%add3A_146, %dma_start3A_161] : memref<158720x128xf32, #tpu.memory_space<hbm>> -> memref<80x128xf32, #tpu.memory_space<hbm>>
    tpu.enqueue_dma source(%dma_start3A_162 : memref<80x128xf32, #tpu.memory_space<hbm>>) target(%dma_start3A_160 : memref<80x128xf32, #tpu.memory_space<vmem>>) target_semaphore(%dma_start3A_156 : memref<!tpu.dma_semaphore, #tpu.memory_space<semaphore_mem>>)
    %scan3A_163 = arith.constant 0 : i32
    %scan3A_164 = arith.constant 15 : i32
    %scan3A_165 = arith.addi %scan3A_163, %scan3A_164 : i32
    %scan3A_166 = arith.constant 1 : i32
    scf.for %scan3A_327 = %scan3A_163 to %scan3A_165 step %scan3A_166  : i32 {
      %mul3A_328 = arith.constant 4 : i32
      %mul3A_329 = arith.muli %scan3A_327, %mul3A_328 : i32
      %add3A_330 = arith.constant 0 : i32
      %add3A_331 = arith.addi %add3A_330, %mul3A_329 : i32
      %add3A_332 = arith.constant 0 : i32
      %add3A_333 = arith.addi %add3A_331, %add3A_332 : i32
      %mul3A_334 = arith.constant 80 : i32
      %mul3A_335 = arith.muli %add3A_333, %mul3A_334 : i32
      %add3A_336 = arith.addi %add3A_4, %mul3A_335 : i32
      %dma_wait3A_337 = arith.constant 0 : i32
      %dma_wait3A_338 = arith.constant 0 : i32
      %dma_wait3A_339 = arith.constant 0 : i32
      %dma_wait3A_340 = tpu.memref_slice %arg6[%dma_wait3A_337, %dma_wait3A_339] : memref<4x80xi32, #tpu.memory_space<vmem>> -> memref<1x80xi32, #tpu.memory_space<vmem>>
      %dma_wait3A_341 = tpu.memref_squeeze %dma_wait3A_340 : memref<1x80xi32, #tpu.memory_space<vmem>> -> memref<80xi32, #tpu.memory_space<vmem>>
      %dma_wait3A_342 = tpu.memref_slice %arg3[%add3A_336] : memref<320000xi32, #tpu.memory_space<hbm>> -> memref<80xi32, #tpu.memory_space<hbm>>
      %dma_wait3A_343 = tpu.memref_slice %arg8[%dma_wait3A_338] : memref<4x!tpu.dma_semaphore, #tpu.memory_space<semaphore_mem>> -> memref<1x!tpu.dma_semaphore, #tpu.memory_space<semaphore_mem>>
      %dma_wait3A_344 = tpu.memref_squeeze %dma_wait3A_343 : memref<1x!tpu.dma_semaphore, #tpu.memory_space<semaphore_mem>> -> memref<!tpu.dma_semaphore, #tpu.memory_space<semaphore_mem>>
      %dma_wait3A_345 = arith.constant 0 : i32
      %dma_wait3A_346 = tpu.memref_slice %arg6[%dma_wait3A_337, %dma_wait3A_345] : memref<4x80xi32, #tpu.memory_space<vmem>> -> memref<1x80xi32, #tpu.memory_space<vmem>>
      %dma_wait3A_347 = tpu.memref_squeeze %dma_wait3A_346 : memref<1x80xi32, #tpu.memory_space<vmem>> -> memref<80xi32, #tpu.memory_space<vmem>>
      %dma_wait3A_348 = tpu.memref_slice %arg3[%add3A_336] : memref<320000xi32, #tpu.memory_space<hbm>> -> memref<80xi32, #tpu.memory_space<hbm>>
      tpu.wait_dma2 semaphore(%dma_wait3A_344 : memref<!tpu.dma_semaphore, #tpu.memory_space<semaphore_mem>>) src(%dma_wait3A_348 : memref<80xi32, #tpu.memory_space<hbm>>) dst(%dma_wait3A_347 : memref<80xi32, #tpu.memory_space<vmem>>)
      %mul3A_349 = arith.constant 80 : i32
      %mul3A_350 = arith.muli %add3A_333, %mul3A_349 : i32
      %add3A_351 = arith.addi %mul3A_2, %mul3A_350 : i32
      %dma_wait3A_352 = arith.constant 0 : i32
      %dma_wait3A_353 = arith.constant 0 : i32
      %dma_wait3A_354 = arith.constant 0 : i32
      %dma_wait3A_355 = arith.constant 0 : i32
      %dma_wait3A_356 = tpu.memref_slice %arg7[%dma_wait3A_352, %dma_wait3A_354, %dma_wait3A_355] : memref<4x80x128xf32, #tpu.memory_space<vmem>> -> memref<1x80x128xf32, #tpu.memory_space<vmem>>
      %dma_wait3A_357 = tpu.memref_squeeze %dma_wait3A_356 : memref<1x80x128xf32, #tpu.memory_space<vmem>> -> memref<80x128xf32, #tpu.memory_space<vmem>>
      %dma_wait3A_358 = arith.constant 0 : i32
      %dma_wait3A_359 = tpu.memref_slice %arg2[%add3A_351, %dma_wait3A_358] : memref<158720x128xf32, #tpu.memory_space<hbm>> -> memref<80x128xf32, #tpu.memory_space<hbm>>
      %dma_wait3A_360 = tpu.memref_slice %arg9[%dma_wait3A_353] : memref<4x!tpu.dma_semaphore, #tpu.memory_space<semaphore_mem>> -> memref<1x!tpu.dma_semaphore, #tpu.memory_space<semaphore_mem>>
      %dma_wait3A_361 = tpu.memref_squeeze %dma_wait3A_360 : memref<1x!tpu.dma_semaphore, #tpu.memory_space<semaphore_mem>> -> memref<!tpu.dma_semaphore, #tpu.memory_space<semaphore_mem>>
      %dma_wait3A_362 = arith.constant 0 : i32
      %dma_wait3A_363 = arith.constant 0 : i32
      %dma_wait3A_364 = tpu.memref_slice %arg7[%dma_wait3A_352, %dma_wait3A_362, %dma_wait3A_363] : memref<4x80x128xf32, #tpu.memory_space<vmem>> -> memref<1x80x128xf32, #tpu.memory_space<vmem>>
      %dma_wait3A_365 = tpu.memref_squeeze %dma_wait3A_364 : memref<1x80x128xf32, #tpu.memory_space<vmem>> -> memref<80x128xf32, #tpu.memory_space<vmem>>
      %dma_wait3A_366 = arith.constant 0 : i32
      %dma_wait3A_367 = tpu.memref_slice %arg2[%add3A_351, %dma_wait3A_366] : memref<158720x128xf32, #tpu.memory_space<hbm>> -> memref<80x128xf32, #tpu.memory_space<hbm>>
      tpu.wait_dma2 semaphore(%dma_wait3A_361 : memref<!tpu.dma_semaphore, #tpu.memory_space<semaphore_mem>>) src(%dma_wait3A_367 : memref<80x128xf32, #tpu.memory_space<hbm>>) dst(%dma_wait3A_365 : memref<80x128xf32, #tpu.memory_space<vmem>>)
      %dma_start3A_368 = arith.constant 0 : i32
      %dma_start3A_369 = arith.constant 0 : i32
      %dma_start3A_370 = arith.constant 0 : i32
      %dma_start3A_371 = arith.constant 0 : i32
      %dma_start3A_372 = arith.constant 0 : i32
      %dma_start3A_373 = tpu.memref_slice %arg7[%dma_start3A_368, %dma_start3A_371, %dma_start3A_372] : memref<4x80x128xf32, #tpu.memory_space<vmem>> -> memref<1x80x128xf32, #tpu.memory_space<vmem>>
      %dma_start3A_374 = tpu.memref_squeeze %dma_start3A_373 : memref<1x80x128xf32, #tpu.memory_space<vmem>> -> memref<80x128xf32, #tpu.memory_space<vmem>>
      %dma_start3A_375 = arith.constant 0 : i32
      %dma_start3A_376 = tpu.memref_slice %arg6[%dma_start3A_369, %dma_start3A_375] : memref<4x80xi32, #tpu.memory_space<vmem>> -> memref<1x80xi32, #tpu.memory_space<vmem>>
      %dma_start3A_377 = tpu.memref_squeeze %dma_start3A_376 : memref<1x80xi32, #tpu.memory_space<vmem>> -> memref<80xi32, #tpu.memory_space<vmem>>
      %dma_start3A_378 = arith.constant 0 : i32
      %dma_start3A_379 = arith.constant 0 : i32
      %dma_start3A_380 = tpu.memref_slice %arg5[%dma_start3A_378, %dma_start3A_379] : memref<10000x128xf32, #tpu.memory_space<vmem_shared>> -> memref<10000x128xf32, #tpu.memory_space<vmem_shared>>
      %dma_start3A_381 = tpu.memref_slice %arg10[%dma_start3A_370] : memref<4x!tpu.dma_semaphore, #tpu.memory_space<semaphore_mem>> -> memref<1x!tpu.dma_semaphore, #tpu.memory_space<semaphore_mem>>
      %dma_start3A_382 = tpu.memref_squeeze %dma_start3A_381 : memref<1x!tpu.dma_semaphore, #tpu.memory_space<semaphore_mem>> -> memref<!tpu.dma_semaphore, #tpu.memory_space<semaphore_mem>>
      tpu.enqueue_indirect_dma source(%dma_start3A_374 : memref<80x128xf32, #tpu.memory_space<vmem>>) target(%dma_start3A_380 : memref<10000x128xf32, #tpu.memory_space<vmem_shared>>) offsets(%dma_start3A_377 : memref<80xi32, #tpu.memory_space<vmem>>) semaphore(%dma_start3A_382 : memref<!tpu.dma_semaphore, #tpu.memory_space<semaphore_mem>>) {add = true}
      %add3A_383 = arith.constant 4 : i32
      %add3A_384 = arith.addi %add3A_333, %add3A_383 : i32
      %lt3A = arith.constant 62 : i32
      %lt3A_385 = arith.cmpi slt, %add3A_384, %lt3A : i32
      %convert_element_type3A_386 = arith.extui %lt3A_385 : i1 to i32
      %cond3A_387 = arith.constant 0 : i32
      %cond3A_388 = arith.cmpi ne, %convert_element_type3A_386, %cond3A_387 : i32
      scf.if %cond3A_388 {
        %dma_wait3A_563 = arith.constant 0 : i32
        %dma_wait3A_564 = arith.constant 0 : i32
        %dma_wait3A_565 = arith.constant 0 : i32
        %dma_wait3A_566 = arith.constant 0 : i32
        %dma_wait3A_567 = arith.constant 0 : i32
        %dma_wait3A_568 = tpu.memref_slice %arg7[%dma_wait3A_563, %dma_wait3A_566, %dma_wait3A_567] : memref<4x80x128xf32, #tpu.memory_space<vmem>> -> memref<1x80x128xf32, #tpu.memory_space<vmem>>
        %dma_wait3A_569 = tpu.memref_squeeze %dma_wait3A_568 : memref<1x80x128xf32, #tpu.memory_space<vmem>> -> memref<80x128xf32, #tpu.memory_space<vmem>>
        %dma_wait3A_570 = arith.constant 0 : i32
        %dma_wait3A_571 = tpu.memref_slice %arg6[%dma_wait3A_564, %dma_wait3A_570] : memref<4x80xi32, #tpu.memory_space<vmem>> -> memref<1x80xi32, #tpu.memory_space<vmem>>
        %dma_wait3A_572 = tpu.memref_squeeze %dma_wait3A_571 : memref<1x80xi32, #tpu.memory_space<vmem>> -> memref<80xi32, #tpu.memory_space<vmem>>
        %dma_wait3A_573 = arith.constant 0 : i32
        %dma_wait3A_574 = arith.constant 0 : i32
        %dma_wait3A_575 = tpu.memref_slice %arg5[%dma_wait3A_573, %dma_wait3A_574] : memref<10000x128xf32, #tpu.memory_space<vmem_shared>> -> memref<10000x128xf32, #tpu.memory_space<vmem_shared>>
        %dma_wait3A_576 = tpu.memref_slice %arg10[%dma_wait3A_565] : memref<4x!tpu.dma_semaphore, #tpu.memory_space<semaphore_mem>> -> memref<1x!tpu.dma_semaphore, #tpu.memory_space<semaphore_mem>>
        %dma_wait3A_577 = tpu.memref_squeeze %dma_wait3A_576 : memref<1x!tpu.dma_semaphore, #tpu.memory_space<semaphore_mem>> -> memref<!tpu.dma_semaphore, #tpu.memory_space<semaphore_mem>>
        tpu.wait_indirect_dma semaphore(%dma_wait3A_577 : memref<!tpu.dma_semaphore, #tpu.memory_space<semaphore_mem>>) src(%dma_wait3A_569 : memref<80x128xf32, #tpu.memory_space<vmem>>) dst(%dma_wait3A_575 : memref<10000x128xf32, #tpu.memory_space<vmem_shared>>)
        %mul3A_578 = arith.constant 80 : i32
        %mul3A_579 = arith.muli %add3A_384, %mul3A_578 : i32
        %add3A_580 = arith.addi %add3A_4, %mul3A_579 : i32
        %dma_start3A_581 = arith.constant 0 : i32
        %dma_start3A_582 = arith.constant 0 : i32
        %dma_start3A_583 = arith.constant 0 : i32
        %dma_start3A_584 = tpu.memref_slice %arg6[%dma_start3A_581, %dma_start3A_583] : memref<4x80xi32, #tpu.memory_space<vmem>> -> memref<1x80xi32, #tpu.memory_space<vmem>>
        %dma_start3A_585 = tpu.memref_squeeze %dma_start3A_584 : memref<1x80xi32, #tpu.memory_space<vmem>> -> memref<80xi32, #tpu.memory_space<vmem>>
        %dma_start3A_586 = tpu.memref_slice %arg3[%add3A_580] : memref<320000xi32, #tpu.memory_space<hbm>> -> memref<80xi32, #tpu.memory_space<hbm>>
        %dma_start3A_587 = tpu.memref_slice %arg8[%dma_start3A_582] : memref<4x!tpu.dma_semaphore, #tpu.memory_space<semaphore_mem>> -> memref<1x!tpu.dma_semaphore, #tpu.memory_space<semaphore_mem>>
        %dma_start3A_588 = tpu.memref_squeeze %dma_start3A_587 : memref<1x!tpu.dma_semaphore, #tpu.memory_space<semaphore_mem>> -> memref<!tpu.dma_semaphore, #tpu.memory_space<semaphore_mem>>
        %dma_start3A_589 = arith.constant 0 : i32
        %dma_start3A_590 = tpu.memref_slice %arg6[%dma_start3A_581, %dma_start3A_589] : memref<4x80xi32, #tpu.memory_space<vmem>> -> memref<1x80xi32, #tpu.memory_space<vmem>>
        %dma_start3A_591 = tpu.memref_squeeze %dma_start3A_590 : memref<1x80xi32, #tpu.memory_space<vmem>> -> memref<80xi32, #tpu.memory_space<vmem>>
        %dma_start3A_592 = tpu.memref_slice %arg3[%add3A_580] : memref<320000xi32, #tpu.memory_space<hbm>> -> memref<80xi32, #tpu.memory_space<hbm>>
        tpu.enqueue_dma source(%dma_start3A_592 : memref<80xi32, #tpu.memory_space<hbm>>) target(%dma_start3A_591 : memref<80xi32, #tpu.memory_space<vmem>>) target_semaphore(%dma_start3A_588 : memref<!tpu.dma_semaphore, #tpu.memory_space<semaphore_mem>>)
        %mul3A_593 = arith.constant 80 : i32
        %mul3A_594 = arith.muli %add3A_384, %mul3A_593 : i32
        %add3A_595 = arith.addi %mul3A_2, %mul3A_594 : i32
        %dma_start3A_596 = arith.constant 0 : i32
        %dma_start3A_597 = arith.constant 0 : i32
        %dma_start3A_598 = arith.constant 0 : i32
        %dma_start3A_599 = arith.constant 0 : i32
        %dma_start3A_600 = tpu.memref_slice %arg7[%dma_start3A_596, %dma_start3A_598, %dma_start3A_599] : memref<4x80x128xf32, #tpu.memory_space<vmem>> -> memref<1x80x128xf32, #tpu.memory_space<vmem>>
        %dma_start3A_601 = tpu.memref_squeeze %dma_start3A_600 : memref<1x80x128xf32, #tpu.memory_space<vmem>> -> memref<80x128xf32, #tpu.memory_space<vmem>>
        %dma_start3A_602 = arith.constant 0 : i32
        %dma_start3A_603 = tpu.memref_slice %arg2[%add3A_595, %dma_start3A_602] : memref<158720x128xf32, #tpu.memory_space<hbm>> -> memref<80x128xf32, #tpu.memory_space<hbm>>
        %dma_start3A_604 = tpu.memref_slice %arg9[%dma_start3A_597] : memref<4x!tpu.dma_semaphore, #tpu.memory_space<semaphore_mem>> -> memref<1x!tpu.dma_semaphore, #tpu.memory_space<semaphore_mem>>
        %dma_start3A_605 = tpu.memref_squeeze %dma_start3A_604 : memref<1x!tpu.dma_semaphore, #tpu.memory_space<semaphore_mem>> -> memref<!tpu.dma_semaphore, #tpu.memory_space<semaphore_mem>>
        %dma_start3A_606 = arith.constant 0 : i32
        %dma_start3A_607 = arith.constant 0 : i32
        %dma_start3A_608 = tpu.memref_slice %arg7[%dma_start3A_596, %dma_start3A_606, %dma_start3A_607] : memref<4x80x128xf32, #tpu.memory_space<vmem>> -> memref<1x80x128xf32, #tpu.memory_space<vmem>>
        %dma_start3A_609 = tpu.memref_squeeze %dma_start3A_608 : memref<1x80x128xf32, #tpu.memory_space<vmem>> -> memref<80x128xf32, #tpu.memory_space<vmem>>
        %dma_start3A_610 = arith.constant 0 : i32
        %dma_start3A_611 = tpu.memref_slice %arg2[%add3A_595, %dma_start3A_610] : memref<158720x128xf32, #tpu.memory_space<hbm>> -> memref<80x128xf32, #tpu.memory_space<hbm>>
        tpu.enqueue_dma source(%dma_start3A_611 : memref<80x128xf32, #tpu.memory_space<hbm>>) target(%dma_start3A_609 : memref<80x128xf32, #tpu.memory_space<vmem>>) target_semaphore(%dma_start3A_605 : memref<!tpu.dma_semaphore, #tpu.memory_space<semaphore_mem>>)
      } else {
      }
      %add3A_389 = arith.constant 1 : i32
      %add3A_390 = arith.addi %add3A_331, %add3A_389 : i32
      %mul3A_391 = arith.constant 80 : i32
      %mul3A_392 = arith.muli %add3A_390, %mul3A_391 : i32
      %add3A_393 = arith.addi %add3A_4, %mul3A_392 : i32
      %dma_wait3A_394 = arith.constant 1 : i32
      %dma_wait3A_395 = arith.constant 1 : i32
      %dma_wait3A_396 = arith.constant 0 : i32
      %dma_wait3A_397 = tpu.memref_slice %arg6[%dma_wait3A_394, %dma_wait3A_396] : memref<4x80xi32, #tpu.memory_space<vmem>> -> memref<1x80xi32, #tpu.memory_space<vmem>>
      %dma_wait3A_398 = tpu.memref_squeeze %dma_wait3A_397 : memref<1x80xi32, #tpu.memory_space<vmem>> -> memref<80xi32, #tpu.memory_space<vmem>>
      %dma_wait3A_399 = tpu.memref_slice %arg3[%add3A_393] : memref<320000xi32, #tpu.memory_space<hbm>> -> memref<80xi32, #tpu.memory_space<hbm>>
      %dma_wait3A_400 = tpu.memref_slice %arg8[%dma_wait3A_395] : memref<4x!tpu.dma_semaphore, #tpu.memory_space<semaphore_mem>> -> memref<1x!tpu.dma_semaphore, #tpu.memory_space<semaphore_mem>>
      %dma_wait3A_401 = tpu.memref_squeeze %dma_wait3A_400 : memref<1x!tpu.dma_semaphore, #tpu.memory_space<semaphore_mem>> -> memref<!tpu.dma_semaphore, #tpu.memory_space<semaphore_mem>>
      %dma_wait3A_402 = arith.constant 0 : i32
      %dma_wait3A_403 = tpu.memref_slice %arg6[%dma_wait3A_394, %dma_wait3A_402] : memref<4x80xi32, #tpu.memory_space<vmem>> -> memref<1x80xi32, #tpu.memory_space<vmem>>
      %dma_wait3A_404 = tpu.memref_squeeze %dma_wait3A_403 : memref<1x80xi32, #tpu.memory_space<vmem>> -> memref<80xi32, #tpu.memory_space<vmem>>
      %dma_wait3A_405 = tpu.memref_slice %arg3[%add3A_393] : memref<320000xi32, #tpu.memory_space<hbm>> -> memref<80xi32, #tpu.memory_space<hbm>>
      tpu.wait_dma2 semaphore(%dma_wait3A_401 : memref<!tpu.dma_semaphore, #tpu.memory_space<semaphore_mem>>) src(%dma_wait3A_405 : memref<80xi32, #tpu.memory_space<hbm>>) dst(%dma_wait3A_404 : memref<80xi32, #tpu.memory_space<vmem>>)
      %mul3A_406 = arith.constant 80 : i32
      %mul3A_407 = arith.muli %add3A_390, %mul3A_406 : i32
      %add3A_408 = arith.addi %mul3A_2, %mul3A_407 : i32
      %dma_wait3A_409 = arith.constant 1 : i32
      %dma_wait3A_410 = arith.constant 1 : i32
      %dma_wait3A_411 = arith.constant 0 : i32
      %dma_wait3A_412 = arith.constant 0 : i32
      %dma_wait3A_413 = tpu.memref_slice %arg7[%dma_wait3A_409, %dma_wait3A_411, %dma_wait3A_412] : memref<4x80x128xf32, #tpu.memory_space<vmem>> -> memref<1x80x128xf32, #tpu.memory_space<vmem>>
      %dma_wait3A_414 = tpu.memref_squeeze %dma_wait3A_413 : memref<1x80x128xf32, #tpu.memory_space<vmem>> -> memref<80x128xf32, #tpu.memory_space<vmem>>
      %dma_wait3A_415 = arith.constant 0 : i32
      %dma_wait3A_416 = tpu.memref_slice %arg2[%add3A_408, %dma_wait3A_415] : memref<158720x128xf32, #tpu.memory_space<hbm>> -> memref<80x128xf32, #tpu.memory_space<hbm>>
      %dma_wait3A_417 = tpu.memref_slice %arg9[%dma_wait3A_410] : memref<4x!tpu.dma_semaphore, #tpu.memory_space<semaphore_mem>> -> memref<1x!tpu.dma_semaphore, #tpu.memory_space<semaphore_mem>>
      %dma_wait3A_418 = tpu.memref_squeeze %dma_wait3A_417 : memref<1x!tpu.dma_semaphore, #tpu.memory_space<semaphore_mem>> -> memref<!tpu.dma_semaphore, #tpu.memory_space<semaphore_mem>>
      %dma_wait3A_419 = arith.constant 0 : i32
      %dma_wait3A_420 = arith.constant 0 : i32
      %dma_wait3A_421 = tpu.memref_slice %arg7[%dma_wait3A_409, %dma_wait3A_419, %dma_wait3A_420] : memref<4x80x128xf32, #tpu.memory_space<vmem>> -> memref<1x80x128xf32, #tpu.memory_space<vmem>>
      %dma_wait3A_422 = tpu.memref_squeeze %dma_wait3A_421 : memref<1x80x128xf32, #tpu.memory_space<vmem>> -> memref<80x128xf32, #tpu.memory_space<vmem>>
      %dma_wait3A_423 = arith.constant 0 : i32
      %dma_wait3A_424 = tpu.memref_slice %arg2[%add3A_408, %dma_wait3A_423] : memref<158720x128xf32, #tpu.memory_space<hbm>> -> memref<80x128xf32, #tpu.memory_space<hbm>>
      tpu.wait_dma2 semaphore(%dma_wait3A_418 : memref<!tpu.dma_semaphore, #tpu.memory_space<semaphore_mem>>) src(%dma_wait3A_424 : memref<80x128xf32, #tpu.memory_space<hbm>>) dst(%dma_wait3A_422 : memref<80x128xf32, #tpu.memory_space<vmem>>)
      %dma_start3A_425 = arith.constant 1 : i32
      %dma_start3A_426 = arith.constant 1 : i32
      %dma_start3A_427 = arith.constant 1 : i32
      %dma_start3A_428 = arith.constant 0 : i32
      %dma_start3A_429 = arith.constant 0 : i32
      %dma_start3A_430 = tpu.memref_slice %arg7[%dma_start3A_425, %dma_start3A_428, %dma_start3A_429] : memref<4x80x128xf32, #tpu.memory_space<vmem>> -> memref<1x80x128xf32, #tpu.memory_space<vmem>>
      %dma_start3A_431 = tpu.memref_squeeze %dma_start3A_430 : memref<1x80x128xf32, #tpu.memory_space<vmem>> -> memref<80x128xf32, #tpu.memory_space<vmem>>
      %dma_start3A_432 = arith.constant 0 : i32
      %dma_start3A_433 = tpu.memref_slice %arg6[%dma_start3A_426, %dma_start3A_432] : memref<4x80xi32, #tpu.memory_space<vmem>> -> memref<1x80xi32, #tpu.memory_space<vmem>>
      %dma_start3A_434 = tpu.memref_squeeze %dma_start3A_433 : memref<1x80xi32, #tpu.memory_space<vmem>> -> memref<80xi32, #tpu.memory_space<vmem>>
      %dma_start3A_435 = arith.constant 0 : i32
      %dma_start3A_436 = arith.constant 0 : i32
      %dma_start3A_437 = tpu.memref_slice %arg5[%dma_start3A_435, %dma_start3A_436] : memref<10000x128xf32, #tpu.memory_space<vmem_shared>> -> memref<10000x128xf32, #tpu.memory_space<vmem_shared>>
      %dma_start3A_438 = tpu.memref_slice %arg10[%dma_start3A_427] : memref<4x!tpu.dma_semaphore, #tpu.memory_space<semaphore_mem>> -> memref<1x!tpu.dma_semaphore, #tpu.memory_space<semaphore_mem>>
      %dma_start3A_439 = tpu.memref_squeeze %dma_start3A_438 : memref<1x!tpu.dma_semaphore, #tpu.memory_space<semaphore_mem>> -> memref<!tpu.dma_semaphore, #tpu.memory_space<semaphore_mem>>
      tpu.enqueue_indirect_dma source(%dma_start3A_431 : memref<80x128xf32, #tpu.memory_space<vmem>>) target(%dma_start3A_437 : memref<10000x128xf32, #tpu.memory_space<vmem_shared>>) offsets(%dma_start3A_434 : memref<80xi32, #tpu.memory_space<vmem>>) semaphore(%dma_start3A_439 : memref<!tpu.dma_semaphore, #tpu.memory_space<semaphore_mem>>) {add = true}
      %add3A_440 = arith.constant 4 : i32
      %add3A_441 = arith.addi %add3A_390, %add3A_440 : i32
      %lt3A_442 = arith.constant 62 : i32
      %lt3A_443 = arith.cmpi slt, %add3A_441, %lt3A_442 : i32
      %convert_element_type3A_444 = arith.extui %lt3A_443 : i1 to i32
      %cond3A_445 = arith.constant 0 : i32
      %cond3A_446 = arith.cmpi ne, %convert_element_type3A_444, %cond3A_445 : i32
      scf.if %cond3A_446 {
        %dma_wait3A_563 = arith.constant 1 : i32
        %dma_wait3A_564 = arith.constant 1 : i32
        %dma_wait3A_565 = arith.constant 1 : i32
        %dma_wait3A_566 = arith.constant 0 : i32
        %dma_wait3A_567 = arith.constant 0 : i32
        %dma_wait3A_568 = tpu.memref_slice %arg7[%dma_wait3A_563, %dma_wait3A_566, %dma_wait3A_567] : memref<4x80x128xf32, #tpu.memory_space<vmem>> -> memref<1x80x128xf32, #tpu.memory_space<vmem>>
        %dma_wait3A_569 = tpu.memref_squeeze %dma_wait3A_568 : memref<1x80x128xf32, #tpu.memory_space<vmem>> -> memref<80x128xf32, #tpu.memory_space<vmem>>
        %dma_wait3A_570 = arith.constant 0 : i32
        %dma_wait3A_571 = tpu.memref_slice %arg6[%dma_wait3A_564, %dma_wait3A_570] : memref<4x80xi32, #tpu.memory_space<vmem>> -> memref<1x80xi32, #tpu.memory_space<vmem>>
        %dma_wait3A_572 = tpu.memref_squeeze %dma_wait3A_571 : memref<1x80xi32, #tpu.memory_space<vmem>> -> memref<80xi32, #tpu.memory_space<vmem>>
        %dma_wait3A_573 = arith.constant 0 : i32
        %dma_wait3A_574 = arith.constant 0 : i32
        %dma_wait3A_575 = tpu.memref_slice %arg5[%dma_wait3A_573, %dma_wait3A_574] : memref<10000x128xf32, #tpu.memory_space<vmem_shared>> -> memref<10000x128xf32, #tpu.memory_space<vmem_shared>>
        %dma_wait3A_576 = tpu.memref_slice %arg10[%dma_wait3A_565] : memref<4x!tpu.dma_semaphore, #tpu.memory_space<semaphore_mem>> -> memref<1x!tpu.dma_semaphore, #tpu.memory_space<semaphore_mem>>
        %dma_wait3A_577 = tpu.memref_squeeze %dma_wait3A_576 : memref<1x!tpu.dma_semaphore, #tpu.memory_space<semaphore_mem>> -> memref<!tpu.dma_semaphore, #tpu.memory_space<semaphore_mem>>
        tpu.wait_indirect_dma semaphore(%dma_wait3A_577 : memref<!tpu.dma_semaphore, #tpu.memory_space<semaphore_mem>>) src(%dma_wait3A_569 : memref<80x128xf32, #tpu.memory_space<vmem>>) dst(%dma_wait3A_575 : memref<10000x128xf32, #tpu.memory_space<vmem_shared>>)
        %mul3A_578 = arith.constant 80 : i32
        %mul3A_579 = arith.muli %add3A_441, %mul3A_578 : i32
        %add3A_580 = arith.addi %add3A_4, %mul3A_579 : i32
        %dma_start3A_581 = arith.constant 1 : i32
        %dma_start3A_582 = arith.constant 1 : i32
        %dma_start3A_583 = arith.constant 0 : i32
        %dma_start3A_584 = tpu.memref_slice %arg6[%dma_start3A_581, %dma_start3A_583] : memref<4x80xi32, #tpu.memory_space<vmem>> -> memref<1x80xi32, #tpu.memory_space<vmem>>
        %dma_start3A_585 = tpu.memref_squeeze %dma_start3A_584 : memref<1x80xi32, #tpu.memory_space<vmem>> -> memref<80xi32, #tpu.memory_space<vmem>>
        %dma_start3A_586 = tpu.memref_slice %arg3[%add3A_580] : memref<320000xi32, #tpu.memory_space<hbm>> -> memref<80xi32, #tpu.memory_space<hbm>>
        %dma_start3A_587 = tpu.memref_slice %arg8[%dma_start3A_582] : memref<4x!tpu.dma_semaphore, #tpu.memory_space<semaphore_mem>> -> memref<1x!tpu.dma_semaphore, #tpu.memory_space<semaphore_mem>>
        %dma_start3A_588 = tpu.memref_squeeze %dma_start3A_587 : memref<1x!tpu.dma_semaphore, #tpu.memory_space<semaphore_mem>> -> memref<!tpu.dma_semaphore, #tpu.memory_space<semaphore_mem>>
        %dma_start3A_589 = arith.constant 0 : i32
        %dma_start3A_590 = tpu.memref_slice %arg6[%dma_start3A_581, %dma_start3A_589] : memref<4x80xi32, #tpu.memory_space<vmem>> -> memref<1x80xi32, #tpu.memory_space<vmem>>
        %dma_start3A_591 = tpu.memref_squeeze %dma_start3A_590 : memref<1x80xi32, #tpu.memory_space<vmem>> -> memref<80xi32, #tpu.memory_space<vmem>>
        %dma_start3A_592 = tpu.memref_slice %arg3[%add3A_580] : memref<320000xi32, #tpu.memory_space<hbm>> -> memref<80xi32, #tpu.memory_space<hbm>>
        tpu.enqueue_dma source(%dma_start3A_592 : memref<80xi32, #tpu.memory_space<hbm>>) target(%dma_start3A_591 : memref<80xi32, #tpu.memory_space<vmem>>) target_semaphore(%dma_start3A_588 : memref<!tpu.dma_semaphore, #tpu.memory_space<semaphore_mem>>)
        %mul3A_593 = arith.constant 80 : i32
        %mul3A_594 = arith.muli %add3A_441, %mul3A_593 : i32
        %add3A_595 = arith.addi %mul3A_2, %mul3A_594 : i32
        %dma_start3A_596 = arith.constant 1 : i32
        %dma_start3A_597 = arith.constant 1 : i32
        %dma_start3A_598 = arith.constant 0 : i32
        %dma_start3A_599 = arith.constant 0 : i32
        %dma_start3A_600 = tpu.memref_slice %arg7[%dma_start3A_596, %dma_start3A_598, %dma_start3A_599] : memref<4x80x128xf32, #tpu.memory_space<vmem>> -> memref<1x80x128xf32, #tpu.memory_space<vmem>>
        %dma_start3A_601 = tpu.memref_squeeze %dma_start3A_600 : memref<1x80x128xf32, #tpu.memory_space<vmem>> -> memref<80x128xf32, #tpu.memory_space<vmem>>
        %dma_start3A_602 = arith.constant 0 : i32
        %dma_start3A_603 = tpu.memref_slice %arg2[%add3A_595, %dma_start3A_602] : memref<158720x128xf32, #tpu.memory_space<hbm>> -> memref<80x128xf32, #tpu.memory_space<hbm>>
        %dma_start3A_604 = tpu.memref_slice %arg9[%dma_start3A_597] : memref<4x!tpu.dma_semaphore, #tpu.memory_space<semaphore_mem>> -> memref<1x!tpu.dma_semaphore, #tpu.memory_space<semaphore_mem>>
        %dma_start3A_605 = tpu.memref_squeeze %dma_start3A_604 : memref<1x!tpu.dma_semaphore, #tpu.memory_space<semaphore_mem>> -> memref<!tpu.dma_semaphore, #tpu.memory_space<semaphore_mem>>
        %dma_start3A_606 = arith.constant 0 : i32
        %dma_start3A_607 = arith.constant 0 : i32
        %dma_start3A_608 = tpu.memref_slice %arg7[%dma_start3A_596, %dma_start3A_606, %dma_start3A_607] : memref<4x80x128xf32, #tpu.memory_space<vmem>> -> memref<1x80x128xf32, #tpu.memory_space<vmem>>
        %dma_start3A_609 = tpu.memref_squeeze %dma_start3A_608 : memref<1x80x128xf32, #tpu.memory_space<vmem>> -> memref<80x128xf32, #tpu.memory_space<vmem>>
        %dma_start3A_610 = arith.constant 0 : i32
        %dma_start3A_611 = tpu.memref_slice %arg2[%add3A_595, %dma_start3A_610] : memref<158720x128xf32, #tpu.memory_space<hbm>> -> memref<80x128xf32, #tpu.memory_space<hbm>>
        tpu.enqueue_dma source(%dma_start3A_611 : memref<80x128xf32, #tpu.memory_space<hbm>>) target(%dma_start3A_609 : memref<80x128xf32, #tpu.memory_space<vmem>>) target_semaphore(%dma_start3A_605 : memref<!tpu.dma_semaphore, #tpu.memory_space<semaphore_mem>>)
      } else {
      }
      %add3A_447 = arith.constant 2 : i32
      %add3A_448 = arith.addi %add3A_331, %add3A_447 : i32
      %mul3A_449 = arith.constant 80 : i32
      %mul3A_450 = arith.muli %add3A_448, %mul3A_449 : i32
      %add3A_451 = arith.addi %add3A_4, %mul3A_450 : i32
      %dma_wait3A_452 = arith.constant 2 : i32
      %dma_wait3A_453 = arith.constant 2 : i32
      %dma_wait3A_454 = arith.constant 0 : i32
      %dma_wait3A_455 = tpu.memref_slice %arg6[%dma_wait3A_452, %dma_wait3A_454] : memref<4x80xi32, #tpu.memory_space<vmem>> -> memref<1x80xi32, #tpu.memory_space<vmem>>
      %dma_wait3A_456 = tpu.memref_squeeze %dma_wait3A_455 : memref<1x80xi32, #tpu.memory_space<vmem>> -> memref<80xi32, #tpu.memory_space<vmem>>
      %dma_wait3A_457 = tpu.memref_slice %arg3[%add3A_451] : memref<320000xi32, #tpu.memory_space<hbm>> -> memref<80xi32, #tpu.memory_space<hbm>>
      %dma_wait3A_458 = tpu.memref_slice %arg8[%dma_wait3A_453] : memref<4x!tpu.dma_semaphore, #tpu.memory_space<semaphore_mem>> -> memref<1x!tpu.dma_semaphore, #tpu.memory_space<semaphore_mem>>
      %dma_wait3A_459 = tpu.memref_squeeze %dma_wait3A_458 : memref<1x!tpu.dma_semaphore, #tpu.memory_space<semaphore_mem>> -> memref<!tpu.dma_semaphore, #tpu.memory_space<semaphore_mem>>
      %dma_wait3A_460 = arith.constant 0 : i32
      %dma_wait3A_461 = tpu.memref_slice %arg6[%dma_wait3A_452, %dma_wait3A_460] : memref<4x80xi32, #tpu.memory_space<vmem>> -> memref<1x80xi32, #tpu.memory_space<vmem>>
      %dma_wait3A_462 = tpu.memref_squeeze %dma_wait3A_461 : memref<1x80xi32, #tpu.memory_space<vmem>> -> memref<80xi32, #tpu.memory_space<vmem>>
      %dma_wait3A_463 = tpu.memref_slice %arg3[%add3A_451] : memref<320000xi32, #tpu.memory_space<hbm>> -> memref<80xi32, #tpu.memory_space<hbm>>
      tpu.wait_dma2 semaphore(%dma_wait3A_459 : memref<!tpu.dma_semaphore, #tpu.memory_space<semaphore_mem>>) src(%dma_wait3A_463 : memref<80xi32, #tpu.memory_space<hbm>>) dst(%dma_wait3A_462 : memref<80xi32, #tpu.memory_space<vmem>>)
      %mul3A_464 = arith.constant 80 : i32
      %mul3A_465 = arith.muli %add3A_448, %mul3A_464 : i32
      %add3A_466 = arith.addi %mul3A_2, %mul3A_465 : i32
      %dma_wait3A_467 = arith.constant 2 : i32
      %dma_wait3A_468 = arith.constant 2 : i32
      %dma_wait3A_469 = arith.constant 0 : i32
      %dma_wait3A_470 = arith.constant 0 : i32
      %dma_wait3A_471 = tpu.memref_slice %arg7[%dma_wait3A_467, %dma_wait3A_469, %dma_wait3A_470] : memref<4x80x128xf32, #tpu.memory_space<vmem>> -> memref<1x80x128xf32, #tpu.memory_space<vmem>>
      %dma_wait3A_472 = tpu.memref_squeeze %dma_wait3A_471 : memref<1x80x128xf32, #tpu.memory_space<vmem>> -> memref<80x128xf32, #tpu.memory_space<vmem>>
      %dma_wait3A_473 = arith.constant 0 : i32
      %dma_wait3A_474 = tpu.memref_slice %arg2[%add3A_466, %dma_wait3A_473] : memref<158720x128xf32, #tpu.memory_space<hbm>> -> memref<80x128xf32, #tpu.memory_space<hbm>>
      %dma_wait3A_475 = tpu.memref_slice %arg9[%dma_wait3A_468] : memref<4x!tpu.dma_semaphore, #tpu.memory_space<semaphore_mem>> -> memref<1x!tpu.dma_semaphore, #tpu.memory_space<semaphore_mem>>
      %dma_wait3A_476 = tpu.memref_squeeze %dma_wait3A_475 : memref<1x!tpu.dma_semaphore, #tpu.memory_space<semaphore_mem>> -> memref<!tpu.dma_semaphore, #tpu.memory_space<semaphore_mem>>
      %dma_wait3A_477 = arith.constant 0 : i32
      %dma_wait3A_478 = arith.constant 0 : i32
      %dma_wait3A_479 = tpu.memref_slice %arg7[%dma_wait3A_467, %dma_wait3A_477, %dma_wait3A_478] : memref<4x80x128xf32, #tpu.memory_space<vmem>> -> memref<1x80x128xf32, #tpu.memory_space<vmem>>
      %dma_wait3A_480 = tpu.memref_squeeze %dma_wait3A_479 : memref<1x80x128xf32, #tpu.memory_space<vmem>> -> memref<80x128xf32, #tpu.memory_space<vmem>>
      %dma_wait3A_481 = arith.constant 0 : i32
      %dma_wait3A_482 = tpu.memref_slice %arg2[%add3A_466, %dma_wait3A_481] : memref<158720x128xf32, #tpu.memory_space<hbm>> -> memref<80x128xf32, #tpu.memory_space<hbm>>
      tpu.wait_dma2 semaphore(%dma_wait3A_476 : memref<!tpu.dma_semaphore, #tpu.memory_space<semaphore_mem>>) src(%dma_wait3A_482 : memref<80x128xf32, #tpu.memory_space<hbm>>) dst(%dma_wait3A_480 : memref<80x128xf32, #tpu.memory_space<vmem>>)
      %dma_start3A_483 = arith.constant 2 : i32
      %dma_start3A_484 = arith.constant 2 : i32
      %dma_start3A_485 = arith.constant 2 : i32
      %dma_start3A_486 = arith.constant 0 : i32
      %dma_start3A_487 = arith.constant 0 : i32
      %dma_start3A_488 = tpu.memref_slice %arg7[%dma_start3A_483, %dma_start3A_486, %dma_start3A_487] : memref<4x80x128xf32, #tpu.memory_space<vmem>> -> memref<1x80x128xf32, #tpu.memory_space<vmem>>
      %dma_start3A_489 = tpu.memref_squeeze %dma_start3A_488 : memref<1x80x128xf32, #tpu.memory_space<vmem>> -> memref<80x128xf32, #tpu.memory_space<vmem>>
      %dma_start3A_490 = arith.constant 0 : i32
      %dma_start3A_491 = tpu.memref_slice %arg6[%dma_start3A_484, %dma_start3A_490] : memref<4x80xi32, #tpu.memory_space<vmem>> -> memref<1x80xi32, #tpu.memory_space<vmem>>
      %dma_start3A_492 = tpu.memref_squeeze %dma_start3A_491 : memref<1x80xi32, #tpu.memory_space<vmem>> -> memref<80xi32, #tpu.memory_space<vmem>>
      %dma_start3A_493 = arith.constant 0 : i32
      %dma_start3A_494 = arith.constant 0 : i32
      %dma_start3A_495 = tpu.memref_slice %arg5[%dma_start3A_493, %dma_start3A_494] : memref<10000x128xf32, #tpu.memory_space<vmem_shared>> -> memref<10000x128xf32, #tpu.memory_space<vmem_shared>>
      %dma_start3A_496 = tpu.memref_slice %arg10[%dma_start3A_485] : memref<4x!tpu.dma_semaphore, #tpu.memory_space<semaphore_mem>> -> memref<1x!tpu.dma_semaphore, #tpu.memory_space<semaphore_mem>>
      %dma_start3A_497 = tpu.memref_squeeze %dma_start3A_496 : memref<1x!tpu.dma_semaphore, #tpu.memory_space<semaphore_mem>> -> memref<!tpu.dma_semaphore, #tpu.memory_space<semaphore_mem>>
      tpu.enqueue_indirect_dma source(%dma_start3A_489 : memref<80x128xf32, #tpu.memory_space<vmem>>) target(%dma_start3A_495 : memref<10000x128xf32, #tpu.memory_space<vmem_shared>>) offsets(%dma_start3A_492 : memref<80xi32, #tpu.memory_space<vmem>>) semaphore(%dma_start3A_497 : memref<!tpu.dma_semaphore, #tpu.memory_space<semaphore_mem>>) {add = true}
      %add3A_498 = arith.constant 4 : i32
      %add3A_499 = arith.addi %add3A_448, %add3A_498 : i32
      %lt3A_500 = arith.constant 62 : i32
      %lt3A_501 = arith.cmpi slt, %add3A_499, %lt3A_500 : i32
      %convert_element_type3A_502 = arith.extui %lt3A_501 : i1 to i32
      %cond3A_503 = arith.constant 0 : i32
      %cond3A_504 = arith.cmpi ne, %convert_element_type3A_502, %cond3A_503 : i32
      scf.if %cond3A_504 {
        %dma_wait3A_563 = arith.constant 2 : i32
        %dma_wait3A_564 = arith.constant 2 : i32
        %dma_wait3A_565 = arith.constant 2 : i32
        %dma_wait3A_566 = arith.constant 0 : i32
        %dma_wait3A_567 = arith.constant 0 : i32
        %dma_wait3A_568 = tpu.memref_slice %arg7[%dma_wait3A_563, %dma_wait3A_566, %dma_wait3A_567] : memref<4x80x128xf32, #tpu.memory_space<vmem>> -> memref<1x80x128xf32, #tpu.memory_space<vmem>>
        %dma_wait3A_569 = tpu.memref_squeeze %dma_wait3A_568 : memref<1x80x128xf32, #tpu.memory_space<vmem>> -> memref<80x128xf32, #tpu.memory_space<vmem>>
        %dma_wait3A_570 = arith.constant 0 : i32
        %dma_wait3A_571 = tpu.memref_slice %arg6[%dma_wait3A_564, %dma_wait3A_570] : memref<4x80xi32, #tpu.memory_space<vmem>> -> memref<1x80xi32, #tpu.memory_space<vmem>>
        %dma_wait3A_572 = tpu.memref_squeeze %dma_wait3A_571 : memref<1x80xi32, #tpu.memory_space<vmem>> -> memref<80xi32, #tpu.memory_space<vmem>>
        %dma_wait3A_573 = arith.constant 0 : i32
        %dma_wait3A_574 = arith.constant 0 : i32
        %dma_wait3A_575 = tpu.memref_slice %arg5[%dma_wait3A_573, %dma_wait3A_574] : memref<10000x128xf32, #tpu.memory_space<vmem_shared>> -> memref<10000x128xf32, #tpu.memory_space<vmem_shared>>
        %dma_wait3A_576 = tpu.memref_slice %arg10[%dma_wait3A_565] : memref<4x!tpu.dma_semaphore, #tpu.memory_space<semaphore_mem>> -> memref<1x!tpu.dma_semaphore, #tpu.memory_space<semaphore_mem>>
        %dma_wait3A_577 = tpu.memref_squeeze %dma_wait3A_576 : memref<1x!tpu.dma_semaphore, #tpu.memory_space<semaphore_mem>> -> memref<!tpu.dma_semaphore, #tpu.memory_space<semaphore_mem>>
        tpu.wait_indirect_dma semaphore(%dma_wait3A_577 : memref<!tpu.dma_semaphore, #tpu.memory_space<semaphore_mem>>) src(%dma_wait3A_569 : memref<80x128xf32, #tpu.memory_space<vmem>>) dst(%dma_wait3A_575 : memref<10000x128xf32, #tpu.memory_space<vmem_shared>>)
        %mul3A_578 = arith.constant 80 : i32
        %mul3A_579 = arith.muli %add3A_499, %mul3A_578 : i32
        %add3A_580 = arith.addi %add3A_4, %mul3A_579 : i32
        %dma_start3A_581 = arith.constant 2 : i32
        %dma_start3A_582 = arith.constant 2 : i32
        %dma_start3A_583 = arith.constant 0 : i32
        %dma_start3A_584 = tpu.memref_slice %arg6[%dma_start3A_581, %dma_start3A_583] : memref<4x80xi32, #tpu.memory_space<vmem>> -> memref<1x80xi32, #tpu.memory_space<vmem>>
        %dma_start3A_585 = tpu.memref_squeeze %dma_start3A_584 : memref<1x80xi32, #tpu.memory_space<vmem>> -> memref<80xi32, #tpu.memory_space<vmem>>
        %dma_start3A_586 = tpu.memref_slice %arg3[%add3A_580] : memref<320000xi32, #tpu.memory_space<hbm>> -> memref<80xi32, #tpu.memory_space<hbm>>
        %dma_start3A_587 = tpu.memref_slice %arg8[%dma_start3A_582] : memref<4x!tpu.dma_semaphore, #tpu.memory_space<semaphore_mem>> -> memref<1x!tpu.dma_semaphore, #tpu.memory_space<semaphore_mem>>
        %dma_start3A_588 = tpu.memref_squeeze %dma_start3A_587 : memref<1x!tpu.dma_semaphore, #tpu.memory_space<semaphore_mem>> -> memref<!tpu.dma_semaphore, #tpu.memory_space<semaphore_mem>>
        %dma_start3A_589 = arith.constant 0 : i32
        %dma_start3A_590 = tpu.memref_slice %arg6[%dma_start3A_581, %dma_start3A_589] : memref<4x80xi32, #tpu.memory_space<vmem>> -> memref<1x80xi32, #tpu.memory_space<vmem>>
        %dma_start3A_591 = tpu.memref_squeeze %dma_start3A_590 : memref<1x80xi32, #tpu.memory_space<vmem>> -> memref<80xi32, #tpu.memory_space<vmem>>
        %dma_start3A_592 = tpu.memref_slice %arg3[%add3A_580] : memref<320000xi32, #tpu.memory_space<hbm>> -> memref<80xi32, #tpu.memory_space<hbm>>
        tpu.enqueue_dma source(%dma_start3A_592 : memref<80xi32, #tpu.memory_space<hbm>>) target(%dma_start3A_591 : memref<80xi32, #tpu.memory_space<vmem>>) target_semaphore(%dma_start3A_588 : memref<!tpu.dma_semaphore, #tpu.memory_space<semaphore_mem>>)
        %mul3A_593 = arith.constant 80 : i32
        %mul3A_594 = arith.muli %add3A_499, %mul3A_593 : i32
        %add3A_595 = arith.addi %mul3A_2, %mul3A_594 : i32
        %dma_start3A_596 = arith.constant 2 : i32
        %dma_start3A_597 = arith.constant 2 : i32
        %dma_start3A_598 = arith.constant 0 : i32
        %dma_start3A_599 = arith.constant 0 : i32
        %dma_start3A_600 = tpu.memref_slice %arg7[%dma_start3A_596, %dma_start3A_598, %dma_start3A_599] : memref<4x80x128xf32, #tpu.memory_space<vmem>> -> memref<1x80x128xf32, #tpu.memory_space<vmem>>
        %dma_start3A_601 = tpu.memref_squeeze %dma_start3A_600 : memref<1x80x128xf32, #tpu.memory_space<vmem>> -> memref<80x128xf32, #tpu.memory_space<vmem>>
        %dma_start3A_602 = arith.constant 0 : i32
        %dma_start3A_603 = tpu.memref_slice %arg2[%add3A_595, %dma_start3A_602] : memref<158720x128xf32, #tpu.memory_space<hbm>> -> memref<80x128xf32, #tpu.memory_space<hbm>>
        %dma_start3A_604 = tpu.memref_slice %arg9[%dma_start3A_597] : memref<4x!tpu.dma_semaphore, #tpu.memory_space<semaphore_mem>> -> memref<1x!tpu.dma_semaphore, #tpu.memory_space<semaphore_mem>>
        %dma_start3A_605 = tpu.memref_squeeze %dma_start3A_604 : memref<1x!tpu.dma_semaphore, #tpu.memory_space<semaphore_mem>> -> memref<!tpu.dma_semaphore, #tpu.memory_space<semaphore_mem>>
        %dma_start3A_606 = arith.constant 0 : i32
        %dma_start3A_607 = arith.constant 0 : i32
        %dma_start3A_608 = tpu.memref_slice %arg7[%dma_start3A_596, %dma_start3A_606, %dma_start3A_607] : memref<4x80x128xf32, #tpu.memory_space<vmem>> -> memref<1x80x128xf32, #tpu.memory_space<vmem>>
        %dma_start3A_609 = tpu.memref_squeeze %dma_start3A_608 : memref<1x80x128xf32, #tpu.memory_space<vmem>> -> memref<80x128xf32, #tpu.memory_space<vmem>>
        %dma_start3A_610 = arith.constant 0 : i32
        %dma_start3A_611 = tpu.memref_slice %arg2[%add3A_595, %dma_start3A_610] : memref<158720x128xf32, #tpu.memory_space<hbm>> -> memref<80x128xf32, #tpu.memory_space<hbm>>
        tpu.enqueue_dma source(%dma_start3A_611 : memref<80x128xf32, #tpu.memory_space<hbm>>) target(%dma_start3A_609 : memref<80x128xf32, #tpu.memory_space<vmem>>) target_semaphore(%dma_start3A_605 : memref<!tpu.dma_semaphore, #tpu.memory_space<semaphore_mem>>)
      } else {
      }
      %add3A_505 = arith.constant 3 : i32
      %add3A_506 = arith.addi %add3A_331, %add3A_505 : i32
      %mul3A_507 = arith.constant 80 : i32
      %mul3A_508 = arith.muli %add3A_506, %mul3A_507 : i32
      %add3A_509 = arith.addi %add3A_4, %mul3A_508 : i32
      %dma_wait3A_510 = arith.constant 3 : i32
      %dma_wait3A_511 = arith.constant 3 : i32
      %dma_wait3A_512 = arith.constant 0 : i32
      %dma_wait3A_513 = tpu.memref_slice %arg6[%dma_wait3A_510, %dma_wait3A_512] : memref<4x80xi32, #tpu.memory_space<vmem>> -> memref<1x80xi32, #tpu.memory_space<vmem>>
      %dma_wait3A_514 = tpu.memref_squeeze %dma_wait3A_513 : memref<1x80xi32, #tpu.memory_space<vmem>> -> memref<80xi32, #tpu.memory_space<vmem>>
      %dma_wait3A_515 = tpu.memref_slice %arg3[%add3A_509] : memref<320000xi32, #tpu.memory_space<hbm>> -> memref<80xi32, #tpu.memory_space<hbm>>
      %dma_wait3A_516 = tpu.memref_slice %arg8[%dma_wait3A_511] : memref<4x!tpu.dma_semaphore, #tpu.memory_space<semaphore_mem>> -> memref<1x!tpu.dma_semaphore, #tpu.memory_space<semaphore_mem>>
      %dma_wait3A_517 = tpu.memref_squeeze %dma_wait3A_516 : memref<1x!tpu.dma_semaphore, #tpu.memory_space<semaphore_mem>> -> memref<!tpu.dma_semaphore, #tpu.memory_space<semaphore_mem>>
      %dma_wait3A_518 = arith.constant 0 : i32
      %dma_wait3A_519 = tpu.memref_slice %arg6[%dma_wait3A_510, %dma_wait3A_518] : memref<4x80xi32, #tpu.memory_space<vmem>> -> memref<1x80xi32, #tpu.memory_space<vmem>>
      %dma_wait3A_520 = tpu.memref_squeeze %dma_wait3A_519 : memref<1x80xi32, #tpu.memory_space<vmem>> -> memref<80xi32, #tpu.memory_space<vmem>>
      %dma_wait3A_521 = tpu.memref_slice %arg3[%add3A_509] : memref<320000xi32, #tpu.memory_space<hbm>> -> memref<80xi32, #tpu.memory_space<hbm>>
      tpu.wait_dma2 semaphore(%dma_wait3A_517 : memref<!tpu.dma_semaphore, #tpu.memory_space<semaphore_mem>>) src(%dma_wait3A_521 : memref<80xi32, #tpu.memory_space<hbm>>) dst(%dma_wait3A_520 : memref<80xi32, #tpu.memory_space<vmem>>)
      %mul3A_522 = arith.constant 80 : i32
      %mul3A_523 = arith.muli %add3A_506, %mul3A_522 : i32
      %add3A_524 = arith.addi %mul3A_2, %mul3A_523 : i32
      %dma_wait3A_525 = arith.constant 3 : i32
      %dma_wait3A_526 = arith.constant 3 : i32
      %dma_wait3A_527 = arith.constant 0 : i32
      %dma_wait3A_528 = arith.constant 0 : i32
      %dma_wait3A_529 = tpu.memref_slice %arg7[%dma_wait3A_525, %dma_wait3A_527, %dma_wait3A_528] : memref<4x80x128xf32, #tpu.memory_space<vmem>> -> memref<1x80x128xf32, #tpu.memory_space<vmem>>
      %dma_wait3A_530 = tpu.memref_squeeze %dma_wait3A_529 : memref<1x80x128xf32, #tpu.memory_space<vmem>> -> memref<80x128xf32, #tpu.memory_space<vmem>>
      %dma_wait3A_531 = arith.constant 0 : i32
      %dma_wait3A_532 = tpu.memref_slice %arg2[%add3A_524, %dma_wait3A_531] : memref<158720x128xf32, #tpu.memory_space<hbm>> -> memref<80x128xf32, #tpu.memory_space<hbm>>
      %dma_wait3A_533 = tpu.memref_slice %arg9[%dma_wait3A_526] : memref<4x!tpu.dma_semaphore, #tpu.memory_space<semaphore_mem>> -> memref<1x!tpu.dma_semaphore, #tpu.memory_space<semaphore_mem>>
      %dma_wait3A_534 = tpu.memref_squeeze %dma_wait3A_533 : memref<1x!tpu.dma_semaphore, #tpu.memory_space<semaphore_mem>> -> memref<!tpu.dma_semaphore, #tpu.memory_space<semaphore_mem>>
      %dma_wait3A_535 = arith.constant 0 : i32
      %dma_wait3A_536 = arith.constant 0 : i32
      %dma_wait3A_537 = tpu.memref_slice %arg7[%dma_wait3A_525, %dma_wait3A_535, %dma_wait3A_536] : memref<4x80x128xf32, #tpu.memory_space<vmem>> -> memref<1x80x128xf32, #tpu.memory_space<vmem>>
      %dma_wait3A_538 = tpu.memref_squeeze %dma_wait3A_537 : memref<1x80x128xf32, #tpu.memory_space<vmem>> -> memref<80x128xf32, #tpu.memory_space<vmem>>
      %dma_wait3A_539 = arith.constant 0 : i32
      %dma_wait3A_540 = tpu.memref_slice %arg2[%add3A_524, %dma_wait3A_539] : memref<158720x128xf32, #tpu.memory_space<hbm>> -> memref<80x128xf32, #tpu.memory_space<hbm>>
      tpu.wait_dma2 semaphore(%dma_wait3A_534 : memref<!tpu.dma_semaphore, #tpu.memory_space<semaphore_mem>>) src(%dma_wait3A_540 : memref<80x128xf32, #tpu.memory_space<hbm>>) dst(%dma_wait3A_538 : memref<80x128xf32, #tpu.memory_space<vmem>>)
      %dma_start3A_541 = arith.constant 3 : i32
      %dma_start3A_542 = arith.constant 3 : i32
      %dma_start3A_543 = arith.constant 3 : i32
      %dma_start3A_544 = arith.constant 0 : i32
      %dma_start3A_545 = arith.constant 0 : i32
      %dma_start3A_546 = tpu.memref_slice %arg7[%dma_start3A_541, %dma_start3A_544, %dma_start3A_545] : memref<4x80x128xf32, #tpu.memory_space<vmem>> -> memref<1x80x128xf32, #tpu.memory_space<vmem>>
      %dma_start3A_547 = tpu.memref_squeeze %dma_start3A_546 : memref<1x80x128xf32, #tpu.memory_space<vmem>> -> memref<80x128xf32, #tpu.memory_space<vmem>>
      %dma_start3A_548 = arith.constant 0 : i32
      %dma_start3A_549 = tpu.memref_slice %arg6[%dma_start3A_542, %dma_start3A_548] : memref<4x80xi32, #tpu.memory_space<vmem>> -> memref<1x80xi32, #tpu.memory_space<vmem>>
      %dma_start3A_550 = tpu.memref_squeeze %dma_start3A_549 : memref<1x80xi32, #tpu.memory_space<vmem>> -> memref<80xi32, #tpu.memory_space<vmem>>
      %dma_start3A_551 = arith.constant 0 : i32
      %dma_start3A_552 = arith.constant 0 : i32
      %dma_start3A_553 = tpu.memref_slice %arg5[%dma_start3A_551, %dma_start3A_552] : memref<10000x128xf32, #tpu.memory_space<vmem_shared>> -> memref<10000x128xf32, #tpu.memory_space<vmem_shared>>
      %dma_start3A_554 = tpu.memref_slice %arg10[%dma_start3A_543] : memref<4x!tpu.dma_semaphore, #tpu.memory_space<semaphore_mem>> -> memref<1x!tpu.dma_semaphore, #tpu.memory_space<semaphore_mem>>
      %dma_start3A_555 = tpu.memref_squeeze %dma_start3A_554 : memref<1x!tpu.dma_semaphore, #tpu.memory_space<semaphore_mem>> -> memref<!tpu.dma_semaphore, #tpu.memory_space<semaphore_mem>>
      tpu.enqueue_indirect_dma source(%dma_start3A_547 : memref<80x128xf32, #tpu.memory_space<vmem>>) target(%dma_start3A_553 : memref<10000x128xf32, #tpu.memory_space<vmem_shared>>) offsets(%dma_start3A_550 : memref<80xi32, #tpu.memory_space<vmem>>) semaphore(%dma_start3A_555 : memref<!tpu.dma_semaphore, #tpu.memory_space<semaphore_mem>>) {add = true}
      %add3A_556 = arith.constant 4 : i32
      %add3A_557 = arith.addi %add3A_506, %add3A_556 : i32
      %lt3A_558 = arith.constant 62 : i32
      %lt3A_559 = arith.cmpi slt, %add3A_557, %lt3A_558 : i32
      %convert_element_type3A_560 = arith.extui %lt3A_559 : i1 to i32
      %cond3A_561 = arith.constant 0 : i32
      %cond3A_562 = arith.cmpi ne, %convert_element_type3A_560, %cond3A_561 : i32
      scf.if %cond3A_562 {
        %dma_wait3A_563 = arith.constant 3 : i32
        %dma_wait3A_564 = arith.constant 3 : i32
        %dma_wait3A_565 = arith.constant 3 : i32
        %dma_wait3A_566 = arith.constant 0 : i32
        %dma_wait3A_567 = arith.constant 0 : i32
        %dma_wait3A_568 = tpu.memref_slice %arg7[%dma_wait3A_563, %dma_wait3A_566, %dma_wait3A_567] : memref<4x80x128xf32, #tpu.memory_space<vmem>> -> memref<1x80x128xf32, #tpu.memory_space<vmem>>
        %dma_wait3A_569 = tpu.memref_squeeze %dma_wait3A_568 : memref<1x80x128xf32, #tpu.memory_space<vmem>> -> memref<80x128xf32, #tpu.memory_space<vmem>>
        %dma_wait3A_570 = arith.constant 0 : i32
        %dma_wait3A_571 = tpu.memref_slice %arg6[%dma_wait3A_564, %dma_wait3A_570] : memref<4x80xi32, #tpu.memory_space<vmem>> -> memref<1x80xi32, #tpu.memory_space<vmem>>
        %dma_wait3A_572 = tpu.memref_squeeze %dma_wait3A_571 : memref<1x80xi32, #tpu.memory_space<vmem>> -> memref<80xi32, #tpu.memory_space<vmem>>
        %dma_wait3A_573 = arith.constant 0 : i32
        %dma_wait3A_574 = arith.constant 0 : i32
        %dma_wait3A_575 = tpu.memref_slice %arg5[%dma_wait3A_573, %dma_wait3A_574] : memref<10000x128xf32, #tpu.memory_space<vmem_shared>> -> memref<10000x128xf32, #tpu.memory_space<vmem_shared>>
        %dma_wait3A_576 = tpu.memref_slice %arg10[%dma_wait3A_565] : memref<4x!tpu.dma_semaphore, #tpu.memory_space<semaphore_mem>> -> memref<1x!tpu.dma_semaphore, #tpu.memory_space<semaphore_mem>>
        %dma_wait3A_577 = tpu.memref_squeeze %dma_wait3A_576 : memref<1x!tpu.dma_semaphore, #tpu.memory_space<semaphore_mem>> -> memref<!tpu.dma_semaphore, #tpu.memory_space<semaphore_mem>>
        tpu.wait_indirect_dma semaphore(%dma_wait3A_577 : memref<!tpu.dma_semaphore, #tpu.memory_space<semaphore_mem>>) src(%dma_wait3A_569 : memref<80x128xf32, #tpu.memory_space<vmem>>) dst(%dma_wait3A_575 : memref<10000x128xf32, #tpu.memory_space<vmem_shared>>)
        %mul3A_578 = arith.constant 80 : i32
        %mul3A_579 = arith.muli %add3A_557, %mul3A_578 : i32
        %add3A_580 = arith.addi %add3A_4, %mul3A_579 : i32
        %dma_start3A_581 = arith.constant 3 : i32
        %dma_start3A_582 = arith.constant 3 : i32
        %dma_start3A_583 = arith.constant 0 : i32
        %dma_start3A_584 = tpu.memref_slice %arg6[%dma_start3A_581, %dma_start3A_583] : memref<4x80xi32, #tpu.memory_space<vmem>> -> memref<1x80xi32, #tpu.memory_space<vmem>>
        %dma_start3A_585 = tpu.memref_squeeze %dma_start3A_584 : memref<1x80xi32, #tpu.memory_space<vmem>> -> memref<80xi32, #tpu.memory_space<vmem>>
        %dma_start3A_586 = tpu.memref_slice %arg3[%add3A_580] : memref<320000xi32, #tpu.memory_space<hbm>> -> memref<80xi32, #tpu.memory_space<hbm>>
        %dma_start3A_587 = tpu.memref_slice %arg8[%dma_start3A_582] : memref<4x!tpu.dma_semaphore, #tpu.memory_space<semaphore_mem>> -> memref<1x!tpu.dma_semaphore, #tpu.memory_space<semaphore_mem>>
        %dma_start3A_588 = tpu.memref_squeeze %dma_start3A_587 : memref<1x!tpu.dma_semaphore, #tpu.memory_space<semaphore_mem>> -> memref<!tpu.dma_semaphore, #tpu.memory_space<semaphore_mem>>
        %dma_start3A_589 = arith.constant 0 : i32
        %dma_start3A_590 = tpu.memref_slice %arg6[%dma_start3A_581, %dma_start3A_589] : memref<4x80xi32, #tpu.memory_space<vmem>> -> memref<1x80xi32, #tpu.memory_space<vmem>>
        %dma_start3A_591 = tpu.memref_squeeze %dma_start3A_590 : memref<1x80xi32, #tpu.memory_space<vmem>> -> memref<80xi32, #tpu.memory_space<vmem>>
        %dma_start3A_592 = tpu.memref_slice %arg3[%add3A_580] : memref<320000xi32, #tpu.memory_space<hbm>> -> memref<80xi32, #tpu.memory_space<hbm>>
        tpu.enqueue_dma source(%dma_start3A_592 : memref<80xi32, #tpu.memory_space<hbm>>) target(%dma_start3A_591 : memref<80xi32, #tpu.memory_space<vmem>>) target_semaphore(%dma_start3A_588 : memref<!tpu.dma_semaphore, #tpu.memory_space<semaphore_mem>>)
        %mul3A_593 = arith.constant 80 : i32
        %mul3A_594 = arith.muli %add3A_557, %mul3A_593 : i32
        %add3A_595 = arith.addi %mul3A_2, %mul3A_594 : i32
        %dma_start3A_596 = arith.constant 3 : i32
        %dma_start3A_597 = arith.constant 3 : i32
        %dma_start3A_598 = arith.constant 0 : i32
        %dma_start3A_599 = arith.constant 0 : i32
        %dma_start3A_600 = tpu.memref_slice %arg7[%dma_start3A_596, %dma_start3A_598, %dma_start3A_599] : memref<4x80x128xf32, #tpu.memory_space<vmem>> -> memref<1x80x128xf32, #tpu.memory_space<vmem>>
        %dma_start3A_601 = tpu.memref_squeeze %dma_start3A_600 : memref<1x80x128xf32, #tpu.memory_space<vmem>> -> memref<80x128xf32, #tpu.memory_space<vmem>>
        %dma_start3A_602 = arith.constant 0 : i32
        %dma_start3A_603 = tpu.memref_slice %arg2[%add3A_595, %dma_start3A_602] : memref<158720x128xf32, #tpu.memory_space<hbm>> -> memref<80x128xf32, #tpu.memory_space<hbm>>
        %dma_start3A_604 = tpu.memref_slice %arg9[%dma_start3A_597] : memref<4x!tpu.dma_semaphore, #tpu.memory_space<semaphore_mem>> -> memref<1x!tpu.dma_semaphore, #tpu.memory_space<semaphore_mem>>
        %dma_start3A_605 = tpu.memref_squeeze %dma_start3A_604 : memref<1x!tpu.dma_semaphore, #tpu.memory_space<semaphore_mem>> -> memref<!tpu.dma_semaphore, #tpu.memory_space<semaphore_mem>>
        %dma_start3A_606 = arith.constant 0 : i32
        %dma_start3A_607 = arith.constant 0 : i32
        %dma_start3A_608 = tpu.memref_slice %arg7[%dma_start3A_596, %dma_start3A_606, %dma_start3A_607] : memref<4x80x128xf32, #tpu.memory_space<vmem>> -> memref<1x80x128xf32, #tpu.memory_space<vmem>>
        %dma_start3A_609 = tpu.memref_squeeze %dma_start3A_608 : memref<1x80x128xf32, #tpu.memory_space<vmem>> -> memref<80x128xf32, #tpu.memory_space<vmem>>
        %dma_start3A_610 = arith.constant 0 : i32
        %dma_start3A_611 = tpu.memref_slice %arg2[%add3A_595, %dma_start3A_610] : memref<158720x128xf32, #tpu.memory_space<hbm>> -> memref<80x128xf32, #tpu.memory_space<hbm>>
        tpu.enqueue_dma source(%dma_start3A_611 : memref<80x128xf32, #tpu.memory_space<hbm>>) target(%dma_start3A_609 : memref<80x128xf32, #tpu.memory_space<vmem>>) target_semaphore(%dma_start3A_605 : memref<!tpu.dma_semaphore, #tpu.memory_space<semaphore_mem>>)
      } else {
      }
    }
    %scan3A_167 = arith.constant 15 : i32
    %add3A_168 = arith.constant 4800 : i32
    %add3A_169 = arith.addi %add3A_4, %add3A_168 : i32
    %dma_wait3A = arith.constant 0 : i32
    %dma_wait3A_170 = arith.constant 0 : i32
    %dma_wait3A_171 = arith.constant 0 : i32
    %dma_wait3A_172 = tpu.memref_slice %arg6[%dma_wait3A, %dma_wait3A_171] : memref<4x80xi32, #tpu.memory_space<vmem>> -> memref<1x80xi32, #tpu.memory_space<vmem>>
    %dma_wait3A_173 = tpu.memref_squeeze %dma_wait3A_172 : memref<1x80xi32, #tpu.memory_space<vmem>> -> memref<80xi32, #tpu.memory_space<vmem>>
    %dma_wait3A_174 = tpu.memref_slice %arg3[%add3A_169] : memref<320000xi32, #tpu.memory_space<hbm>> -> memref<80xi32, #tpu.memory_space<hbm>>
    %dma_wait3A_175 = tpu.memref_slice %arg8[%dma_wait3A_170] : memref<4x!tpu.dma_semaphore, #tpu.memory_space<semaphore_mem>> -> memref<1x!tpu.dma_semaphore, #tpu.memory_space<semaphore_mem>>
    %dma_wait3A_176 = tpu.memref_squeeze %dma_wait3A_175 : memref<1x!tpu.dma_semaphore, #tpu.memory_space<semaphore_mem>> -> memref<!tpu.dma_semaphore, #tpu.memory_space<semaphore_mem>>
    %dma_wait3A_177 = arith.constant 0 : i32
    %dma_wait3A_178 = tpu.memref_slice %arg6[%dma_wait3A, %dma_wait3A_177] : memref<4x80xi32, #tpu.memory_space<vmem>> -> memref<1x80xi32, #tpu.memory_space<vmem>>
    %dma_wait3A_179 = tpu.memref_squeeze %dma_wait3A_178 : memref<1x80xi32, #tpu.memory_space<vmem>> -> memref<80xi32, #tpu.memory_space<vmem>>
    %dma_wait3A_180 = tpu.memref_slice %arg3[%add3A_169] : memref<320000xi32, #tpu.memory_space<hbm>> -> memref<80xi32, #tpu.memory_space<hbm>>
    tpu.wait_dma2 semaphore(%dma_wait3A_176 : memref<!tpu.dma_semaphore, #tpu.memory_space<semaphore_mem>>) src(%dma_wait3A_180 : memref<80xi32, #tpu.memory_space<hbm>>) dst(%dma_wait3A_179 : memref<80xi32, #tpu.memory_space<vmem>>)
    %add3A_181 = arith.constant 4800 : i32
    %add3A_182 = arith.addi %mul3A_2, %add3A_181 : i32
    %dma_wait3A_183 = arith.constant 0 : i32
    %dma_wait3A_184 = arith.constant 0 : i32
    %dma_wait3A_185 = arith.constant 0 : i32
    %dma_wait3A_186 = arith.constant 0 : i32
    %dma_wait3A_187 = tpu.memref_slice %arg7[%dma_wait3A_183, %dma_wait3A_185, %dma_wait3A_186] : memref<4x80x128xf32, #tpu.memory_space<vmem>> -> memref<1x80x128xf32, #tpu.memory_space<vmem>>
    %dma_wait3A_188 = tpu.memref_squeeze %dma_wait3A_187 : memref<1x80x128xf32, #tpu.memory_space<vmem>> -> memref<80x128xf32, #tpu.memory_space<vmem>>
    %dma_wait3A_189 = arith.constant 0 : i32
    %dma_wait3A_190 = tpu.memref_slice %arg2[%add3A_182, %dma_wait3A_189] : memref<158720x128xf32, #tpu.memory_space<hbm>> -> memref<80x128xf32, #tpu.memory_space<hbm>>
    %dma_wait3A_191 = tpu.memref_slice %arg9[%dma_wait3A_184] : memref<4x!tpu.dma_semaphore, #tpu.memory_space<semaphore_mem>> -> memref<1x!tpu.dma_semaphore, #tpu.memory_space<semaphore_mem>>
    %dma_wait3A_192 = tpu.memref_squeeze %dma_wait3A_191 : memref<1x!tpu.dma_semaphore, #tpu.memory_space<semaphore_mem>> -> memref<!tpu.dma_semaphore, #tpu.memory_space<semaphore_mem>>
    %dma_wait3A_193 = arith.constant 0 : i32
    %dma_wait3A_194 = arith.constant 0 : i32
    %dma_wait3A_195 = tpu.memref_slice %arg7[%dma_wait3A_183, %dma_wait3A_193, %dma_wait3A_194] : memref<4x80x128xf32, #tpu.memory_space<vmem>> -> memref<1x80x128xf32, #tpu.memory_space<vmem>>
    %dma_wait3A_196 = tpu.memref_squeeze %dma_wait3A_195 : memref<1x80x128xf32, #tpu.memory_space<vmem>> -> memref<80x128xf32, #tpu.memory_space<vmem>>
    %dma_wait3A_197 = arith.constant 0 : i32
    %dma_wait3A_198 = tpu.memref_slice %arg2[%add3A_182, %dma_wait3A_197] : memref<158720x128xf32, #tpu.memory_space<hbm>> -> memref<80x128xf32, #tpu.memory_space<hbm>>
    tpu.wait_dma2 semaphore(%dma_wait3A_192 : memref<!tpu.dma_semaphore, #tpu.memory_space<semaphore_mem>>) src(%dma_wait3A_198 : memref<80x128xf32, #tpu.memory_space<hbm>>) dst(%dma_wait3A_196 : memref<80x128xf32, #tpu.memory_space<vmem>>)
    %dma_start3A_199 = arith.constant 0 : i32
    %dma_start3A_200 = arith.constant 0 : i32
    %dma_start3A_201 = arith.constant 0 : i32
    %dma_start3A_202 = arith.constant 0 : i32
    %dma_start3A_203 = arith.constant 0 : i32
    %dma_start3A_204 = tpu.memref_slice %arg7[%dma_start3A_199, %dma_start3A_202, %dma_start3A_203] : memref<4x80x128xf32, #tpu.memory_space<vmem>> -> memref<1x80x128xf32, #tpu.memory_space<vmem>>
    %dma_start3A_205 = tpu.memref_squeeze %dma_start3A_204 : memref<1x80x128xf32, #tpu.memory_space<vmem>> -> memref<80x128xf32, #tpu.memory_space<vmem>>
    %dma_start3A_206 = arith.constant 0 : i32
    %dma_start3A_207 = tpu.memref_slice %arg6[%dma_start3A_200, %dma_start3A_206] : memref<4x80xi32, #tpu.memory_space<vmem>> -> memref<1x80xi32, #tpu.memory_space<vmem>>
    %dma_start3A_208 = tpu.memref_squeeze %dma_start3A_207 : memref<1x80xi32, #tpu.memory_space<vmem>> -> memref<80xi32, #tpu.memory_space<vmem>>
    %dma_start3A_209 = arith.constant 0 : i32
    %dma_start3A_210 = arith.constant 0 : i32
    %dma_start3A_211 = tpu.memref_slice %arg5[%dma_start3A_209, %dma_start3A_210] : memref<10000x128xf32, #tpu.memory_space<vmem_shared>> -> memref<10000x128xf32, #tpu.memory_space<vmem_shared>>
    %dma_start3A_212 = tpu.memref_slice %arg10[%dma_start3A_201] : memref<4x!tpu.dma_semaphore, #tpu.memory_space<semaphore_mem>> -> memref<1x!tpu.dma_semaphore, #tpu.memory_space<semaphore_mem>>
    %dma_start3A_213 = tpu.memref_squeeze %dma_start3A_212 : memref<1x!tpu.dma_semaphore, #tpu.memory_space<semaphore_mem>> -> memref<!tpu.dma_semaphore, #tpu.memory_space<semaphore_mem>>
    tpu.enqueue_indirect_dma source(%dma_start3A_205 : memref<80x128xf32, #tpu.memory_space<vmem>>) target(%dma_start3A_211 : memref<10000x128xf32, #tpu.memory_space<vmem_shared>>) offsets(%dma_start3A_208 : memref<80xi32, #tpu.memory_space<vmem>>) semaphore(%dma_start3A_213 : memref<!tpu.dma_semaphore, #tpu.memory_space<semaphore_mem>>) {add = true}
    %add3A_214 = arith.constant 4880 : i32
    %add3A_215 = arith.addi %add3A_4, %add3A_214 : i32
    %dma_wait3A_216 = arith.constant 1 : i32
    %dma_wait3A_217 = arith.constant 1 : i32
    %dma_wait3A_218 = arith.constant 0 : i32
    %dma_wait3A_219 = tpu.memref_slice %arg6[%dma_wait3A_216, %dma_wait3A_218] : memref<4x80xi32, #tpu.memory_space<vmem>> -> memref<1x80xi32, #tpu.memory_space<vmem>>
    %dma_wait3A_220 = tpu.memref_squeeze %dma_wait3A_219 : memref<1x80xi32, #tpu.memory_space<vmem>> -> memref<80xi32, #tpu.memory_space<vmem>>
    %dma_wait3A_221 = tpu.memref_slice %arg3[%add3A_215] : memref<320000xi32, #tpu.memory_space<hbm>> -> memref<80xi32, #tpu.memory_space<hbm>>
    %dma_wait3A_222 = tpu.memref_slice %arg8[%dma_wait3A_217] : memref<4x!tpu.dma_semaphore, #tpu.memory_space<semaphore_mem>> -> memref<1x!tpu.dma_semaphore, #tpu.memory_space<semaphore_mem>>
    %dma_wait3A_223 = tpu.memref_squeeze %dma_wait3A_222 : memref<1x!tpu.dma_semaphore, #tpu.memory_space<semaphore_mem>> -> memref<!tpu.dma_semaphore, #tpu.memory_space<semaphore_mem>>
    %dma_wait3A_224 = arith.constant 0 : i32
    %dma_wait3A_225 = tpu.memref_slice %arg6[%dma_wait3A_216, %dma_wait3A_224] : memref<4x80xi32, #tpu.memory_space<vmem>> -> memref<1x80xi32, #tpu.memory_space<vmem>>
    %dma_wait3A_226 = tpu.memref_squeeze %dma_wait3A_225 : memref<1x80xi32, #tpu.memory_space<vmem>> -> memref<80xi32, #tpu.memory_space<vmem>>
    %dma_wait3A_227 = tpu.memref_slice %arg3[%add3A_215] : memref<320000xi32, #tpu.memory_space<hbm>> -> memref<80xi32, #tpu.memory_space<hbm>>
    tpu.wait_dma2 semaphore(%dma_wait3A_223 : memref<!tpu.dma_semaphore, #tpu.memory_space<semaphore_mem>>) src(%dma_wait3A_227 : memref<80xi32, #tpu.memory_space<hbm>>) dst(%dma_wait3A_226 : memref<80xi32, #tpu.memory_space<vmem>>)
    %add3A_228 = arith.constant 4880 : i32
    %add3A_229 = arith.addi %mul3A_2, %add3A_228 : i32
    %dma_wait3A_230 = arith.constant 1 : i32
    %dma_wait3A_231 = arith.constant 1 : i32
    %dma_wait3A_232 = arith.constant 0 : i32
    %dma_wait3A_233 = arith.constant 0 : i32
    %dma_wait3A_234 = tpu.memref_slice %arg7[%dma_wait3A_230, %dma_wait3A_232, %dma_wait3A_233] : memref<4x80x128xf32, #tpu.memory_space<vmem>> -> memref<1x80x128xf32, #tpu.memory_space<vmem>>
    %dma_wait3A_235 = tpu.memref_squeeze %dma_wait3A_234 : memref<1x80x128xf32, #tpu.memory_space<vmem>> -> memref<80x128xf32, #tpu.memory_space<vmem>>
    %dma_wait3A_236 = arith.constant 0 : i32
    %dma_wait3A_237 = tpu.memref_slice %arg2[%add3A_229, %dma_wait3A_236] : memref<158720x128xf32, #tpu.memory_space<hbm>> -> memref<80x128xf32, #tpu.memory_space<hbm>>
    %dma_wait3A_238 = tpu.memref_slice %arg9[%dma_wait3A_231] : memref<4x!tpu.dma_semaphore, #tpu.memory_space<semaphore_mem>> -> memref<1x!tpu.dma_semaphore, #tpu.memory_space<semaphore_mem>>
    %dma_wait3A_239 = tpu.memref_squeeze %dma_wait3A_238 : memref<1x!tpu.dma_semaphore, #tpu.memory_space<semaphore_mem>> -> memref<!tpu.dma_semaphore, #tpu.memory_space<semaphore_mem>>
    %dma_wait3A_240 = arith.constant 0 : i32
    %dma_wait3A_241 = arith.constant 0 : i32
    %dma_wait3A_242 = tpu.memref_slice %arg7[%dma_wait3A_230, %dma_wait3A_240, %dma_wait3A_241] : memref<4x80x128xf32, #tpu.memory_space<vmem>> -> memref<1x80x128xf32, #tpu.memory_space<vmem>>
    %dma_wait3A_243 = tpu.memref_squeeze %dma_wait3A_242 : memref<1x80x128xf32, #tpu.memory_space<vmem>> -> memref<80x128xf32, #tpu.memory_space<vmem>>
    %dma_wait3A_244 = arith.constant 0 : i32
    %dma_wait3A_245 = tpu.memref_slice %arg2[%add3A_229, %dma_wait3A_244] : memref<158720x128xf32, #tpu.memory_space<hbm>> -> memref<80x128xf32, #tpu.memory_space<hbm>>
    tpu.wait_dma2 semaphore(%dma_wait3A_239 : memref<!tpu.dma_semaphore, #tpu.memory_space<semaphore_mem>>) src(%dma_wait3A_245 : memref<80x128xf32, #tpu.memory_space<hbm>>) dst(%dma_wait3A_243 : memref<80x128xf32, #tpu.memory_space<vmem>>)
    %dma_start3A_246 = arith.constant 1 : i32
    %dma_start3A_247 = arith.constant 1 : i32
    %dma_start3A_248 = arith.constant 1 : i32
    %dma_start3A_249 = arith.constant 0 : i32
    %dma_start3A_250 = arith.constant 0 : i32
    %dma_start3A_251 = tpu.memref_slice %arg7[%dma_start3A_246, %dma_start3A_249, %dma_start3A_250] : memref<4x80x128xf32, #tpu.memory_space<vmem>> -> memref<1x80x128xf32, #tpu.memory_space<vmem>>
    %dma_start3A_252 = tpu.memref_squeeze %dma_start3A_251 : memref<1x80x128xf32, #tpu.memory_space<vmem>> -> memref<80x128xf32, #tpu.memory_space<vmem>>
    %dma_start3A_253 = arith.constant 0 : i32
    %dma_start3A_254 = tpu.memref_slice %arg6[%dma_start3A_247, %dma_start3A_253] : memref<4x80xi32, #tpu.memory_space<vmem>> -> memref<1x80xi32, #tpu.memory_space<vmem>>
    %dma_start3A_255 = tpu.memref_squeeze %dma_start3A_254 : memref<1x80xi32, #tpu.memory_space<vmem>> -> memref<80xi32, #tpu.memory_space<vmem>>
    %dma_start3A_256 = arith.constant 0 : i32
    %dma_start3A_257 = arith.constant 0 : i32
    %dma_start3A_258 = tpu.memref_slice %arg5[%dma_start3A_256, %dma_start3A_257] : memref<10000x128xf32, #tpu.memory_space<vmem_shared>> -> memref<10000x128xf32, #tpu.memory_space<vmem_shared>>
    %dma_start3A_259 = tpu.memref_slice %arg10[%dma_start3A_248] : memref<4x!tpu.dma_semaphore, #tpu.memory_space<semaphore_mem>> -> memref<1x!tpu.dma_semaphore, #tpu.memory_space<semaphore_mem>>
    %dma_start3A_260 = tpu.memref_squeeze %dma_start3A_259 : memref<1x!tpu.dma_semaphore, #tpu.memory_space<semaphore_mem>> -> memref<!tpu.dma_semaphore, #tpu.memory_space<semaphore_mem>>
    tpu.enqueue_indirect_dma source(%dma_start3A_252 : memref<80x128xf32, #tpu.memory_space<vmem>>) target(%dma_start3A_258 : memref<10000x128xf32, #tpu.memory_space<vmem_shared>>) offsets(%dma_start3A_255 : memref<80xi32, #tpu.memory_space<vmem>>) semaphore(%dma_start3A_260 : memref<!tpu.dma_semaphore, #tpu.memory_space<semaphore_mem>>) {add = true}
    %dma_wait3A_261 = arith.constant 0 : i32
    %dma_wait3A_262 = arith.constant 0 : i32
    %dma_wait3A_263 = arith.constant 0 : i32
    %dma_wait3A_264 = arith.constant 0 : i32
    %dma_wait3A_265 = arith.constant 0 : i32
    %dma_wait3A_266 = tpu.memref_slice %arg7[%dma_wait3A_261, %dma_wait3A_264, %dma_wait3A_265] : memref<4x80x128xf32, #tpu.memory_space<vmem>> -> memref<1x80x128xf32, #tpu.memory_space<vmem>>
    %dma_wait3A_267 = tpu.memref_squeeze %dma_wait3A_266 : memref<1x80x128xf32, #tpu.memory_space<vmem>> -> memref<80x128xf32, #tpu.memory_space<vmem>>
    %dma_wait3A_268 = arith.constant 0 : i32
    %dma_wait3A_269 = tpu.memref_slice %arg6[%dma_wait3A_262, %dma_wait3A_268] : memref<4x80xi32, #tpu.memory_space<vmem>> -> memref<1x80xi32, #tpu.memory_space<vmem>>
    %dma_wait3A_270 = tpu.memref_squeeze %dma_wait3A_269 : memref<1x80xi32, #tpu.memory_space<vmem>> -> memref<80xi32, #tpu.memory_space<vmem>>
    %dma_wait3A_271 = arith.constant 0 : i32
    %dma_wait3A_272 = arith.constant 0 : i32
    %dma_wait3A_273 = tpu.memref_slice %arg5[%dma_wait3A_271, %dma_wait3A_272] : memref<10000x128xf32, #tpu.memory_space<vmem_shared>> -> memref<10000x128xf32, #tpu.memory_space<vmem_shared>>
    %dma_wait3A_274 = tpu.memref_slice %arg10[%dma_wait3A_263] : memref<4x!tpu.dma_semaphore, #tpu.memory_space<semaphore_mem>> -> memref<1x!tpu.dma_semaphore, #tpu.memory_space<semaphore_mem>>
    %dma_wait3A_275 = tpu.memref_squeeze %dma_wait3A_274 : memref<1x!tpu.dma_semaphore, #tpu.memory_space<semaphore_mem>> -> memref<!tpu.dma_semaphore, #tpu.memory_space<semaphore_mem>>
    tpu.wait_indirect_dma semaphore(%dma_wait3A_275 : memref<!tpu.dma_semaphore, #tpu.memory_space<semaphore_mem>>) src(%dma_wait3A_267 : memref<80x128xf32, #tpu.memory_space<vmem>>) dst(%dma_wait3A_273 : memref<10000x128xf32, #tpu.memory_space<vmem_shared>>)
    %dma_wait3A_276 = arith.constant 1 : i32
    %dma_wait3A_277 = arith.constant 1 : i32
    %dma_wait3A_278 = arith.constant 1 : i32
    %dma_wait3A_279 = arith.constant 0 : i32
    %dma_wait3A_280 = arith.constant 0 : i32
    %dma_wait3A_281 = tpu.memref_slice %arg7[%dma_wait3A_276, %dma_wait3A_279, %dma_wait3A_280] : memref<4x80x128xf32, #tpu.memory_space<vmem>> -> memref<1x80x128xf32, #tpu.memory_space<vmem>>
    %dma_wait3A_282 = tpu.memref_squeeze %dma_wait3A_281 : memref<1x80x128xf32, #tpu.memory_space<vmem>> -> memref<80x128xf32, #tpu.memory_space<vmem>>
    %dma_wait3A_283 = arith.constant 0 : i32
    %dma_wait3A_284 = tpu.memref_slice %arg6[%dma_wait3A_277, %dma_wait3A_283] : memref<4x80xi32, #tpu.memory_space<vmem>> -> memref<1x80xi32, #tpu.memory_space<vmem>>
    %dma_wait3A_285 = tpu.memref_squeeze %dma_wait3A_284 : memref<1x80xi32, #tpu.memory_space<vmem>> -> memref<80xi32, #tpu.memory_space<vmem>>
    %dma_wait3A_286 = arith.constant 0 : i32
    %dma_wait3A_287 = arith.constant 0 : i32
    %dma_wait3A_288 = tpu.memref_slice %arg5[%dma_wait3A_286, %dma_wait3A_287] : memref<10000x128xf32, #tpu.memory_space<vmem_shared>> -> memref<10000x128xf32, #tpu.memory_space<vmem_shared>>
    %dma_wait3A_289 = tpu.memref_slice %arg10[%dma_wait3A_278] : memref<4x!tpu.dma_semaphore, #tpu.memory_space<semaphore_mem>> -> memref<1x!tpu.dma_semaphore, #tpu.memory_space<semaphore_mem>>
    %dma_wait3A_290 = tpu.memref_squeeze %dma_wait3A_289 : memref<1x!tpu.dma_semaphore, #tpu.memory_space<semaphore_mem>> -> memref<!tpu.dma_semaphore, #tpu.memory_space<semaphore_mem>>
    tpu.wait_indirect_dma semaphore(%dma_wait3A_290 : memref<!tpu.dma_semaphore, #tpu.memory_space<semaphore_mem>>) src(%dma_wait3A_282 : memref<80x128xf32, #tpu.memory_space<vmem>>) dst(%dma_wait3A_288 : memref<10000x128xf32, #tpu.memory_space<vmem_shared>>)
    %dma_wait3A_291 = arith.constant 2 : i32
    %dma_wait3A_292 = arith.constant 2 : i32
    %dma_wait3A_293 = arith.constant 2 : i32
    %dma_wait3A_294 = arith.constant 0 : i32
    %dma_wait3A_295 = arith.constant 0 : i32
    %dma_wait3A_296 = tpu.memref_slice %arg7[%dma_wait3A_291, %dma_wait3A_294, %dma_wait3A_295] : memref<4x80x128xf32, #tpu.memory_space<vmem>> -> memref<1x80x128xf32, #tpu.memory_space<vmem>>
    %dma_wait3A_297 = tpu.memref_squeeze %dma_wait3A_296 : memref<1x80x128xf32, #tpu.memory_space<vmem>> -> memref<80x128xf32, #tpu.memory_space<vmem>>
    %dma_wait3A_298 = arith.constant 0 : i32
    %dma_wait3A_299 = tpu.memref_slice %arg6[%dma_wait3A_292, %dma_wait3A_298] : memref<4x80xi32, #tpu.memory_space<vmem>> -> memref<1x80xi32, #tpu.memory_space<vmem>>
    %dma_wait3A_300 = tpu.memref_squeeze %dma_wait3A_299 : memref<1x80xi32, #tpu.memory_space<vmem>> -> memref<80xi32, #tpu.memory_space<vmem>>
    %dma_wait3A_301 = arith.constant 0 : i32
    %dma_wait3A_302 = arith.constant 0 : i32
    %dma_wait3A_303 = tpu.memref_slice %arg5[%dma_wait3A_301, %dma_wait3A_302] : memref<10000x128xf32, #tpu.memory_space<vmem_shared>> -> memref<10000x128xf32, #tpu.memory_space<vmem_shared>>
    %dma_wait3A_304 = tpu.memref_slice %arg10[%dma_wait3A_293] : memref<4x!tpu.dma_semaphore, #tpu.memory_space<semaphore_mem>> -> memref<1x!tpu.dma_semaphore, #tpu.memory_space<semaphore_mem>>
    %dma_wait3A_305 = tpu.memref_squeeze %dma_wait3A_304 : memref<1x!tpu.dma_semaphore, #tpu.memory_space<semaphore_mem>> -> memref<!tpu.dma_semaphore, #tpu.memory_space<semaphore_mem>>
    tpu.wait_indirect_dma semaphore(%dma_wait3A_305 : memref<!tpu.dma_semaphore, #tpu.memory_space<semaphore_mem>>) src(%dma_wait3A_297 : memref<80x128xf32, #tpu.memory_space<vmem>>) dst(%dma_wait3A_303 : memref<10000x128xf32, #tpu.memory_space<vmem_shared>>)
    %dma_wait3A_306 = arith.constant 3 : i32
    %dma_wait3A_307 = arith.constant 3 : i32
    %dma_wait3A_308 = arith.constant 3 : i32
    %dma_wait3A_309 = arith.constant 0 : i32
    %dma_wait3A_310 = arith.constant 0 : i32
    %dma_wait3A_311 = tpu.memref_slice %arg7[%dma_wait3A_306, %dma_wait3A_309, %dma_wait3A_310] : memref<4x80x128xf32, #tpu.memory_space<vmem>> -> memref<1x80x128xf32, #tpu.memory_space<vmem>>
    %dma_wait3A_312 = tpu.memref_squeeze %dma_wait3A_311 : memref<1x80x128xf32, #tpu.memory_space<vmem>> -> memref<80x128xf32, #tpu.memory_space<vmem>>
    %dma_wait3A_313 = arith.constant 0 : i32
    %dma_wait3A_314 = tpu.memref_slice %arg6[%dma_wait3A_307, %dma_wait3A_313] : memref<4x80xi32, #tpu.memory_space<vmem>> -> memref<1x80xi32, #tpu.memory_space<vmem>>
    %dma_wait3A_315 = tpu.memref_squeeze %dma_wait3A_314 : memref<1x80xi32, #tpu.memory_space<vmem>> -> memref<80xi32, #tpu.memory_space<vmem>>
    %dma_wait3A_316 = arith.constant 0 : i32
    %dma_wait3A_317 = arith.constant 0 : i32
    %dma_wait3A_318 = tpu.memref_slice %arg5[%dma_wait3A_316, %dma_wait3A_317] : memref<10000x128xf32, #tpu.memory_space<vmem_shared>> -> memref<10000x128xf32, #tpu.memory_space<vmem_shared>>
    %dma_wait3A_319 = tpu.memref_slice %arg10[%dma_wait3A_308] : memref<4x!tpu.dma_semaphore, #tpu.memory_space<semaphore_mem>> -> memref<1x!tpu.dma_semaphore, #tpu.memory_space<semaphore_mem>>
    %dma_wait3A_320 = tpu.memref_squeeze %dma_wait3A_319 : memref<1x!tpu.dma_semaphore, #tpu.memory_space<semaphore_mem>> -> memref<!tpu.dma_semaphore, #tpu.memory_space<semaphore_mem>>
    tpu.wait_indirect_dma semaphore(%dma_wait3A_320 : memref<!tpu.dma_semaphore, #tpu.memory_space<semaphore_mem>>) src(%dma_wait3A_312 : memref<80x128xf32, #tpu.memory_space<vmem>>) dst(%dma_wait3A_318 : memref<10000x128xf32, #tpu.memory_space<vmem_shared>>)
    %barrier3A_321 = arith.constant 0 : index
    tpu.barrier barrier_id(%barrier3A_321)
    "tpu.region"() ({
      %run_scoped3A_327 = tpu.sem_alloc : memref<!tpu.dma_semaphore, #tpu.memory_space<semaphore_mem>>
      %dma_start3A_328 = arith.constant 0 : i32
      %dma_start3A_329 = tpu.memref_slice %arg4[%arg0, %mul3A_6, %dma_start3A_328] : memref<2x10000x128xf32, #tpu.memory_space<hbm>> -> memref<1x624x128xf32, #tpu.memory_space<hbm>>
      %dma_start3A_330 = tpu.memref_squeeze %dma_start3A_329 : memref<1x624x128xf32, #tpu.memory_space<hbm>> -> memref<624x128xf32, #tpu.memory_space<hbm>>
      %dma_start3A_331 = arith.constant 0 : i32
      %dma_start3A_332 = tpu.memref_slice %arg5[%mul3A_6, %dma_start3A_331] : memref<10000x128xf32, #tpu.memory_space<vmem_shared>> -> memref<624x128xf32, #tpu.memory_space<vmem_shared>>
      tpu.enqueue_dma source(%dma_start3A_332 : memref<624x128xf32, #tpu.memory_space<vmem_shared>>) target(%dma_start3A_330 : memref<624x128xf32, #tpu.memory_space<hbm>>) target_semaphore(%run_scoped3A_327 : memref<!tpu.dma_semaphore, #tpu.memory_space<semaphore_mem>>)
      %dma_wait3A_333 = arith.constant 0 : i32
      %dma_wait3A_334 = tpu.memref_slice %arg4[%arg0, %mul3A_6, %dma_wait3A_333] : memref<2x10000x128xf32, #tpu.memory_space<hbm>> -> memref<1x624x128xf32, #tpu.memory_space<hbm>>
      %dma_wait3A_335 = tpu.memref_squeeze %dma_wait3A_334 : memref<1x624x128xf32, #tpu.memory_space<hbm>> -> memref<624x128xf32, #tpu.memory_space<hbm>>
      %dma_wait3A_336 = arith.constant 0 : i32
      %dma_wait3A_337 = tpu.memref_slice %arg5[%mul3A_6, %dma_wait3A_336] : memref<10000x128xf32, #tpu.memory_space<vmem_shared>> -> memref<624x128xf32, #tpu.memory_space<vmem_shared>>
      tpu.wait_dma2 semaphore(%run_scoped3A_327 : memref<!tpu.dma_semaphore, #tpu.memory_space<semaphore_mem>>) src(%dma_wait3A_337 : memref<624x128xf32, #tpu.memory_space<vmem_shared>>) dst(%dma_wait3A_335 : memref<624x128xf32, #tpu.memory_space<hbm>>)
      tpu.yield
    }) : () -> ()
    %eq3A_322 = arith.constant 15 : i32
    %eq3A_323 = arith.cmpi eq, %arg1, %eq3A_322 : i32
    %convert_element_type3A_324 = arith.extui %eq3A_323 : i1 to i32
    %cond3A_325 = arith.constant 0 : i32
    %cond3A_326 = arith.cmpi ne, %convert_element_type3A_324, %cond3A_325 : i32
    scf.if %cond3A_326 {
      "tpu.region"() ({
        %run_scoped3A_327 = tpu.sem_alloc : memref<!tpu.dma_semaphore, #tpu.memory_space<semaphore_mem>>
        %dma_start3A_328 = arith.constant 9984 : i32
        %dma_start3A_329 = arith.constant 0 : i32
        %dma_start3A_330 = tpu.memref_slice %arg4[%arg0, %dma_start3A_328, %dma_start3A_329] : memref<2x10000x128xf32, #tpu.memory_space<hbm>> -> memref<1x16x128xf32, #tpu.memory_space<hbm>>
        %dma_start3A_331 = tpu.memref_squeeze %dma_start3A_330 : memref<1x16x128xf32, #tpu.memory_space<hbm>> -> memref<16x128xf32, #tpu.memory_space<hbm>>
        %dma_start3A_332 = arith.constant 9984 : i32
        %dma_start3A_333 = arith.constant 0 : i32
        %dma_start3A_334 = tpu.memref_slice %arg5[%dma_start3A_332, %dma_start3A_333] : memref<10000x128xf32, #tpu.memory_space<vmem_shared>> -> memref<16x128xf32, #tpu.memory_space<vmem_shared>>
        tpu.enqueue_dma source(%dma_start3A_334 : memref<16x128xf32, #tpu.memory_space<vmem_shared>>) target(%dma_start3A_331 : memref<16x128xf32, #tpu.memory_space<hbm>>) target_semaphore(%run_scoped3A_327 : memref<!tpu.dma_semaphore, #tpu.memory_space<semaphore_mem>>)
        %dma_wait3A_335 = arith.constant 9984 : i32
        %dma_wait3A_336 = arith.constant 0 : i32
        %dma_wait3A_337 = tpu.memref_slice %arg4[%arg0, %dma_wait3A_335, %dma_wait3A_336] : memref<2x10000x128xf32, #tpu.memory_space<hbm>> -> memref<1x16x128xf32, #tpu.memory_space<hbm>>
        %dma_wait3A_338 = tpu.memref_squeeze %dma_wait3A_337 : memref<1x16x128xf32, #tpu.memory_space<hbm>> -> memref<16x128xf32, #tpu.memory_space<hbm>>
        %dma_wait3A_339 = arith.constant 9984 : i32
        %dma_wait3A_340 = arith.constant 0 : i32
        %dma_wait3A_341 = tpu.memref_slice %arg5[%dma_wait3A_339, %dma_wait3A_340] : memref<10000x128xf32, #tpu.memory_space<vmem_shared>> -> memref<16x128xf32, #tpu.memory_space<vmem_shared>>
        tpu.wait_dma2 semaphore(%run_scoped3A_327 : memref<!tpu.dma_semaphore, #tpu.memory_space<semaphore_mem>>) src(%dma_wait3A_341 : memref<16x128xf32, #tpu.memory_space<vmem_shared>>) dst(%dma_wait3A_338 : memref<16x128xf32, #tpu.memory_space<hbm>>)
        tpu.yield
      }) : () -> ()
    } else {
    }
    return
  }
}

module attributes {stable_mosaic.version = 14 : i64} {
  func.func @_edge_mul_body(%arg0: i32, %arg1: memref<2560x128xf32, #tpu.memory_space<vmem>>, %arg2: memref<2560x16xf32, #tpu.memory_space<vmem>>, %arg3: memref<16x128xf32, #tpu.memory_space<vmem>>, %arg4: memref<2560x128xf32, #tpu.memory_space<vmem>>) attributes {dimension_semantics = [#tpu.dimension_semantics<arbitrary>], iteration_bounds = array<i64: 62>, scalar_prefetch = 0 : i64, scratch_operands = 0 : i64, tpu.core_type = #tpu.core_type<tc>, window_params = [{transform_indices = @transform_0, window_bounds = array<i64: 2560, 128>}, {transform_indices = @transform_1, window_bounds = array<i64: 2560, 16>}, {pipeline_mode = #tpu.pipeline_mode<synchronous>, transform_indices = @transform_2, window_bounds = array<i64: 16, 128>}, {transform_indices = @transform_3, window_bounds = array<i64: 2560, 128>}]} {
    %get3A = arith.constant 0 : index
    %get3A_0 = arith.constant 0 : index
    %get3A_1 = vector.load %arg1[%get3A, %get3A_0] : memref<2560x128xf32, #tpu.memory_space<vmem>>, vector<2560x128xf32>
    %get3A_2 = arith.constant 0 : index
    %get3A_3 = arith.constant 0 : index
    %get3A_4 = vector.load %arg2[%get3A_2, %get3A_3] : memref<2560x16xf32, #tpu.memory_space<vmem>>, vector<2560x16xf32>
    %get3A_5 = arith.constant 0 : index
    %get3A_6 = arith.constant 0 : index
    %get3A_7 = vector.load %arg3[%get3A_5, %get3A_6] : memref<16x128xf32, #tpu.memory_space<vmem>>, vector<16x128xf32>
    %dot_general3A = arith.constant dense<0.000000e+00> : vector<2560x128xf32>
    %dot_general3A_8 = tpu.matmul %get3A_4, %get3A_7, %dot_general3A {dimension_numbers = #tpu.dot_dimension_numbers<[1], [0], [0], [1], [0, 0, 1, 1], [], []>, transpose_lhs_hint = false} : vector<2560x16xf32>, vector<16x128xf32>, vector<2560x128xf32> -> vector<2560x128xf32>
    %mul3A = arith.mulf %get3A_1, %dot_general3A_8 : vector<2560x128xf32>
    %swap3A = arith.constant 0 : index
    %swap3A_9 = arith.constant 0 : index
    %swap3A_10 = vector.load %arg4[%swap3A, %swap3A_9] : memref<2560x128xf32, #tpu.memory_space<vmem>>, vector<2560x128xf32>
    tpu.vector_store %arg4[%swap3A, %swap3A_9], %mul3A {strides = array<i32>} : memref<2560x128xf32, #tpu.memory_space<vmem>>, vector<2560x128xf32>,
    return
  }
  func.func @transform_0(%arg0: i32) -> (i32, i32) {
    %add3A = arith.constant 63 : i32
    %add3A_0 = arith.addi %add3A, %arg0 : i32
    %c0_i32 = arith.constant 0 : i32
    %c0_i32_1 = arith.constant 0 : i32
    return %add3A_0, %c0_i32 : i32, i32
  }
  func.func @transform_1(%arg0: i32) -> (i32, i32) {
    %add3A = arith.constant 63 : i32
    %add3A_0 = arith.addi %add3A, %arg0 : i32
    %c0_i32 = arith.constant 0 : i32
    %c0_i32_1 = arith.constant 0 : i32
    return %add3A_0, %c0_i32 : i32, i32
  }
  func.func @transform_2(%arg0: i32) -> (i32, i32) {
    %c0_i32 = arith.constant 0 : i32
    %c0_i32_0 = arith.constant 0 : i32
    %c0_i32_1 = arith.constant 0 : i32
    return %c0_i32, %c0_i32_0 : i32, i32
  }
  func.func @transform_3(%arg0: i32) -> (i32, i32) {
    %c0_i32 = arith.constant 0 : i32
    %c0_i32_0 = arith.constant 0 : i32
    return %arg0, %c0_i32 : i32, i32
  }
}

module attributes {stable_mosaic.version = 14 : i64} {
  func.func @_edge_mul_body(%arg0: i32, %arg1: memref<2560x128xf32, #tpu.memory_space<vmem>>, %arg2: memref<2560x16xf32, #tpu.memory_space<vmem>>, %arg3: memref<16x128xf32, #tpu.memory_space<vmem>>, %arg4: memref<2560x128xf32, #tpu.memory_space<vmem>>) attributes {dimension_semantics = [#tpu.dimension_semantics<arbitrary>], iteration_bounds = array<i64: 63>, scalar_prefetch = 0 : i64, scratch_operands = 0 : i64, tpu.core_type = #tpu.core_type<tc>, window_params = [{transform_indices = @transform_0, window_bounds = array<i64: 2560, 128>}, {transform_indices = @transform_1, window_bounds = array<i64: 2560, 16>}, {pipeline_mode = #tpu.pipeline_mode<synchronous>, transform_indices = @transform_2, window_bounds = array<i64: 16, 128>}, {transform_indices = @transform_3, window_bounds = array<i64: 2560, 128>}]} {
    %get3A = arith.constant 0 : index
    %get3A_0 = arith.constant 0 : index
    %get3A_1 = vector.load %arg1[%get3A, %get3A_0] : memref<2560x128xf32, #tpu.memory_space<vmem>>, vector<2560x128xf32>
    %get3A_2 = arith.constant 0 : index
    %get3A_3 = arith.constant 0 : index
    %get3A_4 = vector.load %arg2[%get3A_2, %get3A_3] : memref<2560x16xf32, #tpu.memory_space<vmem>>, vector<2560x16xf32>
    %get3A_5 = arith.constant 0 : index
    %get3A_6 = arith.constant 0 : index
    %get3A_7 = vector.load %arg3[%get3A_5, %get3A_6] : memref<16x128xf32, #tpu.memory_space<vmem>>, vector<16x128xf32>
    %dot_general3A = arith.constant dense<0.000000e+00> : vector<2560x128xf32>
    %dot_general3A_8 = tpu.matmul %get3A_4, %get3A_7, %dot_general3A {dimension_numbers = #tpu.dot_dimension_numbers<[1], [0], [0], [1], [0, 0, 1, 1], [], []>, transpose_lhs_hint = false} : vector<2560x16xf32>, vector<16x128xf32>, vector<2560x128xf32> -> vector<2560x128xf32>
    %mul3A = arith.mulf %get3A_1, %dot_general3A_8 : vector<2560x128xf32>
    %swap3A = arith.constant 0 : index
    %swap3A_9 = arith.constant 0 : index
    %swap3A_10 = vector.load %arg4[%swap3A, %swap3A_9] : memref<2560x128xf32, #tpu.memory_space<vmem>>, vector<2560x128xf32>
    tpu.vector_store %arg4[%swap3A, %swap3A_9], %mul3A {strides = array<i32>} : memref<2560x128xf32, #tpu.memory_space<vmem>>, vector<2560x128xf32>,
    return
  }
  func.func @transform_0(%arg0: i32) -> (i32, i32) {
    %add3A = arith.constant 0 : i32
    %add3A_0 = arith.addi %add3A, %arg0 : i32
    %c0_i32 = arith.constant 0 : i32
    %c0_i32_1 = arith.constant 0 : i32
    return %add3A_0, %c0_i32 : i32, i32
  }
  func.func @transform_1(%arg0: i32) -> (i32, i32) {
    %add3A = arith.constant 0 : i32
    %add3A_0 = arith.addi %add3A, %arg0 : i32
    %c0_i32 = arith.constant 0 : i32
    %c0_i32_1 = arith.constant 0 : i32
    return %add3A_0, %c0_i32 : i32, i32
  }
  func.func @transform_2(%arg0: i32) -> (i32, i32) {
    %c0_i32 = arith.constant 0 : i32
    %c0_i32_0 = arith.constant 0 : i32
    %c0_i32_1 = arith.constant 0 : i32
    return %c0_i32, %c0_i32_0 : i32, i32
  }
  func.func @transform_3(%arg0: i32) -> (i32, i32) {
    %c0_i32 = arith.constant 0 : i32
    %c0_i32_0 = arith.constant 0 : i32
    return %arg0, %c0_i32 : i32, i32
  }
}

module attributes {stable_mosaic.version = 14 : i64} {
  func.func @_mlp_body(%arg0: i32, %arg1: memref<1xf32, #tpu.memory_space<smem>>, %arg2: memref<2x1000x128xf32, #tpu.memory_space<vmem>>, %arg3: memref<2x1000x128xf32, #tpu.memory_space<vmem>>, %arg4: memref<128x128xf32, #tpu.memory_space<vmem>>, %arg5: memref<2x2x128x128xf32, #tpu.memory_space<vmem>>, %arg6: memref<1000x128xf32, #tpu.memory_space<vmem>>) attributes {dimension_semantics = [#tpu.dimension_semantics<arbitrary>], iteration_bounds = array<i64: 10>, scalar_prefetch = 0 : i64, scratch_operands = 0 : i64, tpu.core_type = #tpu.core_type<tc>, window_params = [{transform_indices = @transform_0, window_bounds = array<i64: 1>}, {transform_indices = @transform_1, window_bounds = array<i64: 2, 1000, 128>}, {transform_indices = @transform_2, window_bounds = array<i64: 2, 1000, 128>}, {pipeline_mode = #tpu.pipeline_mode<synchronous>, transform_indices = @transform_3, window_bounds = array<i64: 128, 128>}, {pipeline_mode = #tpu.pipeline_mode<synchronous>, transform_indices = @transform_4, window_bounds = array<i64: 2, 2, 128, 128>}, {transform_indices = @transform_5, window_bounds = array<i64: 1000, 128>}]} {
    %get3A = arith.constant 0 : index
    %get3A_0 = arith.constant 0 : index
    %get3A_1 = arith.constant 0 : index
    %get3A_2 = vector.load %arg2[%get3A, %get3A_0, %get3A_1] : memref<2x1000x128xf32, #tpu.memory_space<vmem>>, vector<1x1000x128xf32>
    %get3A_3 = vector.shape_cast %get3A_2 : vector<1x1000x128xf32> to vector<1000x128xf32>
    %get3A_4 = arith.constant 1 : index
    %get3A_5 = arith.constant 0 : index
    %get3A_6 = arith.constant 0 : index
    %get3A_7 = vector.load %arg2[%get3A_4, %get3A_5, %get3A_6] : memref<2x1000x128xf32, #tpu.memory_space<vmem>>, vector<1x1000x128xf32>
    %get3A_8 = vector.shape_cast %get3A_7 : vector<1x1000x128xf32> to vector<1000x128xf32>
    %add3A = arith.addf %get3A_3, %get3A_8 : vector<1000x128xf32>
    %get3A_9 = arith.constant 0 : index
    %get3A_10 = arith.constant 0 : index
    %get3A_11 = arith.constant 0 : index
    %get3A_12 = vector.load %arg3[%get3A_9, %get3A_10, %get3A_11] : memref<2x1000x128xf32, #tpu.memory_space<vmem>>, vector<1x1000x128xf32>
    %get3A_13 = vector.shape_cast %get3A_12 : vector<1x1000x128xf32> to vector<1000x128xf32>
    %add3A_14 = arith.addf %add3A, %get3A_13 : vector<1000x128xf32>
    %get3A_15 = arith.constant 1 : index
    %get3A_16 = arith.constant 0 : index
    %get3A_17 = arith.constant 0 : index
    %get3A_18 = vector.load %arg3[%get3A_15, %get3A_16, %get3A_17] : memref<2x1000x128xf32, #tpu.memory_space<vmem>>, vector<1x1000x128xf32>
    %get3A_19 = vector.shape_cast %get3A_18 : vector<1x1000x128xf32> to vector<1000x128xf32>
    %add3A_20 = arith.addf %add3A_14, %get3A_19 : vector<1000x128xf32>
    %get3A_21 = arith.constant 0 : index
    %get3A_22 = memref.load %arg1[%get3A_21] : memref<1xf32, #tpu.memory_space<smem>>
    %mul3A = vector.broadcast %get3A_22 : f32 to vector<1000x128xf32>
    %mul3A_23 = arith.mulf %add3A_20, %mul3A : vector<1000x128xf32>
    %get3A_24 = arith.constant 0 : index
    %get3A_25 = arith.constant 0 : index
    %get3A_26 = vector.load %arg4[%get3A_24, %get3A_25] : memref<128x128xf32, #tpu.memory_space<vmem>>, vector<128x128xf32>
    %dot_general3A = arith.constant dense<0.000000e+00> : vector<1000x128xf32>
    %dot_general3A_27 = tpu.matmul %mul3A_23, %get3A_26, %dot_general3A {dimension_numbers = #tpu.dot_dimension_numbers<[1], [0], [0], [1], [0, 0, 1, 1], [], []>, transpose_lhs_hint = false} : vector<1000x128xf32>, vector<128x128xf32>, vector<1000x128xf32> -> vector<1000x128xf32>
    %logistic3A = arith.negf %dot_general3A_27 : vector<1000x128xf32>
    %logistic3A_28 = math.exp %logistic3A : vector<1000x128xf32>
    %logistic3A_29 = arith.constant 1.000000e+00 : f32
    %logistic3A_30 = vector.broadcast %logistic3A_29 : f32 to vector<1000x128xf32>
    %logistic3A_31 = arith.addf %logistic3A_30, %logistic3A_28 : vector<1000x128xf32>
    %logistic3A_32 = arith.divf %logistic3A_30, %logistic3A_31 : vector<1000x128xf32>
    %mul3A_33 = arith.mulf %dot_general3A_27, %logistic3A_32 : vector<1000x128xf32>
    %get3A_34 = arith.constant 0 : index
    %get3A_35 = arith.constant 0 : index
    %get3A_36 = arith.constant 0 : index
    %get3A_37 = arith.constant 0 : index
    %get3A_38 = vector.load %arg5[%get3A_34, %get3A_35, %get3A_36, %get3A_37] : memref<2x2x128x128xf32, #tpu.memory_space<vmem>>, vector<1x1x128x128xf32>
    %get3A_39 = vector.shape_cast %get3A_38 : vector<1x1x128x128xf32> to vector<128x128xf32>
    %dot_general3A_40 = arith.constant dense<0.000000e+00> : vector<1000x128xf32>
    %dot_general3A_41 = tpu.matmul %mul3A_33, %get3A_39, %dot_general3A_40 {dimension_numbers = #tpu.dot_dimension_numbers<[1], [0], [0], [1], [0, 0, 1, 1], [], []>, transpose_lhs_hint = false} : vector<1000x128xf32>, vector<128x128xf32>, vector<1000x128xf32> -> vector<1000x128xf32>
    %logistic3A_42 = arith.negf %dot_general3A_41 : vector<1000x128xf32>
    %logistic3A_43 = math.exp %logistic3A_42 : vector<1000x128xf32>
    %logistic3A_44 = arith.constant 1.000000e+00 : f32
    %logistic3A_45 = vector.broadcast %logistic3A_44 : f32 to vector<1000x128xf32>
    %logistic3A_46 = arith.addf %logistic3A_45, %logistic3A_43 : vector<1000x128xf32>
    %logistic3A_47 = arith.divf %logistic3A_45, %logistic3A_46 : vector<1000x128xf32>
    %mul3A_48 = arith.mulf %dot_general3A_41, %logistic3A_47 : vector<1000x128xf32>
    %get3A_49 = arith.constant 0 : index
    %get3A_50 = arith.constant 1 : index
    %get3A_51 = arith.constant 0 : index
    %get3A_52 = arith.constant 0 : index
    %get3A_53 = vector.load %arg5[%get3A_49, %get3A_50, %get3A_51, %get3A_52] : memref<2x2x128x128xf32, #tpu.memory_space<vmem>>, vector<1x1x128x128xf32>
    %get3A_54 = vector.shape_cast %get3A_53 : vector<1x1x128x128xf32> to vector<128x128xf32>
    %dot_general3A_55 = arith.constant dense<0.000000e+00> : vector<1000x128xf32>
    %dot_general3A_56 = tpu.matmul %mul3A_48, %get3A_54, %dot_general3A_55 {dimension_numbers = #tpu.dot_dimension_numbers<[1], [0], [0], [1], [0, 0, 1, 1], [], []>, transpose_lhs_hint = false} : vector<1000x128xf32>, vector<128x128xf32>, vector<1000x128xf32> -> vector<1000x128xf32>
    %logistic3A_57 = arith.negf %dot_general3A_56 : vector<1000x128xf32>
    %logistic3A_58 = math.exp %logistic3A_57 : vector<1000x128xf32>
    %logistic3A_59 = arith.constant 1.000000e+00 : f32
    %logistic3A_60 = vector.broadcast %logistic3A_59 : f32 to vector<1000x128xf32>
    %logistic3A_61 = arith.addf %logistic3A_60, %logistic3A_58 : vector<1000x128xf32>
    %logistic3A_62 = arith.divf %logistic3A_60, %logistic3A_61 : vector<1000x128xf32>
    %mul3A_63 = arith.mulf %dot_general3A_56, %logistic3A_62 : vector<1000x128xf32>
    %add3A_64 = arith.addf %mul3A_33, %mul3A_63 : vector<1000x128xf32>
    %mul3A_65 = arith.constant 0.707106769 : f32
    %mul3A_66 = vector.broadcast %mul3A_65 : f32 to vector<1000x128xf32>
    %mul3A_67 = arith.mulf %add3A_64, %mul3A_66 : vector<1000x128xf32>
    %get3A_68 = arith.constant 1 : index
    %get3A_69 = arith.constant 0 : index
    %get3A_70 = arith.constant 0 : index
    %get3A_71 = arith.constant 0 : index
    %get3A_72 = vector.load %arg5[%get3A_68, %get3A_69, %get3A_70, %get3A_71] : memref<2x2x128x128xf32, #tpu.memory_space<vmem>>, vector<1x1x128x128xf32>
    %get3A_73 = vector.shape_cast %get3A_72 : vector<1x1x128x128xf32> to vector<128x128xf32>
    %dot_general3A_74 = arith.constant dense<0.000000e+00> : vector<1000x128xf32>
    %dot_general3A_75 = tpu.matmul %mul3A_67, %get3A_73, %dot_general3A_74 {dimension_numbers = #tpu.dot_dimension_numbers<[1], [0], [0], [1], [0, 0, 1, 1], [], []>, transpose_lhs_hint = false} : vector<1000x128xf32>, vector<128x128xf32>, vector<1000x128xf32> -> vector<1000x128xf32>
    %logistic3A_76 = arith.negf %dot_general3A_75 : vector<1000x128xf32>
    %logistic3A_77 = math.exp %logistic3A_76 : vector<1000x128xf32>
    %logistic3A_78 = arith.constant 1.000000e+00 : f32
    %logistic3A_79 = vector.broadcast %logistic3A_78 : f32 to vector<1000x128xf32>
    %logistic3A_80 = arith.addf %logistic3A_79, %logistic3A_77 : vector<1000x128xf32>
    %logistic3A_81 = arith.divf %logistic3A_79, %logistic3A_80 : vector<1000x128xf32>
    %mul3A_82 = arith.mulf %dot_general3A_75, %logistic3A_81 : vector<1000x128xf32>
    %get3A_83 = arith.constant 1 : index
    %get3A_84 = arith.constant 1 : index
    %get3A_85 = arith.constant 0 : index
    %get3A_86 = arith.constant 0 : index
    %get3A_87 = vector.load %arg5[%get3A_83, %get3A_84, %get3A_85, %get3A_86] : memref<2x2x128x128xf32, #tpu.memory_space<vmem>>, vector<1x1x128x128xf32>
    %get3A_88 = vector.shape_cast %get3A_87 : vector<1x1x128x128xf32> to vector<128x128xf32>
    %dot_general3A_89 = arith.constant dense<0.000000e+00> : vector<1000x128xf32>
    %dot_general3A_90 = tpu.matmul %mul3A_82, %get3A_88, %dot_general3A_89 {dimension_numbers = #tpu.dot_dimension_numbers<[1], [0], [0], [1], [0, 0, 1, 1], [], []>, transpose_lhs_hint = false} : vector<1000x128xf32>, vector<128x128xf32>, vector<1000x128xf32> -> vector<1000x128xf32>
    %logistic3A_91 = arith.negf %dot_general3A_90 : vector<1000x128xf32>
    %logistic3A_92 = math.exp %logistic3A_91 : vector<1000x128xf32>
    %logistic3A_93 = arith.constant 1.000000e+00 : f32
    %logistic3A_94 = vector.broadcast %logistic3A_93 : f32 to vector<1000x128xf32>
    %logistic3A_95 = arith.addf %logistic3A_94, %logistic3A_92 : vector<1000x128xf32>
    %logistic3A_96 = arith.divf %logistic3A_94, %logistic3A_95 : vector<1000x128xf32>
    %mul3A_97 = arith.mulf %dot_general3A_90, %logistic3A_96 : vector<1000x128xf32>
    %add3A_98 = arith.addf %mul3A_67, %mul3A_97 : vector<1000x128xf32>
    %mul3A_99 = arith.constant 0.707106769 : f32
    %mul3A_100 = vector.broadcast %mul3A_99 : f32 to vector<1000x128xf32>
    %mul3A_101 = arith.mulf %add3A_98, %mul3A_100 : vector<1000x128xf32>
    %swap3A = arith.constant 0 : index
    %swap3A_102 = arith.constant 0 : index
    %swap3A_103 = vector.load %arg6[%swap3A, %swap3A_102] : memref<1000x128xf32, #tpu.memory_space<vmem>>, vector<1000x128xf32>
    tpu.vector_store %arg6[%swap3A, %swap3A_102], %mul3A_101 {strides = array<i32>} : memref<1000x128xf32, #tpu.memory_space<vmem>>, vector<1000x128xf32>,
    return
  }
  func.func @transform_0(%arg0: i32) -> i32 {
    %c0_i32 = arith.constant 0 : i32
    %c0_i32_0 = arith.constant 0 : i32
    return %c0_i32 : i32
  }
  func.func @transform_1(%arg0: i32) -> (i32, i32, i32) {
    %c0_i32 = arith.constant 0 : i32
    %c0_i32_0 = arith.constant 0 : i32
    %c0_i32_1 = arith.constant 0 : i32
    return %c0_i32, %arg0, %c0_i32_0 : i32, i32, i32
  }
  func.func @transform_2(%arg0: i32) -> (i32, i32, i32) {
    %c0_i32 = arith.constant 0 : i32
    %c0_i32_0 = arith.constant 0 : i32
    %c0_i32_1 = arith.constant 0 : i32
    return %c0_i32, %arg0, %c0_i32_0 : i32, i32, i32
  }
  func.func @transform_3(%arg0: i32) -> (i32, i32) {
    %c0_i32 = arith.constant 0 : i32
    %c0_i32_0 = arith.constant 0 : i32
    %c0_i32_1 = arith.constant 0 : i32
    return %c0_i32, %c0_i32_0 : i32, i32
  }
  func.func @transform_4(%arg0: i32) -> (i32, i32, i32, i32) {
    %c0_i32 = arith.constant 0 : i32
    %c0_i32_0 = arith.constant 0 : i32
    %c0_i32_1 = arith.constant 0 : i32
    %c0_i32_2 = arith.constant 0 : i32
    %c0_i32_3 = arith.constant 0 : i32
    return %c0_i32, %c0_i32_0, %c0_i32_1, %c0_i32_2 : i32, i32, i32, i32
  }
  func.func @transform_5(%arg0: i32) -> (i32, i32) {
    %c0_i32 = arith.constant 0 : i32
    %c0_i32_0 = arith.constant 0 : i32
    return %arg0, %c0_i32 : i32, i32
  }
}

</mosaic_0001>

<sc_bundles>
// kernel: kernel.10.cloned.1.call-start
scs
__scs_entry_jumppad:
0x0: {  	(pc) =	sbr.rel $0x88, $3  }
0x1: {  	(tag) =	ssettag $0x0;
	lr =	simm.s32 $0x1  }
0x2: {  	[smem:$0x3F99] =	sst lr;
	_ =	strace $0xD0000000  }
0x3: {  	_ = 	snop  }
0x4: {  	_ = 	snop  }
0x5: {  	_ = 	snop  }
0x6: {  	_ = 	snop  }
0x7: {  	_ = 	snop  }
__scs_overlays_trampoline_lowered:
0x8: {  	[smem:$0x3FA8] =	sst s0  }
0x9: {  	[smem:$0x3FA9] =	sst s1  }
0xa: {  	[smem:$0x3FAA] =	sst s2  }
0xb: {  	[smem:$0x3FAB] =	sst s3  }
0xc: {  	[smem:$0x3FAC] =	sst s4  }
0xd: {  	[smem:$0x3FAD] =	sst s5  }
0xe: {  	[smem:$0x3FAE] =	sst s6  }
0xf: {  	[smem:$0x3FAF] =	sst s7  }
0x10: {  	[smem:$0x3FB0] =	sst s8  }
0x11: {  	[smem:$0x3FB1] =	sst s9;
	s0 =	simm.s32 @!p0 $0x0  }
0x12: {  	s1 =	sld [smem:$0x3F97];
	s0 =	simm.s32 @p0 $0x1  }
0x13: {  	[smem:$0x3FB2] =	sst s0;
	s0 =	simm.s32 @!p1 $0x0  }
0x14: {  	s2 =	sld [smem:$0x3F96];
	s0 =	simm.s32 @p1 $0x1  }
0x15: {  	[smem:$0x3FB3] =	sst s0;
	s0 =	simm.s32 @!p2 $0x0  }
0x16: {  	s3 =	sld [smem:$0x3FDB];
	s0 =	simm.s32 @p2 $0x1  }
0x17: {  	s4 =	simm.s32 $0x1BF5;
	[smem:$0x3FB5] =	sst s0  }
0x18: {  	s0 =	sld [smem:$0x3F98];
	_ =	swait.ge [sflag:s4], $0x0  }
0x19: {  	s7 =	sld [smem:$0x3F99]  }
0x1a: {  	s8 =	sadd.s32 $0xFFFFE003, lr  }
0x1b: {  	s9 =	sadd.s32 $0xFFFFFEF7, lr;
	s5 =	simm.s32 $0xFFFFFFFF;
	p2 =	slt.u32 s8, $0xFFFFF086  }
0x1c: {  	p1 =	slt.u32 s9, $0xF7A;
	s5 =	simm.s32 @!p2 $0x0  }
0x1d: {  	s5 =	simm.s32 @p1 $0x1;
	p0 =	seq.s32 s7, s2  }
0x1e: {  	s7 =	smul.u32 @!p0 $0xF7A, s2;
	p2 =	seq.s32 @!p0 s5, $0x0  }
0x1f: {  	s9 =	smul.u32 $0xF7A, s1;
	s8 =	simm.s32 @!p0 $0x1BF5;
	p2 =	por !p2, p0  }
0x20: {  	[sflag:s8] =	ssyncset.s32 @!p0 $0xFFFFF086;
	s6 =	sadd.s32 @!p0 s3, s7;
	s7 =	simm.s32 @!p0 $0x108  }
0x21: {  	s3 =	sadd.s32 s3, s9;
	s6 =	sadd.s32 @!p0 $0x88, s6;
	s7 =	simm.s32 @p2 $0x1082  }
0x22: {  	[simem:s7], [sflag:s8] =	dma.local @!p0 [hbm:s6], $0xF7A  }
0x23: {  	s9 =	sor.u32 $0xD0000000, s2;
	s6 =	simm.s32 $0x108;
	_ =	swait.ge @!p0 [sflag:s8], $0x0  }
0x24: {  	s3 =	sadd.s32 $0x88, s3;
	s6 =	simm.s32 @!p1 $0x1082;
	[sflag:s4] =	ssyncset.s32 $0xFFFFF086  }
0x25: {  	[simem:s6], [sflag:s4] =	dma.local [hbm:s3], $0xF7A  }
0x26: {  	[smem:$0x3F99] =	sst s1;
	(tag) =	ssettag s2;
	_ =	strace s9  }
0x27: {  	s1 =	sld [smem:$0x3FA9]  }
0x28: {  	s2 =	sld [smem:$0x3FAA]  }
0x29: {  	s4 =	sld [smem:$0x3FAC]  }
0x2a: {  	p0 =	seq.s32 s5, $0x0;
	s5 =	sld [smem:$0x3FAD]  }
0x2b: {  	s6 =	sld [smem:$0x3FAE]  }
0x2c: {  	s7 =	sld [smem:$0x3FAF]  }
0x2d: {  	s3 =	simm.s32 $0x108;
	s8 =	sld [smem:$0x3FB0]  }
0x2e: {  	s3 =	simm.s32 @!p0 $0x1082;
	s9 =	sld [smem:$0x3FB1]  }
0x2f: {  	lr =	sadd.s32 s0, s3;
	s0 =	sld [smem:$0x3FA8]  }
0x30: {  	s3 =	sld [smem:$0x3FAB]  }
0x31: {  	[smem:$0x3FB4] =	sst s10  }
0x32: {  	s10 =	sld [smem:$0x3FB2];
	_ =	sdelay $0x3  }
0x33: {  	p0 =	seq.s32 s10, $0x1;
	s10 =	sld [smem:$0x3FB4];
	_ =	sdelay $0x3  }
0x34: {  	[smem:$0x3FB4] =	sst s10  }
0x35: {  	s10 =	sld [smem:$0x3FB3];
	_ =	sdelay $0x3  }
0x36: {  	p1 =	seq.s32 s10, $0x1;
	s10 =	sld [smem:$0x3FB4];
	_ =	sdelay $0x3  }
0x37: {  	[smem:$0x3FB4] =	sst s10  }
0x38: {  	s10 =	sld [smem:$0x3FB5]  }
0x39: {  	_ = 	snop;
	(pc) =	sbr.ind lr, $3  }
0x3a: {  	_ = 	snop  }
0x3b: {  	_ = 	snop  }
0x3c: {  	p2 =	seq.s32 s10, $0x1;
	s10 =	sld [smem:$0x3FB4]  }
0x3d: {  	_ =	shalt  }
0x3e: {  	_ =	shalt  }
0x3f: {  	_ =	shalt  }
0x40: {  	_ =	shalt  }
0x41: {  	_ =	shalt  }
0x42: {  	_ =	shalt  }
0x43: {  	_ =	shalt  }
0x44: {  	_ =	shalt  }
0x45: {  	_ =	shalt  }
0x46: {  	_ =	shalt  }
0x47: {  	_ =	shalt  }
0x48: {  	_ =	shalt  }
0x49: {  	_ =	shalt  }
0x4a: {  	_ =	shalt  }
0x4b: {  	_ =	shalt  }
0x4c: {  	_ =	shalt  }
0x4d: {  	_ =	shalt  }
0x4e: {  	_ =	shalt  }
0x4f: {  	_ =	shalt  }
0x50: {  	_ =	shalt  }
0x51: {  	_ =	shalt  }
0x52: {  	_ =	shalt  }
0x53: {  	_ =	shalt  }
0x54: {  	_ =	shalt  }
0x55: {  	_ =	shalt  }
0x56: {  	_ =	shalt  }
0x57: {  	_ =	shalt  }
0x58: {  	_ =	shalt  }
0x59: {  	_ =	shalt  }
0x5a: {  	_ =	shalt  }
0x5b: {  	_ =	shalt  }
0x5c: {  	_ =	shalt  }
0x5d: {  	_ =	shalt  }
0x5e: {  	_ =	shalt  }
0x5f: {  	_ =	shalt  }
0x60: {  	_ =	shalt  }
0x61: {  	_ =	shalt  }
0x62: {  	_ =	shalt  }
0x63: {  	_ =	shalt  }
0x64: {  	_ =	shalt  }
0x65: {  	_ =	shalt  }
0x66: {  	_ =	shalt  }
0x67: {  	_ =	shalt  }
0x68: {  	_ =	shalt  }
0x69: {  	_ =	shalt  }
0x6a: {  	_ =	shalt  }
0x6b: {  	_ =	shalt  }
0x6c: {  	_ =	shalt  }
0x6d: {  	_ =	shalt  }
0x6e: {  	_ =	shalt  }
0x6f: {  	_ =	shalt  }
0x70: {  	_ =	shalt  }
0x71: {  	_ =	shalt  }
0x72: {  	_ =	shalt  }
0x73: {  	_ =	shalt  }
0x74: {  	_ =	shalt  }
0x75: {  	_ =	shalt  }
0x76: {  	_ =	shalt  }
0x77: {  	_ =	shalt  }
0x78: {  	_ =	shalt  }
0x79: {  	_ =	shalt  }
0x7a: {  	_ =	shalt  }
0x7b: {  	_ =	shalt  }
0x7c: {  	_ =	shalt  }
0x7d: {  	_ =	shalt  }
0x7e: {  	_ =	shalt  }
0x7f: {  	_ =	shalt  }
0x80: {  	_ =	shalt  }
0x81: {  	_ =	shalt  }
0x82: {  	_ =	shalt  }
0x83: {  	_ =	shalt  }
0x84: {  	_ =	shalt  }
0x85: {  	_ =	shalt  }
0x86: {  	_ =	shalt  }
0x87: {  	_ =	shalt  }
.Lfunc_end0:
.L_simem_size_0:
called_computation.1_lowered:
.L_overlay_start_0:
0x88: {  	s2 =	sld [smem:$0x3FD9]  }
0x89: {  	s3 =	sld [smem:$0x3FFE];
	_ =	sdelay $0x1  }
0x8a: {  	s1 =	srdreg.scid  }
0x8b: {  	s0 =	sand.u32 $0x1, s1  }
0x8c: {  	s17 =	sshll.u32 s0, $0xA;
	s2 =	sadd.s32 s3, s2  }
0x8d: {  	s2 =	sadd.s32 s2, s17  }
0x8e: {  	[smem:$0x3FC0] =	sst s2  }
0x8f: {  	_ = 	snop  }
0x90: {  	s18 =	sld [smem:$0x3FD0];
	(tm) =	ssettm $0x1  }
0x91: {  	s19 =	sld [smem:$0x3FFB];
	_ =	sdelay $0x3  }
0x92: {  	_ =	strace s19  }
0x93: {  	s2 =	sld [smem:$0x3FFC];
	_ =	sdelay $0x3  }
0x94: {  	_ =	strace s2  }
0x95: {  	s2 =	sld [smem:$0x3FFD];
	_ =	sdelay $0x3  }
0x96: {  	_ =	strace s2  }
0x97: {  	_ =	strace $0x8FFFFFFF  }
0x98: {  	s20 =	sld [smem:$0x3FDB];
	_ =	sdelay $0x1  }
0x99: {  	s4 =	simm.s32 $_scs_section_size  }
0x9a: {  	s5 =	simm.s32 $_size__tile_overlayer_lowered;
	s6 =	simm.s32 $_tile_overlayer_lowered  }
0x9b: {  	s7 =	simm.s32 $0x1BFF;
	s21 =	sshll.u32 s6, $0x1;
	s4 =	sadd.s32 s4, s20  }
0x9c: {  	s22 =	simm.s32 $0x0;
	s5 =	sshll.u32 s5, $0x1;
	s6 =	sadd.s32 s21, s4  }
0x9d: {  	[timem:s22], [sflag:s7] =	dma.local [hbm:s6], s5  }
0x9e: {  	_ =	swait.ge [sflag:s7], s5  }
0x9f: {  	s5 =	ssub.s32 $0x0, s5;
	[sflag:s7] =	ssyncset.done $0x0  }
0xa0: {  	[sflag:s7] =	ssyncadd.s32 s5;
	_ =	sdelay $0x1  }
0xa1: {  	s23 =	simm.s32 $0x1B8B  }
0xa2: {  	_ =	swait.ge [sflag:s23], $0x1  }
0xa3: {  	[sflag:s23] =	ssyncset.done $0x0  }
0xa4: {  	[sflag:s23] =	ssyncadd.s32 $0xFFFFFFFF  }
0xa5: {  	s5 =	sld [smem:$0x0]  }
0xa6: {  	s6 =	sand.u32 $0xFFFFFFFE, s1  }
0xa7: {  	p0 =	sne.s32 s1, s6  }
0xa8: {  	s6 =	sshll.u32 @p0 s6, $0xE  }
0xa9: {  	s6 =	sadd.s32 @p0 $0x11B8D, s6;
	s7 =	sshll.u32 @p0 s5, $0x11  }
0xaa: {  	s6 =	sor.u32 @p0 s7, s6  }
0xab: {  	[sflag:s6] =	ssyncadd.remote.s32 @p0 $0x1;
	_ =	sdelay $0x1  }
0xac: {  	s6 =	simm.s32 @p0 $0x1B8D  }
0xad: {  	_ =	swait.eq @p0 [sflag:s6], $0x1  }
0xae: {  	[sflag:s6] =	ssyncadd.s32 @p0 $0xFFFFFFFF  }
0xaf: {  	s7 =	sshll.u32 @!p0 s1, $0xE  }
0xb0: {  	s7 =	sor.u32 @!p0 $0x4000, s7;
	s6 =	simm.s32 @!p0 $0x1B8D  }
0xb1: {  	s5 =	sshll.u32 @!p0 s5, $0x11;
	s7 =	sadd.s32 @!p0 $0x11B8D, s7;
	_ =	swait.eq @!p0 [sflag:s6], $0x1  }
0xb2: {  	s5 =	sor.u32 @!p0 s5, s7;
	[sflag:s6] =	ssyncadd.s32 @!p0 $0xFFFFFFFF  }
0xb3: {  	s25 =	simm.s32 $0x1B8E;
	s24 =	sld [smem:$0x3FFE];
	[sflag:s5] =	ssyncadd.remote.s32 @!p0 $0x1  }
0xb4: {  	s26 =	simm.s32 $execute0_lowered;
	[smem:$0x3FD2] =	sst s25  }
0xb5: {  	s6 =	sshll.u32 s26, $0x1;
	_ =	strace $0x80000049;
	[dreg:$0x1] =	wrdreg $0xFFFFFFFF  }
0xb6: {  	s28 =	simm.s32 $_size_execute0_lowered;
	s4 =	sadd.s32 s4, s6;
	[dreg:$0x0] =	wrdreg $0x0  }
0xb7: {  	s6 =	sshll.u32 s28, $0x1;
	[dreg:$0x2] =	wrdreg s4  }
0xb8: {  	[dreg:$0x3] =	wrdreg s6  }
0xb9: {  	[dreg:$0x4] =	wrdreg $0xC0  }
0xba: {  	_ =	task [dreg:s22], $0x5FFFF  }
0xbb: {  	[dreg:$0x1] =	wrdreg $0xFFFFFFFF  }
0xbc: {  	[dreg:$0x0] =	wrdreg $0x60  }
0xbd: {  	[dreg:$0x2] =	wrdreg s24  }
0xbe: {  	[dreg:$0x3] =	wrdreg s18  }
0xbf: {  	[dreg:$0x4] =	wrdreg $0x0  }
0xc0: {  	[dreg:$0x5] =	wrdreg $0xA  }
0xc1: {  	_ =	task.clear_ibuf [dreg:s22], $0x6FFFF;
	_ =	strace $0x90000049  }
0xc2: {  	s29 =	simm.s32 $0xA;
	_ =	strace $0x8000004B  }
0xc3: {  	_ =	swait.ge [sflag:s29], $0x1  }
0xc4: {  	[sflag:s29] =	ssyncadd.s32 $0xFFFFFFFF  }
0xc5: {  	_ =	strace $0x9000004B  }
0xc6: {  	_ =	sfence  }
0xc7: {  	s30 =	sld [smem:$0x0];
	_ =	sdelay $0x2  }
0xc8: {  	s31 =	sshll.u32 s1, $0xD;
	s1 =	sshrl.u32 s1, $0x2  }
0xc9: {  	s4 =	sand.u32 $0x4000, s31;
	s1 =	sadd.s32 s1, s30  }
0xca: {  	s0 =	sor.u32 s4, s0;
	s1 =	sshll.u32 s1, $0x11  }
0xcb: {  	s0 =	sor.u32 s1, s0  }
0xcc: {  	s0 =	sadd.s32 $0x8F2B, s0  }
0xcd: {  	[sflag:s0] =	ssyncadd.remote.s32 $0x1  }
0xce: {  	_ =	sfence.sel $0xFFFF  }
0xcf: {  	[dreg:$0x0] =	wrdreg $0xFFFFFFFF;
	(pc) =	sbr.abs _section_cstart, $3  }
0xd0: {  	[dreg:$0x1] =	wrdreg $0xFFFFFFFF  }
0xd1: {  	_ =	task.clear_ibuf [dreg:s22], $0x2FFFF;
	_ =	strace $0x9FFFFFFF  }
0xd2: {  	(tm) =	ssettm $0x7FFFFFFF  }
0xd3: {  	_ =	shalt  }
tec
execute0_lowered:
.L_overlay_start_1:
0x0: {  	(tag) =	ssettag $0x1  }
0x1: {  	s0 =	rddreg [dreg:$0x0]  }
0x2: {  	s2 =	rddreg [dreg:$0x1]  }
0x3: {  	s1 =	rddreg [dreg:$0x2]  }
0x4: {  	s3 =	simm.s32 $0x0;
	s4 =	srdreg.scid;
	s13 =	stileid.u32  }
0x5: {  	s30 =	simm.s32 $0x13A80;
	s31 =	simm.s32 $0xD;
	s6 =	smul.u32 $0x4E000, s13  }
0x6: {  	s29 =	simm.s32 $0x0;
	[smem:$0x7FF] =	sst s3;
	s23 =	smul.u32 $0x13800, s13  }
0x7: {  	s5 =	sadd.s32 $0x7A7600, s0;
	s4 =	sand.u32 $0x1, s4;
	s26 =	smul.u32 $0x1360, s13  }
0x8: {  	s0 =	sadd.s32 $0x1400, s0;
	p0 =	sne.s32 s13, $0xF;
	s21 =	smul.u32 $0x138800, s4  }
0x9: {  	_ =	strace $0x8000004A;
	s7 =	ssub.s32 $0x2, s4;
	s25 =	smul.u32 $0x13600, s4  }
0xa: {  	s8 =	sshll.u32 s4, $0x4;
	s4 =	smul.u32 $0x136000, s4;
	s6 =	sshrl.u32 s6, $0x2  }
0xb: {  	s9 =	sshrl.u32 s7, $0x1;
	s8 =	sor.u32 s13, s8;
	s14 =	sadd.s32 s6, s1  }
0xc: {  	s7 =	ssub.s32 s7, s9;
	s6 =	sadd.s32 $0x2800, s14;
	[dreg:$0x4] =	wrdreg s14  }
0xd: {  	s17 =	smul.u32 $0x1360, s8;
	s18 =	sadd.s32 $0x5000, s14;
	[dreg:$0x5] =	wrdreg s6  }
0xe: {  	s19 =	smul.u32 $0x13600, s8;
	s10 =	sadd.s32 $0x7800, s14;
	[dreg:$0x6] =	wrdreg s18  }
0xf: {  	s8 =	smul.u32 $0x9B000, s8;
	s20 =	sadd.s32 $0xA000, s14;
	[dreg:$0x7] =	wrdreg s10  }
0x10: {  	s4 =	sadd.s32 s4, s5;
	s11 =	sadd.s32 $0xC800, s14;
	[dreg:$0x8] =	wrdreg s20  }
0x11: {  	s9 =	sshrl.u32 s17, $0x3;
	[dreg:$0x9] =	wrdreg s11;
	s6 =	sadd.s32 s5, s19  }
0x12: {  	s24 =	sshrl.u32 s8, $0x3;
	s11 =	sadd.s32 s23, s21;
	s8 =	sadd.s32 s26, s25  }
0x13: {  	s10 =	sshrl.u32 s21, $0x3;
	s23 =	smax.u32 s7, $0x1;
	s25 =	sadd.s32 $0xF000, s14  }
0x14: {  	s26 =	sadd.s32 $0x11800, s14;
	s7 =	simm.s32 $0x18A80;
	[dreg:$0xb] =	wrdreg s6  }
0x15: {  	s14 =	simm.s32 $0x2;
	s9 =	sadd.s32 s2, s9;
	[dreg:$0x14] =	wrdreg s23  }
0x16: {  	s6 =	sadd.s32 s5, s24;
	s11 =	sshrl.u32 s11, $0x3;
	[dreg:$0x16] =	wrdreg s25  }
0x17: {  	s18 =	sadd.s32 $0x27830, s8;
	s19 =	sadd.s32 $0x27790, s8;
	[dreg:$0x17] =	wrdreg s26  }
0x18: {  	s23 =	simm.s32 $0x4;
	s26 =	simm.s32 $0xB;
	s25 =	simm.s32 $0xC  }
0x19: {  	s22 =	sadd.s32 $0x4EC0, s9;
	s12 =	sadd.s32 $0x4ECA, s9;
	s15 =	sadd.s32 $0x500, s6  }
0x1a: {  	s28 =	sadd.s32 $0x4ED4, s9;
	s11 =	sadd.s32 s0, s11;
	[dreg:$0xa] =	wrdreg s22  }
0x1b: {  	s0 =	sadd.s32 s0, s10;
	s5 =	sshrl.u32 s18, $0x3;
	[dreg:$0xc] =	wrdreg s12  }
0x1c: {  	s10 =	sshrl.u32 s19, $0x3;
	s20 =	sadd.s32 $0xA00, s6;
	[dreg:$0xd] =	wrdreg s15  }
0x1d: {  	s21 =	sadd.s32 $0x4EDE, s9;
	s9 =	simm.s32 $0x1B280;
	[dreg:$0xe] =	wrdreg s28  }
0x1e: {  	s12 =	sadd.s32 $0x277E0, s8;
	s15 =	smul.u32 $0x13600, s13;
	[dreg:$0xf] =	wrdreg s11  }
0x1f: {  	s8 =	sadd.s32 $0x27740, s8;
	s18 =	sadd.s32 s10, s2;
	[dreg:$0x10] =	wrdreg s20  }
0x20: {  	[dreg:$0x11] =	wrdreg s21;
	s22 =	sadd.s32 $0xF00, s6;
	s0 =	sadd.s32 $0x27000, s0  }
0x21: {  	s28 =	sadd.s32 $0x138000, s1;
	s6 =	simm.s32 $0x13980;
	s10 =	simm.s32 $0x1  }
0x22: {  	s11 =	simm.s32 $0x5;
	s13 =	simm.s32 $0x9;
	[dreg:$0x12] =	wrdreg s22  }
0x23: {  	s20 =	simm.s32 $0xA;
	s21 =	simm.s32 $0x3;
	[dreg:$0x13] =	wrdreg s0  }
0x24: {  	s17 =	sshrl.u32 s12, $0x3;
	s8 =	sshrl.u32 s8, $0x3;
	[dreg:$0x18] =	wrdreg s28  }
.Ltmp0:
0x25: {  	s0 =	simm.s32 $0x13880;
	s12 =	simm.s32 $0x50;
	(pc) =	sbr.rel .LBB2_1-.Ltmp0, $4  }
0x26: {  	s22 =	simm.s32 $0x7;
	s16 =	sadd.s32 s17, s2;
	s4 =	sadd.s32 s15, s4  }
0x27: {  	s17 =	sadd.s32 s5, s2;
	s19 =	sadd.s32 s8, s2;
	s2 =	simm.s32 $0x13900  }
0x28: {  	s5 =	simm.s32 $0x16280;
	s8 =	simm.s32 $0x13A00;
	s24 =	sadd.s32 $0x2300, s4  }
0x29: {  	v0 =	vimm.f32 $0.0e+00;
	s15 =	simm.s32 $0x6;
	[dreg:$0x15] =	wrdreg s24;
	s24 =	simm.s32 $0x8  }
.LBB2_6:
0x2a: {  	_ =	swait.ge [sflag:s23], $0x50  }
0x2b: {  	[sflag:s23] =	ssyncset.done $0x0  }
0x2c: {  	[sflag:s23] =	ssyncadd.s32 $0xFFFFFFB0  }
0x2d: {  	_ =	swait.ge [sflag:s24], $0x2800  }
0x2e: {  	[sflag:s24] =	ssyncset.done $0x0  }
0x2f: {  	[sflag:s24] =	ssyncadd.s32 $0xFFFFD800  }
0x30: {  	[spmem:s1] =	stream.indirect.scatter.add.f32 [tilespmem:s9], [sflag:$0xC], $0x80, s8, s12, $0xb8;
	[tilespmem:$0x1DA80] =	vst v63  }
0x31: {  	_ =	swait.ge [sflag:s10], $0x50  }
0x32: {  	[sflag:s10] =	ssyncset.done $0x0  }
0x33: {  	[sflag:s10] =	ssyncadd.s32 $0xFFFFFFB0  }
0x34: {  	_ =	swait.ge [sflag:s11], $0x2800  }
0x35: {  	[sflag:s11] =	ssyncset.done $0x0  }
0x36: {  	[sflag:s11] =	ssyncadd.s32 $0xFFFFD800  }
0x37: {  	[spmem:s1] =	stream.indirect.scatter.add.f32 [tilespmem:s30], [sflag:$0x9], $0x80, s0, s12, $0xb8;
	[tilespmem:$0x1DA80] =	vst v63  }
0x38: {  	_ =	swait.ge [sflag:s14], $0x50  }
0x39: {  	[sflag:s14] =	ssyncset.done $0x0  }
0x3a: {  	[sflag:s14] =	ssyncadd.s32 $0xFFFFFFB0  }
0x3b: {  	_ =	swait.ge [sflag:s15], $0x2800  }
0x3c: {  	[sflag:s15] =	ssyncset.done $0x0  }
0x3d: {  	[sflag:s15] =	ssyncadd.s32 $0xFFFFD800  }
0x3e: {  	[spmem:s1] =	stream.indirect.scatter.add.f32 [tilespmem:s5], [sflag:$0xA], $0x80, s2, s12, $0xb8;
	[tilespmem:$0x1DA80] =	vst v63  }
0x3f: {  	_ =	swait.ge [sflag:s13], $0x2800  }
0x40: {  	[sflag:s13] =	ssyncset.done $0x0  }
0x41: {  	[sflag:s13] =	ssyncadd.s32 $0xFFFFD800  }
0x42: {  	_ =	swait.ge [sflag:s20], $0x2800  }
0x43: {  	[sflag:s20] =	ssyncset.done $0x0  }
0x44: {  	[sflag:s20] =	ssyncadd.s32 $0xFFFFD800  }
0x45: {  	_ =	swait.ge [sflag:s26], $0x2800  }
0x46: {  	[sflag:s26] =	ssyncset.done $0x0  }
0x47: {  	[sflag:s26] =	ssyncadd.s32 $0xFFFFD800  }
0x48: {  	_ =	swait.ge [sflag:s25], $0x2800  }
0x49: {  	[sflag:s25] =	ssyncset.done $0x0  }
0x4a: {  	[sflag:s25] =	ssyncadd.s32 $0xFFFFD800  }
0x4b: {  	s4 =	stileid.u32;
	[bflag:$0x0] =	sbarrier.arrive $0xFFFF  }
0x4c: {  	s4 =	sshll.u32 s4, $0x6;
	s28 =	rddreg [dreg:$0x4]  }
0x4d: {  	s4 =	sor.u32 $0x1C0D, s4;
	s29 =	rddreg [dreg:$0xf];
	s28 =	sshrl.u32 s28, $0x3  }
0x4e: {  	[hbm:s29], [sflag:s4] =	dma.local [spmem:s28], $0x2700  }
0x4f: {  	_ =	swait.ge [sflag:s31], $0x2700  }
0x50: {  	[sflag:s31] =	ssyncset.done $0x0;
	s28 =	rddreg [dreg:$0x18]  }
0x51: {  	s29 =	rddreg [dreg:$0x13];
	[sflag:s31] =	ssyncadd.s32 $0xFFFFD900;
	s28 =	sshrl.u32 @!p0 s28, $0x3  }
0x52: {  	[hbm:s29], [sflag:s4] =	dma.local @!p0 [spmem:s28], $0x100  }
0x53: {  	s4 =	simm.s32 @!p0 $0xD  }
0x54: {  	_ =	swait.ge @!p0 [sflag:s4], $0x100  }
0x55: {  	s29 =	rddreg [dreg:$0x19]  }
0x56: {  	s28 =	rddreg [dreg:$0x14];
	s29 =	sadd.s32 $0x1, s29  }
0x57: {  	p1 =	sne.s32 s29, s28  }
.Ltmp1:
0x58: {  	_ = 	snop;
	(pc) =	sbr.rel @!p1 .LBB2_7-.Ltmp1, $3  }
0x59: {  	_ =	sdelay $0x1  }
0x5a: {  	[sflag:s4] =	ssyncset.done @!p0 $0x0  }
0x5b: {  	[sflag:s4] =	ssyncadd.s32 @!p0 $0xFFFFFF00  }
.LBB2_1:
0x5c: {  	[dreg:$0x19] =	wrdreg s29;
	s4 =	simm.s32 $0x0;
	s29 =	simm.s32 $0x200  }
.LBB2_2:
0x5d: {  	p1 =	sne.s32 s29, $0x9E00;
	[tilespmem:s4+$0x13AF0] =	vst v0  }
0x5e: {  	[tilespmem:s4+$0x13A80] =	vst v0  }
0x5f: {  	[tilespmem:s4+$0x13A90] =	vst v0  }
.Ltmp2:
0x60: {  	[tilespmem:s4+$0x13AA0] =	vst v0;
	(pc) =	sbr.rel @p1 .LBB2_2-.Ltmp2, $4  }
0x61: {  	[tilespmem:s4+$0x13AB0] =	vst v0  }
0x62: {  	[tilespmem:s4+$0x13AC0] =	vst v0  }
0x63: {  	[tilespmem:s4+$0x13AD0] =	vst v0  }
0x64: {  	[tilespmem:s4+$0x13AE0] =	vst v0;
	s4 =	sshra.s32 s29, $0x2;
	s29 =	sadd.s32 $0x200, s29  }
0x65: {  	[tilespmem:s4+$0x13AF0] =	vst v0  }
0x66: {  	[tilespmem:s4+$0x13A80] =	vst v0  }
0x67: {  	[tilespmem:s4+$0x13A90] =	vst v0  }
0x68: {  	[tilespmem:s4+$0x13AA0] =	vst v0  }
0x69: {  	[tilespmem:s4+$0x13AB0] =	vst v0  }
0x6a: {  	[tilespmem:s4+$0x13AC0] =	vst v0  }
0x6b: {  	[tilespmem:s4+$0x13AD0] =	vst v0  }
0x6c: {  	[tilespmem:s4+$0x13AE0] =	vst v0;
	s28 =	rddreg [dreg:$0x4]  }
0x6d: {  	[spmem:s28] =	stream.linear.scatter [tilespmem:s30], [sflag:$0xD], $0x2800, $0x38;
	[tilespmem:$0x1DA80] =	vst v63  }
0x6e: {  	_ =	swait.ge [sflag:s31], $0x2800  }
0x6f: {  	[sflag:s31] =	ssyncset.done $0x0  }
0x70: {  	s28 =	rddreg [dreg:$0x5];
	[sflag:s31] =	ssyncadd.s32 $0xFFFFD800  }
0x71: {  	[spmem:s28] =	stream.linear.scatter [tilespmem:s30], [sflag:$0xD], $0x2800, $0x38;
	[tilespmem:$0x1DA80] =	vst v63  }
0x72: {  	_ =	swait.ge [sflag:s31], $0x2800  }
0x73: {  	[sflag:s31] =	ssyncset.done $0x0  }
0x74: {  	s28 =	rddreg [dreg:$0x6];
	[sflag:s31] =	ssyncadd.s32 $0xFFFFD800  }
0x75: {  	[spmem:s28] =	stream.linear.scatter [tilespmem:s30], [sflag:$0xD], $0x2800, $0x38;
	[tilespmem:$0x1DA80] =	vst v63  }
0x76: {  	_ =	swait.ge [sflag:s31], $0x2800  }
0x77: {  	[sflag:s31] =	ssyncset.done $0x0  }
0x78: {  	s28 =	rddreg [dreg:$0x7];
	[sflag:s31] =	ssyncadd.s32 $0xFFFFD800  }
0x79: {  	[spmem:s28] =	stream.linear.scatter [tilespmem:s30], [sflag:$0xD], $0x2800, $0x38;
	[tilespmem:$0x1DA80] =	vst v63  }
0x7a: {  	_ =	swait.ge [sflag:s31], $0x2800  }
0x7b: {  	[sflag:s31] =	ssyncset.done $0x0  }
0x7c: {  	s28 =	rddreg [dreg:$0x8];
	[sflag:s31] =	ssyncadd.s32 $0xFFFFD800  }
0x7d: {  	[spmem:s28] =	stream.linear.scatter [tilespmem:s30], [sflag:$0xD], $0x2800, $0x38;
	[tilespmem:$0x1DA80] =	vst v63  }
0x7e: {  	_ =	swait.ge [sflag:s31], $0x2800  }
0x7f: {  	[sflag:s31] =	ssyncset.done $0x0  }
0x80: {  	s28 =	rddreg [dreg:$0x9];
	[sflag:s31] =	ssyncadd.s32 $0xFFFFD800  }
0x81: {  	[spmem:s28] =	stream.linear.scatter [tilespmem:s30], [sflag:$0xD], $0x2800, $0x38;
	[tilespmem:$0x1DA80] =	vst v63  }
0x82: {  	_ =	swait.ge [sflag:s31], $0x2800  }
0x83: {  	[sflag:s31] =	ssyncset.done $0x0  }
0x84: {  	s28 =	rddreg [dreg:$0x16];
	[sflag:s31] =	ssyncadd.s32 $0xFFFFD800  }
0x85: {  	[spmem:s28] =	stream.linear.scatter [tilespmem:s30], [sflag:$0xD], $0x2800, $0x38;
	[tilespmem:$0x1DA80] =	vst v63  }
0x86: {  	_ =	swait.ge [sflag:s31], $0x2800  }
0x87: {  	[sflag:s31] =	ssyncset.done $0x0  }
0x88: {  	s28 =	rddreg [dreg:$0x17];
	[sflag:s31] =	ssyncadd.s32 $0xFFFFD800  }
0x89: {  	[spmem:s28] =	stream.linear.scatter [tilespmem:s30], [sflag:$0xD], $0x2000, $0x38;
	[tilespmem:$0x1DA80] =	vst v63  }
0x8a: {  	_ =	swait.ge [sflag:s31], $0x2000  }
0x8b: {  	[sflag:s31] =	ssyncset.done $0x0  }
0x8c: {  	s4 =	simm.s32 @!p0 $0x13A80;
	s28 =	rddreg [dreg:$0x18];
	[sflag:s31] =	ssyncadd.s32 $0xFFFFE000  }
0x8d: {  	[spmem:s28] =	stream.linear.scatter @!p0 [tilespmem:s4], [sflag:$0xD], $0x800, $0x38;
	[tilespmem:$0x1DA80] =	vst v63  }
0x8e: {  	s4 =	simm.s32 @!p0 $0xD  }
0x8f: {  	_ =	swait.ge @!p0 [sflag:s4], $0x800  }
0x90: {  	[sflag:s4] =	ssyncset.done @!p0 $0x0  }
0x91: {  	[sflag:s4] =	ssyncadd.s32 @!p0 $0xFFFFF800  }
0x92: {  	[bflag:$0x0] =	sbarrier.arrive $0xFFFF  }
0x93: {  	s28 =	rddreg [dreg:$0xa]  }
0x94: {  	s4 =	simm.s32 $0x0;
	s29 =	rddreg [dreg:$0x15]  }
0x95: {  	[tilespmem:s0], [sflag:$0x1] =	stream.linear.gather [hbm4b:s28+s4], $0x50, $0x38;
	[tilespmem:$0x1DA80] =	vst v63  }
0x96: {  	s28 =	rddreg [dreg:$0xb]  }
0x97: {  	[tilespmem:s30], [sflag:$0x5] =	stream.linear.gather [hbm4b:s28+s4], $0x2800, $0x38;
	[tilespmem:$0x1DA80] =	vst v63  }
0x98: {  	s28 =	rddreg [dreg:$0xc]  }
0x99: {  	[tilespmem:s2], [sflag:$0x2] =	stream.linear.gather [hbm4b:s28+s4], $0x50, $0x38;
	[tilespmem:$0x1DA80] =	vst v63  }
0x9a: {  	s28 =	rddreg [dreg:$0xd]  }
0x9b: {  	[tilespmem:s5], [sflag:$0x6] =	stream.linear.gather [hbm4b:s28+s4], $0x2800, $0x38;
	[tilespmem:$0x1DA80] =	vst v63  }
0x9c: {  	s28 =	rddreg [dreg:$0xe]  }
0x9d: {  	[tilespmem:s6], [sflag:$0x3] =	stream.linear.gather [hbm4b:s28+s4], $0x50, $0x38;
	[tilespmem:$0x1DA80] =	vst v63  }
0x9e: {  	s28 =	rddreg [dreg:$0x10]  }
0x9f: {  	[tilespmem:s7], [sflag:$0x7] =	stream.linear.gather [hbm4b:s28+s4], $0x2800, $0x38;
	[tilespmem:$0x1DA80] =	vst v63  }
0xa0: {  	s28 =	rddreg [dreg:$0x11]  }
0xa1: {  	[tilespmem:s8], [sflag:$0x4] =	stream.linear.gather [hbm4b:s28+s4], $0x50, $0x38;
	[tilespmem:$0x1DA80] =	vst v63  }
0xa2: {  	s28 =	rddreg [dreg:$0x12]  }
0xa3: {  	[tilespmem:s9], [sflag:$0x8] =	stream.linear.gather [hbm4b:s28+s4], $0x2800, $0x38;
	[tilespmem:$0x1DA80] =	vst v63  }
.LBB2_4:
0xa4: {  	_ =	swait.ge [sflag:s10], $0x50  }
0xa5: {  	[sflag:s10] =	ssyncset.done $0x0  }
0xa6: {  	[sflag:s10] =	ssyncadd.s32 $0xFFFFFFB0  }
0xa7: {  	_ =	swait.ge [sflag:s11], $0x2800  }
0xa8: {  	[sflag:s11] =	ssyncset.done $0x0  }
0xa9: {  	[sflag:s11] =	ssyncadd.s32 $0xFFFFD800  }
0xaa: {  	[spmem:s1] =	stream.indirect.scatter.add.f32 [tilespmem:s30], [sflag:$0x9], $0x80, s0, s12, $0xb8;
	[tilespmem:$0x1DA80] =	vst v63  }
0xab: {  	_ =	swait.ge [sflag:s13], $0x2800  }
0xac: {  	[sflag:s13] =	ssyncset.done $0x0  }
0xad: {  	s28 =	sadd.s32 s4, s19;
	[sflag:s13] =	ssyncadd.s32 $0xFFFFD800  }
0xae: {  	[tilespmem:s0], [sflag:$0x1] =	stream.linear.gather [hbm4b:s28+s3], $0x50, $0x38;
	[tilespmem:$0x1DA80] =	vst v63  }
0xaf: {  	s28 =	sadd.s32 $0xFFFFF100, s29  }
0xb0: {  	[tilespmem:s30], [sflag:$0x5] =	stream.linear.gather [hbm4b:s28+s3], $0x2800, $0x38;
	[tilespmem:$0x1DA80] =	vst v63  }
0xb1: {  	_ =	swait.ge [sflag:s14], $0x50  }
0xb2: {  	[sflag:s14] =	ssyncset.done $0x0  }
0xb3: {  	[sflag:s14] =	ssyncadd.s32 $0xFFFFFFB0  }
0xb4: {  	_ =	swait.ge [sflag:s15], $0x2800  }
0xb5: {  	[sflag:s15] =	ssyncset.done $0x0  }
0xb6: {  	[sflag:s15] =	ssyncadd.s32 $0xFFFFD800  }
0xb7: {  	[spmem:s1] =	stream.indirect.scatter.add.f32 [tilespmem:s5], [sflag:$0xA], $0x80, s2, s12, $0xb8;
	[tilespmem:$0x1DA80] =	vst v63  }
0xb8: {  	_ =	swait.ge [sflag:s20], $0x2800  }
0xb9: {  	[sflag:s20] =	ssyncset.done $0x0  }
0xba: {  	s28 =	sadd.s32 s4, s18;
	[sflag:s20] =	ssyncadd.s32 $0xFFFFD800  }
0xbb: {  	[tilespmem:s2], [sflag:$0x2] =	stream.linear.gather [hbm4b:s28+s3], $0x50, $0x38;
	[tilespmem:$0x1DA80] =	vst v63  }
0xbc: {  	s28 =	sadd.s32 $0xFFFFF600, s29  }
0xbd: {  	[tilespmem:s5], [sflag:$0x6] =	stream.linear.gather [hbm4b:s28+s3], $0x2800, $0x38;
	[tilespmem:$0x1DA80] =	vst v63  }
0xbe: {  	_ =	swait.ge [sflag:s21], $0x50  }
0xbf: {  	p1 =	seq.s32 s4, $0x230;
	[sflag:s21] =	ssyncset.done $0x0  }
.Ltmp3:
0xc0: {  	[sflag:s21] =	ssyncadd.s32 $0xFFFFFFB0;
	(pc) =	sbr.rel @p1 .LBB2_6-.Ltmp3, $4  }
0xc1: {  	_ =	swait.ge [sflag:s22], $0x2800  }
0xc2: {  	[sflag:s22] =	ssyncset.done $0x0  }
0xc3: {  	[sflag:s22] =	ssyncadd.s32 $0xFFFFD800  }
0xc4: {  	[spmem:s1] =	stream.indirect.scatter.add.f32 [tilespmem:s7], [sflag:$0xB], $0x80, s6, s12, $0xb8;
	[tilespmem:$0x1DA80] =	vst v63  }
0xc5: {  	_ =	swait.ge [sflag:s26], $0x2800  }
0xc6: {  	[sflag:s26] =	ssyncset.done $0x0  }
0xc7: {  	s28 =	sadd.s32 s4, s16;
	[sflag:s26] =	ssyncadd.s32 $0xFFFFD800  }
0xc8: {  	[tilespmem:s6], [sflag:$0x3] =	stream.linear.gather [hbm4b:s28+s3], $0x50, $0x38;
	[tilespmem:$0x1DA80] =	vst v63  }
0xc9: {  	s28 =	sadd.s32 $0xFFFFFB00, s29  }
0xca: {  	[tilespmem:s7], [sflag:$0x7] =	stream.linear.gather [hbm4b:s28+s3], $0x2800, $0x38;
	[tilespmem:$0x1DA80] =	vst v63  }
0xcb: {  	_ =	swait.ge [sflag:s23], $0x50  }
0xcc: {  	[sflag:s23] =	ssyncset.done $0x0  }
0xcd: {  	[sflag:s23] =	ssyncadd.s32 $0xFFFFFFB0  }
0xce: {  	_ =	swait.ge [sflag:s24], $0x2800  }
0xcf: {  	[sflag:s24] =	ssyncset.done $0x0  }
0xd0: {  	[sflag:s24] =	ssyncadd.s32 $0xFFFFD800  }
0xd1: {  	[spmem:s1] =	stream.indirect.scatter.add.f32 [tilespmem:s9], [sflag:$0xC], $0x80, s8, s12, $0xb8;
	[tilespmem:$0x1DA80] =	vst v63  }
0xd2: {  	_ =	swait.ge [sflag:s25], $0x2800  }
0xd3: {  	[sflag:s25] =	ssyncset.done $0x0  }
.Ltmp4:
0xd4: {  	s28 =	sadd.s32 s4, s17;
	[sflag:s25] =	ssyncadd.s32 $0xFFFFD800;
	(pc) =	sbr.rel .LBB2_4-.Ltmp4, $4  }
0xd5: {  	[tilespmem:s8], [sflag:$0x4] =	stream.linear.gather [hbm4b:s28+s3], $0x50, $0x38;
	[tilespmem:$0x1DA80] =	vst v63  }
0xd6: {  	_ = 	snop  }
0xd7: {  	[tilespmem:s9], [sflag:$0x8] =	stream.linear.gather [hbm4b:s29+s3], $0x2800, $0x38;
	[tilespmem:$0x1DA80] =	vst v63  }
0xd8: {  	s4 =	sadd.s32 $0x28, s4;
	s29 =	sadd.s32 $0x1400, s29  }
.LBB2_7:
0xd9: {  	_ =	sfence.sel $0x180000  }
0xda: {  	[bflag:$0x0] =	sbarrier.arrive $0xFFFF  }
0xdb: {  	_ =	strace $0x9000004A  }
0xdc: {  	s0 =	stileid.u32;
	[bflag:$0x2] =	sbarrier.arrive $0xFFFF  }
0xdd: {  	p0 =	sne.s32 s0, $0x0;
	s0 =	rddreg [dreg:$0x3]  }
0xde: {  	s0 =	sadd.s32 @!p0 $0x100000, s0  }
0xdf: {  	[sflag:s0] =	ssyncadd.tile.s32 @!p0 $0x1;
	_ =	shalt  }
.Lfunc_end2:
_tile_overlayer_lowered:
.L_overlay_start_2:
0xe0: {  	(tag) =	ssettag $0x2  }
0xe1: {  	s0 =	rddreg [dreg:$0x0];
	s2 =	stileid.u32  }
0xe2: {  	s1 =	rddreg [dreg:$0x1];
	p0 =	sne.s32 s2, $0x0  }
0xe3: {  	s3 =	rddreg [dreg:$0x2];
	[bflag:$0x3] =	sbarrier.arrive $0xFFFF;
	s2 =	simm.s32 @!p0 $0x1C0D  }
0xe4: {  	[timem:s3], [sflag:s2] =	dma.local @!p0 [hbm:s0], s1  }
0xe5: {  	s0 =	simm.s32 @!p0 $0xD  }
0xe6: {  	_ =	swait.ge @!p0 [sflag:s0], s1  }
0xe7: {  	s1 =	ssub.s32 @!p0 $0x0, s1;
	[sflag:s0] =	ssyncset.done @!p0 $0x0  }
0xe8: {  	[sflag:s0] =	ssyncadd.s32 @!p0 s1  }
0xe9: {  	[bflag:$0x3] =	sbarrier.arrive $0xFFFF  }
0xea: {  	_ =	shalt  }

// kernel: kernel.7.cloned.1.call-start
scs
__scs_entry_jumppad:
0x0: {  	(pc) =	sbr.rel $0x88, $3  }
0x1: {  	(tag) =	ssettag $0x0;
	lr =	simm.s32 $0x1  }
0x2: {  	[smem:$0x3F99] =	sst lr;
	_ =	strace $0xD0000000  }
0x3: {  	_ = 	snop  }
0x4: {  	_ = 	snop  }
0x5: {  	_ = 	snop  }
0x6: {  	_ = 	snop  }
0x7: {  	_ = 	snop  }
__scs_overlays_trampoline_lowered:
0x8: {  	[smem:$0x3FA8] =	sst s0  }
0x9: {  	[smem:$0x3FA9] =	sst s1  }
0xa: {  	[smem:$0x3FAA] =	sst s2  }
0xb: {  	[smem:$0x3FAB] =	sst s3  }
0xc: {  	[smem:$0x3FAC] =	sst s4  }
0xd: {  	[smem:$0x3FAD] =	sst s5  }
0xe: {  	[smem:$0x3FAE] =	sst s6  }
0xf: {  	[smem:$0x3FAF] =	sst s7  }
0x10: {  	[smem:$0x3FB0] =	sst s8  }
0x11: {  	[smem:$0x3FB1] =	sst s9;
	s0 =	simm.s32 @!p0 $0x0  }
0x12: {  	s1 =	sld [smem:$0x3F97];
	s0 =	simm.s32 @p0 $0x1  }
0x13: {  	[smem:$0x3FB2] =	sst s0;
	s0 =	simm.s32 @!p1 $0x0  }
0x14: {  	s2 =	sld [smem:$0x3F96];
	s0 =	simm.s32 @p1 $0x1  }
0x15: {  	[smem:$0x3FB3] =	sst s0;
	s0 =	simm.s32 @!p2 $0x0  }
0x16: {  	s3 =	sld [smem:$0x3FDB];
	s0 =	simm.s32 @p2 $0x1  }
0x17: {  	s4 =	simm.s32 $0x1BF5;
	[smem:$0x3FB5] =	sst s0  }
0x18: {  	s0 =	sld [smem:$0x3F98];
	_ =	swait.ge [sflag:s4], $0x0  }
0x19: {  	s7 =	sld [smem:$0x3F99]  }
0x1a: {  	s8 =	sadd.s32 $0xFFFFE003, lr  }
0x1b: {  	s9 =	sadd.s32 $0xFFFFFEF7, lr;
	s5 =	simm.s32 $0xFFFFFFFF;
	p2 =	slt.u32 s8, $0xFFFFF086  }
0x1c: {  	p1 =	slt.u32 s9, $0xF7A;
	s5 =	simm.s32 @!p2 $0x0  }
0x1d: {  	s5 =	simm.s32 @p1 $0x1;
	p0 =	seq.s32 s7, s2  }
0x1e: {  	s7 =	smul.u32 @!p0 $0xF7A, s2;
	p2 =	seq.s32 @!p0 s5, $0x0  }
0x1f: {  	s9 =	smul.u32 $0xF7A, s1;
	s8 =	simm.s32 @!p0 $0x1BF5;
	p2 =	por !p2, p0  }
0x20: {  	[sflag:s8] =	ssyncset.s32 @!p0 $0xFFFFF086;
	s6 =	sadd.s32 @!p0 s3, s7;
	s7 =	simm.s32 @!p0 $0x108  }
0x21: {  	s3 =	sadd.s32 s3, s9;
	s6 =	sadd.s32 @!p0 $0x88, s6;
	s7 =	simm.s32 @p2 $0x1082  }
0x22: {  	[simem:s7], [sflag:s8] =	dma.local @!p0 [hbm:s6], $0xF7A  }
0x23: {  	s9 =	sor.u32 $0xD0000000, s2;
	s6 =	simm.s32 $0x108;
	_ =	swait.ge @!p0 [sflag:s8], $0x0  }
0x24: {  	s3 =	sadd.s32 $0x88, s3;
	s6 =	simm.s32 @!p1 $0x1082;
	[sflag:s4] =	ssyncset.s32 $0xFFFFF086  }
0x25: {  	[simem:s6], [sflag:s4] =	dma.local [hbm:s3], $0xF7A  }
0x26: {  	[smem:$0x3F99] =	sst s1;
	(tag) =	ssettag s2;
	_ =	strace s9  }
0x27: {  	s1 =	sld [smem:$0x3FA9]  }
0x28: {  	s2 =	sld [smem:$0x3FAA]  }
0x29: {  	s4 =	sld [smem:$0x3FAC]  }
0x2a: {  	p0 =	seq.s32 s5, $0x0;
	s5 =	sld [smem:$0x3FAD]  }
0x2b: {  	s6 =	sld [smem:$0x3FAE]  }
0x2c: {  	s7 =	sld [smem:$0x3FAF]  }
0x2d: {  	s3 =	simm.s32 $0x108;
	s8 =	sld [smem:$0x3FB0]  }
0x2e: {  	s3 =	simm.s32 @!p0 $0x1082;
	s9 =	sld [smem:$0x3FB1]  }
0x2f: {  	lr =	sadd.s32 s0, s3;
	s0 =	sld [smem:$0x3FA8]  }
0x30: {  	s3 =	sld [smem:$0x3FAB]  }
0x31: {  	[smem:$0x3FB4] =	sst s10  }
0x32: {  	s10 =	sld [smem:$0x3FB2];
	_ =	sdelay $0x3  }
0x33: {  	p0 =	seq.s32 s10, $0x1;
	s10 =	sld [smem:$0x3FB4];
	_ =	sdelay $0x3  }
0x34: {  	[smem:$0x3FB4] =	sst s10  }
0x35: {  	s10 =	sld [smem:$0x3FB3];
	_ =	sdelay $0x3  }
0x36: {  	p1 =	seq.s32 s10, $0x1;
	s10 =	sld [smem:$0x3FB4];
	_ =	sdelay $0x3  }
0x37: {  	[smem:$0x3FB4] =	sst s10  }
0x38: {  	s10 =	sld [smem:$0x3FB5]  }
0x39: {  	_ = 	snop;
	(pc) =	sbr.ind lr, $3  }
0x3a: {  	_ = 	snop  }
0x3b: {  	_ = 	snop  }
0x3c: {  	p2 =	seq.s32 s10, $0x1;
	s10 =	sld [smem:$0x3FB4]  }
0x3d: {  	_ =	shalt  }
0x3e: {  	_ =	shalt  }
0x3f: {  	_ =	shalt  }
0x40: {  	_ =	shalt  }
0x41: {  	_ =	shalt  }
0x42: {  	_ =	shalt  }
0x43: {  	_ =	shalt  }
0x44: {  	_ =	shalt  }
0x45: {  	_ =	shalt  }
0x46: {  	_ =	shalt  }
0x47: {  	_ =	shalt  }
0x48: {  	_ =	shalt  }
0x49: {  	_ =	shalt  }
0x4a: {  	_ =	shalt  }
0x4b: {  	_ =	shalt  }
0x4c: {  	_ =	shalt  }
0x4d: {  	_ =	shalt  }
0x4e: {  	_ =	shalt  }
0x4f: {  	_ =	shalt  }
0x50: {  	_ =	shalt  }
0x51: {  	_ =	shalt  }
0x52: {  	_ =	shalt  }
0x53: {  	_ =	shalt  }
0x54: {  	_ =	shalt  }
0x55: {  	_ =	shalt  }
0x56: {  	_ =	shalt  }
0x57: {  	_ =	shalt  }
0x58: {  	_ =	shalt  }
0x59: {  	_ =	shalt  }
0x5a: {  	_ =	shalt  }
0x5b: {  	_ =	shalt  }
0x5c: {  	_ =	shalt  }
0x5d: {  	_ =	shalt  }
0x5e: {  	_ =	shalt  }
0x5f: {  	_ =	shalt  }
0x60: {  	_ =	shalt  }
0x61: {  	_ =	shalt  }
0x62: {  	_ =	shalt  }
0x63: {  	_ =	shalt  }
0x64: {  	_ =	shalt  }
0x65: {  	_ =	shalt  }
0x66: {  	_ =	shalt  }
0x67: {  	_ =	shalt  }
0x68: {  	_ =	shalt  }
0x69: {  	_ =	shalt  }
0x6a: {  	_ =	shalt  }
0x6b: {  	_ =	shalt  }
0x6c: {  	_ =	shalt  }
0x6d: {  	_ =	shalt  }
0x6e: {  	_ =	shalt  }
0x6f: {  	_ =	shalt  }
0x70: {  	_ =	shalt  }
0x71: {  	_ =	shalt  }
0x72: {  	_ =	shalt  }
0x73: {  	_ =	shalt  }
0x74: {  	_ =	shalt  }
0x75: {  	_ =	shalt  }
0x76: {  	_ =	shalt  }
0x77: {  	_ =	shalt  }
0x78: {  	_ =	shalt  }
0x79: {  	_ =	shalt  }
0x7a: {  	_ =	shalt  }
0x7b: {  	_ =	shalt  }
0x7c: {  	_ =	shalt  }
0x7d: {  	_ =	shalt  }
0x7e: {  	_ =	shalt  }
0x7f: {  	_ =	shalt  }
0x80: {  	_ =	shalt  }
0x81: {  	_ =	shalt  }
0x82: {  	_ =	shalt  }
0x83: {  	_ =	shalt  }
0x84: {  	_ =	shalt  }
0x85: {  	_ =	shalt  }
0x86: {  	_ =	shalt  }
0x87: {  	_ =	shalt  }
.Lfunc_end0:
.L_simem_size_0:
called_computation_lowered:
.L_overlay_start_0:
0x88: {  	s2 =	sld [smem:$0x3FD9]  }
0x89: {  	s3 =	sld [smem:$0x3FFE];
	_ =	sdelay $0x1  }
0x8a: {  	s1 =	srdreg.scid  }
0x8b: {  	s0 =	sand.u32 $0x1, s1  }
0x8c: {  	s17 =	sshll.u32 s0, $0xA;
	s2 =	sadd.s32 s3, s2  }
0x8d: {  	s2 =	sadd.s32 s2, s17  }
0x8e: {  	[smem:$0x3FC0] =	sst s2  }
0x8f: {  	_ = 	snop  }
0x90: {  	s2 =	sld [smem:$0x3FD0];
	(tm) =	ssettm $0x1  }
0x91: {  	s18 =	sld [smem:$0x3FFB];
	_ =	sdelay $0x3  }
0x92: {  	_ =	strace s18  }
0x93: {  	s3 =	sld [smem:$0x3FFC];
	_ =	sdelay $0x3  }
0x94: {  	_ =	strace s3  }
0x95: {  	s3 =	sld [smem:$0x3FFD];
	_ =	sdelay $0x3  }
0x96: {  	_ =	strace s3  }
0x97: {  	_ =	strace $0x8FFFFFFF  }
0x98: {  	s19 =	sld [smem:$0x3FDB];
	_ =	sdelay $0x1  }
0x99: {  	s4 =	simm.s32 $_scs_section_size  }
0x9a: {  	s5 =	simm.s32 $_size__tile_overlayer_lowered;
	s6 =	simm.s32 $_tile_overlayer_lowered  }
0x9b: {  	s22 =	simm.s32 $0x1BFF;
	s21 =	sshll.u32 s6, $0x1;
	s3 =	sadd.s32 s4, s19  }
0x9c: {  	s7 =	simm.s32 $0x0;
	s20 =	sshll.u32 s5, $0x1;
	s5 =	sadd.s32 s21, s3  }
0x9d: {  	[timem:s7], [sflag:s22] =	dma.local [hbm:s5], s20  }
0x9e: {  	_ =	swait.ge [sflag:s22], s20  }
0x9f: {  	s4 =	ssub.s32 $0x0, s20;
	[sflag:s22] =	ssyncset.done $0x0  }
0xa0: {  	[sflag:s22] =	ssyncadd.s32 s4;
	_ =	sdelay $0x1  }
0xa1: {  	s23 =	simm.s32 $0x1B8B  }
0xa2: {  	_ =	swait.ge [sflag:s23], $0x1  }
0xa3: {  	[sflag:s23] =	ssyncset.done $0x0  }
0xa4: {  	s25 =	simm.s32 $0x1B8E;
	s24 =	sld [smem:$0x3FFE];
	[sflag:s23] =	ssyncadd.s32 $0xFFFFFFFF  }
0xa5: {  	s26 =	simm.s32 $execute0_lowered;
	[smem:$0x3FD2] =	sst s25  }
0xa6: {  	s5 =	sshll.u32 s26, $0x1;
	_ =	strace $0x80000046;
	[dreg:$0x1] =	wrdreg $0xFFFFFFFF  }
0xa7: {  	s28 =	simm.s32 $_size_execute0_lowered;
	s3 =	sadd.s32 s3, s5;
	[dreg:$0x0] =	wrdreg $0x0  }
0xa8: {  	s5 =	sshll.u32 s28, $0x1;
	[dreg:$0x2] =	wrdreg s3  }
0xa9: {  	[dreg:$0x3] =	wrdreg s5  }
0xaa: {  	[dreg:$0x4] =	wrdreg $0xC0  }
0xab: {  	_ =	task [dreg:s7], $0x5FFFF  }
0xac: {  	[dreg:$0x1] =	wrdreg $0xFFFFFFFF  }
0xad: {  	[dreg:$0x0] =	wrdreg $0x60  }
0xae: {  	[dreg:$0x2] =	wrdreg s24  }
0xaf: {  	[dreg:$0x3] =	wrdreg s2  }
0xb0: {  	[dreg:$0x4] =	wrdreg $0x0  }
0xb1: {  	[dreg:$0x5] =	wrdreg $0x9  }
0xb2: {  	_ =	task.clear_ibuf [dreg:s7], $0x6FFFF;
	_ =	strace $0x90000046  }
0xb3: {  	s29 =	simm.s32 $0x9;
	_ =	strace $0x80000048  }
0xb4: {  	_ =	swait.ge [sflag:s29], $0x1  }
0xb5: {  	[sflag:s29] =	ssyncadd.s32 $0xFFFFFFFF  }
0xb6: {  	_ =	strace $0x90000048  }
0xb7: {  	_ =	sfence  }
0xb8: {  	s30 =	sld [smem:$0x0];
	_ =	sdelay $0x2  }
0xb9: {  	s31 =	sshll.u32 s1, $0xD;
	s1 =	sshrl.u32 s1, $0x2  }
0xba: {  	s3 =	sand.u32 $0x4000, s31;
	s1 =	sadd.s32 s1, s30  }
0xbb: {  	s0 =	sor.u32 s3, s0;
	s1 =	sshll.u32 s1, $0x11  }
0xbc: {  	s0 =	sor.u32 s1, s0  }
0xbd: {  	s0 =	sadd.s32 $0x8F2B, s0  }
0xbe: {  	[sflag:s0] =	ssyncadd.remote.s32 $0x1  }
0xbf: {  	_ =	sfence.sel $0xFFFF  }
0xc0: {  	[dreg:$0x0] =	wrdreg $0xFFFFFFFF;
	(pc) =	sbr.abs _section_cstart, $3  }
0xc1: {  	[dreg:$0x1] =	wrdreg $0xFFFFFFFF  }
0xc2: {  	_ =	task.clear_ibuf [dreg:s7], $0x2FFFF;
	_ =	strace $0x9FFFFFFF  }
0xc3: {  	(tm) =	ssettm $0x7FFFFFFF  }
tec
execute0_lowered:
.L_overlay_start_1:
0x0: {  	(tag) =	ssettag $0x1  }
0x1: {  	s0 =	rddreg [dreg:$0x0]  }
0x2: {  	s10 =	rddreg [dreg:$0x1]  }
0x3: {  	s2 =	rddreg [dreg:$0x2];
	s4 =	simm.s32 $0x0;
	s1 =	srdreg.scid  }
0x4: {  	s11 =	stileid.u32;
	s31 =	simm.s32 $0x13A80;
	s29 =	simm.s32 $0xD  }
0x5: {  	[smem:$0x7FF] =	sst s4;
	s3 =	smul.u32 $0x4E000, s11;
	s5 =	sadd.s32 $0x4E3400, s0  }
0x6: {  	s1 =	sand.u32 $0x1, s1;
	s0 =	sadd.s32 $0x759400, s0;
	s26 =	smul.u32 $0x13800, s11  }
0x7: {  	p0 =	sne.s32 s11, $0xF;
	s28 =	sadd.s32 $0x138000, s2;
	_ =	strace $0x80000047  }
0x8: {  	s6 =	sshll.u32 s1, $0x4;
	s7 =	ssub.s32 $0x2, s1;
	s23 =	smul.u32 $0x138800, s1  }
0x9: {  	[dreg:$0x1b] =	wrdreg s28;
	s6 =	sor.u32 s11, s6;
	s3 =	sshrl.u32 s3, $0x2  }
0xa: {  	s8 =	sshrl.u32 s7, $0x1;
	s9 =	smul.u32 $0x13B0, s6;
	s25 =	sadd.s32 s3, s2  }
0xb: {  	s3 =	ssub.s32 s7, s8;
	s30 =	sadd.s32 $0x2800, s25;
	[dreg:$0x4] =	wrdreg s25  }
0xc: {  	s6 =	smul.u32 $0x13B00, s6;
	s8 =	sadd.s32 $0x5000, s25;
	[dreg:$0x5] =	wrdreg s30  }
0xd: {  	s12 =	sadd.s32 $0x7800, s25;
	s14 =	sadd.s32 $0xA000, s25;
	[dreg:$0x6] =	wrdreg s8  }
0xe: {  	s3 =	smax.u32 s3, $0x1;
	[dreg:$0x7] =	wrdreg s12;
	s13 =	sshrl.u32 s9, $0x3  }
0xf: {  	[dreg:$0x8] =	wrdreg s14;
	s15 =	sadd.s32 $0x50, s9;
	s6 =	sadd.s32 s5, s6  }
0x10: {  	s17 =	sadd.s32 $0xA0, s9;
	s22 =	sadd.s32 $0xF0, s9;
	s30 =	smul.u32 $0x13B000, s1  }
0x11: {  	s12 =	sadd.s32 s26, s23;
	s1 =	smul.u32 $0x13B00, s1;
	[dreg:$0x13] =	wrdreg s3  }
0x12: {  	s26 =	sadd.s32 $0xF000, s25;
	s9 =	simm.s32 $0x18A80;
	s7 =	sadd.s32 s10, s13  }
0x13: {  	[dreg:$0xa] =	wrdreg s6;
	s16 =	sshrl.u32 s15, $0x3;
	s18 =	sshll.u32 s15, $0x4  }
0x14: {  	s19 =	sshrl.u32 s17, $0x3;
	s21 =	sshll.u32 s17, $0x4;
	s13 =	smul.u32 $0x13B0, s11  }
0x15: {  	s24 =	sshrl.u32 s22, $0x3;
	s15 =	smul.u32 $0x13B00, s11;
	[dreg:$0x19] =	wrdreg s26  }
0x16: {  	s11 =	simm.s32 $0x1B280;
	s26 =	simm.s32 $0xC;
	[dreg:$0x9] =	wrdreg s7  }
0x17: {  	s6 =	sadd.s32 s10, s16;
	s20 =	sadd.s32 s10, s19;
	s8 =	sadd.s32 s10, s24  }
0x18: {  	s7 =	sshrl.u32 s23, $0x3;
	s16 =	sadd.s32 s30, s5;
	[dreg:$0xb] =	wrdreg s6  }
0x19: {  	s24 =	sadd.s32 $0xC800, s25;
	s30 =	sadd.s32 $0x11800, s25;
	[dreg:$0xd] =	wrdreg s20  }
0x1a: {  	s6 =	sadd.s32 s5, s18;
	[dreg:$0xf] =	wrdreg s8;
	s8 =	sshrl.u32 s12, $0x3  }
0x1b: {  	s7 =	sadd.s32 s0, s7;
	s1 =	sadd.s32 s13, s1;
	[dreg:$0x18] =	wrdreg s24  }
0x1c: {  	[dreg:$0x1a] =	wrdreg s30;
	s12 =	simm.s32 $0x1;
	s13 =	simm.s32 $0x5  }
0x1d: {  	s24 =	simm.s32 $0x8;
	[dreg:$0xc] =	wrdreg s6;
	s6 =	sadd.s32 s5, s21  }
0x1e: {  	s0 =	sadd.s32 s0, s8;
	s14 =	sadd.s32 $0x27000, s7;
	s21 =	sadd.s32 s15, s16  }
0x1f: {  	s17 =	sadd.s32 $0x230, s1;
	s18 =	sadd.s32 $0x1E0, s1;
	s19 =	sadd.s32 $0x190, s1  }
0x20: {  	s23 =	sadd.s32 $0x140, s1;
	s7 =	simm.s32 $0x16280;
	[dreg:$0xe] =	wrdreg s6  }
0x21: {  	s8 =	simm.s32 $0x13980;
	s15 =	simm.s32 $0x9;
	[dreg:$0x11] =	wrdreg s0  }
0x22: {  	s16 =	simm.s32 $0x2;
	s6 =	sshll.u32 s22, $0x4;
	[dreg:$0x12] =	wrdreg s14  }
0x23: {  	s0 =	sshrl.u32 s17, $0x3;
	s3 =	sshrl.u32 s18, $0x3;
	s22 =	sshrl.u32 s19, $0x3  }
0x24: {  	[dreg:$0x17] =	wrdreg s23;
	s14 =	simm.s32 $0x50;
	s17 =	simm.s32 $0x6  }
0x25: {  	s18 =	simm.s32 $0xA;
	s19 =	simm.s32 $0x3;
	s6 =	sadd.s32 s5, s6  }
.Ltmp0:
0x26: {  	s0 =	sadd.s32 s0, s10;
	[dreg:$0x10] =	wrdreg s6;
	(pc) =	sbr.rel .LBB2_1-.Ltmp0, $4  }
0x27: {  	s23 =	simm.s32 $0x4;
	s20 =	sadd.s32 s3, s10;
	[dreg:$0x14] =	wrdreg s0  }
0x28: {  	s3 =	simm.s32 $0x13880;
	s5 =	simm.s32 $0x0;
	[dreg:$0x15] =	wrdreg s20  }
0x29: {  	s0 =	sadd.s32 s22, s10;
	s6 =	simm.s32 $0x13900;
	s10 =	simm.s32 $0x13A00  }
0x2a: {  	v0 =	vimm.f32 $0.0e+00;
	s20 =	simm.s32 $0x7;
	s22 =	simm.s32 $0xB;
	[dreg:$0x16] =	wrdreg s0  }
.LBB2_6:
0x2b: {  	_ =	swait.ge [sflag:s12], $0x50  }
0x2c: {  	[sflag:s12] =	ssyncset.done $0x0  }
0x2d: {  	[sflag:s12] =	ssyncadd.s32 $0xFFFFFFB0  }
0x2e: {  	_ =	swait.ge [sflag:s13], $0x2800  }
0x2f: {  	[sflag:s13] =	ssyncset.done $0x0  }
0x30: {  	[sflag:s13] =	ssyncadd.s32 $0xFFFFD800  }
0x31: {  	[spmem:s2] =	stream.indirect.scatter.add.f32 [tilespmem:s31], [sflag:$0x9], $0x80, s3, s14, $0xb8;
	[tilespmem:$0x1DA80] =	vst v63  }
0x32: {  	_ =	swait.ge [sflag:s16], $0x50  }
0x33: {  	[sflag:s16] =	ssyncset.done $0x0  }
0x34: {  	[sflag:s16] =	ssyncadd.s32 $0xFFFFFFB0  }
0x35: {  	_ =	swait.ge [sflag:s17], $0x2800  }
0x36: {  	[sflag:s17] =	ssyncset.done $0x0  }
0x37: {  	[sflag:s17] =	ssyncadd.s32 $0xFFFFD800  }
0x38: {  	[spmem:s2] =	stream.indirect.scatter.add.f32 [tilespmem:s7], [sflag:$0xA], $0x80, s6, s14, $0xb8;
	[tilespmem:$0x1DA80] =	vst v63  }
0x39: {  	_ =	swait.ge [sflag:s19], $0x50  }
0x3a: {  	[sflag:s19] =	ssyncset.done $0x0  }
0x3b: {  	[sflag:s19] =	ssyncadd.s32 $0xFFFFFFB0  }
0x3c: {  	_ =	swait.ge [sflag:s20], $0x2800  }
0x3d: {  	[sflag:s20] =	ssyncset.done $0x0  }
0x3e: {  	[sflag:s20] =	ssyncadd.s32 $0xFFFFD800  }
0x3f: {  	[spmem:s2] =	stream.indirect.scatter.add.f32 [tilespmem:s9], [sflag:$0xB], $0x80, s8, s14, $0xb8;
	[tilespmem:$0x1DA80] =	vst v63  }
0x40: {  	_ =	swait.ge [sflag:s15], $0x2800  }
0x41: {  	[sflag:s15] =	ssyncset.done $0x0  }
0x42: {  	[sflag:s15] =	ssyncadd.s32 $0xFFFFD800  }
0x43: {  	_ =	swait.ge [sflag:s18], $0x2800  }
0x44: {  	[sflag:s18] =	ssyncset.done $0x0  }
0x45: {  	[sflag:s18] =	ssyncadd.s32 $0xFFFFD800  }
0x46: {  	_ =	swait.ge [sflag:s22], $0x2800  }
0x47: {  	[sflag:s22] =	ssyncset.done $0x0  }
0x48: {  	[sflag:s22] =	ssyncadd.s32 $0xFFFFD800  }
0x49: {  	_ =	swait.ge [sflag:s26], $0x2800  }
0x4a: {  	[sflag:s26] =	ssyncset.done $0x0  }
0x4b: {  	[sflag:s26] =	ssyncadd.s32 $0xFFFFD800  }
0x4c: {  	s0 =	stileid.u32;
	[bflag:$0x0] =	sbarrier.arrive $0xFFFF  }
0x4d: {  	s29 =	simm.s32 $0xD;
	s0 =	sshll.u32 s0, $0x6;
	s25 =	rddreg [dreg:$0x4]  }
0x4e: {  	s0 =	sor.u32 $0x1C0D, s0;
	s5 =	rddreg [dreg:$0x11];
	s1 =	sshrl.u32 s25, $0x3  }
0x4f: {  	[hbm:s5], [sflag:s0] =	dma.local [spmem:s1], $0x2700  }
0x50: {  	_ =	swait.ge [sflag:s29], $0x2700  }
0x51: {  	[sflag:s29] =	ssyncset.done $0x0;
	s28 =	rddreg [dreg:$0x1b]  }
0x52: {  	s5 =	rddreg [dreg:$0x12];
	[sflag:s29] =	ssyncadd.s32 $0xFFFFD900;
	s1 =	sshrl.u32 @!p0 s28, $0x3  }
0x53: {  	[hbm:s5], [sflag:s0] =	dma.local @!p0 [spmem:s1], $0x100  }
0x54: {  	s0 =	simm.s32 @!p0 $0xD  }
0x55: {  	_ =	swait.ge @!p0 [sflag:s0], $0x100  }
0x56: {  	s1 =	rddreg [dreg:$0x1c]  }
0x57: {  	s30 =	rddreg [dreg:$0x13];
	s5 =	sadd.s32 $0x1, s1  }
0x58: {  	p1 =	sne.s32 s5, s30  }
.Ltmp1:
0x59: {  	_ = 	snop;
	(pc) =	sbr.rel @!p1 .LBB2_7-.Ltmp1, $3  }
0x5a: {  	_ =	sdelay $0x1  }
0x5b: {  	[sflag:s0] =	ssyncset.done @!p0 $0x0  }
0x5c: {  	[sflag:s0] =	ssyncadd.s32 @!p0 $0xFFFFFF00  }
.LBB2_1:
0x5d: {  	[dreg:$0x1c] =	wrdreg s5;
	s1 =	simm.s32 $0x0;
	s5 =	simm.s32 $0x200  }
.LBB2_2:
0x5e: {  	p1 =	sne.s32 s5, $0x9E00;
	[tilespmem:s1+$0x13AF0] =	vst v0  }
0x5f: {  	[tilespmem:s1+$0x13A80] =	vst v0  }
0x60: {  	[tilespmem:s1+$0x13A90] =	vst v0  }
.Ltmp2:
0x61: {  	[tilespmem:s1+$0x13AA0] =	vst v0;
	(pc) =	sbr.rel @p1 .LBB2_2-.Ltmp2, $4  }
0x62: {  	[tilespmem:s1+$0x13AB0] =	vst v0  }
0x63: {  	[tilespmem:s1+$0x13AC0] =	vst v0  }
0x64: {  	[tilespmem:s1+$0x13AD0] =	vst v0  }
0x65: {  	[tilespmem:s1+$0x13AE0] =	vst v0;
	s1 =	sshra.s32 s5, $0x2;
	s5 =	sadd.s32 $0x200, s5  }
0x66: {  	[tilespmem:s1+$0x13AF0] =	vst v0  }
0x67: {  	[tilespmem:s1+$0x13A80] =	vst v0  }
0x68: {  	[tilespmem:s1+$0x13A90] =	vst v0  }
0x69: {  	[tilespmem:s1+$0x13AA0] =	vst v0  }
0x6a: {  	[tilespmem:s1+$0x13AB0] =	vst v0  }
0x6b: {  	[tilespmem:s1+$0x13AC0] =	vst v0  }
0x6c: {  	[tilespmem:s1+$0x13AD0] =	vst v0  }
0x6d: {  	[tilespmem:s1+$0x13AE0] =	vst v0  }
0x6e: {  	[spmem:s25] =	stream.linear.scatter [tilespmem:s31], [sflag:$0xD], $0x2800, $0x38;
	[tilespmem:$0x1DA80] =	vst v63  }
0x6f: {  	_ =	swait.ge [sflag:s29], $0x2800  }
0x70: {  	[sflag:s29] =	ssyncset.done $0x0  }
0x71: {  	s0 =	rddreg [dreg:$0x5];
	[sflag:s29] =	ssyncadd.s32 $0xFFFFD800  }
0x72: {  	[spmem:s0] =	stream.linear.scatter [tilespmem:s31], [sflag:$0xD], $0x2800, $0x38;
	[tilespmem:$0x1DA80] =	vst v63  }
0x73: {  	_ =	swait.ge [sflag:s29], $0x2800  }
0x74: {  	[sflag:s29] =	ssyncset.done $0x0  }
0x75: {  	s5 =	rddreg [dreg:$0x6];
	[sflag:s29] =	ssyncadd.s32 $0xFFFFD800  }
0x76: {  	[spmem:s5] =	stream.linear.scatter [tilespmem:s31], [sflag:$0xD], $0x2800, $0x38;
	[tilespmem:$0x1DA80] =	vst v63  }
0x77: {  	_ =	swait.ge [sflag:s29], $0x2800  }
0x78: {  	[sflag:s29] =	ssyncset.done $0x0  }
0x79: {  	s25 =	rddreg [dreg:$0x7];
	[sflag:s29] =	ssyncadd.s32 $0xFFFFD800  }
0x7a: {  	[spmem:s25] =	stream.linear.scatter [tilespmem:s31], [sflag:$0xD], $0x2800, $0x38;
	[tilespmem:$0x1DA80] =	vst v63  }
0x7b: {  	_ =	swait.ge [sflag:s29], $0x2800  }
0x7c: {  	[sflag:s29] =	ssyncset.done $0x0  }
0x7d: {  	s1 =	rddreg [dreg:$0x8];
	[sflag:s29] =	ssyncadd.s32 $0xFFFFD800  }
0x7e: {  	[spmem:s1] =	stream.linear.scatter [tilespmem:s31], [sflag:$0xD], $0x2800, $0x38;
	[tilespmem:$0x1DA80] =	vst v63  }
0x7f: {  	_ =	swait.ge [sflag:s29], $0x2800  }
0x80: {  	[sflag:s29] =	ssyncset.done $0x0  }
0x81: {  	s5 =	rddreg [dreg:$0x18];
	[sflag:s29] =	ssyncadd.s32 $0xFFFFD800  }
0x82: {  	[spmem:s5] =	stream.linear.scatter [tilespmem:s31], [sflag:$0xD], $0x2800, $0x38;
	[tilespmem:$0x1DA80] =	vst v63  }
0x83: {  	_ =	swait.ge [sflag:s29], $0x2800  }
0x84: {  	[sflag:s29] =	ssyncset.done $0x0  }
0x85: {  	s25 =	rddreg [dreg:$0x19];
	[sflag:s29] =	ssyncadd.s32 $0xFFFFD800  }
0x86: {  	[spmem:s25] =	stream.linear.scatter [tilespmem:s31], [sflag:$0xD], $0x2800, $0x38;
	[tilespmem:$0x1DA80] =	vst v63  }
0x87: {  	_ =	swait.ge [sflag:s29], $0x2800  }
0x88: {  	[sflag:s29] =	ssyncset.done $0x0  }
0x89: {  	s1 =	rddreg [dreg:$0x1a];
	[sflag:s29] =	ssyncadd.s32 $0xFFFFD800  }
0x8a: {  	[spmem:s1] =	stream.linear.scatter [tilespmem:s31], [sflag:$0xD], $0x2000, $0x38;
	[tilespmem:$0x1DA80] =	vst v63  }
0x8b: {  	_ =	swait.ge [sflag:s29], $0x2000  }
0x8c: {  	[sflag:s29] =	ssyncset.done $0x0  }
0x8d: {  	s1 =	simm.s32 @!p0 $0x13A80;
	[sflag:s29] =	ssyncadd.s32 $0xFFFFE000  }
0x8e: {  	[spmem:s28] =	stream.linear.scatter @!p0 [tilespmem:s1], [sflag:$0xD], $0x800, $0x38;
	[tilespmem:$0x1DA80] =	vst v63  }
0x8f: {  	s1 =	simm.s32 @!p0 $0xD  }
0x90: {  	_ =	swait.ge @!p0 [sflag:s1], $0x800  }
0x91: {  	[sflag:s1] =	ssyncset.done @!p0 $0x0  }
0x92: {  	[sflag:s1] =	ssyncadd.s32 @!p0 $0xFFFFF800  }
0x93: {  	[bflag:$0x0] =	sbarrier.arrive $0xFFFF  }
0x94: {  	s5 =	rddreg [dreg:$0x9]  }
0x95: {  	s25 =	rddreg [dreg:$0xa]  }
0x96: {  	s1 =	rddreg [dreg:$0xb]  }
0x97: {  	s28 =	simm.s32 $0x0;
	s29 =	rddreg [dreg:$0x17]  }
0x98: {  	[tilespmem:s3], [sflag:$0x1] =	stream.linear.gather [hbm4b:s5+s28], $0x50, $0x38;
	[tilespmem:$0x1DA80] =	vst v63  }
0x99: {  	s30 =	rddreg [dreg:$0x15]  }
0x9a: {  	[tilespmem:s31], [sflag:$0x5] =	stream.linear.gather [hbm4b:s25+s28], $0x2800, $0x38;
	[tilespmem:$0x1DA80] =	vst v63  }
0x9b: {  	s5 =	rddreg [dreg:$0xc]  }
0x9c: {  	[tilespmem:s6], [sflag:$0x2] =	stream.linear.gather [hbm4b:s1+s28], $0x50, $0x38;
	[tilespmem:$0x1DA80] =	vst v63  }
0x9d: {  	s25 =	rddreg [dreg:$0xd]  }
0x9e: {  	[tilespmem:s7], [sflag:$0x6] =	stream.linear.gather [hbm4b:s5+s28], $0x2800, $0x38;
	[tilespmem:$0x1DA80] =	vst v63  }
0x9f: {  	s1 =	rddreg [dreg:$0xe]  }
0xa0: {  	[tilespmem:s8], [sflag:$0x3] =	stream.linear.gather [hbm4b:s25+s28], $0x50, $0x38;
	[tilespmem:$0x1DA80] =	vst v63  }
0xa1: {  	s5 =	rddreg [dreg:$0xf]  }
0xa2: {  	[tilespmem:s9], [sflag:$0x7] =	stream.linear.gather [hbm4b:s1+s28], $0x2800, $0x38;
	[tilespmem:$0x1DA80] =	vst v63  }
0xa3: {  	s25 =	rddreg [dreg:$0x10]  }
0xa4: {  	[tilespmem:s10], [sflag:$0x4] =	stream.linear.gather [hbm4b:s5+s28], $0x50, $0x38;
	[tilespmem:$0x1DA80] =	vst v63  }
0xa5: {  	s5 =	rddreg [dreg:$0x16]  }
0xa6: {  	[tilespmem:s11], [sflag:$0x8] =	stream.linear.gather [hbm4b:s25+s28], $0x2800, $0x38;
	[tilespmem:$0x1DA80] =	vst v63  }
0xa7: {  	s25 =	rddreg [dreg:$0x14]  }
.LBB2_4:
0xa8: {  	_ =	swait.ge [sflag:s12], $0x50  }
0xa9: {  	[sflag:s12] =	ssyncset.done $0x0  }
0xaa: {  	[sflag:s12] =	ssyncadd.s32 $0xFFFFFFB0  }
0xab: {  	_ =	swait.ge [sflag:s13], $0x2800  }
0xac: {  	[sflag:s13] =	ssyncset.done $0x0  }
0xad: {  	[sflag:s13] =	ssyncadd.s32 $0xFFFFD800  }
0xae: {  	[spmem:s2] =	stream.indirect.scatter.add.f32 [tilespmem:s31], [sflag:$0x9], $0x80, s3, s14, $0xb8;
	[tilespmem:$0x1DA80] =	vst v63  }
0xaf: {  	_ =	swait.ge [sflag:s15], $0x2800  }
0xb0: {  	[sflag:s15] =	ssyncset.done $0x0  }
0xb1: {  	[sflag:s15] =	ssyncadd.s32 $0xFFFFD800  }
0xb2: {  	s1 =	sshrl.u32 s29, $0x3;
	s0 =	rddreg [dreg:$0x1]  }
0xb3: {  	s1 =	sadd.s32 s0, s1  }
0xb4: {  	[tilespmem:s3], [sflag:$0x1] =	stream.linear.gather [hbm4b:s1+s4], $0x50, $0x38;
	[tilespmem:$0x1DA80] =	vst v63  }
0xb5: {  	s1 =	sadd.s32 s28, s21  }
0xb6: {  	s0 =	sadd.s32 $0x1400, s1  }
0xb7: {  	[tilespmem:s31], [sflag:$0x5] =	stream.linear.gather [hbm4b:s0+s4], $0x2800, $0x38;
	[tilespmem:$0x1DA80] =	vst v63  }
0xb8: {  	_ =	swait.ge [sflag:s16], $0x50  }
0xb9: {  	[sflag:s16] =	ssyncset.done $0x0  }
0xba: {  	[sflag:s16] =	ssyncadd.s32 $0xFFFFFFB0  }
0xbb: {  	_ =	swait.ge [sflag:s17], $0x2800  }
0xbc: {  	[sflag:s17] =	ssyncset.done $0x0  }
0xbd: {  	[sflag:s17] =	ssyncadd.s32 $0xFFFFD800  }
0xbe: {  	[spmem:s2] =	stream.indirect.scatter.add.f32 [tilespmem:s7], [sflag:$0xA], $0x80, s6, s14, $0xb8;
	[tilespmem:$0x1DA80] =	vst v63  }
0xbf: {  	_ =	swait.ge [sflag:s18], $0x2800  }
0xc0: {  	[sflag:s18] =	ssyncset.done $0x0  }
0xc1: {  	[sflag:s18] =	ssyncadd.s32 $0xFFFFD800  }
0xc2: {  	[tilespmem:s6], [sflag:$0x2] =	stream.linear.gather [hbm4b:s5+s4], $0x50, $0x38;
	[tilespmem:$0x1DA80] =	vst v63  }
0xc3: {  	s0 =	sadd.s32 $0x1900, s1  }
0xc4: {  	[tilespmem:s7], [sflag:$0x6] =	stream.linear.gather [hbm4b:s0+s4], $0x2800, $0x38;
	[tilespmem:$0x1DA80] =	vst v63  }
0xc5: {  	_ =	swait.ge [sflag:s19], $0x50  }
0xc6: {  	[sflag:s19] =	ssyncset.done $0x0  }
0xc7: {  	[sflag:s19] =	ssyncadd.s32 $0xFFFFFFB0  }
0xc8: {  	_ =	swait.ge [sflag:s20], $0x2800  }
0xc9: {  	[sflag:s20] =	ssyncset.done $0x0  }
0xca: {  	[sflag:s20] =	ssyncadd.s32 $0xFFFFD800  }
0xcb: {  	[spmem:s2] =	stream.indirect.scatter.add.f32 [tilespmem:s9], [sflag:$0xB], $0x80, s8, s14, $0xb8;
	[tilespmem:$0x1DA80] =	vst v63  }
0xcc: {  	_ =	swait.ge [sflag:s22], $0x2800  }
0xcd: {  	[sflag:s22] =	ssyncset.done $0x0  }
0xce: {  	[sflag:s22] =	ssyncadd.s32 $0xFFFFD800  }
0xcf: {  	[tilespmem:s8], [sflag:$0x3] =	stream.linear.gather [hbm4b:s30+s4], $0x50, $0x38;
	[tilespmem:$0x1DA80] =	vst v63  }
0xd0: {  	s0 =	sadd.s32 $0x1E00, s1  }
0xd1: {  	[tilespmem:s9], [sflag:$0x7] =	stream.linear.gather [hbm4b:s0+s4], $0x2800, $0x38;
	[tilespmem:$0x1DA80] =	vst v63  }
0xd2: {  	_ =	swait.ge [sflag:s23], $0x50  }
0xd3: {  	p1 =	seq.s32 s28, $0x11800;
	[sflag:s23] =	ssyncset.done $0x0  }
.Ltmp3:
0xd4: {  	[sflag:s23] =	ssyncadd.s32 $0xFFFFFFB0;
	(pc) =	sbr.rel @p1 .LBB2_6-.Ltmp3, $4  }
0xd5: {  	_ =	swait.ge [sflag:s24], $0x2800  }
0xd6: {  	[sflag:s24] =	ssyncset.done $0x0  }
0xd7: {  	[sflag:s24] =	ssyncadd.s32 $0xFFFFD800  }
0xd8: {  	[spmem:s2] =	stream.indirect.scatter.add.f32 [tilespmem:s11], [sflag:$0xC], $0x80, s10, s14, $0xb8;
	[tilespmem:$0x1DA80] =	vst v63  }
0xd9: {  	_ =	swait.ge [sflag:s26], $0x2800  }
.Ltmp4:
0xda: {  	s0 =	sadd.s32 $0x2300, s1;
	[sflag:s26] =	ssyncset.done $0x0;
	(pc) =	sbr.rel .LBB2_4-.Ltmp4, $4  }
0xdb: {  	s28 =	sadd.s32 $0x1400, s28;
	s30 =	sadd.s32 $0x28, s30;
	[sflag:s26] =	ssyncadd.s32 $0xFFFFD800  }
0xdc: {  	[tilespmem:s10], [sflag:$0x4] =	stream.linear.gather [hbm4b:s25+s4], $0x50, $0x38;
	[tilespmem:$0x1DA80] =	vst v63  }
0xdd: {  	s5 =	sadd.s32 $0x28, s5;
	s29 =	sadd.s32 $0x140, s29;
	s25 =	sadd.s32 $0x28, s25  }
0xde: {  	[tilespmem:s11], [sflag:$0x8] =	stream.linear.gather [hbm4b:s0+s4], $0x2800, $0x38;
	[tilespmem:$0x1DA80] =	vst v63  }
.LBB2_7:
0xdf: {  	_ =	sfence.sel $0x180000  }
0xe0: {  	[bflag:$0x0] =	sbarrier.arrive $0xFFFF  }
0xe1: {  	_ =	strace $0x90000047  }
0xe2: {  	s0 =	stileid.u32;
	[bflag:$0x2] =	sbarrier.arrive $0xFFFF  }
0xe3: {  	p0 =	sne.s32 s0, $0x0;
	s0 =	rddreg [dreg:$0x3]  }
0xe4: {  	s0 =	sadd.s32 @!p0 $0x100000, s0  }
0xe5: {  	[sflag:s0] =	ssyncadd.tile.s32 @!p0 $0x1;
	_ =	shalt  }
.Lfunc_end2:
_tile_overlayer_lowered:
.L_overlay_start_2:
0xe6: {  	(tag) =	ssettag $0x2  }
0xe7: {  	s0 =	rddreg [dreg:$0x0];
	s2 =	stileid.u32  }
0xe8: {  	s1 =	rddreg [dreg:$0x1];
	p0 =	sne.s32 s2, $0x0  }
0xe9: {  	s3 =	rddreg [dreg:$0x2];
	[bflag:$0x3] =	sbarrier.arrive $0xFFFF;
	s2 =	simm.s32 @!p0 $0x1C0D  }
0xea: {  	[timem:s3], [sflag:s2] =	dma.local @!p0 [hbm:s0], s1  }
0xeb: {  	s0 =	simm.s32 @!p0 $0xD  }
0xec: {  	_ =	swait.ge @!p0 [sflag:s0], s1  }
0xed: {  	s1 =	ssub.s32 @!p0 $0x0, s1;
	[sflag:s0] =	ssyncset.done @!p0 $0x0  }
0xee: {  	[sflag:s0] =	ssyncadd.s32 @!p0 s1  }
0xef: {  	[bflag:$0x3] =	sbarrier.arrive $0xFFFF  }
0xf0: {  	_ =	shalt  }

</sc_bundles>
